<compile_context>
chip_gen: v7x
topology: tpu7x:2x2x1
jax: 0.10.2.dev20260603
libtpu: 0.0.44.dev20260713+nightly
codegen_flags: <defaults>
</compile_context>

<pallas_src>
import functools
import math

import jax
import jax.numpy as jnp
from jax import lax
from jax.experimental import pallas as pl
from jax.experimental.pallas import tpu as pltpu
from jax.experimental.pallas import tpu_sc as plsc

D_EMBED = 64
SCALE = math.sqrt(D_EMBED)
LANES = 16
CHUNK = 256


def _gather_scale(idx_flat, table):
    n = idx_flat.shape[0]
    info = plsc.get_sparse_core_info()
    num_workers = info.num_cores * info.num_subcores
    per_w = n // num_workers
    n_chunks = per_w // CHUNK
    n_pairs = n_chunks // 2

    mesh = plsc.VectorSubcoreMesh(core_axis_name="c", subcore_axis_name="s")

    @functools.partial(
        pl.kernel,
        mesh=mesh,
        out_type=jax.ShapeDtypeStruct((n, D_EMBED), jnp.float32),
        scratch_types=[
            pltpu.VMEM((2, CHUNK), jnp.int32),
            pltpu.VMEM((2, CHUNK, D_EMBED), jnp.float32),
            pltpu.SemaphoreType.DMA,
            pltpu.SemaphoreType.DMA,
            pltpu.SemaphoreType.DMA,
            pltpu.SemaphoreType.DMA,
            pltpu.SemaphoreType.DMA,
            pltpu.SemaphoreType.DMA,
        ],
    )
    def emb(idx_hbm, table_hbm, out_hbm, idx_v, rows_v, g0, g1, w0, w1, i0, i1):
        gsems = (g0, g1)
        wsems = (w0, w1)
        isems = (i0, i1)
        wid = lax.axis_index("s") * info.num_cores + lax.axis_index("c")
        base = wid * per_w

        def idx_start(g, b):
            off = base + g * CHUNK
            pltpu.async_copy(
                idx_hbm.at[pl.ds(off, CHUNK)], idx_v.at[b], isems[b]
            )

        def idx_wait(b):
            pltpu.make_async_copy(
                idx_hbm.at[pl.ds(0, CHUNK)], idx_v.at[b], isems[b]
            ).wait()

        def fire(b):
            def fire_body(k, c):
                vec = idx_v[b, pl.ds(k * LANES, LANES)]
                for j in range(LANES):
                    pltpu.async_copy(
                        table_hbm.at[vec[j]],
                        rows_v.at[b, k * LANES + j],
                        gsems[b],
                    )
                return c

            lax.fori_loop(0, CHUNK // LANES, fire_body, 0, unroll=2)

        def drain(b):
            pltpu.make_async_copy(
                table_hbm.at[pl.ds(0, CHUNK)], rows_v.at[b], gsems[b]
            ).wait()

        def scale(b):
            def scale_body(i, c):
                for j in range(D_EMBED // LANES):
                    rows_v[b, i, pl.ds(j * LANES, LANES)] = (
                        rows_v[b, i, pl.ds(j * LANES, LANES)] * SCALE
                    )
                return c

            lax.fori_loop(0, CHUNK, scale_body, 0, unroll=4)

        def write_start(g, b):
            off = base + g * CHUNK
            pltpu.async_copy(
                rows_v.at[b], out_hbm.at[pl.ds(off, CHUNK)], wsems[b]
            )

        def write_wait(b):
            pltpu.make_async_copy(
                rows_v.at[b], out_hbm.at[pl.ds(0, CHUNK)], wsems[b]
            ).wait()

        idx_start(0, 0)
        idx_start(1, 1)
        idx_wait(0)
        fire(0)

        def body(m, carry):
            e = 2 * m
            o = e + 1
            drain(0)

            @pl.when(m >= 1)
            def _():
                write_wait(1)

            idx_wait(1)
            fire(1)

            @pl.when(m + 1 < n_pairs)
            def _():
                idx_start(e + 2, 0)

            scale(0)
            write_start(e, 0)
            drain(1)
            write_wait(0)

            @pl.when(m + 1 < n_pairs)
            def _():
                idx_wait(0)
                fire(0)
                idx_start(o + 2, 1)

            scale(1)
            write_start(o, 1)
            return carry

        lax.fori_loop(0, n_pairs, body, 0)
        write_wait(1)

    return emb(idx_flat, table)


def kernel(x, table):
    batch, seq = x.shape
    idx_flat = x.reshape(-1).astype(jnp.int32)
    out = _gather_scale(idx_flat, table)
    return out.reshape(batch, seq, D_EMBED)

# --- scband reference (transcript-rebuilt; emitter-appended) ---
"""Pipeline reference for scband-embedding-56994216018178 (READ-ONLY COPY).

The authoritative reference and input builder live on the scoring server;
editing this copy changes nothing except your own understanding.
"""

import jax, jax.numpy as jnp
import numpy as np
import math

D_EMBED = 64
VOCAB_SIZE = 1000000

def setup_inputs(seed: int = 0) -> dict:
    key = jax.random.key(seed)
    k1, k2 = jax.random.split(key)
    x = jax.random.randint(k1, (4096, 200), 0, VOCAB_SIZE, dtype=jnp.int64 if jax.config.jax_enable_x64 else jnp.int32)
    table = jax.random.normal(k2, (VOCAB_SIZE, D_EMBED), dtype=jnp.float32)
    return {"x": x, "table": table}

def reference(x, table):
    out = jnp.take(table, x, axis=0) * math.sqrt(D_EMBED)
    return out

if __name__ == "__main__":
    import jax
    _d = setup_inputs()
    print(jax.jit(kernel)(*tuple(_d.values())))

</pallas_src>

<mosaic_0001>
#map = affine_map<(d0, d1) -> (0)>
#map1 = affine_map<(d0, d1) -> (0, 0)>
module attributes {stable_mosaic.version = 14 : i64} {
  func.func @emb(%arg0: i32, %arg1: i32, %arg2: memref<819200xi32, #tpu.memory_space<hbm>>, %arg3: memref<1000000x64xf32, #tpu.memory_space<hbm>>, %arg4: memref<819200x64xf32, #tpu.memory_space<hbm>>, %arg5: memref<2x256xi32, #tpu.memory_space<vmem>>, %arg6: memref<2x256x64xf32, #tpu.memory_space<vmem>>, %arg7: memref<!tpu.dma_semaphore, #tpu.memory_space<semaphore_mem>>, %arg8: memref<!tpu.dma_semaphore, #tpu.memory_space<semaphore_mem>>, %arg9: memref<!tpu.dma_semaphore, #tpu.memory_space<semaphore_mem>>, %arg10: memref<!tpu.dma_semaphore, #tpu.memory_space<semaphore_mem>>, %arg11: memref<!tpu.dma_semaphore, #tpu.memory_space<semaphore_mem>>, %arg12: memref<!tpu.dma_semaphore, #tpu.memory_space<semaphore_mem>>) attributes {dimension_semantics = [#tpu.dimension_semantics<core_parallel>, #tpu.dimension_semantics<subcore_parallel>], iteration_bounds = array<i64: 2, 16>, scalar_prefetch = 0 : i64, scratch_operands = 8 : i64, tpu.core_type = #tpu.core_type<sc_vector_subcore>, window_params = [{transform_indices = #map}, {transform_indices = #map1}, {transform_indices = #map1}]} {
    %mul3A = arith.constant 2 : i32
    %mul3A_0 = arith.muli %arg1, %mul3A : i32
    %add3A = arith.addi %mul3A_0, %arg0 : i32
    %mul3A_1 = arith.constant 25600 : i32
    %mul3A_2 = arith.muli %add3A, %mul3A_1 : i32
    %add3A_3 = arith.constant 0 : i32
    %add3A_4 = arith.addi %mul3A_2, %add3A_3 : i32
    %dma_start3A = arith.constant 0 : i32
    %dma_start3A_5 = arith.constant 0 : i32
    %dma_start3A_6 = tpu.memref_slice %arg5[%dma_start3A, %dma_start3A_5] : memref<2x256xi32, #tpu.memory_space<vmem>> -> memref<1x256xi32, #tpu.memory_space<vmem>>
    %dma_start3A_7 = tpu.memref_squeeze %dma_start3A_6 : memref<1x256xi32, #tpu.memory_space<vmem>> -> memref<256xi32, #tpu.memory_space<vmem>>
    %dma_start3A_8 = tpu.memref_slice %arg2[%add3A_4] : memref<819200xi32, #tpu.memory_space<hbm>> -> memref<256xi32, #tpu.memory_space<hbm>>
    %dma_start3A_9 = arith.constant 0 : i32
    %dma_start3A_10 = tpu.memref_slice %arg5[%dma_start3A, %dma_start3A_9] : memref<2x256xi32, #tpu.memory_space<vmem>> -> memref<1x256xi32, #tpu.memory_space<vmem>>
    %dma_start3A_11 = tpu.memref_squeeze %dma_start3A_10 : memref<1x256xi32, #tpu.memory_space<vmem>> -> memref<256xi32, #tpu.memory_space<vmem>>
    %dma_start3A_12 = tpu.memref_slice %arg2[%add3A_4] : memref<819200xi32, #tpu.memory_space<hbm>> -> memref<256xi32, #tpu.memory_space<hbm>>
    tpu.enqueue_dma source(%dma_start3A_12 : memref<256xi32, #tpu.memory_space<hbm>>) target(%dma_start3A_11 : memref<256xi32, #tpu.memory_space<vmem>>) target_semaphore(%arg11 : memref<!tpu.dma_semaphore, #tpu.memory_space<semaphore_mem>>)
    %add3A_13 = arith.constant 256 : i32
    %add3A_14 = arith.addi %mul3A_2, %add3A_13 : i32
    %dma_start3A_15 = arith.constant 1 : i32
    %dma_start3A_16 = arith.constant 0 : i32
    %dma_start3A_17 = tpu.memref_slice %arg5[%dma_start3A_15, %dma_start3A_16] : memref<2x256xi32, #tpu.memory_space<vmem>> -> memref<1x256xi32, #tpu.memory_space<vmem>>
    %dma_start3A_18 = tpu.memref_squeeze %dma_start3A_17 : memref<1x256xi32, #tpu.memory_space<vmem>> -> memref<256xi32, #tpu.memory_space<vmem>>
    %dma_start3A_19 = tpu.memref_slice %arg2[%add3A_14] : memref<819200xi32, #tpu.memory_space<hbm>> -> memref<256xi32, #tpu.memory_space<hbm>>
    %dma_start3A_20 = arith.constant 0 : i32
    %dma_start3A_21 = tpu.memref_slice %arg5[%dma_start3A_15, %dma_start3A_20] : memref<2x256xi32, #tpu.memory_space<vmem>> -> memref<1x256xi32, #tpu.memory_space<vmem>>
    %dma_start3A_22 = tpu.memref_squeeze %dma_start3A_21 : memref<1x256xi32, #tpu.memory_space<vmem>> -> memref<256xi32, #tpu.memory_space<vmem>>
    %dma_start3A_23 = tpu.memref_slice %arg2[%add3A_14] : memref<819200xi32, #tpu.memory_space<hbm>> -> memref<256xi32, #tpu.memory_space<hbm>>
    tpu.enqueue_dma source(%dma_start3A_23 : memref<256xi32, #tpu.memory_space<hbm>>) target(%dma_start3A_22 : memref<256xi32, #tpu.memory_space<vmem>>) target_semaphore(%arg12 : memref<!tpu.dma_semaphore, #tpu.memory_space<semaphore_mem>>)
    %dma_wait3A = arith.constant 0 : i32
    %dma_wait3A_24 = arith.constant 0 : i32
    %dma_wait3A_25 = tpu.memref_slice %arg5[%dma_wait3A, %dma_wait3A_24] : memref<2x256xi32, #tpu.memory_space<vmem>> -> memref<1x256xi32, #tpu.memory_space<vmem>>
    %dma_wait3A_26 = tpu.memref_squeeze %dma_wait3A_25 : memref<1x256xi32, #tpu.memory_space<vmem>> -> memref<256xi32, #tpu.memory_space<vmem>>
    %dma_wait3A_27 = arith.constant 0 : i32
    %dma_wait3A_28 = tpu.memref_slice %arg2[%dma_wait3A_27] : memref<819200xi32, #tpu.memory_space<hbm>> -> memref<256xi32, #tpu.memory_space<hbm>>
    %dma_wait3A_29 = arith.constant 0 : i32
    %dma_wait3A_30 = tpu.memref_slice %arg5[%dma_wait3A, %dma_wait3A_29] : memref<2x256xi32, #tpu.memory_space<vmem>> -> memref<1x256xi32, #tpu.memory_space<vmem>>
    %dma_wait3A_31 = tpu.memref_squeeze %dma_wait3A_30 : memref<1x256xi32, #tpu.memory_space<vmem>> -> memref<256xi32, #tpu.memory_space<vmem>>
    %dma_wait3A_32 = arith.constant 0 : i32
    %dma_wait3A_33 = tpu.memref_slice %arg2[%dma_wait3A_32] : memref<819200xi32, #tpu.memory_space<hbm>> -> memref<256xi32, #tpu.memory_space<hbm>>
    tpu.wait_dma2 semaphore(%arg11 : memref<!tpu.dma_semaphore, #tpu.memory_space<semaphore_mem>>) src(%dma_wait3A_33 : memref<256xi32, #tpu.memory_space<hbm>>) dst(%dma_wait3A_31 : memref<256xi32, #tpu.memory_space<vmem>>)
    %scan3A = arith.constant 0 : i32
    %scan3A_34 = arith.constant 0 : i32
    %scan3A_35 = arith.constant 16 : i32
    %scan3A_36 = arith.addi %scan3A_34, %scan3A_35 : i32
    %scan3A_37 = arith.constant 2 : i32
    scf.for %scan3A_60 = %scan3A_34 to %scan3A_36 step %scan3A_37  : i32 {
      %mul3A_61 = arith.constant 16 : i32
      %mul3A_62 = arith.muli %scan3A_60, %mul3A_61 : i32
      %get3A = arith.constant 0 : i32
      %get3A_63 = arith.index_cast %get3A : i32 to index
      %get3A_64 = arith.index_cast %mul3A_62 : i32 to index
      %get3A_65 = tpu.vector_load %arg5[%get3A_63, %get3A_64] {strides = array<i32>} : memref<2x256xi32, #tpu.memory_space<vmem>>, vector<1x16xi32>,
      %get3A_66 = vector.shape_cast %get3A_65 : vector<1x16xi32> to vector<16xi32>
      %slice3A = vector.extract_strided_slice %get3A_66 {offsets = [0], sizes = [1], strides = [1]} : vector<16xi32> to vector<1xi32>
      %squeeze3A = vector.extract %slice3A[0] : i32 from vector<1xi32>
      %mul3A_67 = arith.constant 16 : i32
      %mul3A_68 = arith.muli %scan3A_60, %mul3A_67 : i32
      %add3A_69 = arith.constant 0 : i32
      %add3A_70 = arith.addi %mul3A_68, %add3A_69 : i32
      %dma_start3A_71 = arith.constant 0 : i32
      %dma_start3A_72 = arith.constant 0 : i32
      %dma_start3A_73 = tpu.memref_slice %arg6[%dma_start3A_71, %add3A_70, %dma_start3A_72] : memref<2x256x64xf32, #tpu.memory_space<vmem>> -> memref<1x1x64xf32, #tpu.memory_space<vmem>>
      %dma_start3A_74 = tpu.memref_squeeze %dma_start3A_73 : memref<1x1x64xf32, #tpu.memory_space<vmem>> -> memref<64xf32, #tpu.memory_space<vmem>>
      %dma_start3A_75 = arith.constant 0 : i32
      %dma_start3A_76 = tpu.memref_slice %arg3[%squeeze3A, %dma_start3A_75] : memref<1000000x64xf32, #tpu.memory_space<hbm>> -> memref<1x64xf32, #tpu.memory_space<hbm>>
      %dma_start3A_77 = tpu.memref_squeeze %dma_start3A_76 : memref<1x64xf32, #tpu.memory_space<hbm>> -> memref<64xf32, #tpu.memory_space<hbm>>
      %dma_start3A_78 = arith.constant 0 : i32
      %dma_start3A_79 = tpu.memref_slice %arg6[%dma_start3A_71, %add3A_70, %dma_start3A_78] : memref<2x256x64xf32, #tpu.memory_space<vmem>> -> memref<1x1x64xf32, #tpu.memory_space<vmem>>
      %dma_start3A_80 = tpu.memref_squeeze %dma_start3A_79 : memref<1x1x64xf32, #tpu.memory_space<vmem>> -> memref<64xf32, #tpu.memory_space<vmem>>
      %dma_start3A_81 = arith.constant 0 : i32
      %dma_start3A_82 = tpu.memref_slice %arg3[%squeeze3A, %dma_start3A_81] : memref<1000000x64xf32, #tpu.memory_space<hbm>> -> memref<1x64xf32, #tpu.memory_space<hbm>>
      %dma_start3A_83 = tpu.memref_squeeze %dma_start3A_82 : memref<1x64xf32, #tpu.memory_space<hbm>> -> memref<64xf32, #tpu.memory_space<hbm>>
      tpu.enqueue_dma source(%dma_start3A_83 : memref<64xf32, #tpu.memory_space<hbm>>) target(%dma_start3A_80 : memref<64xf32, #tpu.memory_space<vmem>>) target_semaphore(%arg7 : memref<!tpu.dma_semaphore, #tpu.memory_space<semaphore_mem>>)
      %slice3A_84 = vector.extract_strided_slice %get3A_66 {offsets = [1], sizes = [1], strides = [1]} : vector<16xi32> to vector<1xi32>
      %squeeze3A_85 = vector.extract %slice3A_84[0] : i32 from vector<1xi32>
      %mul3A_86 = arith.constant 16 : i32
      %mul3A_87 = arith.muli %scan3A_60, %mul3A_86 : i32
      %add3A_88 = arith.constant 1 : i32
      %add3A_89 = arith.addi %mul3A_87, %add3A_88 : i32
      %dma_start3A_90 = arith.constant 0 : i32
      %dma_start3A_91 = arith.constant 0 : i32
      %dma_start3A_92 = tpu.memref_slice %arg6[%dma_start3A_90, %add3A_89, %dma_start3A_91] : memref<2x256x64xf32, #tpu.memory_space<vmem>> -> memref<1x1x64xf32, #tpu.memory_space<vmem>>
      %dma_start3A_93 = tpu.memref_squeeze %dma_start3A_92 : memref<1x1x64xf32, #tpu.memory_space<vmem>> -> memref<64xf32, #tpu.memory_space<vmem>>
      %dma_start3A_94 = arith.constant 0 : i32
      %dma_start3A_95 = tpu.memref_slice %arg3[%squeeze3A_85, %dma_start3A_94] : memref<1000000x64xf32, #tpu.memory_space<hbm>> -> memref<1x64xf32, #tpu.memory_space<hbm>>
      %dma_start3A_96 = tpu.memref_squeeze %dma_start3A_95 : memref<1x64xf32, #tpu.memory_space<hbm>> -> memref<64xf32, #tpu.memory_space<hbm>>
      %dma_start3A_97 = arith.constant 0 : i32
      %dma_start3A_98 = tpu.memref_slice %arg6[%dma_start3A_90, %add3A_89, %dma_start3A_97] : memref<2x256x64xf32, #tpu.memory_space<vmem>> -> memref<1x1x64xf32, #tpu.memory_space<vmem>>
      %dma_start3A_99 = tpu.memref_squeeze %dma_start3A_98 : memref<1x1x64xf32, #tpu.memory_space<vmem>> -> memref<64xf32, #tpu.memory_space<vmem>>
      %dma_start3A_100 = arith.constant 0 : i32
      %dma_start3A_101 = tpu.memref_slice %arg3[%squeeze3A_85, %dma_start3A_100] : memref<1000000x64xf32, #tpu.memory_space<hbm>> -> memref<1x64xf32, #tpu.memory_space<hbm>>
      %dma_start3A_102 = tpu.memref_squeeze %dma_start3A_101 : memref<1x64xf32, #tpu.memory_space<hbm>> -> memref<64xf32, #tpu.memory_space<hbm>>
      tpu.enqueue_dma source(%dma_start3A_102 : memref<64xf32, #tpu.memory_space<hbm>>) target(%dma_start3A_99 : memref<64xf32, #tpu.memory_space<vmem>>) target_semaphore(%arg7 : memref<!tpu.dma_semaphore, #tpu.memory_space<semaphore_mem>>)
      %slice3A_103 = vector.extract_strided_slice %get3A_66 {offsets = [2], sizes = [1], strides = [1]} : vector<16xi32> to vector<1xi32>
      %squeeze3A_104 = vector.extract %slice3A_103[0] : i32 from vector<1xi32>
      %mul3A_105 = arith.constant 16 : i32
      %mul3A_106 = arith.muli %scan3A_60, %mul3A_105 : i32
      %add3A_107 = arith.constant 2 : i32
      %add3A_108 = arith.addi %mul3A_106, %add3A_107 : i32
      %dma_start3A_109 = arith.constant 0 : i32
      %dma_start3A_110 = arith.constant 0 : i32
      %dma_start3A_111 = tpu.memref_slice %arg6[%dma_start3A_109, %add3A_108, %dma_start3A_110] : memref<2x256x64xf32, #tpu.memory_space<vmem>> -> memref<1x1x64xf32, #tpu.memory_space<vmem>>
      %dma_start3A_112 = tpu.memref_squeeze %dma_start3A_111 : memref<1x1x64xf32, #tpu.memory_space<vmem>> -> memref<64xf32, #tpu.memory_space<vmem>>
      %dma_start3A_113 = arith.constant 0 : i32
      %dma_start3A_114 = tpu.memref_slice %arg3[%squeeze3A_104, %dma_start3A_113] : memref<1000000x64xf32, #tpu.memory_space<hbm>> -> memref<1x64xf32, #tpu.memory_space<hbm>>
      %dma_start3A_115 = tpu.memref_squeeze %dma_start3A_114 : memref<1x64xf32, #tpu.memory_space<hbm>> -> memref<64xf32, #tpu.memory_space<hbm>>
      %dma_start3A_116 = arith.constant 0 : i32
      %dma_start3A_117 = tpu.memref_slice %arg6[%dma_start3A_109, %add3A_108, %dma_start3A_116] : memref<2x256x64xf32, #tpu.memory_space<vmem>> -> memref<1x1x64xf32, #tpu.memory_space<vmem>>
      %dma_start3A_118 = tpu.memref_squeeze %dma_start3A_117 : memref<1x1x64xf32, #tpu.memory_space<vmem>> -> memref<64xf32, #tpu.memory_space<vmem>>
      %dma_start3A_119 = arith.constant 0 : i32
      %dma_start3A_120 = tpu.memref_slice %arg3[%squeeze3A_104, %dma_start3A_119] : memref<1000000x64xf32, #tpu.memory_space<hbm>> -> memref<1x64xf32, #tpu.memory_space<hbm>>
      %dma_start3A_121 = tpu.memref_squeeze %dma_start3A_120 : memref<1x64xf32, #tpu.memory_space<hbm>> -> memref<64xf32, #tpu.memory_space<hbm>>
      tpu.enqueue_dma source(%dma_start3A_121 : memref<64xf32, #tpu.memory_space<hbm>>) target(%dma_start3A_118 : memref<64xf32, #tpu.memory_space<vmem>>) target_semaphore(%arg7 : memref<!tpu.dma_semaphore, #tpu.memory_space<semaphore_mem>>)
      %slice3A_122 = vector.extract_strided_slice %get3A_66 {offsets = [3], sizes = [1], strides = [1]} : vector<16xi32> to vector<1xi32>
      %squeeze3A_123 = vector.extract %slice3A_122[0] : i32 from vector<1xi32>
      %mul3A_124 = arith.constant 16 : i32
      %mul3A_125 = arith.muli %scan3A_60, %mul3A_124 : i32
      %add3A_126 = arith.constant 3 : i32
      %add3A_127 = arith.addi %mul3A_125, %add3A_126 : i32
      %dma_start3A_128 = arith.constant 0 : i32
      %dma_start3A_129 = arith.constant 0 : i32
      %dma_start3A_130 = tpu.memref_slice %arg6[%dma_start3A_128, %add3A_127, %dma_start3A_129] : memref<2x256x64xf32, #tpu.memory_space<vmem>> -> memref<1x1x64xf32, #tpu.memory_space<vmem>>
      %dma_start3A_131 = tpu.memref_squeeze %dma_start3A_130 : memref<1x1x64xf32, #tpu.memory_space<vmem>> -> memref<64xf32, #tpu.memory_space<vmem>>
      %dma_start3A_132 = arith.constant 0 : i32
      %dma_start3A_133 = tpu.memref_slice %arg3[%squeeze3A_123, %dma_start3A_132] : memref<1000000x64xf32, #tpu.memory_space<hbm>> -> memref<1x64xf32, #tpu.memory_space<hbm>>
      %dma_start3A_134 = tpu.memref_squeeze %dma_start3A_133 : memref<1x64xf32, #tpu.memory_space<hbm>> -> memref<64xf32, #tpu.memory_space<hbm>>
      %dma_start3A_135 = arith.constant 0 : i32
      %dma_start3A_136 = tpu.memref_slice %arg6[%dma_start3A_128, %add3A_127, %dma_start3A_135] : memref<2x256x64xf32, #tpu.memory_space<vmem>> -> memref<1x1x64xf32, #tpu.memory_space<vmem>>
      %dma_start3A_137 = tpu.memref_squeeze %dma_start3A_136 : memref<1x1x64xf32, #tpu.memory_space<vmem>> -> memref<64xf32, #tpu.memory_space<vmem>>
      %dma_start3A_138 = arith.constant 0 : i32
      %dma_start3A_139 = tpu.memref_slice %arg3[%squeeze3A_123, %dma_start3A_138] : memref<1000000x64xf32, #tpu.memory_space<hbm>> -> memref<1x64xf32, #tpu.memory_space<hbm>>
      %dma_start3A_140 = tpu.memref_squeeze %dma_start3A_139 : memref<1x64xf32, #tpu.memory_space<hbm>> -> memref<64xf32, #tpu.memory_space<hbm>>
      tpu.enqueue_dma source(%dma_start3A_140 : memref<64xf32, #tpu.memory_space<hbm>>) target(%dma_start3A_137 : memref<64xf32, #tpu.memory_space<vmem>>) target_semaphore(%arg7 : memref<!tpu.dma_semaphore, #tpu.memory_space<semaphore_mem>>)
      %slice3A_141 = vector.extract_strided_slice %get3A_66 {offsets = [4], sizes = [1], strides = [1]} : vector<16xi32> to vector<1xi32>
      %squeeze3A_142 = vector.extract %slice3A_141[0] : i32 from vector<1xi32>
      %mul3A_143 = arith.constant 16 : i32
      %mul3A_144 = arith.muli %scan3A_60, %mul3A_143 : i32
      %add3A_145 = arith.constant 4 : i32
      %add3A_146 = arith.addi %mul3A_144, %add3A_145 : i32
      %dma_start3A_147 = arith.constant 0 : i32
      %dma_start3A_148 = arith.constant 0 : i32
      %dma_start3A_149 = tpu.memref_slice %arg6[%dma_start3A_147, %add3A_146, %dma_start3A_148] : memref<2x256x64xf32, #tpu.memory_space<vmem>> -> memref<1x1x64xf32, #tpu.memory_space<vmem>>
      %dma_start3A_150 = tpu.memref_squeeze %dma_start3A_149 : memref<1x1x64xf32, #tpu.memory_space<vmem>> -> memref<64xf32, #tpu.memory_space<vmem>>
      %dma_start3A_151 = arith.constant 0 : i32
      %dma_start3A_152 = tpu.memref_slice %arg3[%squeeze3A_142, %dma_start3A_151] : memref<1000000x64xf32, #tpu.memory_space<hbm>> -> memref<1x64xf32, #tpu.memory_space<hbm>>
      %dma_start3A_153 = tpu.memref_squeeze %dma_start3A_152 : memref<1x64xf32, #tpu.memory_space<hbm>> -> memref<64xf32, #tpu.memory_space<hbm>>
      %dma_start3A_154 = arith.constant 0 : i32
      %dma_start3A_155 = tpu.memref_slice %arg6[%dma_start3A_147, %add3A_146, %dma_start3A_154] : memref<2x256x64xf32, #tpu.memory_space<vmem>> -> memref<1x1x64xf32, #tpu.memory_space<vmem>>
      %dma_start3A_156 = tpu.memref_squeeze %dma_start3A_155 : memref<1x1x64xf32, #tpu.memory_space<vmem>> -> memref<64xf32, #tpu.memory_space<vmem>>
      %dma_start3A_157 = arith.constant 0 : i32
      %dma_start3A_158 = tpu.memref_slice %arg3[%squeeze3A_142, %dma_start3A_157] : memref<1000000x64xf32, #tpu.memory_space<hbm>> -> memref<1x64xf32, #tpu.memory_space<hbm>>
      %dma_start3A_159 = tpu.memref_squeeze %dma_start3A_158 : memref<1x64xf32, #tpu.memory_space<hbm>> -> memref<64xf32, #tpu.memory_space<hbm>>
      tpu.enqueue_dma source(%dma_start3A_159 : memref<64xf32, #tpu.memory_space<hbm>>) target(%dma_start3A_156 : memref<64xf32, #tpu.memory_space<vmem>>) target_semaphore(%arg7 : memref<!tpu.dma_semaphore, #tpu.memory_space<semaphore_mem>>)
      %slice3A_160 = vector.extract_strided_slice %get3A_66 {offsets = [5], sizes = [1], strides = [1]} : vector<16xi32> to vector<1xi32>
      %squeeze3A_161 = vector.extract %slice3A_160[0] : i32 from vector<1xi32>
      %mul3A_162 = arith.constant 16 : i32
      %mul3A_163 = arith.muli %scan3A_60, %mul3A_162 : i32
      %add3A_164 = arith.constant 5 : i32
      %add3A_165 = arith.addi %mul3A_163, %add3A_164 : i32
      %dma_start3A_166 = arith.constant 0 : i32
      %dma_start3A_167 = arith.constant 0 : i32
      %dma_start3A_168 = tpu.memref_slice %arg6[%dma_start3A_166, %add3A_165, %dma_start3A_167] : memref<2x256x64xf32, #tpu.memory_space<vmem>> -> memref<1x1x64xf32, #tpu.memory_space<vmem>>
      %dma_start3A_169 = tpu.memref_squeeze %dma_start3A_168 : memref<1x1x64xf32, #tpu.memory_space<vmem>> -> memref<64xf32, #tpu.memory_space<vmem>>
      %dma_start3A_170 = arith.constant 0 : i32
      %dma_start3A_171 = tpu.memref_slice %arg3[%squeeze3A_161, %dma_start3A_170] : memref<1000000x64xf32, #tpu.memory_space<hbm>> -> memref<1x64xf32, #tpu.memory_space<hbm>>
      %dma_start3A_172 = tpu.memref_squeeze %dma_start3A_171 : memref<1x64xf32, #tpu.memory_space<hbm>> -> memref<64xf32, #tpu.memory_space<hbm>>
      %dma_start3A_173 = arith.constant 0 : i32
      %dma_start3A_174 = tpu.memref_slice %arg6[%dma_start3A_166, %add3A_165, %dma_start3A_173] : memref<2x256x64xf32, #tpu.memory_space<vmem>> -> memref<1x1x64xf32, #tpu.memory_space<vmem>>
      %dma_start3A_175 = tpu.memref_squeeze %dma_start3A_174 : memref<1x1x64xf32, #tpu.memory_space<vmem>> -> memref<64xf32, #tpu.memory_space<vmem>>
      %dma_start3A_176 = arith.constant 0 : i32
      %dma_start3A_177 = tpu.memref_slice %arg3[%squeeze3A_161, %dma_start3A_176] : memref<1000000x64xf32, #tpu.memory_space<hbm>> -> memref<1x64xf32, #tpu.memory_space<hbm>>
      %dma_start3A_178 = tpu.memref_squeeze %dma_start3A_177 : memref<1x64xf32, #tpu.memory_space<hbm>> -> memref<64xf32, #tpu.memory_space<hbm>>
      tpu.enqueue_dma source(%dma_start3A_178 : memref<64xf32, #tpu.memory_space<hbm>>) target(%dma_start3A_175 : memref<64xf32, #tpu.memory_space<vmem>>) target_semaphore(%arg7 : memref<!tpu.dma_semaphore, #tpu.memory_space<semaphore_mem>>)
      %slice3A_179 = vector.extract_strided_slice %get3A_66 {offsets = [6], sizes = [1], strides = [1]} : vector<16xi32> to vector<1xi32>
      %squeeze3A_180 = vector.extract %slice3A_179[0] : i32 from vector<1xi32>
      %mul3A_181 = arith.constant 16 : i32
      %mul3A_182 = arith.muli %scan3A_60, %mul3A_181 : i32
      %add3A_183 = arith.constant 6 : i32
      %add3A_184 = arith.addi %mul3A_182, %add3A_183 : i32
      %dma_start3A_185 = arith.constant 0 : i32
      %dma_start3A_186 = arith.constant 0 : i32
      %dma_start3A_187 = tpu.memref_slice %arg6[%dma_start3A_185, %add3A_184, %dma_start3A_186] : memref<2x256x64xf32, #tpu.memory_space<vmem>> -> memref<1x1x64xf32, #tpu.memory_space<vmem>>
      %dma_start3A_188 = tpu.memref_squeeze %dma_start3A_187 : memref<1x1x64xf32, #tpu.memory_space<vmem>> -> memref<64xf32, #tpu.memory_space<vmem>>
      %dma_start3A_189 = arith.constant 0 : i32
      %dma_start3A_190 = tpu.memref_slice %arg3[%squeeze3A_180, %dma_start3A_189] : memref<1000000x64xf32, #tpu.memory_space<hbm>> -> memref<1x64xf32, #tpu.memory_space<hbm>>
      %dma_start3A_191 = tpu.memref_squeeze %dma_start3A_190 : memref<1x64xf32, #tpu.memory_space<hbm>> -> memref<64xf32, #tpu.memory_space<hbm>>
      %dma_start3A_192 = arith.constant 0 : i32
      %dma_start3A_193 = tpu.memref_slice %arg6[%dma_start3A_185, %add3A_184, %dma_start3A_192] : memref<2x256x64xf32, #tpu.memory_space<vmem>> -> memref<1x1x64xf32, #tpu.memory_space<vmem>>
      %dma_start3A_194 = tpu.memref_squeeze %dma_start3A_193 : memref<1x1x64xf32, #tpu.memory_space<vmem>> -> memref<64xf32, #tpu.memory_space<vmem>>
      %dma_start3A_195 = arith.constant 0 : i32
      %dma_start3A_196 = tpu.memref_slice %arg3[%squeeze3A_180, %dma_start3A_195] : memref<1000000x64xf32, #tpu.memory_space<hbm>> -> memref<1x64xf32, #tpu.memory_space<hbm>>
      %dma_start3A_197 = tpu.memref_squeeze %dma_start3A_196 : memref<1x64xf32, #tpu.memory_space<hbm>> -> memref<64xf32, #tpu.memory_space<hbm>>
      tpu.enqueue_dma source(%dma_start3A_197 : memref<64xf32, #tpu.memory_space<hbm>>) target(%dma_start3A_194 : memref<64xf32, #tpu.memory_space<vmem>>) target_semaphore(%arg7 : memref<!tpu.dma_semaphore, #tpu.memory_space<semaphore_mem>>)
      %slice3A_198 = vector.extract_strided_slice %get3A_66 {offsets = [7], sizes = [1], strides = [1]} : vector<16xi32> to vector<1xi32>
      %squeeze3A_199 = vector.extract %slice3A_198[0] : i32 from vector<1xi32>
      %mul3A_200 = arith.constant 16 : i32
      %mul3A_201 = arith.muli %scan3A_60, %mul3A_200 : i32
      %add3A_202 = arith.constant 7 : i32
      %add3A_203 = arith.addi %mul3A_201, %add3A_202 : i32
      %dma_start3A_204 = arith.constant 0 : i32
      %dma_start3A_205 = arith.constant 0 : i32
      %dma_start3A_206 = tpu.memref_slice %arg6[%dma_start3A_204, %add3A_203, %dma_start3A_205] : memref<2x256x64xf32, #tpu.memory_space<vmem>> -> memref<1x1x64xf32, #tpu.memory_space<vmem>>
      %dma_start3A_207 = tpu.memref_squeeze %dma_start3A_206 : memref<1x1x64xf32, #tpu.memory_space<vmem>> -> memref<64xf32, #tpu.memory_space<vmem>>
      %dma_start3A_208 = arith.constant 0 : i32
      %dma_start3A_209 = tpu.memref_slice %arg3[%squeeze3A_199, %dma_start3A_208] : memref<1000000x64xf32, #tpu.memory_space<hbm>> -> memref<1x64xf32, #tpu.memory_space<hbm>>
      %dma_start3A_210 = tpu.memref_squeeze %dma_start3A_209 : memref<1x64xf32, #tpu.memory_space<hbm>> -> memref<64xf32, #tpu.memory_space<hbm>>
      %dma_start3A_211 = arith.constant 0 : i32
      %dma_start3A_212 = tpu.memref_slice %arg6[%dma_start3A_204, %add3A_203, %dma_start3A_211] : memref<2x256x64xf32, #tpu.memory_space<vmem>> -> memref<1x1x64xf32, #tpu.memory_space<vmem>>
      %dma_start3A_213 = tpu.memref_squeeze %dma_start3A_212 : memref<1x1x64xf32, #tpu.memory_space<vmem>> -> memref<64xf32, #tpu.memory_space<vmem>>
      %dma_start3A_214 = arith.constant 0 : i32
      %dma_start3A_215 = tpu.memref_slice %arg3[%squeeze3A_199, %dma_start3A_214] : memref<1000000x64xf32, #tpu.memory_space<hbm>> -> memref<1x64xf32, #tpu.memory_space<hbm>>
      %dma_start3A_216 = tpu.memref_squeeze %dma_start3A_215 : memref<1x64xf32, #tpu.memory_space<hbm>> -> memref<64xf32, #tpu.memory_space<hbm>>
      tpu.enqueue_dma source(%dma_start3A_216 : memref<64xf32, #tpu.memory_space<hbm>>) target(%dma_start3A_213 : memref<64xf32, #tpu.memory_space<vmem>>) target_semaphore(%arg7 : memref<!tpu.dma_semaphore, #tpu.memory_space<semaphore_mem>>)
      %slice3A_217 = vector.extract_strided_slice %get3A_66 {offsets = [8], sizes = [1], strides = [1]} : vector<16xi32> to vector<1xi32>
      %squeeze3A_218 = vector.extract %slice3A_217[0] : i32 from vector<1xi32>
      %mul3A_219 = arith.constant 16 : i32
      %mul3A_220 = arith.muli %scan3A_60, %mul3A_219 : i32
      %add3A_221 = arith.constant 8 : i32
      %add3A_222 = arith.addi %mul3A_220, %add3A_221 : i32
      %dma_start3A_223 = arith.constant 0 : i32
      %dma_start3A_224 = arith.constant 0 : i32
      %dma_start3A_225 = tpu.memref_slice %arg6[%dma_start3A_223, %add3A_222, %dma_start3A_224] : memref<2x256x64xf32, #tpu.memory_space<vmem>> -> memref<1x1x64xf32, #tpu.memory_space<vmem>>
      %dma_start3A_226 = tpu.memref_squeeze %dma_start3A_225 : memref<1x1x64xf32, #tpu.memory_space<vmem>> -> memref<64xf32, #tpu.memory_space<vmem>>
      %dma_start3A_227 = arith.constant 0 : i32
      %dma_start3A_228 = tpu.memref_slice %arg3[%squeeze3A_218, %dma_start3A_227] : memref<1000000x64xf32, #tpu.memory_space<hbm>> -> memref<1x64xf32, #tpu.memory_space<hbm>>
      %dma_start3A_229 = tpu.memref_squeeze %dma_start3A_228 : memref<1x64xf32, #tpu.memory_space<hbm>> -> memref<64xf32, #tpu.memory_space<hbm>>
      %dma_start3A_230 = arith.constant 0 : i32
      %dma_start3A_231 = tpu.memref_slice %arg6[%dma_start3A_223, %add3A_222, %dma_start3A_230] : memref<2x256x64xf32, #tpu.memory_space<vmem>> -> memref<1x1x64xf32, #tpu.memory_space<vmem>>
      %dma_start3A_232 = tpu.memref_squeeze %dma_start3A_231 : memref<1x1x64xf32, #tpu.memory_space<vmem>> -> memref<64xf32, #tpu.memory_space<vmem>>
      %dma_start3A_233 = arith.constant 0 : i32
      %dma_start3A_234 = tpu.memref_slice %arg3[%squeeze3A_218, %dma_start3A_233] : memref<1000000x64xf32, #tpu.memory_space<hbm>> -> memref<1x64xf32, #tpu.memory_space<hbm>>
      %dma_start3A_235 = tpu.memref_squeeze %dma_start3A_234 : memref<1x64xf32, #tpu.memory_space<hbm>> -> memref<64xf32, #tpu.memory_space<hbm>>
      tpu.enqueue_dma source(%dma_start3A_235 : memref<64xf32, #tpu.memory_space<hbm>>) target(%dma_start3A_232 : memref<64xf32, #tpu.memory_space<vmem>>) target_semaphore(%arg7 : memref<!tpu.dma_semaphore, #tpu.memory_space<semaphore_mem>>)
      %slice3A_236 = vector.extract_strided_slice %get3A_66 {offsets = [9], sizes = [1], strides = [1]} : vector<16xi32> to vector<1xi32>
      %squeeze3A_237 = vector.extract %slice3A_236[0] : i32 from vector<1xi32>
      %mul3A_238 = arith.constant 16 : i32
      %mul3A_239 = arith.muli %scan3A_60, %mul3A_238 : i32
      %add3A_240 = arith.constant 9 : i32
      %add3A_241 = arith.addi %mul3A_239, %add3A_240 : i32
      %dma_start3A_242 = arith.constant 0 : i32
      %dma_start3A_243 = arith.constant 0 : i32
      %dma_start3A_244 = tpu.memref_slice %arg6[%dma_start3A_242, %add3A_241, %dma_start3A_243] : memref<2x256x64xf32, #tpu.memory_space<vmem>> -> memref<1x1x64xf32, #tpu.memory_space<vmem>>
      %dma_start3A_245 = tpu.memref_squeeze %dma_start3A_244 : memref<1x1x64xf32, #tpu.memory_space<vmem>> -> memref<64xf32, #tpu.memory_space<vmem>>
      %dma_start3A_246 = arith.constant 0 : i32
      %dma_start3A_247 = tpu.memref_slice %arg3[%squeeze3A_237, %dma_start3A_246] : memref<1000000x64xf32, #tpu.memory_space<hbm>> -> memref<1x64xf32, #tpu.memory_space<hbm>>
      %dma_start3A_248 = tpu.memref_squeeze %dma_start3A_247 : memref<1x64xf32, #tpu.memory_space<hbm>> -> memref<64xf32, #tpu.memory_space<hbm>>
      %dma_start3A_249 = arith.constant 0 : i32
      %dma_start3A_250 = tpu.memref_slice %arg6[%dma_start3A_242, %add3A_241, %dma_start3A_249] : memref<2x256x64xf32, #tpu.memory_space<vmem>> -> memref<1x1x64xf32, #tpu.memory_space<vmem>>
      %dma_start3A_251 = tpu.memref_squeeze %dma_start3A_250 : memref<1x1x64xf32, #tpu.memory_space<vmem>> -> memref<64xf32, #tpu.memory_space<vmem>>
      %dma_start3A_252 = arith.constant 0 : i32
      %dma_start3A_253 = tpu.memref_slice %arg3[%squeeze3A_237, %dma_start3A_252] : memref<1000000x64xf32, #tpu.memory_space<hbm>> -> memref<1x64xf32, #tpu.memory_space<hbm>>
      %dma_start3A_254 = tpu.memref_squeeze %dma_start3A_253 : memref<1x64xf32, #tpu.memory_space<hbm>> -> memref<64xf32, #tpu.memory_space<hbm>>
      tpu.enqueue_dma source(%dma_start3A_254 : memref<64xf32, #tpu.memory_space<hbm>>) target(%dma_start3A_251 : memref<64xf32, #tpu.memory_space<vmem>>) target_semaphore(%arg7 : memref<!tpu.dma_semaphore, #tpu.memory_space<semaphore_mem>>)
      %slice3A_255 = vector.extract_strided_slice %get3A_66 {offsets = [10], sizes = [1], strides = [1]} : vector<16xi32> to vector<1xi32>
      %squeeze3A_256 = vector.extract %slice3A_255[0] : i32 from vector<1xi32>
      %mul3A_257 = arith.constant 16 : i32
      %mul3A_258 = arith.muli %scan3A_60, %mul3A_257 : i32
      %add3A_259 = arith.constant 10 : i32
      %add3A_260 = arith.addi %mul3A_258, %add3A_259 : i32
      %dma_start3A_261 = arith.constant 0 : i32
      %dma_start3A_262 = arith.constant 0 : i32
      %dma_start3A_263 = tpu.memref_slice %arg6[%dma_start3A_261, %add3A_260, %dma_start3A_262] : memref<2x256x64xf32, #tpu.memory_space<vmem>> -> memref<1x1x64xf32, #tpu.memory_space<vmem>>
      %dma_start3A_264 = tpu.memref_squeeze %dma_start3A_263 : memref<1x1x64xf32, #tpu.memory_space<vmem>> -> memref<64xf32, #tpu.memory_space<vmem>>
      %dma_start3A_265 = arith.constant 0 : i32
      %dma_start3A_266 = tpu.memref_slice %arg3[%squeeze3A_256, %dma_start3A_265] : memref<1000000x64xf32, #tpu.memory_space<hbm>> -> memref<1x64xf32, #tpu.memory_space<hbm>>
      %dma_start3A_267 = tpu.memref_squeeze %dma_start3A_266 : memref<1x64xf32, #tpu.memory_space<hbm>> -> memref<64xf32, #tpu.memory_space<hbm>>
      %dma_start3A_268 = arith.constant 0 : i32
      %dma_start3A_269 = tpu.memref_slice %arg6[%dma_start3A_261, %add3A_260, %dma_start3A_268] : memref<2x256x64xf32, #tpu.memory_space<vmem>> -> memref<1x1x64xf32, #tpu.memory_space<vmem>>
      %dma_start3A_270 = tpu.memref_squeeze %dma_start3A_269 : memref<1x1x64xf32, #tpu.memory_space<vmem>> -> memref<64xf32, #tpu.memory_space<vmem>>
      %dma_start3A_271 = arith.constant 0 : i32
      %dma_start3A_272 = tpu.memref_slice %arg3[%squeeze3A_256, %dma_start3A_271] : memref<1000000x64xf32, #tpu.memory_space<hbm>> -> memref<1x64xf32, #tpu.memory_space<hbm>>
      %dma_start3A_273 = tpu.memref_squeeze %dma_start3A_272 : memref<1x64xf32, #tpu.memory_space<hbm>> -> memref<64xf32, #tpu.memory_space<hbm>>
      tpu.enqueue_dma source(%dma_start3A_273 : memref<64xf32, #tpu.memory_space<hbm>>) target(%dma_start3A_270 : memref<64xf32, #tpu.memory_space<vmem>>) target_semaphore(%arg7 : memref<!tpu.dma_semaphore, #tpu.memory_space<semaphore_mem>>)
      %slice3A_274 = vector.extract_strided_slice %get3A_66 {offsets = [11], sizes = [1], strides = [1]} : vector<16xi32> to vector<1xi32>
      %squeeze3A_275 = vector.extract %slice3A_274[0] : i32 from vector<1xi32>
      %mul3A_276 = arith.constant 16 : i32
      %mul3A_277 = arith.muli %scan3A_60, %mul3A_276 : i32
      %add3A_278 = arith.constant 11 : i32
      %add3A_279 = arith.addi %mul3A_277, %add3A_278 : i32
      %dma_start3A_280 = arith.constant 0 : i32
      %dma_start3A_281 = arith.constant 0 : i32
      %dma_start3A_282 = tpu.memref_slice %arg6[%dma_start3A_280, %add3A_279, %dma_start3A_281] : memref<2x256x64xf32, #tpu.memory_space<vmem>> -> memref<1x1x64xf32, #tpu.memory_space<vmem>>
      %dma_start3A_283 = tpu.memref_squeeze %dma_start3A_282 : memref<1x1x64xf32, #tpu.memory_space<vmem>> -> memref<64xf32, #tpu.memory_space<vmem>>
      %dma_start3A_284 = arith.constant 0 : i32
      %dma_start3A_285 = tpu.memref_slice %arg3[%squeeze3A_275, %dma_start3A_284] : memref<1000000x64xf32, #tpu.memory_space<hbm>> -> memref<1x64xf32, #tpu.memory_space<hbm>>
      %dma_start3A_286 = tpu.memref_squeeze %dma_start3A_285 : memref<1x64xf32, #tpu.memory_space<hbm>> -> memref<64xf32, #tpu.memory_space<hbm>>
      %dma_start3A_287 = arith.constant 0 : i32
      %dma_start3A_288 = tpu.memref_slice %arg6[%dma_start3A_280, %add3A_279, %dma_start3A_287] : memref<2x256x64xf32, #tpu.memory_space<vmem>> -> memref<1x1x64xf32, #tpu.memory_space<vmem>>
      %dma_start3A_289 = tpu.memref_squeeze %dma_start3A_288 : memref<1x1x64xf32, #tpu.memory_space<vmem>> -> memref<64xf32, #tpu.memory_space<vmem>>
      %dma_start3A_290 = arith.constant 0 : i32
      %dma_start3A_291 = tpu.memref_slice %arg3[%squeeze3A_275, %dma_start3A_290] : memref<1000000x64xf32, #tpu.memory_space<hbm>> -> memref<1x64xf32, #tpu.memory_space<hbm>>
      %dma_start3A_292 = tpu.memref_squeeze %dma_start3A_291 : memref<1x64xf32, #tpu.memory_space<hbm>> -> memref<64xf32, #tpu.memory_space<hbm>>
      tpu.enqueue_dma source(%dma_start3A_292 : memref<64xf32, #tpu.memory_space<hbm>>) target(%dma_start3A_289 : memref<64xf32, #tpu.memory_space<vmem>>) target_semaphore(%arg7 : memref<!tpu.dma_semaphore, #tpu.memory_space<semaphore_mem>>)
      %slice3A_293 = vector.extract_strided_slice %get3A_66 {offsets = [12], sizes = [1], strides = [1]} : vector<16xi32> to vector<1xi32>
      %squeeze3A_294 = vector.extract %slice3A_293[0] : i32 from vector<1xi32>
      %mul3A_295 = arith.constant 16 : i32
      %mul3A_296 = arith.muli %scan3A_60, %mul3A_295 : i32
      %add3A_297 = arith.constant 12 : i32
      %add3A_298 = arith.addi %mul3A_296, %add3A_297 : i32
      %dma_start3A_299 = arith.constant 0 : i32
      %dma_start3A_300 = arith.constant 0 : i32
      %dma_start3A_301 = tpu.memref_slice %arg6[%dma_start3A_299, %add3A_298, %dma_start3A_300] : memref<2x256x64xf32, #tpu.memory_space<vmem>> -> memref<1x1x64xf32, #tpu.memory_space<vmem>>
      %dma_start3A_302 = tpu.memref_squeeze %dma_start3A_301 : memref<1x1x64xf32, #tpu.memory_space<vmem>> -> memref<64xf32, #tpu.memory_space<vmem>>
      %dma_start3A_303 = arith.constant 0 : i32
      %dma_start3A_304 = tpu.memref_slice %arg3[%squeeze3A_294, %dma_start3A_303] : memref<1000000x64xf32, #tpu.memory_space<hbm>> -> memref<1x64xf32, #tpu.memory_space<hbm>>
      %dma_start3A_305 = tpu.memref_squeeze %dma_start3A_304 : memref<1x64xf32, #tpu.memory_space<hbm>> -> memref<64xf32, #tpu.memory_space<hbm>>
      %dma_start3A_306 = arith.constant 0 : i32
      %dma_start3A_307 = tpu.memref_slice %arg6[%dma_start3A_299, %add3A_298, %dma_start3A_306] : memref<2x256x64xf32, #tpu.memory_space<vmem>> -> memref<1x1x64xf32, #tpu.memory_space<vmem>>
      %dma_start3A_308 = tpu.memref_squeeze %dma_start3A_307 : memref<1x1x64xf32, #tpu.memory_space<vmem>> -> memref<64xf32, #tpu.memory_space<vmem>>
      %dma_start3A_309 = arith.constant 0 : i32
      %dma_start3A_310 = tpu.memref_slice %arg3[%squeeze3A_294, %dma_start3A_309] : memref<1000000x64xf32, #tpu.memory_space<hbm>> -> memref<1x64xf32, #tpu.memory_space<hbm>>
      %dma_start3A_311 = tpu.memref_squeeze %dma_start3A_310 : memref<1x64xf32, #tpu.memory_space<hbm>> -> memref<64xf32, #tpu.memory_space<hbm>>
      tpu.enqueue_dma source(%dma_start3A_311 : memref<64xf32, #tpu.memory_space<hbm>>) target(%dma_start3A_308 : memref<64xf32, #tpu.memory_space<vmem>>) target_semaphore(%arg7 : memref<!tpu.dma_semaphore, #tpu.memory_space<semaphore_mem>>)
      %slice3A_312 = vector.extract_strided_slice %get3A_66 {offsets = [13], sizes = [1], strides = [1]} : vector<16xi32> to vector<1xi32>
      %squeeze3A_313 = vector.extract %slice3A_312[0] : i32 from vector<1xi32>
      %mul3A_314 = arith.constant 16 : i32
      %mul3A_315 = arith.muli %scan3A_60, %mul3A_314 : i32
      %add3A_316 = arith.constant 13 : i32
      %add3A_317 = arith.addi %mul3A_315, %add3A_316 : i32
      %dma_start3A_318 = arith.constant 0 : i32
      %dma_start3A_319 = arith.constant 0 : i32
      %dma_start3A_320 = tpu.memref_slice %arg6[%dma_start3A_318, %add3A_317, %dma_start3A_319] : memref<2x256x64xf32, #tpu.memory_space<vmem>> -> memref<1x1x64xf32, #tpu.memory_space<vmem>>
      %dma_start3A_321 = tpu.memref_squeeze %dma_start3A_320 : memref<1x1x64xf32, #tpu.memory_space<vmem>> -> memref<64xf32, #tpu.memory_space<vmem>>
      %dma_start3A_322 = arith.constant 0 : i32
      %dma_start3A_323 = tpu.memref_slice %arg3[%squeeze3A_313, %dma_start3A_322] : memref<1000000x64xf32, #tpu.memory_space<hbm>> -> memref<1x64xf32, #tpu.memory_space<hbm>>
      %dma_start3A_324 = tpu.memref_squeeze %dma_start3A_323 : memref<1x64xf32, #tpu.memory_space<hbm>> -> memref<64xf32, #tpu.memory_space<hbm>>
      %dma_start3A_325 = arith.constant 0 : i32
      %dma_start3A_326 = tpu.memref_slice %arg6[%dma_start3A_318, %add3A_317, %dma_start3A_325] : memref<2x256x64xf32, #tpu.memory_space<vmem>> -> memref<1x1x64xf32, #tpu.memory_space<vmem>>
      %dma_start3A_327 = tpu.memref_squeeze %dma_start3A_326 : memref<1x1x64xf32, #tpu.memory_space<vmem>> -> memref<64xf32, #tpu.memory_space<vmem>>
      %dma_start3A_328 = arith.constant 0 : i32
      %dma_start3A_329 = tpu.memref_slice %arg3[%squeeze3A_313, %dma_start3A_328] : memref<1000000x64xf32, #tpu.memory_space<hbm>> -> memref<1x64xf32, #tpu.memory_space<hbm>>
      %dma_start3A_330 = tpu.memref_squeeze %dma_start3A_329 : memref<1x64xf32, #tpu.memory_space<hbm>> -> memref<64xf32, #tpu.memory_space<hbm>>
      tpu.enqueue_dma source(%dma_start3A_330 : memref<64xf32, #tpu.memory_space<hbm>>) target(%dma_start3A_327 : memref<64xf32, #tpu.memory_space<vmem>>) target_semaphore(%arg7 : memref<!tpu.dma_semaphore, #tpu.memory_space<semaphore_mem>>)
      %slice3A_331 = vector.extract_strided_slice %get3A_66 {offsets = [14], sizes = [1], strides = [1]} : vector<16xi32> to vector<1xi32>
      %squeeze3A_332 = vector.extract %slice3A_331[0] : i32 from vector<1xi32>
      %mul3A_333 = arith.constant 16 : i32
      %mul3A_334 = arith.muli %scan3A_60, %mul3A_333 : i32
      %add3A_335 = arith.constant 14 : i32
      %add3A_336 = arith.addi %mul3A_334, %add3A_335 : i32
      %dma_start3A_337 = arith.constant 0 : i32
      %dma_start3A_338 = arith.constant 0 : i32
      %dma_start3A_339 = tpu.memref_slice %arg6[%dma_start3A_337, %add3A_336, %dma_start3A_338] : memref<2x256x64xf32, #tpu.memory_space<vmem>> -> memref<1x1x64xf32, #tpu.memory_space<vmem>>
      %dma_start3A_340 = tpu.memref_squeeze %dma_start3A_339 : memref<1x1x64xf32, #tpu.memory_space<vmem>> -> memref<64xf32, #tpu.memory_space<vmem>>
      %dma_start3A_341 = arith.constant 0 : i32
      %dma_start3A_342 = tpu.memref_slice %arg3[%squeeze3A_332, %dma_start3A_341] : memref<1000000x64xf32, #tpu.memory_space<hbm>> -> memref<1x64xf32, #tpu.memory_space<hbm>>
      %dma_start3A_343 = tpu.memref_squeeze %dma_start3A_342 : memref<1x64xf32, #tpu.memory_space<hbm>> -> memref<64xf32, #tpu.memory_space<hbm>>
      %dma_start3A_344 = arith.constant 0 : i32
      %dma_start3A_345 = tpu.memref_slice %arg6[%dma_start3A_337, %add3A_336, %dma_start3A_344] : memref<2x256x64xf32, #tpu.memory_space<vmem>> -> memref<1x1x64xf32, #tpu.memory_space<vmem>>
      %dma_start3A_346 = tpu.memref_squeeze %dma_start3A_345 : memref<1x1x64xf32, #tpu.memory_space<vmem>> -> memref<64xf32, #tpu.memory_space<vmem>>
      %dma_start3A_347 = arith.constant 0 : i32
      %dma_start3A_348 = tpu.memref_slice %arg3[%squeeze3A_332, %dma_start3A_347] : memref<1000000x64xf32, #tpu.memory_space<hbm>> -> memref<1x64xf32, #tpu.memory_space<hbm>>
      %dma_start3A_349 = tpu.memref_squeeze %dma_start3A_348 : memref<1x64xf32, #tpu.memory_space<hbm>> -> memref<64xf32, #tpu.memory_space<hbm>>
      tpu.enqueue_dma source(%dma_start3A_349 : memref<64xf32, #tpu.memory_space<hbm>>) target(%dma_start3A_346 : memref<64xf32, #tpu.memory_space<vmem>>) target_semaphore(%arg7 : memref<!tpu.dma_semaphore, #tpu.memory_space<semaphore_mem>>)
      %slice3A_350 = vector.extract_strided_slice %get3A_66 {offsets = [15], sizes = [1], strides = [1]} : vector<16xi32> to vector<1xi32>
      %squeeze3A_351 = vector.extract %slice3A_350[0] : i32 from vector<1xi32>
      %mul3A_352 = arith.constant 16 : i32
      %mul3A_353 = arith.muli %scan3A_60, %mul3A_352 : i32
      %add3A_354 = arith.constant 15 : i32
      %add3A_355 = arith.addi %mul3A_353, %add3A_354 : i32
      %dma_start3A_356 = arith.constant 0 : i32
      %dma_start3A_357 = arith.constant 0 : i32
      %dma_start3A_358 = tpu.memref_slice %arg6[%dma_start3A_356, %add3A_355, %dma_start3A_357] : memref<2x256x64xf32, #tpu.memory_space<vmem>> -> memref<1x1x64xf32, #tpu.memory_space<vmem>>
      %dma_start3A_359 = tpu.memref_squeeze %dma_start3A_358 : memref<1x1x64xf32, #tpu.memory_space<vmem>> -> memref<64xf32, #tpu.memory_space<vmem>>
      %dma_start3A_360 = arith.constant 0 : i32
      %dma_start3A_361 = tpu.memref_slice %arg3[%squeeze3A_351, %dma_start3A_360] : memref<1000000x64xf32, #tpu.memory_space<hbm>> -> memref<1x64xf32, #tpu.memory_space<hbm>>
      %dma_start3A_362 = tpu.memref_squeeze %dma_start3A_361 : memref<1x64xf32, #tpu.memory_space<hbm>> -> memref<64xf32, #tpu.memory_space<hbm>>
      %dma_start3A_363 = arith.constant 0 : i32
      %dma_start3A_364 = tpu.memref_slice %arg6[%dma_start3A_356, %add3A_355, %dma_start3A_363] : memref<2x256x64xf32, #tpu.memory_space<vmem>> -> memref<1x1x64xf32, #tpu.memory_space<vmem>>
      %dma_start3A_365 = tpu.memref_squeeze %dma_start3A_364 : memref<1x1x64xf32, #tpu.memory_space<vmem>> -> memref<64xf32, #tpu.memory_space<vmem>>
      %dma_start3A_366 = arith.constant 0 : i32
      %dma_start3A_367 = tpu.memref_slice %arg3[%squeeze3A_351, %dma_start3A_366] : memref<1000000x64xf32, #tpu.memory_space<hbm>> -> memref<1x64xf32, #tpu.memory_space<hbm>>
      %dma_start3A_368 = tpu.memref_squeeze %dma_start3A_367 : memref<1x64xf32, #tpu.memory_space<hbm>> -> memref<64xf32, #tpu.memory_space<hbm>>
      tpu.enqueue_dma source(%dma_start3A_368 : memref<64xf32, #tpu.memory_space<hbm>>) target(%dma_start3A_365 : memref<64xf32, #tpu.memory_space<vmem>>) target_semaphore(%arg7 : memref<!tpu.dma_semaphore, #tpu.memory_space<semaphore_mem>>)
      %scan3A_369 = arith.constant 1 : i32
      %scan3A_370 = arith.addi %scan3A_60, %scan3A_369 : i32
      %mul3A_371 = arith.constant 16 : i32
      %mul3A_372 = arith.muli %scan3A_370, %mul3A_371 : i32
      %get3A_373 = arith.constant 0 : i32
      %get3A_374 = arith.index_cast %get3A_373 : i32 to index
      %get3A_375 = arith.index_cast %mul3A_372 : i32 to index
      %get3A_376 = tpu.vector_load %arg5[%get3A_374, %get3A_375] {strides = array<i32>} : memref<2x256xi32, #tpu.memory_space<vmem>>, vector<1x16xi32>,
      %get3A_377 = vector.shape_cast %get3A_376 : vector<1x16xi32> to vector<16xi32>
      %slice3A_378 = vector.extract_strided_slice %get3A_377 {offsets = [0], sizes = [1], strides = [1]} : vector<16xi32> to vector<1xi32>
      %squeeze3A_379 = vector.extract %slice3A_378[0] : i32 from vector<1xi32>
      %mul3A_380 = arith.constant 16 : i32
      %mul3A_381 = arith.muli %scan3A_370, %mul3A_380 : i32
      %add3A_382 = arith.constant 0 : i32
      %add3A_383 = arith.addi %mul3A_381, %add3A_382 : i32
      %dma_start3A_384 = arith.constant 0 : i32
      %dma_start3A_385 = arith.constant 0 : i32
      %dma_start3A_386 = tpu.memref_slice %arg6[%dma_start3A_384, %add3A_383, %dma_start3A_385] : memref<2x256x64xf32, #tpu.memory_space<vmem>> -> memref<1x1x64xf32, #tpu.memory_space<vmem>>
      %dma_start3A_387 = tpu.memref_squeeze %dma_start3A_386 : memref<1x1x64xf32, #tpu.memory_space<vmem>> -> memref<64xf32, #tpu.memory_space<vmem>>
      %dma_start3A_388 = arith.constant 0 : i32
      %dma_start3A_389 = tpu.memref_slice %arg3[%squeeze3A_379, %dma_start3A_388] : memref<1000000x64xf32, #tpu.memory_space<hbm>> -> memref<1x64xf32, #tpu.memory_space<hbm>>
      %dma_start3A_390 = tpu.memref_squeeze %dma_start3A_389 : memref<1x64xf32, #tpu.memory_space<hbm>> -> memref<64xf32, #tpu.memory_space<hbm>>
      %dma_start3A_391 = arith.constant 0 : i32
      %dma_start3A_392 = tpu.memref_slice %arg6[%dma_start3A_384, %add3A_383, %dma_start3A_391] : memref<2x256x64xf32, #tpu.memory_space<vmem>> -> memref<1x1x64xf32, #tpu.memory_space<vmem>>
      %dma_start3A_393 = tpu.memref_squeeze %dma_start3A_392 : memref<1x1x64xf32, #tpu.memory_space<vmem>> -> memref<64xf32, #tpu.memory_space<vmem>>
      %dma_start3A_394 = arith.constant 0 : i32
      %dma_start3A_395 = tpu.memref_slice %arg3[%squeeze3A_379, %dma_start3A_394] : memref<1000000x64xf32, #tpu.memory_space<hbm>> -> memref<1x64xf32, #tpu.memory_space<hbm>>
      %dma_start3A_396 = tpu.memref_squeeze %dma_start3A_395 : memref<1x64xf32, #tpu.memory_space<hbm>> -> memref<64xf32, #tpu.memory_space<hbm>>
      tpu.enqueue_dma source(%dma_start3A_396 : memref<64xf32, #tpu.memory_space<hbm>>) target(%dma_start3A_393 : memref<64xf32, #tpu.memory_space<vmem>>) target_semaphore(%arg7 : memref<!tpu.dma_semaphore, #tpu.memory_space<semaphore_mem>>)
      %slice3A_397 = vector.extract_strided_slice %get3A_377 {offsets = [1], sizes = [1], strides = [1]} : vector<16xi32> to vector<1xi32>
      %squeeze3A_398 = vector.extract %slice3A_397[0] : i32 from vector<1xi32>
      %mul3A_399 = arith.constant 16 : i32
      %mul3A_400 = arith.muli %scan3A_370, %mul3A_399 : i32
      %add3A_401 = arith.constant 1 : i32
      %add3A_402 = arith.addi %mul3A_400, %add3A_401 : i32
      %dma_start3A_403 = arith.constant 0 : i32
      %dma_start3A_404 = arith.constant 0 : i32
      %dma_start3A_405 = tpu.memref_slice %arg6[%dma_start3A_403, %add3A_402, %dma_start3A_404] : memref<2x256x64xf32, #tpu.memory_space<vmem>> -> memref<1x1x64xf32, #tpu.memory_space<vmem>>
      %dma_start3A_406 = tpu.memref_squeeze %dma_start3A_405 : memref<1x1x64xf32, #tpu.memory_space<vmem>> -> memref<64xf32, #tpu.memory_space<vmem>>
      %dma_start3A_407 = arith.constant 0 : i32
      %dma_start3A_408 = tpu.memref_slice %arg3[%squeeze3A_398, %dma_start3A_407] : memref<1000000x64xf32, #tpu.memory_space<hbm>> -> memref<1x64xf32, #tpu.memory_space<hbm>>
      %dma_start3A_409 = tpu.memref_squeeze %dma_start3A_408 : memref<1x64xf32, #tpu.memory_space<hbm>> -> memref<64xf32, #tpu.memory_space<hbm>>
      %dma_start3A_410 = arith.constant 0 : i32
      %dma_start3A_411 = tpu.memref_slice %arg6[%dma_start3A_403, %add3A_402, %dma_start3A_410] : memref<2x256x64xf32, #tpu.memory_space<vmem>> -> memref<1x1x64xf32, #tpu.memory_space<vmem>>
      %dma_start3A_412 = tpu.memref_squeeze %dma_start3A_411 : memref<1x1x64xf32, #tpu.memory_space<vmem>> -> memref<64xf32, #tpu.memory_space<vmem>>
      %dma_start3A_413 = arith.constant 0 : i32
      %dma_start3A_414 = tpu.memref_slice %arg3[%squeeze3A_398, %dma_start3A_413] : memref<1000000x64xf32, #tpu.memory_space<hbm>> -> memref<1x64xf32, #tpu.memory_space<hbm>>
      %dma_start3A_415 = tpu.memref_squeeze %dma_start3A_414 : memref<1x64xf32, #tpu.memory_space<hbm>> -> memref<64xf32, #tpu.memory_space<hbm>>
      tpu.enqueue_dma source(%dma_start3A_415 : memref<64xf32, #tpu.memory_space<hbm>>) target(%dma_start3A_412 : memref<64xf32, #tpu.memory_space<vmem>>) target_semaphore(%arg7 : memref<!tpu.dma_semaphore, #tpu.memory_space<semaphore_mem>>)
      %slice3A_416 = vector.extract_strided_slice %get3A_377 {offsets = [2], sizes = [1], strides = [1]} : vector<16xi32> to vector<1xi32>
      %squeeze3A_417 = vector.extract %slice3A_416[0] : i32 from vector<1xi32>
      %mul3A_418 = arith.constant 16 : i32
      %mul3A_419 = arith.muli %scan3A_370, %mul3A_418 : i32
      %add3A_420 = arith.constant 2 : i32
      %add3A_421 = arith.addi %mul3A_419, %add3A_420 : i32
      %dma_start3A_422 = arith.constant 0 : i32
      %dma_start3A_423 = arith.constant 0 : i32
      %dma_start3A_424 = tpu.memref_slice %arg6[%dma_start3A_422, %add3A_421, %dma_start3A_423] : memref<2x256x64xf32, #tpu.memory_space<vmem>> -> memref<1x1x64xf32, #tpu.memory_space<vmem>>
      %dma_start3A_425 = tpu.memref_squeeze %dma_start3A_424 : memref<1x1x64xf32, #tpu.memory_space<vmem>> -> memref<64xf32, #tpu.memory_space<vmem>>
      %dma_start3A_426 = arith.constant 0 : i32
      %dma_start3A_427 = tpu.memref_slice %arg3[%squeeze3A_417, %dma_start3A_426] : memref<1000000x64xf32, #tpu.memory_space<hbm>> -> memref<1x64xf32, #tpu.memory_space<hbm>>
      %dma_start3A_428 = tpu.memref_squeeze %dma_start3A_427 : memref<1x64xf32, #tpu.memory_space<hbm>> -> memref<64xf32, #tpu.memory_space<hbm>>
      %dma_start3A_429 = arith.constant 0 : i32
      %dma_start3A_430 = tpu.memref_slice %arg6[%dma_start3A_422, %add3A_421, %dma_start3A_429] : memref<2x256x64xf32, #tpu.memory_space<vmem>> -> memref<1x1x64xf32, #tpu.memory_space<vmem>>
      %dma_start3A_431 = tpu.memref_squeeze %dma_start3A_430 : memref<1x1x64xf32, #tpu.memory_space<vmem>> -> memref<64xf32, #tpu.memory_space<vmem>>
      %dma_start3A_432 = arith.constant 0 : i32
      %dma_start3A_433 = tpu.memref_slice %arg3[%squeeze3A_417, %dma_start3A_432] : memref<1000000x64xf32, #tpu.memory_space<hbm>> -> memref<1x64xf32, #tpu.memory_space<hbm>>
      %dma_start3A_434 = tpu.memref_squeeze %dma_start3A_433 : memref<1x64xf32, #tpu.memory_space<hbm>> -> memref<64xf32, #tpu.memory_space<hbm>>
      tpu.enqueue_dma source(%dma_start3A_434 : memref<64xf32, #tpu.memory_space<hbm>>) target(%dma_start3A_431 : memref<64xf32, #tpu.memory_space<vmem>>) target_semaphore(%arg7 : memref<!tpu.dma_semaphore, #tpu.memory_space<semaphore_mem>>)
      %slice3A_435 = vector.extract_strided_slice %get3A_377 {offsets = [3], sizes = [1], strides = [1]} : vector<16xi32> to vector<1xi32>
      %squeeze3A_436 = vector.extract %slice3A_435[0] : i32 from vector<1xi32>
      %mul3A_437 = arith.constant 16 : i32
      %mul3A_438 = arith.muli %scan3A_370, %mul3A_437 : i32
      %add3A_439 = arith.constant 3 : i32
      %add3A_440 = arith.addi %mul3A_438, %add3A_439 : i32
      %dma_start3A_441 = arith.constant 0 : i32
      %dma_start3A_442 = arith.constant 0 : i32
      %dma_start3A_443 = tpu.memref_slice %arg6[%dma_start3A_441, %add3A_440, %dma_start3A_442] : memref<2x256x64xf32, #tpu.memory_space<vmem>> -> memref<1x1x64xf32, #tpu.memory_space<vmem>>
      %dma_start3A_444 = tpu.memref_squeeze %dma_start3A_443 : memref<1x1x64xf32, #tpu.memory_space<vmem>> -> memref<64xf32, #tpu.memory_space<vmem>>
      %dma_start3A_445 = arith.constant 0 : i32
      %dma_start3A_446 = tpu.memref_slice %arg3[%squeeze3A_436, %dma_start3A_445] : memref<1000000x64xf32, #tpu.memory_space<hbm>> -> memref<1x64xf32, #tpu.memory_space<hbm>>
      %dma_start3A_447 = tpu.memref_squeeze %dma_start3A_446 : memref<1x64xf32, #tpu.memory_space<hbm>> -> memref<64xf32, #tpu.memory_space<hbm>>
      %dma_start3A_448 = arith.constant 0 : i32
      %dma_start3A_449 = tpu.memref_slice %arg6[%dma_start3A_441, %add3A_440, %dma_start3A_448] : memref<2x256x64xf32, #tpu.memory_space<vmem>> -> memref<1x1x64xf32, #tpu.memory_space<vmem>>
      %dma_start3A_450 = tpu.memref_squeeze %dma_start3A_449 : memref<1x1x64xf32, #tpu.memory_space<vmem>> -> memref<64xf32, #tpu.memory_space<vmem>>
      %dma_start3A_451 = arith.constant 0 : i32
      %dma_start3A_452 = tpu.memref_slice %arg3[%squeeze3A_436, %dma_start3A_451] : memref<1000000x64xf32, #tpu.memory_space<hbm>> -> memref<1x64xf32, #tpu.memory_space<hbm>>
      %dma_start3A_453 = tpu.memref_squeeze %dma_start3A_452 : memref<1x64xf32, #tpu.memory_space<hbm>> -> memref<64xf32, #tpu.memory_space<hbm>>
      tpu.enqueue_dma source(%dma_start3A_453 : memref<64xf32, #tpu.memory_space<hbm>>) target(%dma_start3A_450 : memref<64xf32, #tpu.memory_space<vmem>>) target_semaphore(%arg7 : memref<!tpu.dma_semaphore, #tpu.memory_space<semaphore_mem>>)
      %slice3A_454 = vector.extract_strided_slice %get3A_377 {offsets = [4], sizes = [1], strides = [1]} : vector<16xi32> to vector<1xi32>
      %squeeze3A_455 = vector.extract %slice3A_454[0] : i32 from vector<1xi32>
      %mul3A_456 = arith.constant 16 : i32
      %mul3A_457 = arith.muli %scan3A_370, %mul3A_456 : i32
      %add3A_458 = arith.constant 4 : i32
      %add3A_459 = arith.addi %mul3A_457, %add3A_458 : i32
      %dma_start3A_460 = arith.constant 0 : i32
      %dma_start3A_461 = arith.constant 0 : i32
      %dma_start3A_462 = tpu.memref_slice %arg6[%dma_start3A_460, %add3A_459, %dma_start3A_461] : memref<2x256x64xf32, #tpu.memory_space<vmem>> -> memref<1x1x64xf32, #tpu.memory_space<vmem>>
      %dma_start3A_463 = tpu.memref_squeeze %dma_start3A_462 : memref<1x1x64xf32, #tpu.memory_space<vmem>> -> memref<64xf32, #tpu.memory_space<vmem>>
      %dma_start3A_464 = arith.constant 0 : i32
      %dma_start3A_465 = tpu.memref_slice %arg3[%squeeze3A_455, %dma_start3A_464] : memref<1000000x64xf32, #tpu.memory_space<hbm>> -> memref<1x64xf32, #tpu.memory_space<hbm>>
      %dma_start3A_466 = tpu.memref_squeeze %dma_start3A_465 : memref<1x64xf32, #tpu.memory_space<hbm>> -> memref<64xf32, #tpu.memory_space<hbm>>
      %dma_start3A_467 = arith.constant 0 : i32
      %dma_start3A_468 = tpu.memref_slice %arg6[%dma_start3A_460, %add3A_459, %dma_start3A_467] : memref<2x256x64xf32, #tpu.memory_space<vmem>> -> memref<1x1x64xf32, #tpu.memory_space<vmem>>
      %dma_start3A_469 = tpu.memref_squeeze %dma_start3A_468 : memref<1x1x64xf32, #tpu.memory_space<vmem>> -> memref<64xf32, #tpu.memory_space<vmem>>
      %dma_start3A_470 = arith.constant 0 : i32
      %dma_start3A_471 = tpu.memref_slice %arg3[%squeeze3A_455, %dma_start3A_470] : memref<1000000x64xf32, #tpu.memory_space<hbm>> -> memref<1x64xf32, #tpu.memory_space<hbm>>
      %dma_start3A_472 = tpu.memref_squeeze %dma_start3A_471 : memref<1x64xf32, #tpu.memory_space<hbm>> -> memref<64xf32, #tpu.memory_space<hbm>>
      tpu.enqueue_dma source(%dma_start3A_472 : memref<64xf32, #tpu.memory_space<hbm>>) target(%dma_start3A_469 : memref<64xf32, #tpu.memory_space<vmem>>) target_semaphore(%arg7 : memref<!tpu.dma_semaphore, #tpu.memory_space<semaphore_mem>>)
      %slice3A_473 = vector.extract_strided_slice %get3A_377 {offsets = [5], sizes = [1], strides = [1]} : vector<16xi32> to vector<1xi32>
      %squeeze3A_474 = vector.extract %slice3A_473[0] : i32 from vector<1xi32>
      %mul3A_475 = arith.constant 16 : i32
      %mul3A_476 = arith.muli %scan3A_370, %mul3A_475 : i32
      %add3A_477 = arith.constant 5 : i32
      %add3A_478 = arith.addi %mul3A_476, %add3A_477 : i32
      %dma_start3A_479 = arith.constant 0 : i32
      %dma_start3A_480 = arith.constant 0 : i32
      %dma_start3A_481 = tpu.memref_slice %arg6[%dma_start3A_479, %add3A_478, %dma_start3A_480] : memref<2x256x64xf32, #tpu.memory_space<vmem>> -> memref<1x1x64xf32, #tpu.memory_space<vmem>>
      %dma_start3A_482 = tpu.memref_squeeze %dma_start3A_481 : memref<1x1x64xf32, #tpu.memory_space<vmem>> -> memref<64xf32, #tpu.memory_space<vmem>>
      %dma_start3A_483 = arith.constant 0 : i32
      %dma_start3A_484 = tpu.memref_slice %arg3[%squeeze3A_474, %dma_start3A_483] : memref<1000000x64xf32, #tpu.memory_space<hbm>> -> memref<1x64xf32, #tpu.memory_space<hbm>>
      %dma_start3A_485 = tpu.memref_squeeze %dma_start3A_484 : memref<1x64xf32, #tpu.memory_space<hbm>> -> memref<64xf32, #tpu.memory_space<hbm>>
      %dma_start3A_486 = arith.constant 0 : i32
      %dma_start3A_487 = tpu.memref_slice %arg6[%dma_start3A_479, %add3A_478, %dma_start3A_486] : memref<2x256x64xf32, #tpu.memory_space<vmem>> -> memref<1x1x64xf32, #tpu.memory_space<vmem>>
      %dma_start3A_488 = tpu.memref_squeeze %dma_start3A_487 : memref<1x1x64xf32, #tpu.memory_space<vmem>> -> memref<64xf32, #tpu.memory_space<vmem>>
      %dma_start3A_489 = arith.constant 0 : i32
      %dma_start3A_490 = tpu.memref_slice %arg3[%squeeze3A_474, %dma_start3A_489] : memref<1000000x64xf32, #tpu.memory_space<hbm>> -> memref<1x64xf32, #tpu.memory_space<hbm>>
      %dma_start3A_491 = tpu.memref_squeeze %dma_start3A_490 : memref<1x64xf32, #tpu.memory_space<hbm>> -> memref<64xf32, #tpu.memory_space<hbm>>
      tpu.enqueue_dma source(%dma_start3A_491 : memref<64xf32, #tpu.memory_space<hbm>>) target(%dma_start3A_488 : memref<64xf32, #tpu.memory_space<vmem>>) target_semaphore(%arg7 : memref<!tpu.dma_semaphore, #tpu.memory_space<semaphore_mem>>)
      %slice3A_492 = vector.extract_strided_slice %get3A_377 {offsets = [6], sizes = [1], strides = [1]} : vector<16xi32> to vector<1xi32>
      %squeeze3A_493 = vector.extract %slice3A_492[0] : i32 from vector<1xi32>
      %mul3A_494 = arith.constant 16 : i32
      %mul3A_495 = arith.muli %scan3A_370, %mul3A_494 : i32
      %add3A_496 = arith.constant 6 : i32
      %add3A_497 = arith.addi %mul3A_495, %add3A_496 : i32
      %dma_start3A_498 = arith.constant 0 : i32
      %dma_start3A_499 = arith.constant 0 : i32
      %dma_start3A_500 = tpu.memref_slice %arg6[%dma_start3A_498, %add3A_497, %dma_start3A_499] : memref<2x256x64xf32, #tpu.memory_space<vmem>> -> memref<1x1x64xf32, #tpu.memory_space<vmem>>
      %dma_start3A_501 = tpu.memref_squeeze %dma_start3A_500 : memref<1x1x64xf32, #tpu.memory_space<vmem>> -> memref<64xf32, #tpu.memory_space<vmem>>
      %dma_start3A_502 = arith.constant 0 : i32
      %dma_start3A_503 = tpu.memref_slice %arg3[%squeeze3A_493, %dma_start3A_502] : memref<1000000x64xf32, #tpu.memory_space<hbm>> -> memref<1x64xf32, #tpu.memory_space<hbm>>
      %dma_start3A_504 = tpu.memref_squeeze %dma_start3A_503 : memref<1x64xf32, #tpu.memory_space<hbm>> -> memref<64xf32, #tpu.memory_space<hbm>>
      %dma_start3A_505 = arith.constant 0 : i32
      %dma_start3A_506 = tpu.memref_slice %arg6[%dma_start3A_498, %add3A_497, %dma_start3A_505] : memref<2x256x64xf32, #tpu.memory_space<vmem>> -> memref<1x1x64xf32, #tpu.memory_space<vmem>>
      %dma_start3A_507 = tpu.memref_squeeze %dma_start3A_506 : memref<1x1x64xf32, #tpu.memory_space<vmem>> -> memref<64xf32, #tpu.memory_space<vmem>>
      %dma_start3A_508 = arith.constant 0 : i32
      %dma_start3A_509 = tpu.memref_slice %arg3[%squeeze3A_493, %dma_start3A_508] : memref<1000000x64xf32, #tpu.memory_space<hbm>> -> memref<1x64xf32, #tpu.memory_space<hbm>>
      %dma_start3A_510 = tpu.memref_squeeze %dma_start3A_509 : memref<1x64xf32, #tpu.memory_space<hbm>> -> memref<64xf32, #tpu.memory_space<hbm>>
      tpu.enqueue_dma source(%dma_start3A_510 : memref<64xf32, #tpu.memory_space<hbm>>) target(%dma_start3A_507 : memref<64xf32, #tpu.memory_space<vmem>>) target_semaphore(%arg7 : memref<!tpu.dma_semaphore, #tpu.memory_space<semaphore_mem>>)
      %slice3A_511 = vector.extract_strided_slice %get3A_377 {offsets = [7], sizes = [1], strides = [1]} : vector<16xi32> to vector<1xi32>
      %squeeze3A_512 = vector.extract %slice3A_511[0] : i32 from vector<1xi32>
      %mul3A_513 = arith.constant 16 : i32
      %mul3A_514 = arith.muli %scan3A_370, %mul3A_513 : i32
      %add3A_515 = arith.constant 7 : i32
      %add3A_516 = arith.addi %mul3A_514, %add3A_515 : i32
      %dma_start3A_517 = arith.constant 0 : i32
      %dma_start3A_518 = arith.constant 0 : i32
      %dma_start3A_519 = tpu.memref_slice %arg6[%dma_start3A_517, %add3A_516, %dma_start3A_518] : memref<2x256x64xf32, #tpu.memory_space<vmem>> -> memref<1x1x64xf32, #tpu.memory_space<vmem>>
      %dma_start3A_520 = tpu.memref_squeeze %dma_start3A_519 : memref<1x1x64xf32, #tpu.memory_space<vmem>> -> memref<64xf32, #tpu.memory_space<vmem>>
      %dma_start3A_521 = arith.constant 0 : i32
      %dma_start3A_522 = tpu.memref_slice %arg3[%squeeze3A_512, %dma_start3A_521] : memref<1000000x64xf32, #tpu.memory_space<hbm>> -> memref<1x64xf32, #tpu.memory_space<hbm>>
      %dma_start3A_523 = tpu.memref_squeeze %dma_start3A_522 : memref<1x64xf32, #tpu.memory_space<hbm>> -> memref<64xf32, #tpu.memory_space<hbm>>
      %dma_start3A_524 = arith.constant 0 : i32
      %dma_start3A_525 = tpu.memref_slice %arg6[%dma_start3A_517, %add3A_516, %dma_start3A_524] : memref<2x256x64xf32, #tpu.memory_space<vmem>> -> memref<1x1x64xf32, #tpu.memory_space<vmem>>
      %dma_start3A_526 = tpu.memref_squeeze %dma_start3A_525 : memref<1x1x64xf32, #tpu.memory_space<vmem>> -> memref<64xf32, #tpu.memory_space<vmem>>
      %dma_start3A_527 = arith.constant 0 : i32
      %dma_start3A_528 = tpu.memref_slice %arg3[%squeeze3A_512, %dma_start3A_527] : memref<1000000x64xf32, #tpu.memory_space<hbm>> -> memref<1x64xf32, #tpu.memory_space<hbm>>
      %dma_start3A_529 = tpu.memref_squeeze %dma_start3A_528 : memref<1x64xf32, #tpu.memory_space<hbm>> -> memref<64xf32, #tpu.memory_space<hbm>>
      tpu.enqueue_dma source(%dma_start3A_529 : memref<64xf32, #tpu.memory_space<hbm>>) target(%dma_start3A_526 : memref<64xf32, #tpu.memory_space<vmem>>) target_semaphore(%arg7 : memref<!tpu.dma_semaphore, #tpu.memory_space<semaphore_mem>>)
      %slice3A_530 = vector.extract_strided_slice %get3A_377 {offsets = [8], sizes = [1], strides = [1]} : vector<16xi32> to vector<1xi32>
      %squeeze3A_531 = vector.extract %slice3A_530[0] : i32 from vector<1xi32>
      %mul3A_532 = arith.constant 16 : i32
      %mul3A_533 = arith.muli %scan3A_370, %mul3A_532 : i32
      %add3A_534 = arith.constant 8 : i32
      %add3A_535 = arith.addi %mul3A_533, %add3A_534 : i32
      %dma_start3A_536 = arith.constant 0 : i32
      %dma_start3A_537 = arith.constant 0 : i32
      %dma_start3A_538 = tpu.memref_slice %arg6[%dma_start3A_536, %add3A_535, %dma_start3A_537] : memref<2x256x64xf32, #tpu.memory_space<vmem>> -> memref<1x1x64xf32, #tpu.memory_space<vmem>>
      %dma_start3A_539 = tpu.memref_squeeze %dma_start3A_538 : memref<1x1x64xf32, #tpu.memory_space<vmem>> -> memref<64xf32, #tpu.memory_space<vmem>>
      %dma_start3A_540 = arith.constant 0 : i32
      %dma_start3A_541 = tpu.memref_slice %arg3[%squeeze3A_531, %dma_start3A_540] : memref<1000000x64xf32, #tpu.memory_space<hbm>> -> memref<1x64xf32, #tpu.memory_space<hbm>>
      %dma_start3A_542 = tpu.memref_squeeze %dma_start3A_541 : memref<1x64xf32, #tpu.memory_space<hbm>> -> memref<64xf32, #tpu.memory_space<hbm>>
      %dma_start3A_543 = arith.constant 0 : i32
      %dma_start3A_544 = tpu.memref_slice %arg6[%dma_start3A_536, %add3A_535, %dma_start3A_543] : memref<2x256x64xf32, #tpu.memory_space<vmem>> -> memref<1x1x64xf32, #tpu.memory_space<vmem>>
      %dma_start3A_545 = tpu.memref_squeeze %dma_start3A_544 : memref<1x1x64xf32, #tpu.memory_space<vmem>> -> memref<64xf32, #tpu.memory_space<vmem>>
      %dma_start3A_546 = arith.constant 0 : i32
      %dma_start3A_547 = tpu.memref_slice %arg3[%squeeze3A_531, %dma_start3A_546] : memref<1000000x64xf32, #tpu.memory_space<hbm>> -> memref<1x64xf32, #tpu.memory_space<hbm>>
      %dma_start3A_548 = tpu.memref_squeeze %dma_start3A_547 : memref<1x64xf32, #tpu.memory_space<hbm>> -> memref<64xf32, #tpu.memory_space<hbm>>
      tpu.enqueue_dma source(%dma_start3A_548 : memref<64xf32, #tpu.memory_space<hbm>>) target(%dma_start3A_545 : memref<64xf32, #tpu.memory_space<vmem>>) target_semaphore(%arg7 : memref<!tpu.dma_semaphore, #tpu.memory_space<semaphore_mem>>)
      %slice3A_549 = vector.extract_strided_slice %get3A_377 {offsets = [9], sizes = [1], strides = [1]} : vector<16xi32> to vector<1xi32>
      %squeeze3A_550 = vector.extract %slice3A_549[0] : i32 from vector<1xi32>
      %mul3A_551 = arith.constant 16 : i32
      %mul3A_552 = arith.muli %scan3A_370, %mul3A_551 : i32
      %add3A_553 = arith.constant 9 : i32
      %add3A_554 = arith.addi %mul3A_552, %add3A_553 : i32
      %dma_start3A_555 = arith.constant 0 : i32
      %dma_start3A_556 = arith.constant 0 : i32
      %dma_start3A_557 = tpu.memref_slice %arg6[%dma_start3A_555, %add3A_554, %dma_start3A_556] : memref<2x256x64xf32, #tpu.memory_space<vmem>> -> memref<1x1x64xf32, #tpu.memory_space<vmem>>
      %dma_start3A_558 = tpu.memref_squeeze %dma_start3A_557 : memref<1x1x64xf32, #tpu.memory_space<vmem>> -> memref<64xf32, #tpu.memory_space<vmem>>
      %dma_start3A_559 = arith.constant 0 : i32
      %dma_start3A_560 = tpu.memref_slice %arg3[%squeeze3A_550, %dma_start3A_559] : memref<1000000x64xf32, #tpu.memory_space<hbm>> -> memref<1x64xf32, #tpu.memory_space<hbm>>
      %dma_start3A_561 = tpu.memref_squeeze %dma_start3A_560 : memref<1x64xf32, #tpu.memory_space<hbm>> -> memref<64xf32, #tpu.memory_space<hbm>>
      %dma_start3A_562 = arith.constant 0 : i32
      %dma_start3A_563 = tpu.memref_slice %arg6[%dma_start3A_555, %add3A_554, %dma_start3A_562] : memref<2x256x64xf32, #tpu.memory_space<vmem>> -> memref<1x1x64xf32, #tpu.memory_space<vmem>>
      %dma_start3A_564 = tpu.memref_squeeze %dma_start3A_563 : memref<1x1x64xf32, #tpu.memory_space<vmem>> -> memref<64xf32, #tpu.memory_space<vmem>>
      %dma_start3A_565 = arith.constant 0 : i32
      %dma_start3A_566 = tpu.memref_slice %arg3[%squeeze3A_550, %dma_start3A_565] : memref<1000000x64xf32, #tpu.memory_space<hbm>> -> memref<1x64xf32, #tpu.memory_space<hbm>>
      %dma_start3A_567 = tpu.memref_squeeze %dma_start3A_566 : memref<1x64xf32, #tpu.memory_space<hbm>> -> memref<64xf32, #tpu.memory_space<hbm>>
      tpu.enqueue_dma source(%dma_start3A_567 : memref<64xf32, #tpu.memory_space<hbm>>) target(%dma_start3A_564 : memref<64xf32, #tpu.memory_space<vmem>>) target_semaphore(%arg7 : memref<!tpu.dma_semaphore, #tpu.memory_space<semaphore_mem>>)
      %slice3A_568 = vector.extract_strided_slice %get3A_377 {offsets = [10], sizes = [1], strides = [1]} : vector<16xi32> to vector<1xi32>
      %squeeze3A_569 = vector.extract %slice3A_568[0] : i32 from vector<1xi32>
      %mul3A_570 = arith.constant 16 : i32
      %mul3A_571 = arith.muli %scan3A_370, %mul3A_570 : i32
      %add3A_572 = arith.constant 10 : i32
      %add3A_573 = arith.addi %mul3A_571, %add3A_572 : i32
      %dma_start3A_574 = arith.constant 0 : i32
      %dma_start3A_575 = arith.constant 0 : i32
      %dma_start3A_576 = tpu.memref_slice %arg6[%dma_start3A_574, %add3A_573, %dma_start3A_575] : memref<2x256x64xf32, #tpu.memory_space<vmem>> -> memref<1x1x64xf32, #tpu.memory_space<vmem>>
      %dma_start3A_577 = tpu.memref_squeeze %dma_start3A_576 : memref<1x1x64xf32, #tpu.memory_space<vmem>> -> memref<64xf32, #tpu.memory_space<vmem>>
      %dma_start3A_578 = arith.constant 0 : i32
      %dma_start3A_579 = tpu.memref_slice %arg3[%squeeze3A_569, %dma_start3A_578] : memref<1000000x64xf32, #tpu.memory_space<hbm>> -> memref<1x64xf32, #tpu.memory_space<hbm>>
      %dma_start3A_580 = tpu.memref_squeeze %dma_start3A_579 : memref<1x64xf32, #tpu.memory_space<hbm>> -> memref<64xf32, #tpu.memory_space<hbm>>
      %dma_start3A_581 = arith.constant 0 : i32
      %dma_start3A_582 = tpu.memref_slice %arg6[%dma_start3A_574, %add3A_573, %dma_start3A_581] : memref<2x256x64xf32, #tpu.memory_space<vmem>> -> memref<1x1x64xf32, #tpu.memory_space<vmem>>
      %dma_start3A_583 = tpu.memref_squeeze %dma_start3A_582 : memref<1x1x64xf32, #tpu.memory_space<vmem>> -> memref<64xf32, #tpu.memory_space<vmem>>
      %dma_start3A_584 = arith.constant 0 : i32
      %dma_start3A_585 = tpu.memref_slice %arg3[%squeeze3A_569, %dma_start3A_584] : memref<1000000x64xf32, #tpu.memory_space<hbm>> -> memref<1x64xf32, #tpu.memory_space<hbm>>
      %dma_start3A_586 = tpu.memref_squeeze %dma_start3A_585 : memref<1x64xf32, #tpu.memory_space<hbm>> -> memref<64xf32, #tpu.memory_space<hbm>>
      tpu.enqueue_dma source(%dma_start3A_586 : memref<64xf32, #tpu.memory_space<hbm>>) target(%dma_start3A_583 : memref<64xf32, #tpu.memory_space<vmem>>) target_semaphore(%arg7 : memref<!tpu.dma_semaphore, #tpu.memory_space<semaphore_mem>>)
      %slice3A_587 = vector.extract_strided_slice %get3A_377 {offsets = [11], sizes = [1], strides = [1]} : vector<16xi32> to vector<1xi32>
      %squeeze3A_588 = vector.extract %slice3A_587[0] : i32 from vector<1xi32>
      %mul3A_589 = arith.constant 16 : i32
      %mul3A_590 = arith.muli %scan3A_370, %mul3A_589 : i32
      %add3A_591 = arith.constant 11 : i32
      %add3A_592 = arith.addi %mul3A_590, %add3A_591 : i32
      %dma_start3A_593 = arith.constant 0 : i32
      %dma_start3A_594 = arith.constant 0 : i32
      %dma_start3A_595 = tpu.memref_slice %arg6[%dma_start3A_593, %add3A_592, %dma_start3A_594] : memref<2x256x64xf32, #tpu.memory_space<vmem>> -> memref<1x1x64xf32, #tpu.memory_space<vmem>>
      %dma_start3A_596 = tpu.memref_squeeze %dma_start3A_595 : memref<1x1x64xf32, #tpu.memory_space<vmem>> -> memref<64xf32, #tpu.memory_space<vmem>>
      %dma_start3A_597 = arith.constant 0 : i32
      %dma_start3A_598 = tpu.memref_slice %arg3[%squeeze3A_588, %dma_start3A_597] : memref<1000000x64xf32, #tpu.memory_space<hbm>> -> memref<1x64xf32, #tpu.memory_space<hbm>>
      %dma_start3A_599 = tpu.memref_squeeze %dma_start3A_598 : memref<1x64xf32, #tpu.memory_space<hbm>> -> memref<64xf32, #tpu.memory_space<hbm>>
      %dma_start3A_600 = arith.constant 0 : i32
      %dma_start3A_601 = tpu.memref_slice %arg6[%dma_start3A_593, %add3A_592, %dma_start3A_600] : memref<2x256x64xf32, #tpu.memory_space<vmem>> -> memref<1x1x64xf32, #tpu.memory_space<vmem>>
      %dma_start3A_602 = tpu.memref_squeeze %dma_start3A_601 : memref<1x1x64xf32, #tpu.memory_space<vmem>> -> memref<64xf32, #tpu.memory_space<vmem>>
      %dma_start3A_603 = arith.constant 0 : i32
      %dma_start3A_604 = tpu.memref_slice %arg3[%squeeze3A_588, %dma_start3A_603] : memref<1000000x64xf32, #tpu.memory_space<hbm>> -> memref<1x64xf32, #tpu.memory_space<hbm>>
      %dma_start3A_605 = tpu.memref_squeeze %dma_start3A_604 : memref<1x64xf32, #tpu.memory_space<hbm>> -> memref<64xf32, #tpu.memory_space<hbm>>
      tpu.enqueue_dma source(%dma_start3A_605 : memref<64xf32, #tpu.memory_space<hbm>>) target(%dma_start3A_602 : memref<64xf32, #tpu.memory_space<vmem>>) target_semaphore(%arg7 : memref<!tpu.dma_semaphore, #tpu.memory_space<semaphore_mem>>)
      %slice3A_606 = vector.extract_strided_slice %get3A_377 {offsets = [12], sizes = [1], strides = [1]} : vector<16xi32> to vector<1xi32>
      %squeeze3A_607 = vector.extract %slice3A_606[0] : i32 from vector<1xi32>
      %mul3A_608 = arith.constant 16 : i32
      %mul3A_609 = arith.muli %scan3A_370, %mul3A_608 : i32
      %add3A_610 = arith.constant 12 : i32
      %add3A_611 = arith.addi %mul3A_609, %add3A_610 : i32
      %dma_start3A_612 = arith.constant 0 : i32
      %dma_start3A_613 = arith.constant 0 : i32
      %dma_start3A_614 = tpu.memref_slice %arg6[%dma_start3A_612, %add3A_611, %dma_start3A_613] : memref<2x256x64xf32, #tpu.memory_space<vmem>> -> memref<1x1x64xf32, #tpu.memory_space<vmem>>
      %dma_start3A_615 = tpu.memref_squeeze %dma_start3A_614 : memref<1x1x64xf32, #tpu.memory_space<vmem>> -> memref<64xf32, #tpu.memory_space<vmem>>
      %dma_start3A_616 = arith.constant 0 : i32
      %dma_start3A_617 = tpu.memref_slice %arg3[%squeeze3A_607, %dma_start3A_616] : memref<1000000x64xf32, #tpu.memory_space<hbm>> -> memref<1x64xf32, #tpu.memory_space<hbm>>
      %dma_start3A_618 = tpu.memref_squeeze %dma_start3A_617 : memref<1x64xf32, #tpu.memory_space<hbm>> -> memref<64xf32, #tpu.memory_space<hbm>>
      %dma_start3A_619 = arith.constant 0 : i32
      %dma_start3A_620 = tpu.memref_slice %arg6[%dma_start3A_612, %add3A_611, %dma_start3A_619] : memref<2x256x64xf32, #tpu.memory_space<vmem>> -> memref<1x1x64xf32, #tpu.memory_space<vmem>>
      %dma_start3A_621 = tpu.memref_squeeze %dma_start3A_620 : memref<1x1x64xf32, #tpu.memory_space<vmem>> -> memref<64xf32, #tpu.memory_space<vmem>>
      %dma_start3A_622 = arith.constant 0 : i32
      %dma_start3A_623 = tpu.memref_slice %arg3[%squeeze3A_607, %dma_start3A_622] : memref<1000000x64xf32, #tpu.memory_space<hbm>> -> memref<1x64xf32, #tpu.memory_space<hbm>>
      %dma_start3A_624 = tpu.memref_squeeze %dma_start3A_623 : memref<1x64xf32, #tpu.memory_space<hbm>> -> memref<64xf32, #tpu.memory_space<hbm>>
      tpu.enqueue_dma source(%dma_start3A_624 : memref<64xf32, #tpu.memory_space<hbm>>) target(%dma_start3A_621 : memref<64xf32, #tpu.memory_space<vmem>>) target_semaphore(%arg7 : memref<!tpu.dma_semaphore, #tpu.memory_space<semaphore_mem>>)
      %slice3A_625 = vector.extract_strided_slice %get3A_377 {offsets = [13], sizes = [1], strides = [1]} : vector<16xi32> to vector<1xi32>
      %squeeze3A_626 = vector.extract %slice3A_625[0] : i32 from vector<1xi32>
      %mul3A_627 = arith.constant 16 : i32
      %mul3A_628 = arith.muli %scan3A_370, %mul3A_627 : i32
      %add3A_629 = arith.constant 13 : i32
      %add3A_630 = arith.addi %mul3A_628, %add3A_629 : i32
      %dma_start3A_631 = arith.constant 0 : i32
      %dma_start3A_632 = arith.constant 0 : i32
      %dma_start3A_633 = tpu.memref_slice %arg6[%dma_start3A_631, %add3A_630, %dma_start3A_632] : memref<2x256x64xf32, #tpu.memory_space<vmem>> -> memref<1x1x64xf32, #tpu.memory_space<vmem>>
      %dma_start3A_634 = tpu.memref_squeeze %dma_start3A_633 : memref<1x1x64xf32, #tpu.memory_space<vmem>> -> memref<64xf32, #tpu.memory_space<vmem>>
      %dma_start3A_635 = arith.constant 0 : i32
      %dma_start3A_636 = tpu.memref_slice %arg3[%squeeze3A_626, %dma_start3A_635] : memref<1000000x64xf32, #tpu.memory_space<hbm>> -> memref<1x64xf32, #tpu.memory_space<hbm>>
      %dma_start3A_637 = tpu.memref_squeeze %dma_start3A_636 : memref<1x64xf32, #tpu.memory_space<hbm>> -> memref<64xf32, #tpu.memory_space<hbm>>
      %dma_start3A_638 = arith.constant 0 : i32
      %dma_start3A_639 = tpu.memref_slice %arg6[%dma_start3A_631, %add3A_630, %dma_start3A_638] : memref<2x256x64xf32, #tpu.memory_space<vmem>> -> memref<1x1x64xf32, #tpu.memory_space<vmem>>
      %dma_start3A_640 = tpu.memref_squeeze %dma_start3A_639 : memref<1x1x64xf32, #tpu.memory_space<vmem>> -> memref<64xf32, #tpu.memory_space<vmem>>
      %dma_start3A_641 = arith.constant 0 : i32
      %dma_start3A_642 = tpu.memref_slice %arg3[%squeeze3A_626, %dma_start3A_641] : memref<1000000x64xf32, #tpu.memory_space<hbm>> -> memref<1x64xf32, #tpu.memory_space<hbm>>
      %dma_start3A_643 = tpu.memref_squeeze %dma_start3A_642 : memref<1x64xf32, #tpu.memory_space<hbm>> -> memref<64xf32, #tpu.memory_space<hbm>>
      tpu.enqueue_dma source(%dma_start3A_643 : memref<64xf32, #tpu.memory_space<hbm>>) target(%dma_start3A_640 : memref<64xf32, #tpu.memory_space<vmem>>) target_semaphore(%arg7 : memref<!tpu.dma_semaphore, #tpu.memory_space<semaphore_mem>>)
      %slice3A_644 = vector.extract_strided_slice %get3A_377 {offsets = [14], sizes = [1], strides = [1]} : vector<16xi32> to vector<1xi32>
      %squeeze3A_645 = vector.extract %slice3A_644[0] : i32 from vector<1xi32>
      %mul3A_646 = arith.constant 16 : i32
      %mul3A_647 = arith.muli %scan3A_370, %mul3A_646 : i32
      %add3A_648 = arith.constant 14 : i32
      %add3A_649 = arith.addi %mul3A_647, %add3A_648 : i32
      %dma_start3A_650 = arith.constant 0 : i32
      %dma_start3A_651 = arith.constant 0 : i32
      %dma_start3A_652 = tpu.memref_slice %arg6[%dma_start3A_650, %add3A_649, %dma_start3A_651] : memref<2x256x64xf32, #tpu.memory_space<vmem>> -> memref<1x1x64xf32, #tpu.memory_space<vmem>>
      %dma_start3A_653 = tpu.memref_squeeze %dma_start3A_652 : memref<1x1x64xf32, #tpu.memory_space<vmem>> -> memref<64xf32, #tpu.memory_space<vmem>>
      %dma_start3A_654 = arith.constant 0 : i32
      %dma_start3A_655 = tpu.memref_slice %arg3[%squeeze3A_645, %dma_start3A_654] : memref<1000000x64xf32, #tpu.memory_space<hbm>> -> memref<1x64xf32, #tpu.memory_space<hbm>>
      %dma_start3A_656 = tpu.memref_squeeze %dma_start3A_655 : memref<1x64xf32, #tpu.memory_space<hbm>> -> memref<64xf32, #tpu.memory_space<hbm>>
      %dma_start3A_657 = arith.constant 0 : i32
      %dma_start3A_658 = tpu.memref_slice %arg6[%dma_start3A_650, %add3A_649, %dma_start3A_657] : memref<2x256x64xf32, #tpu.memory_space<vmem>> -> memref<1x1x64xf32, #tpu.memory_space<vmem>>
      %dma_start3A_659 = tpu.memref_squeeze %dma_start3A_658 : memref<1x1x64xf32, #tpu.memory_space<vmem>> -> memref<64xf32, #tpu.memory_space<vmem>>
      %dma_start3A_660 = arith.constant 0 : i32
      %dma_start3A_661 = tpu.memref_slice %arg3[%squeeze3A_645, %dma_start3A_660] : memref<1000000x64xf32, #tpu.memory_space<hbm>> -> memref<1x64xf32, #tpu.memory_space<hbm>>
      %dma_start3A_662 = tpu.memref_squeeze %dma_start3A_661 : memref<1x64xf32, #tpu.memory_space<hbm>> -> memref<64xf32, #tpu.memory_space<hbm>>
      tpu.enqueue_dma source(%dma_start3A_662 : memref<64xf32, #tpu.memory_space<hbm>>) target(%dma_start3A_659 : memref<64xf32, #tpu.memory_space<vmem>>) target_semaphore(%arg7 : memref<!tpu.dma_semaphore, #tpu.memory_space<semaphore_mem>>)
      %slice3A_663 = vector.extract_strided_slice %get3A_377 {offsets = [15], sizes = [1], strides = [1]} : vector<16xi32> to vector<1xi32>
      %squeeze3A_664 = vector.extract %slice3A_663[0] : i32 from vector<1xi32>
      %mul3A_665 = arith.constant 16 : i32
      %mul3A_666 = arith.muli %scan3A_370, %mul3A_665 : i32
      %add3A_667 = arith.constant 15 : i32
      %add3A_668 = arith.addi %mul3A_666, %add3A_667 : i32
      %dma_start3A_669 = arith.constant 0 : i32
      %dma_start3A_670 = arith.constant 0 : i32
      %dma_start3A_671 = tpu.memref_slice %arg6[%dma_start3A_669, %add3A_668, %dma_start3A_670] : memref<2x256x64xf32, #tpu.memory_space<vmem>> -> memref<1x1x64xf32, #tpu.memory_space<vmem>>
      %dma_start3A_672 = tpu.memref_squeeze %dma_start3A_671 : memref<1x1x64xf32, #tpu.memory_space<vmem>> -> memref<64xf32, #tpu.memory_space<vmem>>
      %dma_start3A_673 = arith.constant 0 : i32
      %dma_start3A_674 = tpu.memref_slice %arg3[%squeeze3A_664, %dma_start3A_673] : memref<1000000x64xf32, #tpu.memory_space<hbm>> -> memref<1x64xf32, #tpu.memory_space<hbm>>
      %dma_start3A_675 = tpu.memref_squeeze %dma_start3A_674 : memref<1x64xf32, #tpu.memory_space<hbm>> -> memref<64xf32, #tpu.memory_space<hbm>>
      %dma_start3A_676 = arith.constant 0 : i32
      %dma_start3A_677 = tpu.memref_slice %arg6[%dma_start3A_669, %add3A_668, %dma_start3A_676] : memref<2x256x64xf32, #tpu.memory_space<vmem>> -> memref<1x1x64xf32, #tpu.memory_space<vmem>>
      %dma_start3A_678 = tpu.memref_squeeze %dma_start3A_677 : memref<1x1x64xf32, #tpu.memory_space<vmem>> -> memref<64xf32, #tpu.memory_space<vmem>>
      %dma_start3A_679 = arith.constant 0 : i32
      %dma_start3A_680 = tpu.memref_slice %arg3[%squeeze3A_664, %dma_start3A_679] : memref<1000000x64xf32, #tpu.memory_space<hbm>> -> memref<1x64xf32, #tpu.memory_space<hbm>>
      %dma_start3A_681 = tpu.memref_squeeze %dma_start3A_680 : memref<1x64xf32, #tpu.memory_space<hbm>> -> memref<64xf32, #tpu.memory_space<hbm>>
      tpu.enqueue_dma source(%dma_start3A_681 : memref<64xf32, #tpu.memory_space<hbm>>) target(%dma_start3A_678 : memref<64xf32, #tpu.memory_space<vmem>>) target_semaphore(%arg7 : memref<!tpu.dma_semaphore, #tpu.memory_space<semaphore_mem>>)
    }
    %scan3A_38 = arith.constant 16 : i32
    %scan3A_39 = arith.constant 0 : i32
    %scan3A_40 = arith.constant 0 : i32
    %scan3A_41 = arith.constant 50 : i32
    %scan3A_42 = arith.addi %scan3A_40, %scan3A_41 : i32
    %scan3A_43 = arith.constant 1 : i32
    scf.for %scan3A_60 = %scan3A_40 to %scan3A_42 step %scan3A_43  : i32 {
      %mul3A_61 = arith.constant 2 : i32
      %mul3A_62 = arith.muli %mul3A_61, %scan3A_60 : i32
      %add3A_63 = arith.constant 1 : i32
      %add3A_64 = arith.addi %mul3A_62, %add3A_63 : i32
      %dma_wait3A_65 = arith.constant 0 : i32
      %dma_wait3A_66 = arith.constant 0 : i32
      %dma_wait3A_67 = arith.constant 0 : i32
      %dma_wait3A_68 = tpu.memref_slice %arg6[%dma_wait3A_65, %dma_wait3A_66, %dma_wait3A_67] : memref<2x256x64xf32, #tpu.memory_space<vmem>> -> memref<1x256x64xf32, #tpu.memory_space<vmem>>
      %dma_wait3A_69 = tpu.memref_squeeze %dma_wait3A_68 : memref<1x256x64xf32, #tpu.memory_space<vmem>> -> memref<256x64xf32, #tpu.memory_space<vmem>>
      %dma_wait3A_70 = arith.constant 0 : i32
      %dma_wait3A_71 = arith.constant 0 : i32
      %dma_wait3A_72 = tpu.memref_slice %arg3[%dma_wait3A_70, %dma_wait3A_71] : memref<1000000x64xf32, #tpu.memory_space<hbm>> -> memref<256x64xf32, #tpu.memory_space<hbm>>
      %dma_wait3A_73 = arith.constant 0 : i32
      %dma_wait3A_74 = arith.constant 0 : i32
      %dma_wait3A_75 = tpu.memref_slice %arg6[%dma_wait3A_65, %dma_wait3A_73, %dma_wait3A_74] : memref<2x256x64xf32, #tpu.memory_space<vmem>> -> memref<1x256x64xf32, #tpu.memory_space<vmem>>
      %dma_wait3A_76 = tpu.memref_squeeze %dma_wait3A_75 : memref<1x256x64xf32, #tpu.memory_space<vmem>> -> memref<256x64xf32, #tpu.memory_space<vmem>>
      %dma_wait3A_77 = arith.constant 0 : i32
      %dma_wait3A_78 = arith.constant 0 : i32
      %dma_wait3A_79 = tpu.memref_slice %arg3[%dma_wait3A_77, %dma_wait3A_78] : memref<1000000x64xf32, #tpu.memory_space<hbm>> -> memref<256x64xf32, #tpu.memory_space<hbm>>
      tpu.wait_dma2 semaphore(%arg7 : memref<!tpu.dma_semaphore, #tpu.memory_space<semaphore_mem>>) src(%dma_wait3A_79 : memref<256x64xf32, #tpu.memory_space<hbm>>) dst(%dma_wait3A_76 : memref<256x64xf32, #tpu.memory_space<vmem>>)
      %ge3A = arith.constant 1 : i32
      %ge3A_80 = arith.cmpi sge, %scan3A_60, %ge3A : i32
      %convert_element_type3A = arith.extui %ge3A_80 : i1 to i32
      %cond3A = arith.constant 0 : i32
      %cond3A_81 = arith.cmpi ne, %convert_element_type3A, %cond3A : i32
      scf.if %cond3A_81 {
        %dma_wait3A_186 = arith.constant 1 : i32
        %dma_wait3A_187 = arith.constant 0 : i32
        %dma_wait3A_188 = arith.constant 0 : i32
        %dma_wait3A_189 = tpu.memref_slice %arg6[%dma_wait3A_186, %dma_wait3A_187, %dma_wait3A_188] : memref<2x256x64xf32, #tpu.memory_space<vmem>> -> memref<1x256x64xf32, #tpu.memory_space<vmem>>
        %dma_wait3A_190 = tpu.memref_squeeze %dma_wait3A_189 : memref<1x256x64xf32, #tpu.memory_space<vmem>> -> memref<256x64xf32, #tpu.memory_space<vmem>>
        %dma_wait3A_191 = arith.constant 0 : i32
        %dma_wait3A_192 = arith.constant 0 : i32
        %dma_wait3A_193 = tpu.memref_slice %arg4[%dma_wait3A_191, %dma_wait3A_192] : memref<819200x64xf32, #tpu.memory_space<hbm>> -> memref<256x64xf32, #tpu.memory_space<hbm>>
        %dma_wait3A_194 = arith.constant 0 : i32
        %dma_wait3A_195 = arith.constant 0 : i32
        %dma_wait3A_196 = tpu.memref_slice %arg4[%dma_wait3A_194, %dma_wait3A_195] : memref<819200x64xf32, #tpu.memory_space<hbm>> -> memref<256x64xf32, #tpu.memory_space<hbm>>
        %dma_wait3A_197 = arith.constant 0 : i32
        %dma_wait3A_198 = arith.constant 0 : i32
        %dma_wait3A_199 = tpu.memref_slice %arg6[%dma_wait3A_186, %dma_wait3A_197, %dma_wait3A_198] : memref<2x256x64xf32, #tpu.memory_space<vmem>> -> memref<1x256x64xf32, #tpu.memory_space<vmem>>
        %dma_wait3A_200 = tpu.memref_squeeze %dma_wait3A_199 : memref<1x256x64xf32, #tpu.memory_space<vmem>> -> memref<256x64xf32, #tpu.memory_space<vmem>>
        tpu.wait_dma2 semaphore(%arg10 : memref<!tpu.dma_semaphore, #tpu.memory_space<semaphore_mem>>) src(%dma_wait3A_200 : memref<256x64xf32, #tpu.memory_space<vmem>>) dst(%dma_wait3A_196 : memref<256x64xf32, #tpu.memory_space<hbm>>)
      } else {
      }
      %dma_wait3A_82 = arith.constant 1 : i32
      %dma_wait3A_83 = arith.constant 0 : i32
      %dma_wait3A_84 = tpu.memref_slice %arg5[%dma_wait3A_82, %dma_wait3A_83] : memref<2x256xi32, #tpu.memory_space<vmem>> -> memref<1x256xi32, #tpu.memory_space<vmem>>
      %dma_wait3A_85 = tpu.memref_squeeze %dma_wait3A_84 : memref<1x256xi32, #tpu.memory_space<vmem>> -> memref<256xi32, #tpu.memory_space<vmem>>
      %dma_wait3A_86 = arith.constant 0 : i32
      %dma_wait3A_87 = tpu.memref_slice %arg2[%dma_wait3A_86] : memref<819200xi32, #tpu.memory_space<hbm>> -> memref<256xi32, #tpu.memory_space<hbm>>
      %dma_wait3A_88 = arith.constant 0 : i32
      %dma_wait3A_89 = tpu.memref_slice %arg5[%dma_wait3A_82, %dma_wait3A_88] : memref<2x256xi32, #tpu.memory_space<vmem>> -> memref<1x256xi32, #tpu.memory_space<vmem>>
      %dma_wait3A_90 = tpu.memref_squeeze %dma_wait3A_89 : memref<1x256xi32, #tpu.memory_space<vmem>> -> memref<256xi32, #tpu.memory_space<vmem>>
      %dma_wait3A_91 = arith.constant 0 : i32
      %dma_wait3A_92 = tpu.memref_slice %arg2[%dma_wait3A_91] : memref<819200xi32, #tpu.memory_space<hbm>> -> memref<256xi32, #tpu.memory_space<hbm>>
      tpu.wait_dma2 semaphore(%arg12 : memref<!tpu.dma_semaphore, #tpu.memory_space<semaphore_mem>>) src(%dma_wait3A_92 : memref<256xi32, #tpu.memory_space<hbm>>) dst(%dma_wait3A_90 : memref<256xi32, #tpu.memory_space<vmem>>)
      %scan3A_93 = arith.constant 0 : i32
      %scan3A_94 = arith.constant 0 : i32
      %scan3A_95 = arith.constant 16 : i32
      %scan3A_96 = arith.addi %scan3A_94, %scan3A_95 : i32
      %scan3A_97 = arith.constant 2 : i32
      scf.for %scan3A_186 = %scan3A_94 to %scan3A_96 step %scan3A_97  : i32 {
        %mul3A_187 = arith.constant 16 : i32
        %mul3A_188 = arith.muli %scan3A_186, %mul3A_187 : i32
        %get3A = arith.constant 1 : i32
        %get3A_189 = arith.index_cast %get3A : i32 to index
        %get3A_190 = arith.index_cast %mul3A_188 : i32 to index
        %get3A_191 = tpu.vector_load %arg5[%get3A_189, %get3A_190] {strides = array<i32>} : memref<2x256xi32, #tpu.memory_space<vmem>>, vector<1x16xi32>,
        %get3A_192 = vector.shape_cast %get3A_191 : vector<1x16xi32> to vector<16xi32>
        %slice3A = vector.extract_strided_slice %get3A_192 {offsets = [0], sizes = [1], strides = [1]} : vector<16xi32> to vector<1xi32>
        %squeeze3A = vector.extract %slice3A[0] : i32 from vector<1xi32>
        %mul3A_193 = arith.constant 16 : i32
        %mul3A_194 = arith.muli %scan3A_186, %mul3A_193 : i32
        %add3A_195 = arith.constant 0 : i32
        %add3A_196 = arith.addi %mul3A_194, %add3A_195 : i32
        %dma_start3A_197 = arith.constant 1 : i32
        %dma_start3A_198 = arith.constant 0 : i32
        %dma_start3A_199 = tpu.memref_slice %arg6[%dma_start3A_197, %add3A_196, %dma_start3A_198] : memref<2x256x64xf32, #tpu.memory_space<vmem>> -> memref<1x1x64xf32, #tpu.memory_space<vmem>>
        %dma_start3A_200 = tpu.memref_squeeze %dma_start3A_199 : memref<1x1x64xf32, #tpu.memory_space<vmem>> -> memref<64xf32, #tpu.memory_space<vmem>>
        %dma_start3A_201 = arith.constant 0 : i32
        %dma_start3A_202 = tpu.memref_slice %arg3[%squeeze3A, %dma_start3A_201] : memref<1000000x64xf32, #tpu.memory_space<hbm>> -> memref<1x64xf32, #tpu.memory_space<hbm>>
        %dma_start3A_203 = tpu.memref_squeeze %dma_start3A_202 : memref<1x64xf32, #tpu.memory_space<hbm>> -> memref<64xf32, #tpu.memory_space<hbm>>
        %dma_start3A_204 = arith.constant 0 : i32
        %dma_start3A_205 = tpu.memref_slice %arg6[%dma_start3A_197, %add3A_196, %dma_start3A_204] : memref<2x256x64xf32, #tpu.memory_space<vmem>> -> memref<1x1x64xf32, #tpu.memory_space<vmem>>
        %dma_start3A_206 = tpu.memref_squeeze %dma_start3A_205 : memref<1x1x64xf32, #tpu.memory_space<vmem>> -> memref<64xf32, #tpu.memory_space<vmem>>
        %dma_start3A_207 = arith.constant 0 : i32
        %dma_start3A_208 = tpu.memref_slice %arg3[%squeeze3A, %dma_start3A_207] : memref<1000000x64xf32, #tpu.memory_space<hbm>> -> memref<1x64xf32, #tpu.memory_space<hbm>>
        %dma_start3A_209 = tpu.memref_squeeze %dma_start3A_208 : memref<1x64xf32, #tpu.memory_space<hbm>> -> memref<64xf32, #tpu.memory_space<hbm>>
        tpu.enqueue_dma source(%dma_start3A_209 : memref<64xf32, #tpu.memory_space<hbm>>) target(%dma_start3A_206 : memref<64xf32, #tpu.memory_space<vmem>>) target_semaphore(%arg8 : memref<!tpu.dma_semaphore, #tpu.memory_space<semaphore_mem>>)
        %slice3A_210 = vector.extract_strided_slice %get3A_192 {offsets = [1], sizes = [1], strides = [1]} : vector<16xi32> to vector<1xi32>
        %squeeze3A_211 = vector.extract %slice3A_210[0] : i32 from vector<1xi32>
        %mul3A_212 = arith.constant 16 : i32
        %mul3A_213 = arith.muli %scan3A_186, %mul3A_212 : i32
        %add3A_214 = arith.constant 1 : i32
        %add3A_215 = arith.addi %mul3A_213, %add3A_214 : i32
        %dma_start3A_216 = arith.constant 1 : i32
        %dma_start3A_217 = arith.constant 0 : i32
        %dma_start3A_218 = tpu.memref_slice %arg6[%dma_start3A_216, %add3A_215, %dma_start3A_217] : memref<2x256x64xf32, #tpu.memory_space<vmem>> -> memref<1x1x64xf32, #tpu.memory_space<vmem>>
        %dma_start3A_219 = tpu.memref_squeeze %dma_start3A_218 : memref<1x1x64xf32, #tpu.memory_space<vmem>> -> memref<64xf32, #tpu.memory_space<vmem>>
        %dma_start3A_220 = arith.constant 0 : i32
        %dma_start3A_221 = tpu.memref_slice %arg3[%squeeze3A_211, %dma_start3A_220] : memref<1000000x64xf32, #tpu.memory_space<hbm>> -> memref<1x64xf32, #tpu.memory_space<hbm>>
        %dma_start3A_222 = tpu.memref_squeeze %dma_start3A_221 : memref<1x64xf32, #tpu.memory_space<hbm>> -> memref<64xf32, #tpu.memory_space<hbm>>
        %dma_start3A_223 = arith.constant 0 : i32
        %dma_start3A_224 = tpu.memref_slice %arg6[%dma_start3A_216, %add3A_215, %dma_start3A_223] : memref<2x256x64xf32, #tpu.memory_space<vmem>> -> memref<1x1x64xf32, #tpu.memory_space<vmem>>
        %dma_start3A_225 = tpu.memref_squeeze %dma_start3A_224 : memref<1x1x64xf32, #tpu.memory_space<vmem>> -> memref<64xf32, #tpu.memory_space<vmem>>
        %dma_start3A_226 = arith.constant 0 : i32
        %dma_start3A_227 = tpu.memref_slice %arg3[%squeeze3A_211, %dma_start3A_226] : memref<1000000x64xf32, #tpu.memory_space<hbm>> -> memref<1x64xf32, #tpu.memory_space<hbm>>
        %dma_start3A_228 = tpu.memref_squeeze %dma_start3A_227 : memref<1x64xf32, #tpu.memory_space<hbm>> -> memref<64xf32, #tpu.memory_space<hbm>>
        tpu.enqueue_dma source(%dma_start3A_228 : memref<64xf32, #tpu.memory_space<hbm>>) target(%dma_start3A_225 : memref<64xf32, #tpu.memory_space<vmem>>) target_semaphore(%arg8 : memref<!tpu.dma_semaphore, #tpu.memory_space<semaphore_mem>>)
        %slice3A_229 = vector.extract_strided_slice %get3A_192 {offsets = [2], sizes = [1], strides = [1]} : vector<16xi32> to vector<1xi32>
        %squeeze3A_230 = vector.extract %slice3A_229[0] : i32 from vector<1xi32>
        %mul3A_231 = arith.constant 16 : i32
        %mul3A_232 = arith.muli %scan3A_186, %mul3A_231 : i32
        %add3A_233 = arith.constant 2 : i32
        %add3A_234 = arith.addi %mul3A_232, %add3A_233 : i32
        %dma_start3A_235 = arith.constant 1 : i32
        %dma_start3A_236 = arith.constant 0 : i32
        %dma_start3A_237 = tpu.memref_slice %arg6[%dma_start3A_235, %add3A_234, %dma_start3A_236] : memref<2x256x64xf32, #tpu.memory_space<vmem>> -> memref<1x1x64xf32, #tpu.memory_space<vmem>>
        %dma_start3A_238 = tpu.memref_squeeze %dma_start3A_237 : memref<1x1x64xf32, #tpu.memory_space<vmem>> -> memref<64xf32, #tpu.memory_space<vmem>>
        %dma_start3A_239 = arith.constant 0 : i32
        %dma_start3A_240 = tpu.memref_slice %arg3[%squeeze3A_230, %dma_start3A_239] : memref<1000000x64xf32, #tpu.memory_space<hbm>> -> memref<1x64xf32, #tpu.memory_space<hbm>>
        %dma_start3A_241 = tpu.memref_squeeze %dma_start3A_240 : memref<1x64xf32, #tpu.memory_space<hbm>> -> memref<64xf32, #tpu.memory_space<hbm>>
        %dma_start3A_242 = arith.constant 0 : i32
        %dma_start3A_243 = tpu.memref_slice %arg6[%dma_start3A_235, %add3A_234, %dma_start3A_242] : memref<2x256x64xf32, #tpu.memory_space<vmem>> -> memref<1x1x64xf32, #tpu.memory_space<vmem>>
        %dma_start3A_244 = tpu.memref_squeeze %dma_start3A_243 : memref<1x1x64xf32, #tpu.memory_space<vmem>> -> memref<64xf32, #tpu.memory_space<vmem>>
        %dma_start3A_245 = arith.constant 0 : i32
        %dma_start3A_246 = tpu.memref_slice %arg3[%squeeze3A_230, %dma_start3A_245] : memref<1000000x64xf32, #tpu.memory_space<hbm>> -> memref<1x64xf32, #tpu.memory_space<hbm>>
        %dma_start3A_247 = tpu.memref_squeeze %dma_start3A_246 : memref<1x64xf32, #tpu.memory_space<hbm>> -> memref<64xf32, #tpu.memory_space<hbm>>
        tpu.enqueue_dma source(%dma_start3A_247 : memref<64xf32, #tpu.memory_space<hbm>>) target(%dma_start3A_244 : memref<64xf32, #tpu.memory_space<vmem>>) target_semaphore(%arg8 : memref<!tpu.dma_semaphore, #tpu.memory_space<semaphore_mem>>)
        %slice3A_248 = vector.extract_strided_slice %get3A_192 {offsets = [3], sizes = [1], strides = [1]} : vector<16xi32> to vector<1xi32>
        %squeeze3A_249 = vector.extract %slice3A_248[0] : i32 from vector<1xi32>
        %mul3A_250 = arith.constant 16 : i32
        %mul3A_251 = arith.muli %scan3A_186, %mul3A_250 : i32
        %add3A_252 = arith.constant 3 : i32
        %add3A_253 = arith.addi %mul3A_251, %add3A_252 : i32
        %dma_start3A_254 = arith.constant 1 : i32
        %dma_start3A_255 = arith.constant 0 : i32
        %dma_start3A_256 = tpu.memref_slice %arg6[%dma_start3A_254, %add3A_253, %dma_start3A_255] : memref<2x256x64xf32, #tpu.memory_space<vmem>> -> memref<1x1x64xf32, #tpu.memory_space<vmem>>
        %dma_start3A_257 = tpu.memref_squeeze %dma_start3A_256 : memref<1x1x64xf32, #tpu.memory_space<vmem>> -> memref<64xf32, #tpu.memory_space<vmem>>
        %dma_start3A_258 = arith.constant 0 : i32
        %dma_start3A_259 = tpu.memref_slice %arg3[%squeeze3A_249, %dma_start3A_258] : memref<1000000x64xf32, #tpu.memory_space<hbm>> -> memref<1x64xf32, #tpu.memory_space<hbm>>
        %dma_start3A_260 = tpu.memref_squeeze %dma_start3A_259 : memref<1x64xf32, #tpu.memory_space<hbm>> -> memref<64xf32, #tpu.memory_space<hbm>>
        %dma_start3A_261 = arith.constant 0 : i32
        %dma_start3A_262 = tpu.memref_slice %arg6[%dma_start3A_254, %add3A_253, %dma_start3A_261] : memref<2x256x64xf32, #tpu.memory_space<vmem>> -> memref<1x1x64xf32, #tpu.memory_space<vmem>>
        %dma_start3A_263 = tpu.memref_squeeze %dma_start3A_262 : memref<1x1x64xf32, #tpu.memory_space<vmem>> -> memref<64xf32, #tpu.memory_space<vmem>>
        %dma_start3A_264 = arith.constant 0 : i32
        %dma_start3A_265 = tpu.memref_slice %arg3[%squeeze3A_249, %dma_start3A_264] : memref<1000000x64xf32, #tpu.memory_space<hbm>> -> memref<1x64xf32, #tpu.memory_space<hbm>>
        %dma_start3A_266 = tpu.memref_squeeze %dma_start3A_265 : memref<1x64xf32, #tpu.memory_space<hbm>> -> memref<64xf32, #tpu.memory_space<hbm>>
        tpu.enqueue_dma source(%dma_start3A_266 : memref<64xf32, #tpu.memory_space<hbm>>) target(%dma_start3A_263 : memref<64xf32, #tpu.memory_space<vmem>>) target_semaphore(%arg8 : memref<!tpu.dma_semaphore, #tpu.memory_space<semaphore_mem>>)
        %slice3A_267 = vector.extract_strided_slice %get3A_192 {offsets = [4], sizes = [1], strides = [1]} : vector<16xi32> to vector<1xi32>
        %squeeze3A_268 = vector.extract %slice3A_267[0] : i32 from vector<1xi32>
        %mul3A_269 = arith.constant 16 : i32
        %mul3A_270 = arith.muli %scan3A_186, %mul3A_269 : i32
        %add3A_271 = arith.constant 4 : i32
        %add3A_272 = arith.addi %mul3A_270, %add3A_271 : i32
        %dma_start3A_273 = arith.constant 1 : i32
        %dma_start3A_274 = arith.constant 0 : i32
        %dma_start3A_275 = tpu.memref_slice %arg6[%dma_start3A_273, %add3A_272, %dma_start3A_274] : memref<2x256x64xf32, #tpu.memory_space<vmem>> -> memref<1x1x64xf32, #tpu.memory_space<vmem>>
        %dma_start3A_276 = tpu.memref_squeeze %dma_start3A_275 : memref<1x1x64xf32, #tpu.memory_space<vmem>> -> memref<64xf32, #tpu.memory_space<vmem>>
        %dma_start3A_277 = arith.constant 0 : i32
        %dma_start3A_278 = tpu.memref_slice %arg3[%squeeze3A_268, %dma_start3A_277] : memref<1000000x64xf32, #tpu.memory_space<hbm>> -> memref<1x64xf32, #tpu.memory_space<hbm>>
        %dma_start3A_279 = tpu.memref_squeeze %dma_start3A_278 : memref<1x64xf32, #tpu.memory_space<hbm>> -> memref<64xf32, #tpu.memory_space<hbm>>
        %dma_start3A_280 = arith.constant 0 : i32
        %dma_start3A_281 = tpu.memref_slice %arg6[%dma_start3A_273, %add3A_272, %dma_start3A_280] : memref<2x256x64xf32, #tpu.memory_space<vmem>> -> memref<1x1x64xf32, #tpu.memory_space<vmem>>
        %dma_start3A_282 = tpu.memref_squeeze %dma_start3A_281 : memref<1x1x64xf32, #tpu.memory_space<vmem>> -> memref<64xf32, #tpu.memory_space<vmem>>
        %dma_start3A_283 = arith.constant 0 : i32
        %dma_start3A_284 = tpu.memref_slice %arg3[%squeeze3A_268, %dma_start3A_283] : memref<1000000x64xf32, #tpu.memory_space<hbm>> -> memref<1x64xf32, #tpu.memory_space<hbm>>
        %dma_start3A_285 = tpu.memref_squeeze %dma_start3A_284 : memref<1x64xf32, #tpu.memory_space<hbm>> -> memref<64xf32, #tpu.memory_space<hbm>>
        tpu.enqueue_dma source(%dma_start3A_285 : memref<64xf32, #tpu.memory_space<hbm>>) target(%dma_start3A_282 : memref<64xf32, #tpu.memory_space<vmem>>) target_semaphore(%arg8 : memref<!tpu.dma_semaphore, #tpu.memory_space<semaphore_mem>>)
        %slice3A_286 = vector.extract_strided_slice %get3A_192 {offsets = [5], sizes = [1], strides = [1]} : vector<16xi32> to vector<1xi32>
        %squeeze3A_287 = vector.extract %slice3A_286[0] : i32 from vector<1xi32>
        %mul3A_288 = arith.constant 16 : i32
        %mul3A_289 = arith.muli %scan3A_186, %mul3A_288 : i32
        %add3A_290 = arith.constant 5 : i32
        %add3A_291 = arith.addi %mul3A_289, %add3A_290 : i32
        %dma_start3A_292 = arith.constant 1 : i32
        %dma_start3A_293 = arith.constant 0 : i32
        %dma_start3A_294 = tpu.memref_slice %arg6[%dma_start3A_292, %add3A_291, %dma_start3A_293] : memref<2x256x64xf32, #tpu.memory_space<vmem>> -> memref<1x1x64xf32, #tpu.memory_space<vmem>>
        %dma_start3A_295 = tpu.memref_squeeze %dma_start3A_294 : memref<1x1x64xf32, #tpu.memory_space<vmem>> -> memref<64xf32, #tpu.memory_space<vmem>>
        %dma_start3A_296 = arith.constant 0 : i32
        %dma_start3A_297 = tpu.memref_slice %arg3[%squeeze3A_287, %dma_start3A_296] : memref<1000000x64xf32, #tpu.memory_space<hbm>> -> memref<1x64xf32, #tpu.memory_space<hbm>>
        %dma_start3A_298 = tpu.memref_squeeze %dma_start3A_297 : memref<1x64xf32, #tpu.memory_space<hbm>> -> memref<64xf32, #tpu.memory_space<hbm>>
        %dma_start3A_299 = arith.constant 0 : i32
        %dma_start3A_300 = tpu.memref_slice %arg6[%dma_start3A_292, %add3A_291, %dma_start3A_299] : memref<2x256x64xf32, #tpu.memory_space<vmem>> -> memref<1x1x64xf32, #tpu.memory_space<vmem>>
        %dma_start3A_301 = tpu.memref_squeeze %dma_start3A_300 : memref<1x1x64xf32, #tpu.memory_space<vmem>> -> memref<64xf32, #tpu.memory_space<vmem>>
        %dma_start3A_302 = arith.constant 0 : i32
        %dma_start3A_303 = tpu.memref_slice %arg3[%squeeze3A_287, %dma_start3A_302] : memref<1000000x64xf32, #tpu.memory_space<hbm>> -> memref<1x64xf32, #tpu.memory_space<hbm>>
        %dma_start3A_304 = tpu.memref_squeeze %dma_start3A_303 : memref<1x64xf32, #tpu.memory_space<hbm>> -> memref<64xf32, #tpu.memory_space<hbm>>
        tpu.enqueue_dma source(%dma_start3A_304 : memref<64xf32, #tpu.memory_space<hbm>>) target(%dma_start3A_301 : memref<64xf32, #tpu.memory_space<vmem>>) target_semaphore(%arg8 : memref<!tpu.dma_semaphore, #tpu.memory_space<semaphore_mem>>)
        %slice3A_305 = vector.extract_strided_slice %get3A_192 {offsets = [6], sizes = [1], strides = [1]} : vector<16xi32> to vector<1xi32>
        %squeeze3A_306 = vector.extract %slice3A_305[0] : i32 from vector<1xi32>
        %mul3A_307 = arith.constant 16 : i32
        %mul3A_308 = arith.muli %scan3A_186, %mul3A_307 : i32
        %add3A_309 = arith.constant 6 : i32
        %add3A_310 = arith.addi %mul3A_308, %add3A_309 : i32
        %dma_start3A_311 = arith.constant 1 : i32
        %dma_start3A_312 = arith.constant 0 : i32
        %dma_start3A_313 = tpu.memref_slice %arg6[%dma_start3A_311, %add3A_310, %dma_start3A_312] : memref<2x256x64xf32, #tpu.memory_space<vmem>> -> memref<1x1x64xf32, #tpu.memory_space<vmem>>
        %dma_start3A_314 = tpu.memref_squeeze %dma_start3A_313 : memref<1x1x64xf32, #tpu.memory_space<vmem>> -> memref<64xf32, #tpu.memory_space<vmem>>
        %dma_start3A_315 = arith.constant 0 : i32
        %dma_start3A_316 = tpu.memref_slice %arg3[%squeeze3A_306, %dma_start3A_315] : memref<1000000x64xf32, #tpu.memory_space<hbm>> -> memref<1x64xf32, #tpu.memory_space<hbm>>
        %dma_start3A_317 = tpu.memref_squeeze %dma_start3A_316 : memref<1x64xf32, #tpu.memory_space<hbm>> -> memref<64xf32, #tpu.memory_space<hbm>>
        %dma_start3A_318 = arith.constant 0 : i32
        %dma_start3A_319 = tpu.memref_slice %arg6[%dma_start3A_311, %add3A_310, %dma_start3A_318] : memref<2x256x64xf32, #tpu.memory_space<vmem>> -> memref<1x1x64xf32, #tpu.memory_space<vmem>>
        %dma_start3A_320 = tpu.memref_squeeze %dma_start3A_319 : memref<1x1x64xf32, #tpu.memory_space<vmem>> -> memref<64xf32, #tpu.memory_space<vmem>>
        %dma_start3A_321 = arith.constant 0 : i32
        %dma_start3A_322 = tpu.memref_slice %arg3[%squeeze3A_306, %dma_start3A_321] : memref<1000000x64xf32, #tpu.memory_space<hbm>> -> memref<1x64xf32, #tpu.memory_space<hbm>>
        %dma_start3A_323 = tpu.memref_squeeze %dma_start3A_322 : memref<1x64xf32, #tpu.memory_space<hbm>> -> memref<64xf32, #tpu.memory_space<hbm>>
        tpu.enqueue_dma source(%dma_start3A_323 : memref<64xf32, #tpu.memory_space<hbm>>) target(%dma_start3A_320 : memref<64xf32, #tpu.memory_space<vmem>>) target_semaphore(%arg8 : memref<!tpu.dma_semaphore, #tpu.memory_space<semaphore_mem>>)
        %slice3A_324 = vector.extract_strided_slice %get3A_192 {offsets = [7], sizes = [1], strides = [1]} : vector<16xi32> to vector<1xi32>
        %squeeze3A_325 = vector.extract %slice3A_324[0] : i32 from vector<1xi32>
        %mul3A_326 = arith.constant 16 : i32
        %mul3A_327 = arith.muli %scan3A_186, %mul3A_326 : i32
        %add3A_328 = arith.constant 7 : i32
        %add3A_329 = arith.addi %mul3A_327, %add3A_328 : i32
        %dma_start3A_330 = arith.constant 1 : i32
        %dma_start3A_331 = arith.constant 0 : i32
        %dma_start3A_332 = tpu.memref_slice %arg6[%dma_start3A_330, %add3A_329, %dma_start3A_331] : memref<2x256x64xf32, #tpu.memory_space<vmem>> -> memref<1x1x64xf32, #tpu.memory_space<vmem>>
        %dma_start3A_333 = tpu.memref_squeeze %dma_start3A_332 : memref<1x1x64xf32, #tpu.memory_space<vmem>> -> memref<64xf32, #tpu.memory_space<vmem>>
        %dma_start3A_334 = arith.constant 0 : i32
        %dma_start3A_335 = tpu.memref_slice %arg3[%squeeze3A_325, %dma_start3A_334] : memref<1000000x64xf32, #tpu.memory_space<hbm>> -> memref<1x64xf32, #tpu.memory_space<hbm>>
        %dma_start3A_336 = tpu.memref_squeeze %dma_start3A_335 : memref<1x64xf32, #tpu.memory_space<hbm>> -> memref<64xf32, #tpu.memory_space<hbm>>
        %dma_start3A_337 = arith.constant 0 : i32
        %dma_start3A_338 = tpu.memref_slice %arg6[%dma_start3A_330, %add3A_329, %dma_start3A_337] : memref<2x256x64xf32, #tpu.memory_space<vmem>> -> memref<1x1x64xf32, #tpu.memory_space<vmem>>
        %dma_start3A_339 = tpu.memref_squeeze %dma_start3A_338 : memref<1x1x64xf32, #tpu.memory_space<vmem>> -> memref<64xf32, #tpu.memory_space<vmem>>
        %dma_start3A_340 = arith.constant 0 : i32
        %dma_start3A_341 = tpu.memref_slice %arg3[%squeeze3A_325, %dma_start3A_340] : memref<1000000x64xf32, #tpu.memory_space<hbm>> -> memref<1x64xf32, #tpu.memory_space<hbm>>
        %dma_start3A_342 = tpu.memref_squeeze %dma_start3A_341 : memref<1x64xf32, #tpu.memory_space<hbm>> -> memref<64xf32, #tpu.memory_space<hbm>>
        tpu.enqueue_dma source(%dma_start3A_342 : memref<64xf32, #tpu.memory_space<hbm>>) target(%dma_start3A_339 : memref<64xf32, #tpu.memory_space<vmem>>) target_semaphore(%arg8 : memref<!tpu.dma_semaphore, #tpu.memory_space<semaphore_mem>>)
        %slice3A_343 = vector.extract_strided_slice %get3A_192 {offsets = [8], sizes = [1], strides = [1]} : vector<16xi32> to vector<1xi32>
        %squeeze3A_344 = vector.extract %slice3A_343[0] : i32 from vector<1xi32>
        %mul3A_345 = arith.constant 16 : i32
        %mul3A_346 = arith.muli %scan3A_186, %mul3A_345 : i32
        %add3A_347 = arith.constant 8 : i32
        %add3A_348 = arith.addi %mul3A_346, %add3A_347 : i32
        %dma_start3A_349 = arith.constant 1 : i32
        %dma_start3A_350 = arith.constant 0 : i32
        %dma_start3A_351 = tpu.memref_slice %arg6[%dma_start3A_349, %add3A_348, %dma_start3A_350] : memref<2x256x64xf32, #tpu.memory_space<vmem>> -> memref<1x1x64xf32, #tpu.memory_space<vmem>>
        %dma_start3A_352 = tpu.memref_squeeze %dma_start3A_351 : memref<1x1x64xf32, #tpu.memory_space<vmem>> -> memref<64xf32, #tpu.memory_space<vmem>>
        %dma_start3A_353 = arith.constant 0 : i32
        %dma_start3A_354 = tpu.memref_slice %arg3[%squeeze3A_344, %dma_start3A_353] : memref<1000000x64xf32, #tpu.memory_space<hbm>> -> memref<1x64xf32, #tpu.memory_space<hbm>>
        %dma_start3A_355 = tpu.memref_squeeze %dma_start3A_354 : memref<1x64xf32, #tpu.memory_space<hbm>> -> memref<64xf32, #tpu.memory_space<hbm>>
        %dma_start3A_356 = arith.constant 0 : i32
        %dma_start3A_357 = tpu.memref_slice %arg6[%dma_start3A_349, %add3A_348, %dma_start3A_356] : memref<2x256x64xf32, #tpu.memory_space<vmem>> -> memref<1x1x64xf32, #tpu.memory_space<vmem>>
        %dma_start3A_358 = tpu.memref_squeeze %dma_start3A_357 : memref<1x1x64xf32, #tpu.memory_space<vmem>> -> memref<64xf32, #tpu.memory_space<vmem>>
        %dma_start3A_359 = arith.constant 0 : i32
        %dma_start3A_360 = tpu.memref_slice %arg3[%squeeze3A_344, %dma_start3A_359] : memref<1000000x64xf32, #tpu.memory_space<hbm>> -> memref<1x64xf32, #tpu.memory_space<hbm>>
        %dma_start3A_361 = tpu.memref_squeeze %dma_start3A_360 : memref<1x64xf32, #tpu.memory_space<hbm>> -> memref<64xf32, #tpu.memory_space<hbm>>
        tpu.enqueue_dma source(%dma_start3A_361 : memref<64xf32, #tpu.memory_space<hbm>>) target(%dma_start3A_358 : memref<64xf32, #tpu.memory_space<vmem>>) target_semaphore(%arg8 : memref<!tpu.dma_semaphore, #tpu.memory_space<semaphore_mem>>)
        %slice3A_362 = vector.extract_strided_slice %get3A_192 {offsets = [9], sizes = [1], strides = [1]} : vector<16xi32> to vector<1xi32>
        %squeeze3A_363 = vector.extract %slice3A_362[0] : i32 from vector<1xi32>
        %mul3A_364 = arith.constant 16 : i32
        %mul3A_365 = arith.muli %scan3A_186, %mul3A_364 : i32
        %add3A_366 = arith.constant 9 : i32
        %add3A_367 = arith.addi %mul3A_365, %add3A_366 : i32
        %dma_start3A_368 = arith.constant 1 : i32
        %dma_start3A_369 = arith.constant 0 : i32
        %dma_start3A_370 = tpu.memref_slice %arg6[%dma_start3A_368, %add3A_367, %dma_start3A_369] : memref<2x256x64xf32, #tpu.memory_space<vmem>> -> memref<1x1x64xf32, #tpu.memory_space<vmem>>
        %dma_start3A_371 = tpu.memref_squeeze %dma_start3A_370 : memref<1x1x64xf32, #tpu.memory_space<vmem>> -> memref<64xf32, #tpu.memory_space<vmem>>
        %dma_start3A_372 = arith.constant 0 : i32
        %dma_start3A_373 = tpu.memref_slice %arg3[%squeeze3A_363, %dma_start3A_372] : memref<1000000x64xf32, #tpu.memory_space<hbm>> -> memref<1x64xf32, #tpu.memory_space<hbm>>
        %dma_start3A_374 = tpu.memref_squeeze %dma_start3A_373 : memref<1x64xf32, #tpu.memory_space<hbm>> -> memref<64xf32, #tpu.memory_space<hbm>>
        %dma_start3A_375 = arith.constant 0 : i32
        %dma_start3A_376 = tpu.memref_slice %arg6[%dma_start3A_368, %add3A_367, %dma_start3A_375] : memref<2x256x64xf32, #tpu.memory_space<vmem>> -> memref<1x1x64xf32, #tpu.memory_space<vmem>>
        %dma_start3A_377 = tpu.memref_squeeze %dma_start3A_376 : memref<1x1x64xf32, #tpu.memory_space<vmem>> -> memref<64xf32, #tpu.memory_space<vmem>>
        %dma_start3A_378 = arith.constant 0 : i32
        %dma_start3A_379 = tpu.memref_slice %arg3[%squeeze3A_363, %dma_start3A_378] : memref<1000000x64xf32, #tpu.memory_space<hbm>> -> memref<1x64xf32, #tpu.memory_space<hbm>>
        %dma_start3A_380 = tpu.memref_squeeze %dma_start3A_379 : memref<1x64xf32, #tpu.memory_space<hbm>> -> memref<64xf32, #tpu.memory_space<hbm>>
        tpu.enqueue_dma source(%dma_start3A_380 : memref<64xf32, #tpu.memory_space<hbm>>) target(%dma_start3A_377 : memref<64xf32, #tpu.memory_space<vmem>>) target_semaphore(%arg8 : memref<!tpu.dma_semaphore, #tpu.memory_space<semaphore_mem>>)
        %slice3A_381 = vector.extract_strided_slice %get3A_192 {offsets = [10], sizes = [1], strides = [1]} : vector<16xi32> to vector<1xi32>
        %squeeze3A_382 = vector.extract %slice3A_381[0] : i32 from vector<1xi32>
        %mul3A_383 = arith.constant 16 : i32
        %mul3A_384 = arith.muli %scan3A_186, %mul3A_383 : i32
        %add3A_385 = arith.constant 10 : i32
        %add3A_386 = arith.addi %mul3A_384, %add3A_385 : i32
        %dma_start3A_387 = arith.constant 1 : i32
        %dma_start3A_388 = arith.constant 0 : i32
        %dma_start3A_389 = tpu.memref_slice %arg6[%dma_start3A_387, %add3A_386, %dma_start3A_388] : memref<2x256x64xf32, #tpu.memory_space<vmem>> -> memref<1x1x64xf32, #tpu.memory_space<vmem>>
        %dma_start3A_390 = tpu.memref_squeeze %dma_start3A_389 : memref<1x1x64xf32, #tpu.memory_space<vmem>> -> memref<64xf32, #tpu.memory_space<vmem>>
        %dma_start3A_391 = arith.constant 0 : i32
        %dma_start3A_392 = tpu.memref_slice %arg3[%squeeze3A_382, %dma_start3A_391] : memref<1000000x64xf32, #tpu.memory_space<hbm>> -> memref<1x64xf32, #tpu.memory_space<hbm>>
        %dma_start3A_393 = tpu.memref_squeeze %dma_start3A_392 : memref<1x64xf32, #tpu.memory_space<hbm>> -> memref<64xf32, #tpu.memory_space<hbm>>
        %dma_start3A_394 = arith.constant 0 : i32
        %dma_start3A_395 = tpu.memref_slice %arg6[%dma_start3A_387, %add3A_386, %dma_start3A_394] : memref<2x256x64xf32, #tpu.memory_space<vmem>> -> memref<1x1x64xf32, #tpu.memory_space<vmem>>
        %dma_start3A_396 = tpu.memref_squeeze %dma_start3A_395 : memref<1x1x64xf32, #tpu.memory_space<vmem>> -> memref<64xf32, #tpu.memory_space<vmem>>
        %dma_start3A_397 = arith.constant 0 : i32
        %dma_start3A_398 = tpu.memref_slice %arg3[%squeeze3A_382, %dma_start3A_397] : memref<1000000x64xf32, #tpu.memory_space<hbm>> -> memref<1x64xf32, #tpu.memory_space<hbm>>
        %dma_start3A_399 = tpu.memref_squeeze %dma_start3A_398 : memref<1x64xf32, #tpu.memory_space<hbm>> -> memref<64xf32, #tpu.memory_space<hbm>>
        tpu.enqueue_dma source(%dma_start3A_399 : memref<64xf32, #tpu.memory_space<hbm>>) target(%dma_start3A_396 : memref<64xf32, #tpu.memory_space<vmem>>) target_semaphore(%arg8 : memref<!tpu.dma_semaphore, #tpu.memory_space<semaphore_mem>>)
        %slice3A_400 = vector.extract_strided_slice %get3A_192 {offsets = [11], sizes = [1], strides = [1]} : vector<16xi32> to vector<1xi32>
        %squeeze3A_401 = vector.extract %slice3A_400[0] : i32 from vector<1xi32>
        %mul3A_402 = arith.constant 16 : i32
        %mul3A_403 = arith.muli %scan3A_186, %mul3A_402 : i32
        %add3A_404 = arith.constant 11 : i32
        %add3A_405 = arith.addi %mul3A_403, %add3A_404 : i32
        %dma_start3A_406 = arith.constant 1 : i32
        %dma_start3A_407 = arith.constant 0 : i32
        %dma_start3A_408 = tpu.memref_slice %arg6[%dma_start3A_406, %add3A_405, %dma_start3A_407] : memref<2x256x64xf32, #tpu.memory_space<vmem>> -> memref<1x1x64xf32, #tpu.memory_space<vmem>>
        %dma_start3A_409 = tpu.memref_squeeze %dma_start3A_408 : memref<1x1x64xf32, #tpu.memory_space<vmem>> -> memref<64xf32, #tpu.memory_space<vmem>>
        %dma_start3A_410 = arith.constant 0 : i32
        %dma_start3A_411 = tpu.memref_slice %arg3[%squeeze3A_401, %dma_start3A_410] : memref<1000000x64xf32, #tpu.memory_space<hbm>> -> memref<1x64xf32, #tpu.memory_space<hbm>>
        %dma_start3A_412 = tpu.memref_squeeze %dma_start3A_411 : memref<1x64xf32, #tpu.memory_space<hbm>> -> memref<64xf32, #tpu.memory_space<hbm>>
        %dma_start3A_413 = arith.constant 0 : i32
        %dma_start3A_414 = tpu.memref_slice %arg6[%dma_start3A_406, %add3A_405, %dma_start3A_413] : memref<2x256x64xf32, #tpu.memory_space<vmem>> -> memref<1x1x64xf32, #tpu.memory_space<vmem>>
        %dma_start3A_415 = tpu.memref_squeeze %dma_start3A_414 : memref<1x1x64xf32, #tpu.memory_space<vmem>> -> memref<64xf32, #tpu.memory_space<vmem>>
        %dma_start3A_416 = arith.constant 0 : i32
        %dma_start3A_417 = tpu.memref_slice %arg3[%squeeze3A_401, %dma_start3A_416] : memref<1000000x64xf32, #tpu.memory_space<hbm>> -> memref<1x64xf32, #tpu.memory_space<hbm>>
        %dma_start3A_418 = tpu.memref_squeeze %dma_start3A_417 : memref<1x64xf32, #tpu.memory_space<hbm>> -> memref<64xf32, #tpu.memory_space<hbm>>
        tpu.enqueue_dma source(%dma_start3A_418 : memref<64xf32, #tpu.memory_space<hbm>>) target(%dma_start3A_415 : memref<64xf32, #tpu.memory_space<vmem>>) target_semaphore(%arg8 : memref<!tpu.dma_semaphore, #tpu.memory_space<semaphore_mem>>)
        %slice3A_419 = vector.extract_strided_slice %get3A_192 {offsets = [12], sizes = [1], strides = [1]} : vector<16xi32> to vector<1xi32>
        %squeeze3A_420 = vector.extract %slice3A_419[0] : i32 from vector<1xi32>
        %mul3A_421 = arith.constant 16 : i32
        %mul3A_422 = arith.muli %scan3A_186, %mul3A_421 : i32
        %add3A_423 = arith.constant 12 : i32
        %add3A_424 = arith.addi %mul3A_422, %add3A_423 : i32
        %dma_start3A_425 = arith.constant 1 : i32
        %dma_start3A_426 = arith.constant 0 : i32
        %dma_start3A_427 = tpu.memref_slice %arg6[%dma_start3A_425, %add3A_424, %dma_start3A_426] : memref<2x256x64xf32, #tpu.memory_space<vmem>> -> memref<1x1x64xf32, #tpu.memory_space<vmem>>
        %dma_start3A_428 = tpu.memref_squeeze %dma_start3A_427 : memref<1x1x64xf32, #tpu.memory_space<vmem>> -> memref<64xf32, #tpu.memory_space<vmem>>
        %dma_start3A_429 = arith.constant 0 : i32
        %dma_start3A_430 = tpu.memref_slice %arg3[%squeeze3A_420, %dma_start3A_429] : memref<1000000x64xf32, #tpu.memory_space<hbm>> -> memref<1x64xf32, #tpu.memory_space<hbm>>
        %dma_start3A_431 = tpu.memref_squeeze %dma_start3A_430 : memref<1x64xf32, #tpu.memory_space<hbm>> -> memref<64xf32, #tpu.memory_space<hbm>>
        %dma_start3A_432 = arith.constant 0 : i32
        %dma_start3A_433 = tpu.memref_slice %arg6[%dma_start3A_425, %add3A_424, %dma_start3A_432] : memref<2x256x64xf32, #tpu.memory_space<vmem>> -> memref<1x1x64xf32, #tpu.memory_space<vmem>>
        %dma_start3A_434 = tpu.memref_squeeze %dma_start3A_433 : memref<1x1x64xf32, #tpu.memory_space<vmem>> -> memref<64xf32, #tpu.memory_space<vmem>>
        %dma_start3A_435 = arith.constant 0 : i32
        %dma_start3A_436 = tpu.memref_slice %arg3[%squeeze3A_420, %dma_start3A_435] : memref<1000000x64xf32, #tpu.memory_space<hbm>> -> memref<1x64xf32, #tpu.memory_space<hbm>>
        %dma_start3A_437 = tpu.memref_squeeze %dma_start3A_436 : memref<1x64xf32, #tpu.memory_space<hbm>> -> memref<64xf32, #tpu.memory_space<hbm>>
        tpu.enqueue_dma source(%dma_start3A_437 : memref<64xf32, #tpu.memory_space<hbm>>) target(%dma_start3A_434 : memref<64xf32, #tpu.memory_space<vmem>>) target_semaphore(%arg8 : memref<!tpu.dma_semaphore, #tpu.memory_space<semaphore_mem>>)
        %slice3A_438 = vector.extract_strided_slice %get3A_192 {offsets = [13], sizes = [1], strides = [1]} : vector<16xi32> to vector<1xi32>
        %squeeze3A_439 = vector.extract %slice3A_438[0] : i32 from vector<1xi32>
        %mul3A_440 = arith.constant 16 : i32
        %mul3A_441 = arith.muli %scan3A_186, %mul3A_440 : i32
        %add3A_442 = arith.constant 13 : i32
        %add3A_443 = arith.addi %mul3A_441, %add3A_442 : i32
        %dma_start3A_444 = arith.constant 1 : i32
        %dma_start3A_445 = arith.constant 0 : i32
        %dma_start3A_446 = tpu.memref_slice %arg6[%dma_start3A_444, %add3A_443, %dma_start3A_445] : memref<2x256x64xf32, #tpu.memory_space<vmem>> -> memref<1x1x64xf32, #tpu.memory_space<vmem>>
        %dma_start3A_447 = tpu.memref_squeeze %dma_start3A_446 : memref<1x1x64xf32, #tpu.memory_space<vmem>> -> memref<64xf32, #tpu.memory_space<vmem>>
        %dma_start3A_448 = arith.constant 0 : i32
        %dma_start3A_449 = tpu.memref_slice %arg3[%squeeze3A_439, %dma_start3A_448] : memref<1000000x64xf32, #tpu.memory_space<hbm>> -> memref<1x64xf32, #tpu.memory_space<hbm>>
        %dma_start3A_450 = tpu.memref_squeeze %dma_start3A_449 : memref<1x64xf32, #tpu.memory_space<hbm>> -> memref<64xf32, #tpu.memory_space<hbm>>
        %dma_start3A_451 = arith.constant 0 : i32
        %dma_start3A_452 = tpu.memref_slice %arg6[%dma_start3A_444, %add3A_443, %dma_start3A_451] : memref<2x256x64xf32, #tpu.memory_space<vmem>> -> memref<1x1x64xf32, #tpu.memory_space<vmem>>
        %dma_start3A_453 = tpu.memref_squeeze %dma_start3A_452 : memref<1x1x64xf32, #tpu.memory_space<vmem>> -> memref<64xf32, #tpu.memory_space<vmem>>
        %dma_start3A_454 = arith.constant 0 : i32
        %dma_start3A_455 = tpu.memref_slice %arg3[%squeeze3A_439, %dma_start3A_454] : memref<1000000x64xf32, #tpu.memory_space<hbm>> -> memref<1x64xf32, #tpu.memory_space<hbm>>
        %dma_start3A_456 = tpu.memref_squeeze %dma_start3A_455 : memref<1x64xf32, #tpu.memory_space<hbm>> -> memref<64xf32, #tpu.memory_space<hbm>>
        tpu.enqueue_dma source(%dma_start3A_456 : memref<64xf32, #tpu.memory_space<hbm>>) target(%dma_start3A_453 : memref<64xf32, #tpu.memory_space<vmem>>) target_semaphore(%arg8 : memref<!tpu.dma_semaphore, #tpu.memory_space<semaphore_mem>>)
        %slice3A_457 = vector.extract_strided_slice %get3A_192 {offsets = [14], sizes = [1], strides = [1]} : vector<16xi32> to vector<1xi32>
        %squeeze3A_458 = vector.extract %slice3A_457[0] : i32 from vector<1xi32>
        %mul3A_459 = arith.constant 16 : i32
        %mul3A_460 = arith.muli %scan3A_186, %mul3A_459 : i32
        %add3A_461 = arith.constant 14 : i32
        %add3A_462 = arith.addi %mul3A_460, %add3A_461 : i32
        %dma_start3A_463 = arith.constant 1 : i32
        %dma_start3A_464 = arith.constant 0 : i32
        %dma_start3A_465 = tpu.memref_slice %arg6[%dma_start3A_463, %add3A_462, %dma_start3A_464] : memref<2x256x64xf32, #tpu.memory_space<vmem>> -> memref<1x1x64xf32, #tpu.memory_space<vmem>>
        %dma_start3A_466 = tpu.memref_squeeze %dma_start3A_465 : memref<1x1x64xf32, #tpu.memory_space<vmem>> -> memref<64xf32, #tpu.memory_space<vmem>>
        %dma_start3A_467 = arith.constant 0 : i32
        %dma_start3A_468 = tpu.memref_slice %arg3[%squeeze3A_458, %dma_start3A_467] : memref<1000000x64xf32, #tpu.memory_space<hbm>> -> memref<1x64xf32, #tpu.memory_space<hbm>>
        %dma_start3A_469 = tpu.memref_squeeze %dma_start3A_468 : memref<1x64xf32, #tpu.memory_space<hbm>> -> memref<64xf32, #tpu.memory_space<hbm>>
        %dma_start3A_470 = arith.constant 0 : i32
        %dma_start3A_471 = tpu.memref_slice %arg6[%dma_start3A_463, %add3A_462, %dma_start3A_470] : memref<2x256x64xf32, #tpu.memory_space<vmem>> -> memref<1x1x64xf32, #tpu.memory_space<vmem>>
        %dma_start3A_472 = tpu.memref_squeeze %dma_start3A_471 : memref<1x1x64xf32, #tpu.memory_space<vmem>> -> memref<64xf32, #tpu.memory_space<vmem>>
        %dma_start3A_473 = arith.constant 0 : i32
        %dma_start3A_474 = tpu.memref_slice %arg3[%squeeze3A_458, %dma_start3A_473] : memref<1000000x64xf32, #tpu.memory_space<hbm>> -> memref<1x64xf32, #tpu.memory_space<hbm>>
        %dma_start3A_475 = tpu.memref_squeeze %dma_start3A_474 : memref<1x64xf32, #tpu.memory_space<hbm>> -> memref<64xf32, #tpu.memory_space<hbm>>
        tpu.enqueue_dma source(%dma_start3A_475 : memref<64xf32, #tpu.memory_space<hbm>>) target(%dma_start3A_472 : memref<64xf32, #tpu.memory_space<vmem>>) target_semaphore(%arg8 : memref<!tpu.dma_semaphore, #tpu.memory_space<semaphore_mem>>)
        %slice3A_476 = vector.extract_strided_slice %get3A_192 {offsets = [15], sizes = [1], strides = [1]} : vector<16xi32> to vector<1xi32>
        %squeeze3A_477 = vector.extract %slice3A_476[0] : i32 from vector<1xi32>
        %mul3A_478 = arith.constant 16 : i32
        %mul3A_479 = arith.muli %scan3A_186, %mul3A_478 : i32
        %add3A_480 = arith.constant 15 : i32
        %add3A_481 = arith.addi %mul3A_479, %add3A_480 : i32
        %dma_start3A_482 = arith.constant 1 : i32
        %dma_start3A_483 = arith.constant 0 : i32
        %dma_start3A_484 = tpu.memref_slice %arg6[%dma_start3A_482, %add3A_481, %dma_start3A_483] : memref<2x256x64xf32, #tpu.memory_space<vmem>> -> memref<1x1x64xf32, #tpu.memory_space<vmem>>
        %dma_start3A_485 = tpu.memref_squeeze %dma_start3A_484 : memref<1x1x64xf32, #tpu.memory_space<vmem>> -> memref<64xf32, #tpu.memory_space<vmem>>
        %dma_start3A_486 = arith.constant 0 : i32
        %dma_start3A_487 = tpu.memref_slice %arg3[%squeeze3A_477, %dma_start3A_486] : memref<1000000x64xf32, #tpu.memory_space<hbm>> -> memref<1x64xf32, #tpu.memory_space<hbm>>
        %dma_start3A_488 = tpu.memref_squeeze %dma_start3A_487 : memref<1x64xf32, #tpu.memory_space<hbm>> -> memref<64xf32, #tpu.memory_space<hbm>>
        %dma_start3A_489 = arith.constant 0 : i32
        %dma_start3A_490 = tpu.memref_slice %arg6[%dma_start3A_482, %add3A_481, %dma_start3A_489] : memref<2x256x64xf32, #tpu.memory_space<vmem>> -> memref<1x1x64xf32, #tpu.memory_space<vmem>>
        %dma_start3A_491 = tpu.memref_squeeze %dma_start3A_490 : memref<1x1x64xf32, #tpu.memory_space<vmem>> -> memref<64xf32, #tpu.memory_space<vmem>>
        %dma_start3A_492 = arith.constant 0 : i32
        %dma_start3A_493 = tpu.memref_slice %arg3[%squeeze3A_477, %dma_start3A_492] : memref<1000000x64xf32, #tpu.memory_space<hbm>> -> memref<1x64xf32, #tpu.memory_space<hbm>>
        %dma_start3A_494 = tpu.memref_squeeze %dma_start3A_493 : memref<1x64xf32, #tpu.memory_space<hbm>> -> memref<64xf32, #tpu.memory_space<hbm>>
        tpu.enqueue_dma source(%dma_start3A_494 : memref<64xf32, #tpu.memory_space<hbm>>) target(%dma_start3A_491 : memref<64xf32, #tpu.memory_space<vmem>>) target_semaphore(%arg8 : memref<!tpu.dma_semaphore, #tpu.memory_space<semaphore_mem>>)
        %scan3A_495 = arith.constant 1 : i32
        %scan3A_496 = arith.addi %scan3A_186, %scan3A_495 : i32
        %mul3A_497 = arith.constant 16 : i32
        %mul3A_498 = arith.muli %scan3A_496, %mul3A_497 : i32
        %get3A_499 = arith.constant 1 : i32
        %get3A_500 = arith.index_cast %get3A_499 : i32 to index
        %get3A_501 = arith.index_cast %mul3A_498 : i32 to index
        %get3A_502 = tpu.vector_load %arg5[%get3A_500, %get3A_501] {strides = array<i32>} : memref<2x256xi32, #tpu.memory_space<vmem>>, vector<1x16xi32>,
        %get3A_503 = vector.shape_cast %get3A_502 : vector<1x16xi32> to vector<16xi32>
        %slice3A_504 = vector.extract_strided_slice %get3A_503 {offsets = [0], sizes = [1], strides = [1]} : vector<16xi32> to vector<1xi32>
        %squeeze3A_505 = vector.extract %slice3A_504[0] : i32 from vector<1xi32>
        %mul3A_506 = arith.constant 16 : i32
        %mul3A_507 = arith.muli %scan3A_496, %mul3A_506 : i32
        %add3A_508 = arith.constant 0 : i32
        %add3A_509 = arith.addi %mul3A_507, %add3A_508 : i32
        %dma_start3A_510 = arith.constant 1 : i32
        %dma_start3A_511 = arith.constant 0 : i32
        %dma_start3A_512 = tpu.memref_slice %arg6[%dma_start3A_510, %add3A_509, %dma_start3A_511] : memref<2x256x64xf32, #tpu.memory_space<vmem>> -> memref<1x1x64xf32, #tpu.memory_space<vmem>>
        %dma_start3A_513 = tpu.memref_squeeze %dma_start3A_512 : memref<1x1x64xf32, #tpu.memory_space<vmem>> -> memref<64xf32, #tpu.memory_space<vmem>>
        %dma_start3A_514 = arith.constant 0 : i32
        %dma_start3A_515 = tpu.memref_slice %arg3[%squeeze3A_505, %dma_start3A_514] : memref<1000000x64xf32, #tpu.memory_space<hbm>> -> memref<1x64xf32, #tpu.memory_space<hbm>>
        %dma_start3A_516 = tpu.memref_squeeze %dma_start3A_515 : memref<1x64xf32, #tpu.memory_space<hbm>> -> memref<64xf32, #tpu.memory_space<hbm>>
        %dma_start3A_517 = arith.constant 0 : i32
        %dma_start3A_518 = tpu.memref_slice %arg6[%dma_start3A_510, %add3A_509, %dma_start3A_517] : memref<2x256x64xf32, #tpu.memory_space<vmem>> -> memref<1x1x64xf32, #tpu.memory_space<vmem>>
        %dma_start3A_519 = tpu.memref_squeeze %dma_start3A_518 : memref<1x1x64xf32, #tpu.memory_space<vmem>> -> memref<64xf32, #tpu.memory_space<vmem>>
        %dma_start3A_520 = arith.constant 0 : i32
        %dma_start3A_521 = tpu.memref_slice %arg3[%squeeze3A_505, %dma_start3A_520] : memref<1000000x64xf32, #tpu.memory_space<hbm>> -> memref<1x64xf32, #tpu.memory_space<hbm>>
        %dma_start3A_522 = tpu.memref_squeeze %dma_start3A_521 : memref<1x64xf32, #tpu.memory_space<hbm>> -> memref<64xf32, #tpu.memory_space<hbm>>
        tpu.enqueue_dma source(%dma_start3A_522 : memref<64xf32, #tpu.memory_space<hbm>>) target(%dma_start3A_519 : memref<64xf32, #tpu.memory_space<vmem>>) target_semaphore(%arg8 : memref<!tpu.dma_semaphore, #tpu.memory_space<semaphore_mem>>)
        %slice3A_523 = vector.extract_strided_slice %get3A_503 {offsets = [1], sizes = [1], strides = [1]} : vector<16xi32> to vector<1xi32>
        %squeeze3A_524 = vector.extract %slice3A_523[0] : i32 from vector<1xi32>
        %mul3A_525 = arith.constant 16 : i32
        %mul3A_526 = arith.muli %scan3A_496, %mul3A_525 : i32
        %add3A_527 = arith.constant 1 : i32
        %add3A_528 = arith.addi %mul3A_526, %add3A_527 : i32
        %dma_start3A_529 = arith.constant 1 : i32
        %dma_start3A_530 = arith.constant 0 : i32
        %dma_start3A_531 = tpu.memref_slice %arg6[%dma_start3A_529, %add3A_528, %dma_start3A_530] : memref<2x256x64xf32, #tpu.memory_space<vmem>> -> memref<1x1x64xf32, #tpu.memory_space<vmem>>
        %dma_start3A_532 = tpu.memref_squeeze %dma_start3A_531 : memref<1x1x64xf32, #tpu.memory_space<vmem>> -> memref<64xf32, #tpu.memory_space<vmem>>
        %dma_start3A_533 = arith.constant 0 : i32
        %dma_start3A_534 = tpu.memref_slice %arg3[%squeeze3A_524, %dma_start3A_533] : memref<1000000x64xf32, #tpu.memory_space<hbm>> -> memref<1x64xf32, #tpu.memory_space<hbm>>
        %dma_start3A_535 = tpu.memref_squeeze %dma_start3A_534 : memref<1x64xf32, #tpu.memory_space<hbm>> -> memref<64xf32, #tpu.memory_space<hbm>>
        %dma_start3A_536 = arith.constant 0 : i32
        %dma_start3A_537 = tpu.memref_slice %arg6[%dma_start3A_529, %add3A_528, %dma_start3A_536] : memref<2x256x64xf32, #tpu.memory_space<vmem>> -> memref<1x1x64xf32, #tpu.memory_space<vmem>>
        %dma_start3A_538 = tpu.memref_squeeze %dma_start3A_537 : memref<1x1x64xf32, #tpu.memory_space<vmem>> -> memref<64xf32, #tpu.memory_space<vmem>>
        %dma_start3A_539 = arith.constant 0 : i32
        %dma_start3A_540 = tpu.memref_slice %arg3[%squeeze3A_524, %dma_start3A_539] : memref<1000000x64xf32, #tpu.memory_space<hbm>> -> memref<1x64xf32, #tpu.memory_space<hbm>>
        %dma_start3A_541 = tpu.memref_squeeze %dma_start3A_540 : memref<1x64xf32, #tpu.memory_space<hbm>> -> memref<64xf32, #tpu.memory_space<hbm>>
        tpu.enqueue_dma source(%dma_start3A_541 : memref<64xf32, #tpu.memory_space<hbm>>) target(%dma_start3A_538 : memref<64xf32, #tpu.memory_space<vmem>>) target_semaphore(%arg8 : memref<!tpu.dma_semaphore, #tpu.memory_space<semaphore_mem>>)
        %slice3A_542 = vector.extract_strided_slice %get3A_503 {offsets = [2], sizes = [1], strides = [1]} : vector<16xi32> to vector<1xi32>
        %squeeze3A_543 = vector.extract %slice3A_542[0] : i32 from vector<1xi32>
        %mul3A_544 = arith.constant 16 : i32
        %mul3A_545 = arith.muli %scan3A_496, %mul3A_544 : i32
        %add3A_546 = arith.constant 2 : i32
        %add3A_547 = arith.addi %mul3A_545, %add3A_546 : i32
        %dma_start3A_548 = arith.constant 1 : i32
        %dma_start3A_549 = arith.constant 0 : i32
        %dma_start3A_550 = tpu.memref_slice %arg6[%dma_start3A_548, %add3A_547, %dma_start3A_549] : memref<2x256x64xf32, #tpu.memory_space<vmem>> -> memref<1x1x64xf32, #tpu.memory_space<vmem>>
        %dma_start3A_551 = tpu.memref_squeeze %dma_start3A_550 : memref<1x1x64xf32, #tpu.memory_space<vmem>> -> memref<64xf32, #tpu.memory_space<vmem>>
        %dma_start3A_552 = arith.constant 0 : i32
        %dma_start3A_553 = tpu.memref_slice %arg3[%squeeze3A_543, %dma_start3A_552] : memref<1000000x64xf32, #tpu.memory_space<hbm>> -> memref<1x64xf32, #tpu.memory_space<hbm>>
        %dma_start3A_554 = tpu.memref_squeeze %dma_start3A_553 : memref<1x64xf32, #tpu.memory_space<hbm>> -> memref<64xf32, #tpu.memory_space<hbm>>
        %dma_start3A_555 = arith.constant 0 : i32
        %dma_start3A_556 = tpu.memref_slice %arg6[%dma_start3A_548, %add3A_547, %dma_start3A_555] : memref<2x256x64xf32, #tpu.memory_space<vmem>> -> memref<1x1x64xf32, #tpu.memory_space<vmem>>
        %dma_start3A_557 = tpu.memref_squeeze %dma_start3A_556 : memref<1x1x64xf32, #tpu.memory_space<vmem>> -> memref<64xf32, #tpu.memory_space<vmem>>
        %dma_start3A_558 = arith.constant 0 : i32
        %dma_start3A_559 = tpu.memref_slice %arg3[%squeeze3A_543, %dma_start3A_558] : memref<1000000x64xf32, #tpu.memory_space<hbm>> -> memref<1x64xf32, #tpu.memory_space<hbm>>
        %dma_start3A_560 = tpu.memref_squeeze %dma_start3A_559 : memref<1x64xf32, #tpu.memory_space<hbm>> -> memref<64xf32, #tpu.memory_space<hbm>>
        tpu.enqueue_dma source(%dma_start3A_560 : memref<64xf32, #tpu.memory_space<hbm>>) target(%dma_start3A_557 : memref<64xf32, #tpu.memory_space<vmem>>) target_semaphore(%arg8 : memref<!tpu.dma_semaphore, #tpu.memory_space<semaphore_mem>>)
        %slice3A_561 = vector.extract_strided_slice %get3A_503 {offsets = [3], sizes = [1], strides = [1]} : vector<16xi32> to vector<1xi32>
        %squeeze3A_562 = vector.extract %slice3A_561[0] : i32 from vector<1xi32>
        %mul3A_563 = arith.constant 16 : i32
        %mul3A_564 = arith.muli %scan3A_496, %mul3A_563 : i32
        %add3A_565 = arith.constant 3 : i32
        %add3A_566 = arith.addi %mul3A_564, %add3A_565 : i32
        %dma_start3A_567 = arith.constant 1 : i32
        %dma_start3A_568 = arith.constant 0 : i32
        %dma_start3A_569 = tpu.memref_slice %arg6[%dma_start3A_567, %add3A_566, %dma_start3A_568] : memref<2x256x64xf32, #tpu.memory_space<vmem>> -> memref<1x1x64xf32, #tpu.memory_space<vmem>>
        %dma_start3A_570 = tpu.memref_squeeze %dma_start3A_569 : memref<1x1x64xf32, #tpu.memory_space<vmem>> -> memref<64xf32, #tpu.memory_space<vmem>>
        %dma_start3A_571 = arith.constant 0 : i32
        %dma_start3A_572 = tpu.memref_slice %arg3[%squeeze3A_562, %dma_start3A_571] : memref<1000000x64xf32, #tpu.memory_space<hbm>> -> memref<1x64xf32, #tpu.memory_space<hbm>>
        %dma_start3A_573 = tpu.memref_squeeze %dma_start3A_572 : memref<1x64xf32, #tpu.memory_space<hbm>> -> memref<64xf32, #tpu.memory_space<hbm>>
        %dma_start3A_574 = arith.constant 0 : i32
        %dma_start3A_575 = tpu.memref_slice %arg6[%dma_start3A_567, %add3A_566, %dma_start3A_574] : memref<2x256x64xf32, #tpu.memory_space<vmem>> -> memref<1x1x64xf32, #tpu.memory_space<vmem>>
        %dma_start3A_576 = tpu.memref_squeeze %dma_start3A_575 : memref<1x1x64xf32, #tpu.memory_space<vmem>> -> memref<64xf32, #tpu.memory_space<vmem>>
        %dma_start3A_577 = arith.constant 0 : i32
        %dma_start3A_578 = tpu.memref_slice %arg3[%squeeze3A_562, %dma_start3A_577] : memref<1000000x64xf32, #tpu.memory_space<hbm>> -> memref<1x64xf32, #tpu.memory_space<hbm>>
        %dma_start3A_579 = tpu.memref_squeeze %dma_start3A_578 : memref<1x64xf32, #tpu.memory_space<hbm>> -> memref<64xf32, #tpu.memory_space<hbm>>
        tpu.enqueue_dma source(%dma_start3A_579 : memref<64xf32, #tpu.memory_space<hbm>>) target(%dma_start3A_576 : memref<64xf32, #tpu.memory_space<vmem>>) target_semaphore(%arg8 : memref<!tpu.dma_semaphore, #tpu.memory_space<semaphore_mem>>)
        %slice3A_580 = vector.extract_strided_slice %get3A_503 {offsets = [4], sizes = [1], strides = [1]} : vector<16xi32> to vector<1xi32>
        %squeeze3A_581 = vector.extract %slice3A_580[0] : i32 from vector<1xi32>
        %mul3A_582 = arith.constant 16 : i32
        %mul3A_583 = arith.muli %scan3A_496, %mul3A_582 : i32
        %add3A_584 = arith.constant 4 : i32
        %add3A_585 = arith.addi %mul3A_583, %add3A_584 : i32
        %dma_start3A_586 = arith.constant 1 : i32
        %dma_start3A_587 = arith.constant 0 : i32
        %dma_start3A_588 = tpu.memref_slice %arg6[%dma_start3A_586, %add3A_585, %dma_start3A_587] : memref<2x256x64xf32, #tpu.memory_space<vmem>> -> memref<1x1x64xf32, #tpu.memory_space<vmem>>
        %dma_start3A_589 = tpu.memref_squeeze %dma_start3A_588 : memref<1x1x64xf32, #tpu.memory_space<vmem>> -> memref<64xf32, #tpu.memory_space<vmem>>
        %dma_start3A_590 = arith.constant 0 : i32
        %dma_start3A_591 = tpu.memref_slice %arg3[%squeeze3A_581, %dma_start3A_590] : memref<1000000x64xf32, #tpu.memory_space<hbm>> -> memref<1x64xf32, #tpu.memory_space<hbm>>
        %dma_start3A_592 = tpu.memref_squeeze %dma_start3A_591 : memref<1x64xf32, #tpu.memory_space<hbm>> -> memref<64xf32, #tpu.memory_space<hbm>>
        %dma_start3A_593 = arith.constant 0 : i32
        %dma_start3A_594 = tpu.memref_slice %arg6[%dma_start3A_586, %add3A_585, %dma_start3A_593] : memref<2x256x64xf32, #tpu.memory_space<vmem>> -> memref<1x1x64xf32, #tpu.memory_space<vmem>>
        %dma_start3A_595 = tpu.memref_squeeze %dma_start3A_594 : memref<1x1x64xf32, #tpu.memory_space<vmem>> -> memref<64xf32, #tpu.memory_space<vmem>>
        %dma_start3A_596 = arith.constant 0 : i32
        %dma_start3A_597 = tpu.memref_slice %arg3[%squeeze3A_581, %dma_start3A_596] : memref<1000000x64xf32, #tpu.memory_space<hbm>> -> memref<1x64xf32, #tpu.memory_space<hbm>>
        %dma_start3A_598 = tpu.memref_squeeze %dma_start3A_597 : memref<1x64xf32, #tpu.memory_space<hbm>> -> memref<64xf32, #tpu.memory_space<hbm>>
        tpu.enqueue_dma source(%dma_start3A_598 : memref<64xf32, #tpu.memory_space<hbm>>) target(%dma_start3A_595 : memref<64xf32, #tpu.memory_space<vmem>>) target_semaphore(%arg8 : memref<!tpu.dma_semaphore, #tpu.memory_space<semaphore_mem>>)
        %slice3A_599 = vector.extract_strided_slice %get3A_503 {offsets = [5], sizes = [1], strides = [1]} : vector<16xi32> to vector<1xi32>
        %squeeze3A_600 = vector.extract %slice3A_599[0] : i32 from vector<1xi32>
        %mul3A_601 = arith.constant 16 : i32
        %mul3A_602 = arith.muli %scan3A_496, %mul3A_601 : i32
        %add3A_603 = arith.constant 5 : i32
        %add3A_604 = arith.addi %mul3A_602, %add3A_603 : i32
        %dma_start3A_605 = arith.constant 1 : i32
        %dma_start3A_606 = arith.constant 0 : i32
        %dma_start3A_607 = tpu.memref_slice %arg6[%dma_start3A_605, %add3A_604, %dma_start3A_606] : memref<2x256x64xf32, #tpu.memory_space<vmem>> -> memref<1x1x64xf32, #tpu.memory_space<vmem>>
        %dma_start3A_608 = tpu.memref_squeeze %dma_start3A_607 : memref<1x1x64xf32, #tpu.memory_space<vmem>> -> memref<64xf32, #tpu.memory_space<vmem>>
        %dma_start3A_609 = arith.constant 0 : i32
        %dma_start3A_610 = tpu.memref_slice %arg3[%squeeze3A_600, %dma_start3A_609] : memref<1000000x64xf32, #tpu.memory_space<hbm>> -> memref<1x64xf32, #tpu.memory_space<hbm>>
        %dma_start3A_611 = tpu.memref_squeeze %dma_start3A_610 : memref<1x64xf32, #tpu.memory_space<hbm>> -> memref<64xf32, #tpu.memory_space<hbm>>
        %dma_start3A_612 = arith.constant 0 : i32
        %dma_start3A_613 = tpu.memref_slice %arg6[%dma_start3A_605, %add3A_604, %dma_start3A_612] : memref<2x256x64xf32, #tpu.memory_space<vmem>> -> memref<1x1x64xf32, #tpu.memory_space<vmem>>
        %dma_start3A_614 = tpu.memref_squeeze %dma_start3A_613 : memref<1x1x64xf32, #tpu.memory_space<vmem>> -> memref<64xf32, #tpu.memory_space<vmem>>
        %dma_start3A_615 = arith.constant 0 : i32
        %dma_start3A_616 = tpu.memref_slice %arg3[%squeeze3A_600, %dma_start3A_615] : memref<1000000x64xf32, #tpu.memory_space<hbm>> -> memref<1x64xf32, #tpu.memory_space<hbm>>
        %dma_start3A_617 = tpu.memref_squeeze %dma_start3A_616 : memref<1x64xf32, #tpu.memory_space<hbm>> -> memref<64xf32, #tpu.memory_space<hbm>>
        tpu.enqueue_dma source(%dma_start3A_617 : memref<64xf32, #tpu.memory_space<hbm>>) target(%dma_start3A_614 : memref<64xf32, #tpu.memory_space<vmem>>) target_semaphore(%arg8 : memref<!tpu.dma_semaphore, #tpu.memory_space<semaphore_mem>>)
        %slice3A_618 = vector.extract_strided_slice %get3A_503 {offsets = [6], sizes = [1], strides = [1]} : vector<16xi32> to vector<1xi32>
        %squeeze3A_619 = vector.extract %slice3A_618[0] : i32 from vector<1xi32>
        %mul3A_620 = arith.constant 16 : i32
        %mul3A_621 = arith.muli %scan3A_496, %mul3A_620 : i32
        %add3A_622 = arith.constant 6 : i32
        %add3A_623 = arith.addi %mul3A_621, %add3A_622 : i32
        %dma_start3A_624 = arith.constant 1 : i32
        %dma_start3A_625 = arith.constant 0 : i32
        %dma_start3A_626 = tpu.memref_slice %arg6[%dma_start3A_624, %add3A_623, %dma_start3A_625] : memref<2x256x64xf32, #tpu.memory_space<vmem>> -> memref<1x1x64xf32, #tpu.memory_space<vmem>>
        %dma_start3A_627 = tpu.memref_squeeze %dma_start3A_626 : memref<1x1x64xf32, #tpu.memory_space<vmem>> -> memref<64xf32, #tpu.memory_space<vmem>>
        %dma_start3A_628 = arith.constant 0 : i32
        %dma_start3A_629 = tpu.memref_slice %arg3[%squeeze3A_619, %dma_start3A_628] : memref<1000000x64xf32, #tpu.memory_space<hbm>> -> memref<1x64xf32, #tpu.memory_space<hbm>>
        %dma_start3A_630 = tpu.memref_squeeze %dma_start3A_629 : memref<1x64xf32, #tpu.memory_space<hbm>> -> memref<64xf32, #tpu.memory_space<hbm>>
        %dma_start3A_631 = arith.constant 0 : i32
        %dma_start3A_632 = tpu.memref_slice %arg6[%dma_start3A_624, %add3A_623, %dma_start3A_631] : memref<2x256x64xf32, #tpu.memory_space<vmem>> -> memref<1x1x64xf32, #tpu.memory_space<vmem>>
        %dma_start3A_633 = tpu.memref_squeeze %dma_start3A_632 : memref<1x1x64xf32, #tpu.memory_space<vmem>> -> memref<64xf32, #tpu.memory_space<vmem>>
        %dma_start3A_634 = arith.constant 0 : i32
        %dma_start3A_635 = tpu.memref_slice %arg3[%squeeze3A_619, %dma_start3A_634] : memref<1000000x64xf32, #tpu.memory_space<hbm>> -> memref<1x64xf32, #tpu.memory_space<hbm>>
        %dma_start3A_636 = tpu.memref_squeeze %dma_start3A_635 : memref<1x64xf32, #tpu.memory_space<hbm>> -> memref<64xf32, #tpu.memory_space<hbm>>
        tpu.enqueue_dma source(%dma_start3A_636 : memref<64xf32, #tpu.memory_space<hbm>>) target(%dma_start3A_633 : memref<64xf32, #tpu.memory_space<vmem>>) target_semaphore(%arg8 : memref<!tpu.dma_semaphore, #tpu.memory_space<semaphore_mem>>)
        %slice3A_637 = vector.extract_strided_slice %get3A_503 {offsets = [7], sizes = [1], strides = [1]} : vector<16xi32> to vector<1xi32>
        %squeeze3A_638 = vector.extract %slice3A_637[0] : i32 from vector<1xi32>
        %mul3A_639 = arith.constant 16 : i32
        %mul3A_640 = arith.muli %scan3A_496, %mul3A_639 : i32
        %add3A_641 = arith.constant 7 : i32
        %add3A_642 = arith.addi %mul3A_640, %add3A_641 : i32
        %dma_start3A_643 = arith.constant 1 : i32
        %dma_start3A_644 = arith.constant 0 : i32
        %dma_start3A_645 = tpu.memref_slice %arg6[%dma_start3A_643, %add3A_642, %dma_start3A_644] : memref<2x256x64xf32, #tpu.memory_space<vmem>> -> memref<1x1x64xf32, #tpu.memory_space<vmem>>
        %dma_start3A_646 = tpu.memref_squeeze %dma_start3A_645 : memref<1x1x64xf32, #tpu.memory_space<vmem>> -> memref<64xf32, #tpu.memory_space<vmem>>
        %dma_start3A_647 = arith.constant 0 : i32
        %dma_start3A_648 = tpu.memref_slice %arg3[%squeeze3A_638, %dma_start3A_647] : memref<1000000x64xf32, #tpu.memory_space<hbm>> -> memref<1x64xf32, #tpu.memory_space<hbm>>
        %dma_start3A_649 = tpu.memref_squeeze %dma_start3A_648 : memref<1x64xf32, #tpu.memory_space<hbm>> -> memref<64xf32, #tpu.memory_space<hbm>>
        %dma_start3A_650 = arith.constant 0 : i32
        %dma_start3A_651 = tpu.memref_slice %arg6[%dma_start3A_643, %add3A_642, %dma_start3A_650] : memref<2x256x64xf32, #tpu.memory_space<vmem>> -> memref<1x1x64xf32, #tpu.memory_space<vmem>>
        %dma_start3A_652 = tpu.memref_squeeze %dma_start3A_651 : memref<1x1x64xf32, #tpu.memory_space<vmem>> -> memref<64xf32, #tpu.memory_space<vmem>>
        %dma_start3A_653 = arith.constant 0 : i32
        %dma_start3A_654 = tpu.memref_slice %arg3[%squeeze3A_638, %dma_start3A_653] : memref<1000000x64xf32, #tpu.memory_space<hbm>> -> memref<1x64xf32, #tpu.memory_space<hbm>>
        %dma_start3A_655 = tpu.memref_squeeze %dma_start3A_654 : memref<1x64xf32, #tpu.memory_space<hbm>> -> memref<64xf32, #tpu.memory_space<hbm>>
        tpu.enqueue_dma source(%dma_start3A_655 : memref<64xf32, #tpu.memory_space<hbm>>) target(%dma_start3A_652 : memref<64xf32, #tpu.memory_space<vmem>>) target_semaphore(%arg8 : memref<!tpu.dma_semaphore, #tpu.memory_space<semaphore_mem>>)
        %slice3A_656 = vector.extract_strided_slice %get3A_503 {offsets = [8], sizes = [1], strides = [1]} : vector<16xi32> to vector<1xi32>
        %squeeze3A_657 = vector.extract %slice3A_656[0] : i32 from vector<1xi32>
        %mul3A_658 = arith.constant 16 : i32
        %mul3A_659 = arith.muli %scan3A_496, %mul3A_658 : i32
        %add3A_660 = arith.constant 8 : i32
        %add3A_661 = arith.addi %mul3A_659, %add3A_660 : i32
        %dma_start3A_662 = arith.constant 1 : i32
        %dma_start3A_663 = arith.constant 0 : i32
        %dma_start3A_664 = tpu.memref_slice %arg6[%dma_start3A_662, %add3A_661, %dma_start3A_663] : memref<2x256x64xf32, #tpu.memory_space<vmem>> -> memref<1x1x64xf32, #tpu.memory_space<vmem>>
        %dma_start3A_665 = tpu.memref_squeeze %dma_start3A_664 : memref<1x1x64xf32, #tpu.memory_space<vmem>> -> memref<64xf32, #tpu.memory_space<vmem>>
        %dma_start3A_666 = arith.constant 0 : i32
        %dma_start3A_667 = tpu.memref_slice %arg3[%squeeze3A_657, %dma_start3A_666] : memref<1000000x64xf32, #tpu.memory_space<hbm>> -> memref<1x64xf32, #tpu.memory_space<hbm>>
        %dma_start3A_668 = tpu.memref_squeeze %dma_start3A_667 : memref<1x64xf32, #tpu.memory_space<hbm>> -> memref<64xf32, #tpu.memory_space<hbm>>
        %dma_start3A_669 = arith.constant 0 : i32
        %dma_start3A_670 = tpu.memref_slice %arg6[%dma_start3A_662, %add3A_661, %dma_start3A_669] : memref<2x256x64xf32, #tpu.memory_space<vmem>> -> memref<1x1x64xf32, #tpu.memory_space<vmem>>
        %dma_start3A_671 = tpu.memref_squeeze %dma_start3A_670 : memref<1x1x64xf32, #tpu.memory_space<vmem>> -> memref<64xf32, #tpu.memory_space<vmem>>
        %dma_start3A_672 = arith.constant 0 : i32
        %dma_start3A_673 = tpu.memref_slice %arg3[%squeeze3A_657, %dma_start3A_672] : memref<1000000x64xf32, #tpu.memory_space<hbm>> -> memref<1x64xf32, #tpu.memory_space<hbm>>
        %dma_start3A_674 = tpu.memref_squeeze %dma_start3A_673 : memref<1x64xf32, #tpu.memory_space<hbm>> -> memref<64xf32, #tpu.memory_space<hbm>>
        tpu.enqueue_dma source(%dma_start3A_674 : memref<64xf32, #tpu.memory_space<hbm>>) target(%dma_start3A_671 : memref<64xf32, #tpu.memory_space<vmem>>) target_semaphore(%arg8 : memref<!tpu.dma_semaphore, #tpu.memory_space<semaphore_mem>>)
        %slice3A_675 = vector.extract_strided_slice %get3A_503 {offsets = [9], sizes = [1], strides = [1]} : vector<16xi32> to vector<1xi32>
        %squeeze3A_676 = vector.extract %slice3A_675[0] : i32 from vector<1xi32>
        %mul3A_677 = arith.constant 16 : i32
        %mul3A_678 = arith.muli %scan3A_496, %mul3A_677 : i32
        %add3A_679 = arith.constant 9 : i32
        %add3A_680 = arith.addi %mul3A_678, %add3A_679 : i32
        %dma_start3A_681 = arith.constant 1 : i32
        %dma_start3A_682 = arith.constant 0 : i32
        %dma_start3A_683 = tpu.memref_slice %arg6[%dma_start3A_681, %add3A_680, %dma_start3A_682] : memref<2x256x64xf32, #tpu.memory_space<vmem>> -> memref<1x1x64xf32, #tpu.memory_space<vmem>>
        %dma_start3A_684 = tpu.memref_squeeze %dma_start3A_683 : memref<1x1x64xf32, #tpu.memory_space<vmem>> -> memref<64xf32, #tpu.memory_space<vmem>>
        %dma_start3A_685 = arith.constant 0 : i32
        %dma_start3A_686 = tpu.memref_slice %arg3[%squeeze3A_676, %dma_start3A_685] : memref<1000000x64xf32, #tpu.memory_space<hbm>> -> memref<1x64xf32, #tpu.memory_space<hbm>>
        %dma_start3A_687 = tpu.memref_squeeze %dma_start3A_686 : memref<1x64xf32, #tpu.memory_space<hbm>> -> memref<64xf32, #tpu.memory_space<hbm>>
        %dma_start3A_688 = arith.constant 0 : i32
        %dma_start3A_689 = tpu.memref_slice %arg6[%dma_start3A_681, %add3A_680, %dma_start3A_688] : memref<2x256x64xf32, #tpu.memory_space<vmem>> -> memref<1x1x64xf32, #tpu.memory_space<vmem>>
        %dma_start3A_690 = tpu.memref_squeeze %dma_start3A_689 : memref<1x1x64xf32, #tpu.memory_space<vmem>> -> memref<64xf32, #tpu.memory_space<vmem>>
        %dma_start3A_691 = arith.constant 0 : i32
        %dma_start3A_692 = tpu.memref_slice %arg3[%squeeze3A_676, %dma_start3A_691] : memref<1000000x64xf32, #tpu.memory_space<hbm>> -> memref<1x64xf32, #tpu.memory_space<hbm>>
        %dma_start3A_693 = tpu.memref_squeeze %dma_start3A_692 : memref<1x64xf32, #tpu.memory_space<hbm>> -> memref<64xf32, #tpu.memory_space<hbm>>
        tpu.enqueue_dma source(%dma_start3A_693 : memref<64xf32, #tpu.memory_space<hbm>>) target(%dma_start3A_690 : memref<64xf32, #tpu.memory_space<vmem>>) target_semaphore(%arg8 : memref<!tpu.dma_semaphore, #tpu.memory_space<semaphore_mem>>)
        %slice3A_694 = vector.extract_strided_slice %get3A_503 {offsets = [10], sizes = [1], strides = [1]} : vector<16xi32> to vector<1xi32>
        %squeeze3A_695 = vector.extract %slice3A_694[0] : i32 from vector<1xi32>
        %mul3A_696 = arith.constant 16 : i32
        %mul3A_697 = arith.muli %scan3A_496, %mul3A_696 : i32
        %add3A_698 = arith.constant 10 : i32
        %add3A_699 = arith.addi %mul3A_697, %add3A_698 : i32
        %dma_start3A_700 = arith.constant 1 : i32
        %dma_start3A_701 = arith.constant 0 : i32
        %dma_start3A_702 = tpu.memref_slice %arg6[%dma_start3A_700, %add3A_699, %dma_start3A_701] : memref<2x256x64xf32, #tpu.memory_space<vmem>> -> memref<1x1x64xf32, #tpu.memory_space<vmem>>
        %dma_start3A_703 = tpu.memref_squeeze %dma_start3A_702 : memref<1x1x64xf32, #tpu.memory_space<vmem>> -> memref<64xf32, #tpu.memory_space<vmem>>
        %dma_start3A_704 = arith.constant 0 : i32
        %dma_start3A_705 = tpu.memref_slice %arg3[%squeeze3A_695, %dma_start3A_704] : memref<1000000x64xf32, #tpu.memory_space<hbm>> -> memref<1x64xf32, #tpu.memory_space<hbm>>
        %dma_start3A_706 = tpu.memref_squeeze %dma_start3A_705 : memref<1x64xf32, #tpu.memory_space<hbm>> -> memref<64xf32, #tpu.memory_space<hbm>>
        %dma_start3A_707 = arith.constant 0 : i32
        %dma_start3A_708 = tpu.memref_slice %arg6[%dma_start3A_700, %add3A_699, %dma_start3A_707] : memref<2x256x64xf32, #tpu.memory_space<vmem>> -> memref<1x1x64xf32, #tpu.memory_space<vmem>>
        %dma_start3A_709 = tpu.memref_squeeze %dma_start3A_708 : memref<1x1x64xf32, #tpu.memory_space<vmem>> -> memref<64xf32, #tpu.memory_space<vmem>>
        %dma_start3A_710 = arith.constant 0 : i32
        %dma_start3A_711 = tpu.memref_slice %arg3[%squeeze3A_695, %dma_start3A_710] : memref<1000000x64xf32, #tpu.memory_space<hbm>> -> memref<1x64xf32, #tpu.memory_space<hbm>>
        %dma_start3A_712 = tpu.memref_squeeze %dma_start3A_711 : memref<1x64xf32, #tpu.memory_space<hbm>> -> memref<64xf32, #tpu.memory_space<hbm>>
        tpu.enqueue_dma source(%dma_start3A_712 : memref<64xf32, #tpu.memory_space<hbm>>) target(%dma_start3A_709 : memref<64xf32, #tpu.memory_space<vmem>>) target_semaphore(%arg8 : memref<!tpu.dma_semaphore, #tpu.memory_space<semaphore_mem>>)
        %slice3A_713 = vector.extract_strided_slice %get3A_503 {offsets = [11], sizes = [1], strides = [1]} : vector<16xi32> to vector<1xi32>
        %squeeze3A_714 = vector.extract %slice3A_713[0] : i32 from vector<1xi32>
        %mul3A_715 = arith.constant 16 : i32
        %mul3A_716 = arith.muli %scan3A_496, %mul3A_715 : i32
        %add3A_717 = arith.constant 11 : i32
        %add3A_718 = arith.addi %mul3A_716, %add3A_717 : i32
        %dma_start3A_719 = arith.constant 1 : i32
        %dma_start3A_720 = arith.constant 0 : i32
        %dma_start3A_721 = tpu.memref_slice %arg6[%dma_start3A_719, %add3A_718, %dma_start3A_720] : memref<2x256x64xf32, #tpu.memory_space<vmem>> -> memref<1x1x64xf32, #tpu.memory_space<vmem>>
        %dma_start3A_722 = tpu.memref_squeeze %dma_start3A_721 : memref<1x1x64xf32, #tpu.memory_space<vmem>> -> memref<64xf32, #tpu.memory_space<vmem>>
        %dma_start3A_723 = arith.constant 0 : i32
        %dma_start3A_724 = tpu.memref_slice %arg3[%squeeze3A_714, %dma_start3A_723] : memref<1000000x64xf32, #tpu.memory_space<hbm>> -> memref<1x64xf32, #tpu.memory_space<hbm>>
        %dma_start3A_725 = tpu.memref_squeeze %dma_start3A_724 : memref<1x64xf32, #tpu.memory_space<hbm>> -> memref<64xf32, #tpu.memory_space<hbm>>
        %dma_start3A_726 = arith.constant 0 : i32
        %dma_start3A_727 = tpu.memref_slice %arg6[%dma_start3A_719, %add3A_718, %dma_start3A_726] : memref<2x256x64xf32, #tpu.memory_space<vmem>> -> memref<1x1x64xf32, #tpu.memory_space<vmem>>
        %dma_start3A_728 = tpu.memref_squeeze %dma_start3A_727 : memref<1x1x64xf32, #tpu.memory_space<vmem>> -> memref<64xf32, #tpu.memory_space<vmem>>
        %dma_start3A_729 = arith.constant 0 : i32
        %dma_start3A_730 = tpu.memref_slice %arg3[%squeeze3A_714, %dma_start3A_729] : memref<1000000x64xf32, #tpu.memory_space<hbm>> -> memref<1x64xf32, #tpu.memory_space<hbm>>
        %dma_start3A_731 = tpu.memref_squeeze %dma_start3A_730 : memref<1x64xf32, #tpu.memory_space<hbm>> -> memref<64xf32, #tpu.memory_space<hbm>>
        tpu.enqueue_dma source(%dma_start3A_731 : memref<64xf32, #tpu.memory_space<hbm>>) target(%dma_start3A_728 : memref<64xf32, #tpu.memory_space<vmem>>) target_semaphore(%arg8 : memref<!tpu.dma_semaphore, #tpu.memory_space<semaphore_mem>>)
        %slice3A_732 = vector.extract_strided_slice %get3A_503 {offsets = [12], sizes = [1], strides = [1]} : vector<16xi32> to vector<1xi32>
        %squeeze3A_733 = vector.extract %slice3A_732[0] : i32 from vector<1xi32>
        %mul3A_734 = arith.constant 16 : i32
        %mul3A_735 = arith.muli %scan3A_496, %mul3A_734 : i32
        %add3A_736 = arith.constant 12 : i32
        %add3A_737 = arith.addi %mul3A_735, %add3A_736 : i32
        %dma_start3A_738 = arith.constant 1 : i32
        %dma_start3A_739 = arith.constant 0 : i32
        %dma_start3A_740 = tpu.memref_slice %arg6[%dma_start3A_738, %add3A_737, %dma_start3A_739] : memref<2x256x64xf32, #tpu.memory_space<vmem>> -> memref<1x1x64xf32, #tpu.memory_space<vmem>>
        %dma_start3A_741 = tpu.memref_squeeze %dma_start3A_740 : memref<1x1x64xf32, #tpu.memory_space<vmem>> -> memref<64xf32, #tpu.memory_space<vmem>>
        %dma_start3A_742 = arith.constant 0 : i32
        %dma_start3A_743 = tpu.memref_slice %arg3[%squeeze3A_733, %dma_start3A_742] : memref<1000000x64xf32, #tpu.memory_space<hbm>> -> memref<1x64xf32, #tpu.memory_space<hbm>>
        %dma_start3A_744 = tpu.memref_squeeze %dma_start3A_743 : memref<1x64xf32, #tpu.memory_space<hbm>> -> memref<64xf32, #tpu.memory_space<hbm>>
        %dma_start3A_745 = arith.constant 0 : i32
        %dma_start3A_746 = tpu.memref_slice %arg6[%dma_start3A_738, %add3A_737, %dma_start3A_745] : memref<2x256x64xf32, #tpu.memory_space<vmem>> -> memref<1x1x64xf32, #tpu.memory_space<vmem>>
        %dma_start3A_747 = tpu.memref_squeeze %dma_start3A_746 : memref<1x1x64xf32, #tpu.memory_space<vmem>> -> memref<64xf32, #tpu.memory_space<vmem>>
        %dma_start3A_748 = arith.constant 0 : i32
        %dma_start3A_749 = tpu.memref_slice %arg3[%squeeze3A_733, %dma_start3A_748] : memref<1000000x64xf32, #tpu.memory_space<hbm>> -> memref<1x64xf32, #tpu.memory_space<hbm>>
        %dma_start3A_750 = tpu.memref_squeeze %dma_start3A_749 : memref<1x64xf32, #tpu.memory_space<hbm>> -> memref<64xf32, #tpu.memory_space<hbm>>
        tpu.enqueue_dma source(%dma_start3A_750 : memref<64xf32, #tpu.memory_space<hbm>>) target(%dma_start3A_747 : memref<64xf32, #tpu.memory_space<vmem>>) target_semaphore(%arg8 : memref<!tpu.dma_semaphore, #tpu.memory_space<semaphore_mem>>)
        %slice3A_751 = vector.extract_strided_slice %get3A_503 {offsets = [13], sizes = [1], strides = [1]} : vector<16xi32> to vector<1xi32>
        %squeeze3A_752 = vector.extract %slice3A_751[0] : i32 from vector<1xi32>
        %mul3A_753 = arith.constant 16 : i32
        %mul3A_754 = arith.muli %scan3A_496, %mul3A_753 : i32
        %add3A_755 = arith.constant 13 : i32
        %add3A_756 = arith.addi %mul3A_754, %add3A_755 : i32
        %dma_start3A_757 = arith.constant 1 : i32
        %dma_start3A_758 = arith.constant 0 : i32
        %dma_start3A_759 = tpu.memref_slice %arg6[%dma_start3A_757, %add3A_756, %dma_start3A_758] : memref<2x256x64xf32, #tpu.memory_space<vmem>> -> memref<1x1x64xf32, #tpu.memory_space<vmem>>
        %dma_start3A_760 = tpu.memref_squeeze %dma_start3A_759 : memref<1x1x64xf32, #tpu.memory_space<vmem>> -> memref<64xf32, #tpu.memory_space<vmem>>
        %dma_start3A_761 = arith.constant 0 : i32
        %dma_start3A_762 = tpu.memref_slice %arg3[%squeeze3A_752, %dma_start3A_761] : memref<1000000x64xf32, #tpu.memory_space<hbm>> -> memref<1x64xf32, #tpu.memory_space<hbm>>
        %dma_start3A_763 = tpu.memref_squeeze %dma_start3A_762 : memref<1x64xf32, #tpu.memory_space<hbm>> -> memref<64xf32, #tpu.memory_space<hbm>>
        %dma_start3A_764 = arith.constant 0 : i32
        %dma_start3A_765 = tpu.memref_slice %arg6[%dma_start3A_757, %add3A_756, %dma_start3A_764] : memref<2x256x64xf32, #tpu.memory_space<vmem>> -> memref<1x1x64xf32, #tpu.memory_space<vmem>>
        %dma_start3A_766 = tpu.memref_squeeze %dma_start3A_765 : memref<1x1x64xf32, #tpu.memory_space<vmem>> -> memref<64xf32, #tpu.memory_space<vmem>>
        %dma_start3A_767 = arith.constant 0 : i32
        %dma_start3A_768 = tpu.memref_slice %arg3[%squeeze3A_752, %dma_start3A_767] : memref<1000000x64xf32, #tpu.memory_space<hbm>> -> memref<1x64xf32, #tpu.memory_space<hbm>>
        %dma_start3A_769 = tpu.memref_squeeze %dma_start3A_768 : memref<1x64xf32, #tpu.memory_space<hbm>> -> memref<64xf32, #tpu.memory_space<hbm>>
        tpu.enqueue_dma source(%dma_start3A_769 : memref<64xf32, #tpu.memory_space<hbm>>) target(%dma_start3A_766 : memref<64xf32, #tpu.memory_space<vmem>>) target_semaphore(%arg8 : memref<!tpu.dma_semaphore, #tpu.memory_space<semaphore_mem>>)
        %slice3A_770 = vector.extract_strided_slice %get3A_503 {offsets = [14], sizes = [1], strides = [1]} : vector<16xi32> to vector<1xi32>
        %squeeze3A_771 = vector.extract %slice3A_770[0] : i32 from vector<1xi32>
        %mul3A_772 = arith.constant 16 : i32
        %mul3A_773 = arith.muli %scan3A_496, %mul3A_772 : i32
        %add3A_774 = arith.constant 14 : i32
        %add3A_775 = arith.addi %mul3A_773, %add3A_774 : i32
        %dma_start3A_776 = arith.constant 1 : i32
        %dma_start3A_777 = arith.constant 0 : i32
        %dma_start3A_778 = tpu.memref_slice %arg6[%dma_start3A_776, %add3A_775, %dma_start3A_777] : memref<2x256x64xf32, #tpu.memory_space<vmem>> -> memref<1x1x64xf32, #tpu.memory_space<vmem>>
        %dma_start3A_779 = tpu.memref_squeeze %dma_start3A_778 : memref<1x1x64xf32, #tpu.memory_space<vmem>> -> memref<64xf32, #tpu.memory_space<vmem>>
        %dma_start3A_780 = arith.constant 0 : i32
        %dma_start3A_781 = tpu.memref_slice %arg3[%squeeze3A_771, %dma_start3A_780] : memref<1000000x64xf32, #tpu.memory_space<hbm>> -> memref<1x64xf32, #tpu.memory_space<hbm>>
        %dma_start3A_782 = tpu.memref_squeeze %dma_start3A_781 : memref<1x64xf32, #tpu.memory_space<hbm>> -> memref<64xf32, #tpu.memory_space<hbm>>
        %dma_start3A_783 = arith.constant 0 : i32
        %dma_start3A_784 = tpu.memref_slice %arg6[%dma_start3A_776, %add3A_775, %dma_start3A_783] : memref<2x256x64xf32, #tpu.memory_space<vmem>> -> memref<1x1x64xf32, #tpu.memory_space<vmem>>
        %dma_start3A_785 = tpu.memref_squeeze %dma_start3A_784 : memref<1x1x64xf32, #tpu.memory_space<vmem>> -> memref<64xf32, #tpu.memory_space<vmem>>
        %dma_start3A_786 = arith.constant 0 : i32
        %dma_start3A_787 = tpu.memref_slice %arg3[%squeeze3A_771, %dma_start3A_786] : memref<1000000x64xf32, #tpu.memory_space<hbm>> -> memref<1x64xf32, #tpu.memory_space<hbm>>
        %dma_start3A_788 = tpu.memref_squeeze %dma_start3A_787 : memref<1x64xf32, #tpu.memory_space<hbm>> -> memref<64xf32, #tpu.memory_space<hbm>>
        tpu.enqueue_dma source(%dma_start3A_788 : memref<64xf32, #tpu.memory_space<hbm>>) target(%dma_start3A_785 : memref<64xf32, #tpu.memory_space<vmem>>) target_semaphore(%arg8 : memref<!tpu.dma_semaphore, #tpu.memory_space<semaphore_mem>>)
        %slice3A_789 = vector.extract_strided_slice %get3A_503 {offsets = [15], sizes = [1], strides = [1]} : vector<16xi32> to vector<1xi32>
        %squeeze3A_790 = vector.extract %slice3A_789[0] : i32 from vector<1xi32>
        %mul3A_791 = arith.constant 16 : i32
        %mul3A_792 = arith.muli %scan3A_496, %mul3A_791 : i32
        %add3A_793 = arith.constant 15 : i32
        %add3A_794 = arith.addi %mul3A_792, %add3A_793 : i32
        %dma_start3A_795 = arith.constant 1 : i32
        %dma_start3A_796 = arith.constant 0 : i32
        %dma_start3A_797 = tpu.memref_slice %arg6[%dma_start3A_795, %add3A_794, %dma_start3A_796] : memref<2x256x64xf32, #tpu.memory_space<vmem>> -> memref<1x1x64xf32, #tpu.memory_space<vmem>>
        %dma_start3A_798 = tpu.memref_squeeze %dma_start3A_797 : memref<1x1x64xf32, #tpu.memory_space<vmem>> -> memref<64xf32, #tpu.memory_space<vmem>>
        %dma_start3A_799 = arith.constant 0 : i32
        %dma_start3A_800 = tpu.memref_slice %arg3[%squeeze3A_790, %dma_start3A_799] : memref<1000000x64xf32, #tpu.memory_space<hbm>> -> memref<1x64xf32, #tpu.memory_space<hbm>>
        %dma_start3A_801 = tpu.memref_squeeze %dma_start3A_800 : memref<1x64xf32, #tpu.memory_space<hbm>> -> memref<64xf32, #tpu.memory_space<hbm>>
        %dma_start3A_802 = arith.constant 0 : i32
        %dma_start3A_803 = tpu.memref_slice %arg6[%dma_start3A_795, %add3A_794, %dma_start3A_802] : memref<2x256x64xf32, #tpu.memory_space<vmem>> -> memref<1x1x64xf32, #tpu.memory_space<vmem>>
        %dma_start3A_804 = tpu.memref_squeeze %dma_start3A_803 : memref<1x1x64xf32, #tpu.memory_space<vmem>> -> memref<64xf32, #tpu.memory_space<vmem>>
        %dma_start3A_805 = arith.constant 0 : i32
        %dma_start3A_806 = tpu.memref_slice %arg3[%squeeze3A_790, %dma_start3A_805] : memref<1000000x64xf32, #tpu.memory_space<hbm>> -> memref<1x64xf32, #tpu.memory_space<hbm>>
        %dma_start3A_807 = tpu.memref_squeeze %dma_start3A_806 : memref<1x64xf32, #tpu.memory_space<hbm>> -> memref<64xf32, #tpu.memory_space<hbm>>
        tpu.enqueue_dma source(%dma_start3A_807 : memref<64xf32, #tpu.memory_space<hbm>>) target(%dma_start3A_804 : memref<64xf32, #tpu.memory_space<vmem>>) target_semaphore(%arg8 : memref<!tpu.dma_semaphore, #tpu.memory_space<semaphore_mem>>)
      }
      %scan3A_98 = arith.constant 16 : i32
      %add3A_99 = arith.constant 1 : i32
      %add3A_100 = arith.addi %scan3A_60, %add3A_99 : i32
      %lt3A = arith.constant 50 : i32
      %lt3A_101 = arith.cmpi slt, %add3A_100, %lt3A : i32
      %convert_element_type3A_102 = arith.extui %lt3A_101 : i1 to i32
      %cond3A_103 = arith.constant 0 : i32
      %cond3A_104 = arith.cmpi ne, %convert_element_type3A_102, %cond3A_103 : i32
      scf.if %cond3A_104 {
        %add3A_186 = arith.constant 2 : i32
        %add3A_187 = arith.addi %mul3A_62, %add3A_186 : i32
        %mul3A_188 = arith.constant 256 : i32
        %mul3A_189 = arith.muli %add3A_187, %mul3A_188 : i32
        %add3A_190 = arith.addi %mul3A_2, %mul3A_189 : i32
        %dma_start3A_191 = arith.constant 0 : i32
        %dma_start3A_192 = arith.constant 0 : i32
        %dma_start3A_193 = tpu.memref_slice %arg5[%dma_start3A_191, %dma_start3A_192] : memref<2x256xi32, #tpu.memory_space<vmem>> -> memref<1x256xi32, #tpu.memory_space<vmem>>
        %dma_start3A_194 = tpu.memref_squeeze %dma_start3A_193 : memref<1x256xi32, #tpu.memory_space<vmem>> -> memref<256xi32, #tpu.memory_space<vmem>>
        %dma_start3A_195 = tpu.memref_slice %arg2[%add3A_190] : memref<819200xi32, #tpu.memory_space<hbm>> -> memref<256xi32, #tpu.memory_space<hbm>>
        %dma_start3A_196 = arith.constant 0 : i32
        %dma_start3A_197 = tpu.memref_slice %arg5[%dma_start3A_191, %dma_start3A_196] : memref<2x256xi32, #tpu.memory_space<vmem>> -> memref<1x256xi32, #tpu.memory_space<vmem>>
        %dma_start3A_198 = tpu.memref_squeeze %dma_start3A_197 : memref<1x256xi32, #tpu.memory_space<vmem>> -> memref<256xi32, #tpu.memory_space<vmem>>
        %dma_start3A_199 = tpu.memref_slice %arg2[%add3A_190] : memref<819200xi32, #tpu.memory_space<hbm>> -> memref<256xi32, #tpu.memory_space<hbm>>
        tpu.enqueue_dma source(%dma_start3A_199 : memref<256xi32, #tpu.memory_space<hbm>>) target(%dma_start3A_198 : memref<256xi32, #tpu.memory_space<vmem>>) target_semaphore(%arg11 : memref<!tpu.dma_semaphore, #tpu.memory_space<semaphore_mem>>)
      } else {
      }
      %scan3A_105 = arith.constant 0 : i32
      %scan3A_106 = arith.constant 0 : i32
      %scan3A_107 = arith.constant 256 : i32
      %scan3A_108 = arith.addi %scan3A_106, %scan3A_107 : i32
      %scan3A_109 = arith.constant 4 : i32
      scf.for %scan3A_186 = %scan3A_106 to %scan3A_108 step %scan3A_109  : i32 {
        %get3A = arith.constant 0 : i32
        %get3A_187 = arith.index_cast %get3A : i32 to index
        %get3A_188 = arith.index_cast %scan3A_186 : i32 to index
        %get3A_189 = arith.constant 0 : index
        %get3A_190 = tpu.vector_load %arg6[%get3A_187, %get3A_188, %get3A_189] {strides = array<i32>} : memref<2x256x64xf32, #tpu.memory_space<vmem>>, vector<1x1x16xf32>,
        %get3A_191 = vector.shape_cast %get3A_190 : vector<1x1x16xf32> to vector<16xf32>
        %mul3A_192 = arith.constant 8.000000e+00 : f32
        %mul3A_193 = vector.broadcast %mul3A_192 : f32 to vector<16xf32>
        %mul3A_194 = arith.mulf %get3A_191, %mul3A_193 : vector<16xf32>
        %swap3A = arith.constant 0 : i32
        %swap3A_195 = arith.index_cast %swap3A : i32 to index
        %swap3A_196 = arith.index_cast %scan3A_186 : i32 to index
        %swap3A_197 = arith.constant 0 : index
        %swap3A_198 = tpu.vector_load %arg6[%swap3A_195, %swap3A_196, %swap3A_197] {strides = array<i32>} : memref<2x256x64xf32, #tpu.memory_space<vmem>>, vector<1x1x16xf32>,
        %swap3A_199 = vector.shape_cast %swap3A_198 : vector<1x1x16xf32> to vector<16xf32>
        %swap3A_200 = vector.shape_cast %mul3A_194 : vector<16xf32> to vector<1x1x16xf32>
        tpu.vector_store %arg6[%swap3A_195, %swap3A_196, %swap3A_197], %swap3A_200 {strides = array<i32>} : memref<2x256x64xf32, #tpu.memory_space<vmem>>, vector<1x1x16xf32>,
        %get3A_201 = arith.constant 0 : i32
        %get3A_202 = arith.index_cast %get3A_201 : i32 to index
        %get3A_203 = arith.index_cast %scan3A_186 : i32 to index
        %get3A_204 = arith.constant 16 : index
        %get3A_205 = tpu.vector_load %arg6[%get3A_202, %get3A_203, %get3A_204] {strides = array<i32>} : memref<2x256x64xf32, #tpu.memory_space<vmem>>, vector<1x1x16xf32>,
        %get3A_206 = vector.shape_cast %get3A_205 : vector<1x1x16xf32> to vector<16xf32>
        %mul3A_207 = arith.constant 8.000000e+00 : f32
        %mul3A_208 = vector.broadcast %mul3A_207 : f32 to vector<16xf32>
        %mul3A_209 = arith.mulf %get3A_206, %mul3A_208 : vector<16xf32>
        %swap3A_210 = arith.constant 0 : i32
        %swap3A_211 = arith.index_cast %swap3A_210 : i32 to index
        %swap3A_212 = arith.index_cast %scan3A_186 : i32 to index
        %swap3A_213 = arith.constant 16 : index
        %swap3A_214 = tpu.vector_load %arg6[%swap3A_211, %swap3A_212, %swap3A_213] {strides = array<i32>} : memref<2x256x64xf32, #tpu.memory_space<vmem>>, vector<1x1x16xf32>,
        %swap3A_215 = vector.shape_cast %swap3A_214 : vector<1x1x16xf32> to vector<16xf32>
        %swap3A_216 = vector.shape_cast %mul3A_209 : vector<16xf32> to vector<1x1x16xf32>
        tpu.vector_store %arg6[%swap3A_211, %swap3A_212, %swap3A_213], %swap3A_216 {strides = array<i32>} : memref<2x256x64xf32, #tpu.memory_space<vmem>>, vector<1x1x16xf32>,
        %get3A_217 = arith.constant 0 : i32
        %get3A_218 = arith.index_cast %get3A_217 : i32 to index
        %get3A_219 = arith.index_cast %scan3A_186 : i32 to index
        %get3A_220 = arith.constant 32 : index
        %get3A_221 = tpu.vector_load %arg6[%get3A_218, %get3A_219, %get3A_220] {strides = array<i32>} : memref<2x256x64xf32, #tpu.memory_space<vmem>>, vector<1x1x16xf32>,
        %get3A_222 = vector.shape_cast %get3A_221 : vector<1x1x16xf32> to vector<16xf32>
        %mul3A_223 = arith.constant 8.000000e+00 : f32
        %mul3A_224 = vector.broadcast %mul3A_223 : f32 to vector<16xf32>
        %mul3A_225 = arith.mulf %get3A_222, %mul3A_224 : vector<16xf32>
        %swap3A_226 = arith.constant 0 : i32
        %swap3A_227 = arith.index_cast %swap3A_226 : i32 to index
        %swap3A_228 = arith.index_cast %scan3A_186 : i32 to index
        %swap3A_229 = arith.constant 32 : index
        %swap3A_230 = tpu.vector_load %arg6[%swap3A_227, %swap3A_228, %swap3A_229] {strides = array<i32>} : memref<2x256x64xf32, #tpu.memory_space<vmem>>, vector<1x1x16xf32>,
        %swap3A_231 = vector.shape_cast %swap3A_230 : vector<1x1x16xf32> to vector<16xf32>
        %swap3A_232 = vector.shape_cast %mul3A_225 : vector<16xf32> to vector<1x1x16xf32>
        tpu.vector_store %arg6[%swap3A_227, %swap3A_228, %swap3A_229], %swap3A_232 {strides = array<i32>} : memref<2x256x64xf32, #tpu.memory_space<vmem>>, vector<1x1x16xf32>,
        %get3A_233 = arith.constant 0 : i32
        %get3A_234 = arith.index_cast %get3A_233 : i32 to index
        %get3A_235 = arith.index_cast %scan3A_186 : i32 to index
        %get3A_236 = arith.constant 48 : index
        %get3A_237 = tpu.vector_load %arg6[%get3A_234, %get3A_235, %get3A_236] {strides = array<i32>} : memref<2x256x64xf32, #tpu.memory_space<vmem>>, vector<1x1x16xf32>,
        %get3A_238 = vector.shape_cast %get3A_237 : vector<1x1x16xf32> to vector<16xf32>
        %mul3A_239 = arith.constant 8.000000e+00 : f32
        %mul3A_240 = vector.broadcast %mul3A_239 : f32 to vector<16xf32>
        %mul3A_241 = arith.mulf %get3A_238, %mul3A_240 : vector<16xf32>
        %swap3A_242 = arith.constant 0 : i32
        %swap3A_243 = arith.index_cast %swap3A_242 : i32 to index
        %swap3A_244 = arith.index_cast %scan3A_186 : i32 to index
        %swap3A_245 = arith.constant 48 : index
        %swap3A_246 = tpu.vector_load %arg6[%swap3A_243, %swap3A_244, %swap3A_245] {strides = array<i32>} : memref<2x256x64xf32, #tpu.memory_space<vmem>>, vector<1x1x16xf32>,
        %swap3A_247 = vector.shape_cast %swap3A_246 : vector<1x1x16xf32> to vector<16xf32>
        %swap3A_248 = vector.shape_cast %mul3A_241 : vector<16xf32> to vector<1x1x16xf32>
        tpu.vector_store %arg6[%swap3A_243, %swap3A_244, %swap3A_245], %swap3A_248 {strides = array<i32>} : memref<2x256x64xf32, #tpu.memory_space<vmem>>, vector<1x1x16xf32>,
        %scan3A_249 = arith.constant 1 : i32
        %scan3A_250 = arith.addi %scan3A_186, %scan3A_249 : i32
        %get3A_251 = arith.constant 0 : i32
        %get3A_252 = arith.index_cast %get3A_251 : i32 to index
        %get3A_253 = arith.index_cast %scan3A_250 : i32 to index
        %get3A_254 = arith.constant 0 : index
        %get3A_255 = tpu.vector_load %arg6[%get3A_252, %get3A_253, %get3A_254] {strides = array<i32>} : memref<2x256x64xf32, #tpu.memory_space<vmem>>, vector<1x1x16xf32>,
        %get3A_256 = vector.shape_cast %get3A_255 : vector<1x1x16xf32> to vector<16xf32>
        %mul3A_257 = arith.constant 8.000000e+00 : f32
        %mul3A_258 = vector.broadcast %mul3A_257 : f32 to vector<16xf32>
        %mul3A_259 = arith.mulf %get3A_256, %mul3A_258 : vector<16xf32>
        %swap3A_260 = arith.constant 0 : i32
        %swap3A_261 = arith.index_cast %swap3A_260 : i32 to index
        %swap3A_262 = arith.index_cast %scan3A_250 : i32 to index
        %swap3A_263 = arith.constant 0 : index
        %swap3A_264 = tpu.vector_load %arg6[%swap3A_261, %swap3A_262, %swap3A_263] {strides = array<i32>} : memref<2x256x64xf32, #tpu.memory_space<vmem>>, vector<1x1x16xf32>,
        %swap3A_265 = vector.shape_cast %swap3A_264 : vector<1x1x16xf32> to vector<16xf32>
        %swap3A_266 = vector.shape_cast %mul3A_259 : vector<16xf32> to vector<1x1x16xf32>
        tpu.vector_store %arg6[%swap3A_261, %swap3A_262, %swap3A_263], %swap3A_266 {strides = array<i32>} : memref<2x256x64xf32, #tpu.memory_space<vmem>>, vector<1x1x16xf32>,
        %get3A_267 = arith.constant 0 : i32
        %get3A_268 = arith.index_cast %get3A_267 : i32 to index
        %get3A_269 = arith.index_cast %scan3A_250 : i32 to index
        %get3A_270 = arith.constant 16 : index
        %get3A_271 = tpu.vector_load %arg6[%get3A_268, %get3A_269, %get3A_270] {strides = array<i32>} : memref<2x256x64xf32, #tpu.memory_space<vmem>>, vector<1x1x16xf32>,
        %get3A_272 = vector.shape_cast %get3A_271 : vector<1x1x16xf32> to vector<16xf32>
        %mul3A_273 = arith.constant 8.000000e+00 : f32
        %mul3A_274 = vector.broadcast %mul3A_273 : f32 to vector<16xf32>
        %mul3A_275 = arith.mulf %get3A_272, %mul3A_274 : vector<16xf32>
        %swap3A_276 = arith.constant 0 : i32
        %swap3A_277 = arith.index_cast %swap3A_276 : i32 to index
        %swap3A_278 = arith.index_cast %scan3A_250 : i32 to index
        %swap3A_279 = arith.constant 16 : index
        %swap3A_280 = tpu.vector_load %arg6[%swap3A_277, %swap3A_278, %swap3A_279] {strides = array<i32>} : memref<2x256x64xf32, #tpu.memory_space<vmem>>, vector<1x1x16xf32>,
        %swap3A_281 = vector.shape_cast %swap3A_280 : vector<1x1x16xf32> to vector<16xf32>
        %swap3A_282 = vector.shape_cast %mul3A_275 : vector<16xf32> to vector<1x1x16xf32>
        tpu.vector_store %arg6[%swap3A_277, %swap3A_278, %swap3A_279], %swap3A_282 {strides = array<i32>} : memref<2x256x64xf32, #tpu.memory_space<vmem>>, vector<1x1x16xf32>,
        %get3A_283 = arith.constant 0 : i32
        %get3A_284 = arith.index_cast %get3A_283 : i32 to index
        %get3A_285 = arith.index_cast %scan3A_250 : i32 to index
        %get3A_286 = arith.constant 32 : index
        %get3A_287 = tpu.vector_load %arg6[%get3A_284, %get3A_285, %get3A_286] {strides = array<i32>} : memref<2x256x64xf32, #tpu.memory_space<vmem>>, vector<1x1x16xf32>,
        %get3A_288 = vector.shape_cast %get3A_287 : vector<1x1x16xf32> to vector<16xf32>
        %mul3A_289 = arith.constant 8.000000e+00 : f32
        %mul3A_290 = vector.broadcast %mul3A_289 : f32 to vector<16xf32>
        %mul3A_291 = arith.mulf %get3A_288, %mul3A_290 : vector<16xf32>
        %swap3A_292 = arith.constant 0 : i32
        %swap3A_293 = arith.index_cast %swap3A_292 : i32 to index
        %swap3A_294 = arith.index_cast %scan3A_250 : i32 to index
        %swap3A_295 = arith.constant 32 : index
        %swap3A_296 = tpu.vector_load %arg6[%swap3A_293, %swap3A_294, %swap3A_295] {strides = array<i32>} : memref<2x256x64xf32, #tpu.memory_space<vmem>>, vector<1x1x16xf32>,
        %swap3A_297 = vector.shape_cast %swap3A_296 : vector<1x1x16xf32> to vector<16xf32>
        %swap3A_298 = vector.shape_cast %mul3A_291 : vector<16xf32> to vector<1x1x16xf32>
        tpu.vector_store %arg6[%swap3A_293, %swap3A_294, %swap3A_295], %swap3A_298 {strides = array<i32>} : memref<2x256x64xf32, #tpu.memory_space<vmem>>, vector<1x1x16xf32>,
        %get3A_299 = arith.constant 0 : i32
        %get3A_300 = arith.index_cast %get3A_299 : i32 to index
        %get3A_301 = arith.index_cast %scan3A_250 : i32 to index
        %get3A_302 = arith.constant 48 : index
        %get3A_303 = tpu.vector_load %arg6[%get3A_300, %get3A_301, %get3A_302] {strides = array<i32>} : memref<2x256x64xf32, #tpu.memory_space<vmem>>, vector<1x1x16xf32>,
        %get3A_304 = vector.shape_cast %get3A_303 : vector<1x1x16xf32> to vector<16xf32>
        %mul3A_305 = arith.constant 8.000000e+00 : f32
        %mul3A_306 = vector.broadcast %mul3A_305 : f32 to vector<16xf32>
        %mul3A_307 = arith.mulf %get3A_304, %mul3A_306 : vector<16xf32>
        %swap3A_308 = arith.constant 0 : i32
        %swap3A_309 = arith.index_cast %swap3A_308 : i32 to index
        %swap3A_310 = arith.index_cast %scan3A_250 : i32 to index
        %swap3A_311 = arith.constant 48 : index
        %swap3A_312 = tpu.vector_load %arg6[%swap3A_309, %swap3A_310, %swap3A_311] {strides = array<i32>} : memref<2x256x64xf32, #tpu.memory_space<vmem>>, vector<1x1x16xf32>,
        %swap3A_313 = vector.shape_cast %swap3A_312 : vector<1x1x16xf32> to vector<16xf32>
        %swap3A_314 = vector.shape_cast %mul3A_307 : vector<16xf32> to vector<1x1x16xf32>
        tpu.vector_store %arg6[%swap3A_309, %swap3A_310, %swap3A_311], %swap3A_314 {strides = array<i32>} : memref<2x256x64xf32, #tpu.memory_space<vmem>>, vector<1x1x16xf32>,
        %scan3A_315 = arith.constant 2 : i32
        %scan3A_316 = arith.addi %scan3A_186, %scan3A_315 : i32
        %get3A_317 = arith.constant 0 : i32
        %get3A_318 = arith.index_cast %get3A_317 : i32 to index
        %get3A_319 = arith.index_cast %scan3A_316 : i32 to index
        %get3A_320 = arith.constant 0 : index
        %get3A_321 = tpu.vector_load %arg6[%get3A_318, %get3A_319, %get3A_320] {strides = array<i32>} : memref<2x256x64xf32, #tpu.memory_space<vmem>>, vector<1x1x16xf32>,
        %get3A_322 = vector.shape_cast %get3A_321 : vector<1x1x16xf32> to vector<16xf32>
        %mul3A_323 = arith.constant 8.000000e+00 : f32
        %mul3A_324 = vector.broadcast %mul3A_323 : f32 to vector<16xf32>
        %mul3A_325 = arith.mulf %get3A_322, %mul3A_324 : vector<16xf32>
        %swap3A_326 = arith.constant 0 : i32
        %swap3A_327 = arith.index_cast %swap3A_326 : i32 to index
        %swap3A_328 = arith.index_cast %scan3A_316 : i32 to index
        %swap3A_329 = arith.constant 0 : index
        %swap3A_330 = tpu.vector_load %arg6[%swap3A_327, %swap3A_328, %swap3A_329] {strides = array<i32>} : memref<2x256x64xf32, #tpu.memory_space<vmem>>, vector<1x1x16xf32>,
        %swap3A_331 = vector.shape_cast %swap3A_330 : vector<1x1x16xf32> to vector<16xf32>
        %swap3A_332 = vector.shape_cast %mul3A_325 : vector<16xf32> to vector<1x1x16xf32>
        tpu.vector_store %arg6[%swap3A_327, %swap3A_328, %swap3A_329], %swap3A_332 {strides = array<i32>} : memref<2x256x64xf32, #tpu.memory_space<vmem>>, vector<1x1x16xf32>,
        %get3A_333 = arith.constant 0 : i32
        %get3A_334 = arith.index_cast %get3A_333 : i32 to index
        %get3A_335 = arith.index_cast %scan3A_316 : i32 to index
        %get3A_336 = arith.constant 16 : index
        %get3A_337 = tpu.vector_load %arg6[%get3A_334, %get3A_335, %get3A_336] {strides = array<i32>} : memref<2x256x64xf32, #tpu.memory_space<vmem>>, vector<1x1x16xf32>,
        %get3A_338 = vector.shape_cast %get3A_337 : vector<1x1x16xf32> to vector<16xf32>
        %mul3A_339 = arith.constant 8.000000e+00 : f32
        %mul3A_340 = vector.broadcast %mul3A_339 : f32 to vector<16xf32>
        %mul3A_341 = arith.mulf %get3A_338, %mul3A_340 : vector<16xf32>
        %swap3A_342 = arith.constant 0 : i32
        %swap3A_343 = arith.index_cast %swap3A_342 : i32 to index
        %swap3A_344 = arith.index_cast %scan3A_316 : i32 to index
        %swap3A_345 = arith.constant 16 : index
        %swap3A_346 = tpu.vector_load %arg6[%swap3A_343, %swap3A_344, %swap3A_345] {strides = array<i32>} : memref<2x256x64xf32, #tpu.memory_space<vmem>>, vector<1x1x16xf32>,
        %swap3A_347 = vector.shape_cast %swap3A_346 : vector<1x1x16xf32> to vector<16xf32>
        %swap3A_348 = vector.shape_cast %mul3A_341 : vector<16xf32> to vector<1x1x16xf32>
        tpu.vector_store %arg6[%swap3A_343, %swap3A_344, %swap3A_345], %swap3A_348 {strides = array<i32>} : memref<2x256x64xf32, #tpu.memory_space<vmem>>, vector<1x1x16xf32>,
        %get3A_349 = arith.constant 0 : i32
        %get3A_350 = arith.index_cast %get3A_349 : i32 to index
        %get3A_351 = arith.index_cast %scan3A_316 : i32 to index
        %get3A_352 = arith.constant 32 : index
        %get3A_353 = tpu.vector_load %arg6[%get3A_350, %get3A_351, %get3A_352] {strides = array<i32>} : memref<2x256x64xf32, #tpu.memory_space<vmem>>, vector<1x1x16xf32>,
        %get3A_354 = vector.shape_cast %get3A_353 : vector<1x1x16xf32> to vector<16xf32>
        %mul3A_355 = arith.constant 8.000000e+00 : f32
        %mul3A_356 = vector.broadcast %mul3A_355 : f32 to vector<16xf32>
        %mul3A_357 = arith.mulf %get3A_354, %mul3A_356 : vector<16xf32>
        %swap3A_358 = arith.constant 0 : i32
        %swap3A_359 = arith.index_cast %swap3A_358 : i32 to index
        %swap3A_360 = arith.index_cast %scan3A_316 : i32 to index
        %swap3A_361 = arith.constant 32 : index
        %swap3A_362 = tpu.vector_load %arg6[%swap3A_359, %swap3A_360, %swap3A_361] {strides = array<i32>} : memref<2x256x64xf32, #tpu.memory_space<vmem>>, vector<1x1x16xf32>,
        %swap3A_363 = vector.shape_cast %swap3A_362 : vector<1x1x16xf32> to vector<16xf32>
        %swap3A_364 = vector.shape_cast %mul3A_357 : vector<16xf32> to vector<1x1x16xf32>
        tpu.vector_store %arg6[%swap3A_359, %swap3A_360, %swap3A_361], %swap3A_364 {strides = array<i32>} : memref<2x256x64xf32, #tpu.memory_space<vmem>>, vector<1x1x16xf32>,
        %get3A_365 = arith.constant 0 : i32
        %get3A_366 = arith.index_cast %get3A_365 : i32 to index
        %get3A_367 = arith.index_cast %scan3A_316 : i32 to index
        %get3A_368 = arith.constant 48 : index
        %get3A_369 = tpu.vector_load %arg6[%get3A_366, %get3A_367, %get3A_368] {strides = array<i32>} : memref<2x256x64xf32, #tpu.memory_space<vmem>>, vector<1x1x16xf32>,
        %get3A_370 = vector.shape_cast %get3A_369 : vector<1x1x16xf32> to vector<16xf32>
        %mul3A_371 = arith.constant 8.000000e+00 : f32
        %mul3A_372 = vector.broadcast %mul3A_371 : f32 to vector<16xf32>
        %mul3A_373 = arith.mulf %get3A_370, %mul3A_372 : vector<16xf32>
        %swap3A_374 = arith.constant 0 : i32
        %swap3A_375 = arith.index_cast %swap3A_374 : i32 to index
        %swap3A_376 = arith.index_cast %scan3A_316 : i32 to index
        %swap3A_377 = arith.constant 48 : index
        %swap3A_378 = tpu.vector_load %arg6[%swap3A_375, %swap3A_376, %swap3A_377] {strides = array<i32>} : memref<2x256x64xf32, #tpu.memory_space<vmem>>, vector<1x1x16xf32>,
        %swap3A_379 = vector.shape_cast %swap3A_378 : vector<1x1x16xf32> to vector<16xf32>
        %swap3A_380 = vector.shape_cast %mul3A_373 : vector<16xf32> to vector<1x1x16xf32>
        tpu.vector_store %arg6[%swap3A_375, %swap3A_376, %swap3A_377], %swap3A_380 {strides = array<i32>} : memref<2x256x64xf32, #tpu.memory_space<vmem>>, vector<1x1x16xf32>,
        %scan3A_381 = arith.constant 3 : i32
        %scan3A_382 = arith.addi %scan3A_186, %scan3A_381 : i32
        %get3A_383 = arith.constant 0 : i32
        %get3A_384 = arith.index_cast %get3A_383 : i32 to index
        %get3A_385 = arith.index_cast %scan3A_382 : i32 to index
        %get3A_386 = arith.constant 0 : index
        %get3A_387 = tpu.vector_load %arg6[%get3A_384, %get3A_385, %get3A_386] {strides = array<i32>} : memref<2x256x64xf32, #tpu.memory_space<vmem>>, vector<1x1x16xf32>,
        %get3A_388 = vector.shape_cast %get3A_387 : vector<1x1x16xf32> to vector<16xf32>
        %mul3A_389 = arith.constant 8.000000e+00 : f32
        %mul3A_390 = vector.broadcast %mul3A_389 : f32 to vector<16xf32>
        %mul3A_391 = arith.mulf %get3A_388, %mul3A_390 : vector<16xf32>
        %swap3A_392 = arith.constant 0 : i32
        %swap3A_393 = arith.index_cast %swap3A_392 : i32 to index
        %swap3A_394 = arith.index_cast %scan3A_382 : i32 to index
        %swap3A_395 = arith.constant 0 : index
        %swap3A_396 = tpu.vector_load %arg6[%swap3A_393, %swap3A_394, %swap3A_395] {strides = array<i32>} : memref<2x256x64xf32, #tpu.memory_space<vmem>>, vector<1x1x16xf32>,
        %swap3A_397 = vector.shape_cast %swap3A_396 : vector<1x1x16xf32> to vector<16xf32>
        %swap3A_398 = vector.shape_cast %mul3A_391 : vector<16xf32> to vector<1x1x16xf32>
        tpu.vector_store %arg6[%swap3A_393, %swap3A_394, %swap3A_395], %swap3A_398 {strides = array<i32>} : memref<2x256x64xf32, #tpu.memory_space<vmem>>, vector<1x1x16xf32>,
        %get3A_399 = arith.constant 0 : i32
        %get3A_400 = arith.index_cast %get3A_399 : i32 to index
        %get3A_401 = arith.index_cast %scan3A_382 : i32 to index
        %get3A_402 = arith.constant 16 : index
        %get3A_403 = tpu.vector_load %arg6[%get3A_400, %get3A_401, %get3A_402] {strides = array<i32>} : memref<2x256x64xf32, #tpu.memory_space<vmem>>, vector<1x1x16xf32>,
        %get3A_404 = vector.shape_cast %get3A_403 : vector<1x1x16xf32> to vector<16xf32>
        %mul3A_405 = arith.constant 8.000000e+00 : f32
        %mul3A_406 = vector.broadcast %mul3A_405 : f32 to vector<16xf32>
        %mul3A_407 = arith.mulf %get3A_404, %mul3A_406 : vector<16xf32>
        %swap3A_408 = arith.constant 0 : i32
        %swap3A_409 = arith.index_cast %swap3A_408 : i32 to index
        %swap3A_410 = arith.index_cast %scan3A_382 : i32 to index
        %swap3A_411 = arith.constant 16 : index
        %swap3A_412 = tpu.vector_load %arg6[%swap3A_409, %swap3A_410, %swap3A_411] {strides = array<i32>} : memref<2x256x64xf32, #tpu.memory_space<vmem>>, vector<1x1x16xf32>,
        %swap3A_413 = vector.shape_cast %swap3A_412 : vector<1x1x16xf32> to vector<16xf32>
        %swap3A_414 = vector.shape_cast %mul3A_407 : vector<16xf32> to vector<1x1x16xf32>
        tpu.vector_store %arg6[%swap3A_409, %swap3A_410, %swap3A_411], %swap3A_414 {strides = array<i32>} : memref<2x256x64xf32, #tpu.memory_space<vmem>>, vector<1x1x16xf32>,
        %get3A_415 = arith.constant 0 : i32
        %get3A_416 = arith.index_cast %get3A_415 : i32 to index
        %get3A_417 = arith.index_cast %scan3A_382 : i32 to index
        %get3A_418 = arith.constant 32 : index
        %get3A_419 = tpu.vector_load %arg6[%get3A_416, %get3A_417, %get3A_418] {strides = array<i32>} : memref<2x256x64xf32, #tpu.memory_space<vmem>>, vector<1x1x16xf32>,
        %get3A_420 = vector.shape_cast %get3A_419 : vector<1x1x16xf32> to vector<16xf32>
        %mul3A_421 = arith.constant 8.000000e+00 : f32
        %mul3A_422 = vector.broadcast %mul3A_421 : f32 to vector<16xf32>
        %mul3A_423 = arith.mulf %get3A_420, %mul3A_422 : vector<16xf32>
        %swap3A_424 = arith.constant 0 : i32
        %swap3A_425 = arith.index_cast %swap3A_424 : i32 to index
        %swap3A_426 = arith.index_cast %scan3A_382 : i32 to index
        %swap3A_427 = arith.constant 32 : index
        %swap3A_428 = tpu.vector_load %arg6[%swap3A_425, %swap3A_426, %swap3A_427] {strides = array<i32>} : memref<2x256x64xf32, #tpu.memory_space<vmem>>, vector<1x1x16xf32>,
        %swap3A_429 = vector.shape_cast %swap3A_428 : vector<1x1x16xf32> to vector<16xf32>
        %swap3A_430 = vector.shape_cast %mul3A_423 : vector<16xf32> to vector<1x1x16xf32>
        tpu.vector_store %arg6[%swap3A_425, %swap3A_426, %swap3A_427], %swap3A_430 {strides = array<i32>} : memref<2x256x64xf32, #tpu.memory_space<vmem>>, vector<1x1x16xf32>,
        %get3A_431 = arith.constant 0 : i32
        %get3A_432 = arith.index_cast %get3A_431 : i32 to index
        %get3A_433 = arith.index_cast %scan3A_382 : i32 to index
        %get3A_434 = arith.constant 48 : index
        %get3A_435 = tpu.vector_load %arg6[%get3A_432, %get3A_433, %get3A_434] {strides = array<i32>} : memref<2x256x64xf32, #tpu.memory_space<vmem>>, vector<1x1x16xf32>,
        %get3A_436 = vector.shape_cast %get3A_435 : vector<1x1x16xf32> to vector<16xf32>
        %mul3A_437 = arith.constant 8.000000e+00 : f32
        %mul3A_438 = vector.broadcast %mul3A_437 : f32 to vector<16xf32>
        %mul3A_439 = arith.mulf %get3A_436, %mul3A_438 : vector<16xf32>
        %swap3A_440 = arith.constant 0 : i32
        %swap3A_441 = arith.index_cast %swap3A_440 : i32 to index
        %swap3A_442 = arith.index_cast %scan3A_382 : i32 to index
        %swap3A_443 = arith.constant 48 : index
        %swap3A_444 = tpu.vector_load %arg6[%swap3A_441, %swap3A_442, %swap3A_443] {strides = array<i32>} : memref<2x256x64xf32, #tpu.memory_space<vmem>>, vector<1x1x16xf32>,
        %swap3A_445 = vector.shape_cast %swap3A_444 : vector<1x1x16xf32> to vector<16xf32>
        %swap3A_446 = vector.shape_cast %mul3A_439 : vector<16xf32> to vector<1x1x16xf32>
        tpu.vector_store %arg6[%swap3A_441, %swap3A_442, %swap3A_443], %swap3A_446 {strides = array<i32>} : memref<2x256x64xf32, #tpu.memory_space<vmem>>, vector<1x1x16xf32>,
      }
      %scan3A_110 = arith.constant 256 : i32
      %mul3A_111 = arith.constant 256 : i32
      %mul3A_112 = arith.muli %mul3A_62, %mul3A_111 : i32
      %add3A_113 = arith.addi %mul3A_2, %mul3A_112 : i32
      %dma_start3A_114 = arith.constant 0 : i32
      %dma_start3A_115 = arith.constant 0 : i32
      %dma_start3A_116 = arith.constant 0 : i32
      %dma_start3A_117 = tpu.memref_slice %arg6[%dma_start3A_114, %dma_start3A_115, %dma_start3A_116] : memref<2x256x64xf32, #tpu.memory_space<vmem>> -> memref<1x256x64xf32, #tpu.memory_space<vmem>>
      %dma_start3A_118 = tpu.memref_squeeze %dma_start3A_117 : memref<1x256x64xf32, #tpu.memory_space<vmem>> -> memref<256x64xf32, #tpu.memory_space<vmem>>
      %dma_start3A_119 = arith.constant 0 : i32
      %dma_start3A_120 = tpu.memref_slice %arg4[%add3A_113, %dma_start3A_119] : memref<819200x64xf32, #tpu.memory_space<hbm>> -> memref<256x64xf32, #tpu.memory_space<hbm>>
      %dma_start3A_121 = arith.constant 0 : i32
      %dma_start3A_122 = tpu.memref_slice %arg4[%add3A_113, %dma_start3A_121] : memref<819200x64xf32, #tpu.memory_space<hbm>> -> memref<256x64xf32, #tpu.memory_space<hbm>>
      %dma_start3A_123 = arith.constant 0 : i32
      %dma_start3A_124 = arith.constant 0 : i32
      %dma_start3A_125 = tpu.memref_slice %arg6[%dma_start3A_114, %dma_start3A_123, %dma_start3A_124] : memref<2x256x64xf32, #tpu.memory_space<vmem>> -> memref<1x256x64xf32, #tpu.memory_space<vmem>>
      %dma_start3A_126 = tpu.memref_squeeze %dma_start3A_125 : memref<1x256x64xf32, #tpu.memory_space<vmem>> -> memref<256x64xf32, #tpu.memory_space<vmem>>
      tpu.enqueue_dma source(%dma_start3A_126 : memref<256x64xf32, #tpu.memory_space<vmem>>) target(%dma_start3A_122 : memref<256x64xf32, #tpu.memory_space<hbm>>) target_semaphore(%arg9 : memref<!tpu.dma_semaphore, #tpu.memory_space<semaphore_mem>>)
      %dma_wait3A_127 = arith.constant 1 : i32
      %dma_wait3A_128 = arith.constant 0 : i32
      %dma_wait3A_129 = arith.constant 0 : i32
      %dma_wait3A_130 = tpu.memref_slice %arg6[%dma_wait3A_127, %dma_wait3A_128, %dma_wait3A_129] : memref<2x256x64xf32, #tpu.memory_space<vmem>> -> memref<1x256x64xf32, #tpu.memory_space<vmem>>
      %dma_wait3A_131 = tpu.memref_squeeze %dma_wait3A_130 : memref<1x256x64xf32, #tpu.memory_space<vmem>> -> memref<256x64xf32, #tpu.memory_space<vmem>>
      %dma_wait3A_132 = arith.constant 0 : i32
      %dma_wait3A_133 = arith.constant 0 : i32
      %dma_wait3A_134 = tpu.memref_slice %arg3[%dma_wait3A_132, %dma_wait3A_133] : memref<1000000x64xf32, #tpu.memory_space<hbm>> -> memref<256x64xf32, #tpu.memory_space<hbm>>
      %dma_wait3A_135 = arith.constant 0 : i32
      %dma_wait3A_136 = arith.constant 0 : i32
      %dma_wait3A_137 = tpu.memref_slice %arg6[%dma_wait3A_127, %dma_wait3A_135, %dma_wait3A_136] : memref<2x256x64xf32, #tpu.memory_space<vmem>> -> memref<1x256x64xf32, #tpu.memory_space<vmem>>
      %dma_wait3A_138 = tpu.memref_squeeze %dma_wait3A_137 : memref<1x256x64xf32, #tpu.memory_space<vmem>> -> memref<256x64xf32, #tpu.memory_space<vmem>>
      %dma_wait3A_139 = arith.constant 0 : i32
      %dma_wait3A_140 = arith.constant 0 : i32
      %dma_wait3A_141 = tpu.memref_slice %arg3[%dma_wait3A_139, %dma_wait3A_140] : memref<1000000x64xf32, #tpu.memory_space<hbm>> -> memref<256x64xf32, #tpu.memory_space<hbm>>
      tpu.wait_dma2 semaphore(%arg8 : memref<!tpu.dma_semaphore, #tpu.memory_space<semaphore_mem>>) src(%dma_wait3A_141 : memref<256x64xf32, #tpu.memory_space<hbm>>) dst(%dma_wait3A_138 : memref<256x64xf32, #tpu.memory_space<vmem>>)
      %dma_wait3A_142 = arith.constant 0 : i32
      %dma_wait3A_143 = arith.constant 0 : i32
      %dma_wait3A_144 = arith.constant 0 : i32
      %dma_wait3A_145 = tpu.memref_slice %arg6[%dma_wait3A_142, %dma_wait3A_143, %dma_wait3A_144] : memref<2x256x64xf32, #tpu.memory_space<vmem>> -> memref<1x256x64xf32, #tpu.memory_space<vmem>>
      %dma_wait3A_146 = tpu.memref_squeeze %dma_wait3A_145 : memref<1x256x64xf32, #tpu.memory_space<vmem>> -> memref<256x64xf32, #tpu.memory_space<vmem>>
      %dma_wait3A_147 = arith.constant 0 : i32
      %dma_wait3A_148 = arith.constant 0 : i32
      %dma_wait3A_149 = tpu.memref_slice %arg4[%dma_wait3A_147, %dma_wait3A_148] : memref<819200x64xf32, #tpu.memory_space<hbm>> -> memref<256x64xf32, #tpu.memory_space<hbm>>
      %dma_wait3A_150 = arith.constant 0 : i32
      %dma_wait3A_151 = arith.constant 0 : i32
      %dma_wait3A_152 = tpu.memref_slice %arg4[%dma_wait3A_150, %dma_wait3A_151] : memref<819200x64xf32, #tpu.memory_space<hbm>> -> memref<256x64xf32, #tpu.memory_space<hbm>>
      %dma_wait3A_153 = arith.constant 0 : i32
      %dma_wait3A_154 = arith.constant 0 : i32
      %dma_wait3A_155 = tpu.memref_slice %arg6[%dma_wait3A_142, %dma_wait3A_153, %dma_wait3A_154] : memref<2x256x64xf32, #tpu.memory_space<vmem>> -> memref<1x256x64xf32, #tpu.memory_space<vmem>>
      %dma_wait3A_156 = tpu.memref_squeeze %dma_wait3A_155 : memref<1x256x64xf32, #tpu.memory_space<vmem>> -> memref<256x64xf32, #tpu.memory_space<vmem>>
      tpu.wait_dma2 semaphore(%arg9 : memref<!tpu.dma_semaphore, #tpu.memory_space<semaphore_mem>>) src(%dma_wait3A_156 : memref<256x64xf32, #tpu.memory_space<vmem>>) dst(%dma_wait3A_152 : memref<256x64xf32, #tpu.memory_space<hbm>>)
      %add3A_157 = arith.constant 1 : i32
      %add3A_158 = arith.addi %scan3A_60, %add3A_157 : i32
      %lt3A_159 = arith.constant 50 : i32
      %lt3A_160 = arith.cmpi slt, %add3A_158, %lt3A_159 : i32
      %convert_element_type3A_161 = arith.extui %lt3A_160 : i1 to i32
      %cond3A_162 = arith.constant 0 : i32
      %cond3A_163 = arith.cmpi ne, %convert_element_type3A_161, %cond3A_162 : i32
      scf.if %cond3A_163 {
        %dma_wait3A_186 = arith.constant 0 : i32
        %dma_wait3A_187 = arith.constant 0 : i32
        %dma_wait3A_188 = tpu.memref_slice %arg5[%dma_wait3A_186, %dma_wait3A_187] : memref<2x256xi32, #tpu.memory_space<vmem>> -> memref<1x256xi32, #tpu.memory_space<vmem>>
        %dma_wait3A_189 = tpu.memref_squeeze %dma_wait3A_188 : memref<1x256xi32, #tpu.memory_space<vmem>> -> memref<256xi32, #tpu.memory_space<vmem>>
        %dma_wait3A_190 = arith.constant 0 : i32
        %dma_wait3A_191 = tpu.memref_slice %arg2[%dma_wait3A_190] : memref<819200xi32, #tpu.memory_space<hbm>> -> memref<256xi32, #tpu.memory_space<hbm>>
        %dma_wait3A_192 = arith.constant 0 : i32
        %dma_wait3A_193 = tpu.memref_slice %arg5[%dma_wait3A_186, %dma_wait3A_192] : memref<2x256xi32, #tpu.memory_space<vmem>> -> memref<1x256xi32, #tpu.memory_space<vmem>>
        %dma_wait3A_194 = tpu.memref_squeeze %dma_wait3A_193 : memref<1x256xi32, #tpu.memory_space<vmem>> -> memref<256xi32, #tpu.memory_space<vmem>>
        %dma_wait3A_195 = arith.constant 0 : i32
        %dma_wait3A_196 = tpu.memref_slice %arg2[%dma_wait3A_195] : memref<819200xi32, #tpu.memory_space<hbm>> -> memref<256xi32, #tpu.memory_space<hbm>>
        tpu.wait_dma2 semaphore(%arg11 : memref<!tpu.dma_semaphore, #tpu.memory_space<semaphore_mem>>) src(%dma_wait3A_196 : memref<256xi32, #tpu.memory_space<hbm>>) dst(%dma_wait3A_194 : memref<256xi32, #tpu.memory_space<vmem>>)
        %scan3A_197 = arith.constant 0 : i32
        %scan3A_198 = arith.constant 0 : i32
        %scan3A_199 = arith.constant 16 : i32
        %scan3A_200 = arith.addi %scan3A_198, %scan3A_199 : i32
        %scan3A_201 = arith.constant 2 : i32
        scf.for %scan3A_217 = %scan3A_198 to %scan3A_200 step %scan3A_201  : i32 {
          %mul3A_218 = arith.constant 16 : i32
          %mul3A_219 = arith.muli %scan3A_217, %mul3A_218 : i32
          %get3A = arith.constant 0 : i32
          %get3A_220 = arith.index_cast %get3A : i32 to index
          %get3A_221 = arith.index_cast %mul3A_219 : i32 to index
          %get3A_222 = tpu.vector_load %arg5[%get3A_220, %get3A_221] {strides = array<i32>} : memref<2x256xi32, #tpu.memory_space<vmem>>, vector<1x16xi32>,
          %get3A_223 = vector.shape_cast %get3A_222 : vector<1x16xi32> to vector<16xi32>
          %slice3A = vector.extract_strided_slice %get3A_223 {offsets = [0], sizes = [1], strides = [1]} : vector<16xi32> to vector<1xi32>
          %squeeze3A = vector.extract %slice3A[0] : i32 from vector<1xi32>
          %mul3A_224 = arith.constant 16 : i32
          %mul3A_225 = arith.muli %scan3A_217, %mul3A_224 : i32
          %add3A_226 = arith.constant 0 : i32
          %add3A_227 = arith.addi %mul3A_225, %add3A_226 : i32
          %dma_start3A_228 = arith.constant 0 : i32
          %dma_start3A_229 = arith.constant 0 : i32
          %dma_start3A_230 = tpu.memref_slice %arg6[%dma_start3A_228, %add3A_227, %dma_start3A_229] : memref<2x256x64xf32, #tpu.memory_space<vmem>> -> memref<1x1x64xf32, #tpu.memory_space<vmem>>
          %dma_start3A_231 = tpu.memref_squeeze %dma_start3A_230 : memref<1x1x64xf32, #tpu.memory_space<vmem>> -> memref<64xf32, #tpu.memory_space<vmem>>
          %dma_start3A_232 = arith.constant 0 : i32
          %dma_start3A_233 = tpu.memref_slice %arg3[%squeeze3A, %dma_start3A_232] : memref<1000000x64xf32, #tpu.memory_space<hbm>> -> memref<1x64xf32, #tpu.memory_space<hbm>>
          %dma_start3A_234 = tpu.memref_squeeze %dma_start3A_233 : memref<1x64xf32, #tpu.memory_space<hbm>> -> memref<64xf32, #tpu.memory_space<hbm>>
          %dma_start3A_235 = arith.constant 0 : i32
          %dma_start3A_236 = tpu.memref_slice %arg6[%dma_start3A_228, %add3A_227, %dma_start3A_235] : memref<2x256x64xf32, #tpu.memory_space<vmem>> -> memref<1x1x64xf32, #tpu.memory_space<vmem>>
          %dma_start3A_237 = tpu.memref_squeeze %dma_start3A_236 : memref<1x1x64xf32, #tpu.memory_space<vmem>> -> memref<64xf32, #tpu.memory_space<vmem>>
          %dma_start3A_238 = arith.constant 0 : i32
          %dma_start3A_239 = tpu.memref_slice %arg3[%squeeze3A, %dma_start3A_238] : memref<1000000x64xf32, #tpu.memory_space<hbm>> -> memref<1x64xf32, #tpu.memory_space<hbm>>
          %dma_start3A_240 = tpu.memref_squeeze %dma_start3A_239 : memref<1x64xf32, #tpu.memory_space<hbm>> -> memref<64xf32, #tpu.memory_space<hbm>>
          tpu.enqueue_dma source(%dma_start3A_240 : memref<64xf32, #tpu.memory_space<hbm>>) target(%dma_start3A_237 : memref<64xf32, #tpu.memory_space<vmem>>) target_semaphore(%arg7 : memref<!tpu.dma_semaphore, #tpu.memory_space<semaphore_mem>>)
          %slice3A_241 = vector.extract_strided_slice %get3A_223 {offsets = [1], sizes = [1], strides = [1]} : vector<16xi32> to vector<1xi32>
          %squeeze3A_242 = vector.extract %slice3A_241[0] : i32 from vector<1xi32>
          %mul3A_243 = arith.constant 16 : i32
          %mul3A_244 = arith.muli %scan3A_217, %mul3A_243 : i32
          %add3A_245 = arith.constant 1 : i32
          %add3A_246 = arith.addi %mul3A_244, %add3A_245 : i32
          %dma_start3A_247 = arith.constant 0 : i32
          %dma_start3A_248 = arith.constant 0 : i32
          %dma_start3A_249 = tpu.memref_slice %arg6[%dma_start3A_247, %add3A_246, %dma_start3A_248] : memref<2x256x64xf32, #tpu.memory_space<vmem>> -> memref<1x1x64xf32, #tpu.memory_space<vmem>>
          %dma_start3A_250 = tpu.memref_squeeze %dma_start3A_249 : memref<1x1x64xf32, #tpu.memory_space<vmem>> -> memref<64xf32, #tpu.memory_space<vmem>>
          %dma_start3A_251 = arith.constant 0 : i32
          %dma_start3A_252 = tpu.memref_slice %arg3[%squeeze3A_242, %dma_start3A_251] : memref<1000000x64xf32, #tpu.memory_space<hbm>> -> memref<1x64xf32, #tpu.memory_space<hbm>>
          %dma_start3A_253 = tpu.memref_squeeze %dma_start3A_252 : memref<1x64xf32, #tpu.memory_space<hbm>> -> memref<64xf32, #tpu.memory_space<hbm>>
          %dma_start3A_254 = arith.constant 0 : i32
          %dma_start3A_255 = tpu.memref_slice %arg6[%dma_start3A_247, %add3A_246, %dma_start3A_254] : memref<2x256x64xf32, #tpu.memory_space<vmem>> -> memref<1x1x64xf32, #tpu.memory_space<vmem>>
          %dma_start3A_256 = tpu.memref_squeeze %dma_start3A_255 : memref<1x1x64xf32, #tpu.memory_space<vmem>> -> memref<64xf32, #tpu.memory_space<vmem>>
          %dma_start3A_257 = arith.constant 0 : i32
          %dma_start3A_258 = tpu.memref_slice %arg3[%squeeze3A_242, %dma_start3A_257] : memref<1000000x64xf32, #tpu.memory_space<hbm>> -> memref<1x64xf32, #tpu.memory_space<hbm>>
          %dma_start3A_259 = tpu.memref_squeeze %dma_start3A_258 : memref<1x64xf32, #tpu.memory_space<hbm>> -> memref<64xf32, #tpu.memory_space<hbm>>
          tpu.enqueue_dma source(%dma_start3A_259 : memref<64xf32, #tpu.memory_space<hbm>>) target(%dma_start3A_256 : memref<64xf32, #tpu.memory_space<vmem>>) target_semaphore(%arg7 : memref<!tpu.dma_semaphore, #tpu.memory_space<semaphore_mem>>)
          %slice3A_260 = vector.extract_strided_slice %get3A_223 {offsets = [2], sizes = [1], strides = [1]} : vector<16xi32> to vector<1xi32>
          %squeeze3A_261 = vector.extract %slice3A_260[0] : i32 from vector<1xi32>
          %mul3A_262 = arith.constant 16 : i32
          %mul3A_263 = arith.muli %scan3A_217, %mul3A_262 : i32
          %add3A_264 = arith.constant 2 : i32
          %add3A_265 = arith.addi %mul3A_263, %add3A_264 : i32
          %dma_start3A_266 = arith.constant 0 : i32
          %dma_start3A_267 = arith.constant 0 : i32
          %dma_start3A_268 = tpu.memref_slice %arg6[%dma_start3A_266, %add3A_265, %dma_start3A_267] : memref<2x256x64xf32, #tpu.memory_space<vmem>> -> memref<1x1x64xf32, #tpu.memory_space<vmem>>
          %dma_start3A_269 = tpu.memref_squeeze %dma_start3A_268 : memref<1x1x64xf32, #tpu.memory_space<vmem>> -> memref<64xf32, #tpu.memory_space<vmem>>
          %dma_start3A_270 = arith.constant 0 : i32
          %dma_start3A_271 = tpu.memref_slice %arg3[%squeeze3A_261, %dma_start3A_270] : memref<1000000x64xf32, #tpu.memory_space<hbm>> -> memref<1x64xf32, #tpu.memory_space<hbm>>
          %dma_start3A_272 = tpu.memref_squeeze %dma_start3A_271 : memref<1x64xf32, #tpu.memory_space<hbm>> -> memref<64xf32, #tpu.memory_space<hbm>>
          %dma_start3A_273 = arith.constant 0 : i32
          %dma_start3A_274 = tpu.memref_slice %arg6[%dma_start3A_266, %add3A_265, %dma_start3A_273] : memref<2x256x64xf32, #tpu.memory_space<vmem>> -> memref<1x1x64xf32, #tpu.memory_space<vmem>>
          %dma_start3A_275 = tpu.memref_squeeze %dma_start3A_274 : memref<1x1x64xf32, #tpu.memory_space<vmem>> -> memref<64xf32, #tpu.memory_space<vmem>>
          %dma_start3A_276 = arith.constant 0 : i32
          %dma_start3A_277 = tpu.memref_slice %arg3[%squeeze3A_261, %dma_start3A_276] : memref<1000000x64xf32, #tpu.memory_space<hbm>> -> memref<1x64xf32, #tpu.memory_space<hbm>>
          %dma_start3A_278 = tpu.memref_squeeze %dma_start3A_277 : memref<1x64xf32, #tpu.memory_space<hbm>> -> memref<64xf32, #tpu.memory_space<hbm>>
          tpu.enqueue_dma source(%dma_start3A_278 : memref<64xf32, #tpu.memory_space<hbm>>) target(%dma_start3A_275 : memref<64xf32, #tpu.memory_space<vmem>>) target_semaphore(%arg7 : memref<!tpu.dma_semaphore, #tpu.memory_space<semaphore_mem>>)
          %slice3A_279 = vector.extract_strided_slice %get3A_223 {offsets = [3], sizes = [1], strides = [1]} : vector<16xi32> to vector<1xi32>
          %squeeze3A_280 = vector.extract %slice3A_279[0] : i32 from vector<1xi32>
          %mul3A_281 = arith.constant 16 : i32
          %mul3A_282 = arith.muli %scan3A_217, %mul3A_281 : i32
          %add3A_283 = arith.constant 3 : i32
          %add3A_284 = arith.addi %mul3A_282, %add3A_283 : i32
          %dma_start3A_285 = arith.constant 0 : i32
          %dma_start3A_286 = arith.constant 0 : i32
          %dma_start3A_287 = tpu.memref_slice %arg6[%dma_start3A_285, %add3A_284, %dma_start3A_286] : memref<2x256x64xf32, #tpu.memory_space<vmem>> -> memref<1x1x64xf32, #tpu.memory_space<vmem>>
          %dma_start3A_288 = tpu.memref_squeeze %dma_start3A_287 : memref<1x1x64xf32, #tpu.memory_space<vmem>> -> memref<64xf32, #tpu.memory_space<vmem>>
          %dma_start3A_289 = arith.constant 0 : i32
          %dma_start3A_290 = tpu.memref_slice %arg3[%squeeze3A_280, %dma_start3A_289] : memref<1000000x64xf32, #tpu.memory_space<hbm>> -> memref<1x64xf32, #tpu.memory_space<hbm>>
          %dma_start3A_291 = tpu.memref_squeeze %dma_start3A_290 : memref<1x64xf32, #tpu.memory_space<hbm>> -> memref<64xf32, #tpu.memory_space<hbm>>
          %dma_start3A_292 = arith.constant 0 : i32
          %dma_start3A_293 = tpu.memref_slice %arg6[%dma_start3A_285, %add3A_284, %dma_start3A_292] : memref<2x256x64xf32, #tpu.memory_space<vmem>> -> memref<1x1x64xf32, #tpu.memory_space<vmem>>
          %dma_start3A_294 = tpu.memref_squeeze %dma_start3A_293 : memref<1x1x64xf32, #tpu.memory_space<vmem>> -> memref<64xf32, #tpu.memory_space<vmem>>
          %dma_start3A_295 = arith.constant 0 : i32
          %dma_start3A_296 = tpu.memref_slice %arg3[%squeeze3A_280, %dma_start3A_295] : memref<1000000x64xf32, #tpu.memory_space<hbm>> -> memref<1x64xf32, #tpu.memory_space<hbm>>
          %dma_start3A_297 = tpu.memref_squeeze %dma_start3A_296 : memref<1x64xf32, #tpu.memory_space<hbm>> -> memref<64xf32, #tpu.memory_space<hbm>>
          tpu.enqueue_dma source(%dma_start3A_297 : memref<64xf32, #tpu.memory_space<hbm>>) target(%dma_start3A_294 : memref<64xf32, #tpu.memory_space<vmem>>) target_semaphore(%arg7 : memref<!tpu.dma_semaphore, #tpu.memory_space<semaphore_mem>>)
          %slice3A_298 = vector.extract_strided_slice %get3A_223 {offsets = [4], sizes = [1], strides = [1]} : vector<16xi32> to vector<1xi32>
          %squeeze3A_299 = vector.extract %slice3A_298[0] : i32 from vector<1xi32>
          %mul3A_300 = arith.constant 16 : i32
          %mul3A_301 = arith.muli %scan3A_217, %mul3A_300 : i32
          %add3A_302 = arith.constant 4 : i32
          %add3A_303 = arith.addi %mul3A_301, %add3A_302 : i32
          %dma_start3A_304 = arith.constant 0 : i32
          %dma_start3A_305 = arith.constant 0 : i32
          %dma_start3A_306 = tpu.memref_slice %arg6[%dma_start3A_304, %add3A_303, %dma_start3A_305] : memref<2x256x64xf32, #tpu.memory_space<vmem>> -> memref<1x1x64xf32, #tpu.memory_space<vmem>>
          %dma_start3A_307 = tpu.memref_squeeze %dma_start3A_306 : memref<1x1x64xf32, #tpu.memory_space<vmem>> -> memref<64xf32, #tpu.memory_space<vmem>>
          %dma_start3A_308 = arith.constant 0 : i32
          %dma_start3A_309 = tpu.memref_slice %arg3[%squeeze3A_299, %dma_start3A_308] : memref<1000000x64xf32, #tpu.memory_space<hbm>> -> memref<1x64xf32, #tpu.memory_space<hbm>>
          %dma_start3A_310 = tpu.memref_squeeze %dma_start3A_309 : memref<1x64xf32, #tpu.memory_space<hbm>> -> memref<64xf32, #tpu.memory_space<hbm>>
          %dma_start3A_311 = arith.constant 0 : i32
          %dma_start3A_312 = tpu.memref_slice %arg6[%dma_start3A_304, %add3A_303, %dma_start3A_311] : memref<2x256x64xf32, #tpu.memory_space<vmem>> -> memref<1x1x64xf32, #tpu.memory_space<vmem>>
          %dma_start3A_313 = tpu.memref_squeeze %dma_start3A_312 : memref<1x1x64xf32, #tpu.memory_space<vmem>> -> memref<64xf32, #tpu.memory_space<vmem>>
          %dma_start3A_314 = arith.constant 0 : i32
          %dma_start3A_315 = tpu.memref_slice %arg3[%squeeze3A_299, %dma_start3A_314] : memref<1000000x64xf32, #tpu.memory_space<hbm>> -> memref<1x64xf32, #tpu.memory_space<hbm>>
          %dma_start3A_316 = tpu.memref_squeeze %dma_start3A_315 : memref<1x64xf32, #tpu.memory_space<hbm>> -> memref<64xf32, #tpu.memory_space<hbm>>
          tpu.enqueue_dma source(%dma_start3A_316 : memref<64xf32, #tpu.memory_space<hbm>>) target(%dma_start3A_313 : memref<64xf32, #tpu.memory_space<vmem>>) target_semaphore(%arg7 : memref<!tpu.dma_semaphore, #tpu.memory_space<semaphore_mem>>)
          %slice3A_317 = vector.extract_strided_slice %get3A_223 {offsets = [5], sizes = [1], strides = [1]} : vector<16xi32> to vector<1xi32>
          %squeeze3A_318 = vector.extract %slice3A_317[0] : i32 from vector<1xi32>
          %mul3A_319 = arith.constant 16 : i32
          %mul3A_320 = arith.muli %scan3A_217, %mul3A_319 : i32
          %add3A_321 = arith.constant 5 : i32
          %add3A_322 = arith.addi %mul3A_320, %add3A_321 : i32
          %dma_start3A_323 = arith.constant 0 : i32
          %dma_start3A_324 = arith.constant 0 : i32
          %dma_start3A_325 = tpu.memref_slice %arg6[%dma_start3A_323, %add3A_322, %dma_start3A_324] : memref<2x256x64xf32, #tpu.memory_space<vmem>> -> memref<1x1x64xf32, #tpu.memory_space<vmem>>
          %dma_start3A_326 = tpu.memref_squeeze %dma_start3A_325 : memref<1x1x64xf32, #tpu.memory_space<vmem>> -> memref<64xf32, #tpu.memory_space<vmem>>
          %dma_start3A_327 = arith.constant 0 : i32
          %dma_start3A_328 = tpu.memref_slice %arg3[%squeeze3A_318, %dma_start3A_327] : memref<1000000x64xf32, #tpu.memory_space<hbm>> -> memref<1x64xf32, #tpu.memory_space<hbm>>
          %dma_start3A_329 = tpu.memref_squeeze %dma_start3A_328 : memref<1x64xf32, #tpu.memory_space<hbm>> -> memref<64xf32, #tpu.memory_space<hbm>>
          %dma_start3A_330 = arith.constant 0 : i32
          %dma_start3A_331 = tpu.memref_slice %arg6[%dma_start3A_323, %add3A_322, %dma_start3A_330] : memref<2x256x64xf32, #tpu.memory_space<vmem>> -> memref<1x1x64xf32, #tpu.memory_space<vmem>>
          %dma_start3A_332 = tpu.memref_squeeze %dma_start3A_331 : memref<1x1x64xf32, #tpu.memory_space<vmem>> -> memref<64xf32, #tpu.memory_space<vmem>>
          %dma_start3A_333 = arith.constant 0 : i32
          %dma_start3A_334 = tpu.memref_slice %arg3[%squeeze3A_318, %dma_start3A_333] : memref<1000000x64xf32, #tpu.memory_space<hbm>> -> memref<1x64xf32, #tpu.memory_space<hbm>>
          %dma_start3A_335 = tpu.memref_squeeze %dma_start3A_334 : memref<1x64xf32, #tpu.memory_space<hbm>> -> memref<64xf32, #tpu.memory_space<hbm>>
          tpu.enqueue_dma source(%dma_start3A_335 : memref<64xf32, #tpu.memory_space<hbm>>) target(%dma_start3A_332 : memref<64xf32, #tpu.memory_space<vmem>>) target_semaphore(%arg7 : memref<!tpu.dma_semaphore, #tpu.memory_space<semaphore_mem>>)
          %slice3A_336 = vector.extract_strided_slice %get3A_223 {offsets = [6], sizes = [1], strides = [1]} : vector<16xi32> to vector<1xi32>
          %squeeze3A_337 = vector.extract %slice3A_336[0] : i32 from vector<1xi32>
          %mul3A_338 = arith.constant 16 : i32
          %mul3A_339 = arith.muli %scan3A_217, %mul3A_338 : i32
          %add3A_340 = arith.constant 6 : i32
          %add3A_341 = arith.addi %mul3A_339, %add3A_340 : i32
          %dma_start3A_342 = arith.constant 0 : i32
          %dma_start3A_343 = arith.constant 0 : i32
          %dma_start3A_344 = tpu.memref_slice %arg6[%dma_start3A_342, %add3A_341, %dma_start3A_343] : memref<2x256x64xf32, #tpu.memory_space<vmem>> -> memref<1x1x64xf32, #tpu.memory_space<vmem>>
          %dma_start3A_345 = tpu.memref_squeeze %dma_start3A_344 : memref<1x1x64xf32, #tpu.memory_space<vmem>> -> memref<64xf32, #tpu.memory_space<vmem>>
          %dma_start3A_346 = arith.constant 0 : i32
          %dma_start3A_347 = tpu.memref_slice %arg3[%squeeze3A_337, %dma_start3A_346] : memref<1000000x64xf32, #tpu.memory_space<hbm>> -> memref<1x64xf32, #tpu.memory_space<hbm>>
          %dma_start3A_348 = tpu.memref_squeeze %dma_start3A_347 : memref<1x64xf32, #tpu.memory_space<hbm>> -> memref<64xf32, #tpu.memory_space<hbm>>
          %dma_start3A_349 = arith.constant 0 : i32
          %dma_start3A_350 = tpu.memref_slice %arg6[%dma_start3A_342, %add3A_341, %dma_start3A_349] : memref<2x256x64xf32, #tpu.memory_space<vmem>> -> memref<1x1x64xf32, #tpu.memory_space<vmem>>
          %dma_start3A_351 = tpu.memref_squeeze %dma_start3A_350 : memref<1x1x64xf32, #tpu.memory_space<vmem>> -> memref<64xf32, #tpu.memory_space<vmem>>
          %dma_start3A_352 = arith.constant 0 : i32
          %dma_start3A_353 = tpu.memref_slice %arg3[%squeeze3A_337, %dma_start3A_352] : memref<1000000x64xf32, #tpu.memory_space<hbm>> -> memref<1x64xf32, #tpu.memory_space<hbm>>
          %dma_start3A_354 = tpu.memref_squeeze %dma_start3A_353 : memref<1x64xf32, #tpu.memory_space<hbm>> -> memref<64xf32, #tpu.memory_space<hbm>>
          tpu.enqueue_dma source(%dma_start3A_354 : memref<64xf32, #tpu.memory_space<hbm>>) target(%dma_start3A_351 : memref<64xf32, #tpu.memory_space<vmem>>) target_semaphore(%arg7 : memref<!tpu.dma_semaphore, #tpu.memory_space<semaphore_mem>>)
          %slice3A_355 = vector.extract_strided_slice %get3A_223 {offsets = [7], sizes = [1], strides = [1]} : vector<16xi32> to vector<1xi32>
          %squeeze3A_356 = vector.extract %slice3A_355[0] : i32 from vector<1xi32>
          %mul3A_357 = arith.constant 16 : i32
          %mul3A_358 = arith.muli %scan3A_217, %mul3A_357 : i32
          %add3A_359 = arith.constant 7 : i32
          %add3A_360 = arith.addi %mul3A_358, %add3A_359 : i32
          %dma_start3A_361 = arith.constant 0 : i32
          %dma_start3A_362 = arith.constant 0 : i32
          %dma_start3A_363 = tpu.memref_slice %arg6[%dma_start3A_361, %add3A_360, %dma_start3A_362] : memref<2x256x64xf32, #tpu.memory_space<vmem>> -> memref<1x1x64xf32, #tpu.memory_space<vmem>>
          %dma_start3A_364 = tpu.memref_squeeze %dma_start3A_363 : memref<1x1x64xf32, #tpu.memory_space<vmem>> -> memref<64xf32, #tpu.memory_space<vmem>>
          %dma_start3A_365 = arith.constant 0 : i32
          %dma_start3A_366 = tpu.memref_slice %arg3[%squeeze3A_356, %dma_start3A_365] : memref<1000000x64xf32, #tpu.memory_space<hbm>> -> memref<1x64xf32, #tpu.memory_space<hbm>>
          %dma_start3A_367 = tpu.memref_squeeze %dma_start3A_366 : memref<1x64xf32, #tpu.memory_space<hbm>> -> memref<64xf32, #tpu.memory_space<hbm>>
          %dma_start3A_368 = arith.constant 0 : i32
          %dma_start3A_369 = tpu.memref_slice %arg6[%dma_start3A_361, %add3A_360, %dma_start3A_368] : memref<2x256x64xf32, #tpu.memory_space<vmem>> -> memref<1x1x64xf32, #tpu.memory_space<vmem>>
          %dma_start3A_370 = tpu.memref_squeeze %dma_start3A_369 : memref<1x1x64xf32, #tpu.memory_space<vmem>> -> memref<64xf32, #tpu.memory_space<vmem>>
          %dma_start3A_371 = arith.constant 0 : i32
          %dma_start3A_372 = tpu.memref_slice %arg3[%squeeze3A_356, %dma_start3A_371] : memref<1000000x64xf32, #tpu.memory_space<hbm>> -> memref<1x64xf32, #tpu.memory_space<hbm>>
          %dma_start3A_373 = tpu.memref_squeeze %dma_start3A_372 : memref<1x64xf32, #tpu.memory_space<hbm>> -> memref<64xf32, #tpu.memory_space<hbm>>
          tpu.enqueue_dma source(%dma_start3A_373 : memref<64xf32, #tpu.memory_space<hbm>>) target(%dma_start3A_370 : memref<64xf32, #tpu.memory_space<vmem>>) target_semaphore(%arg7 : memref<!tpu.dma_semaphore, #tpu.memory_space<semaphore_mem>>)
          %slice3A_374 = vector.extract_strided_slice %get3A_223 {offsets = [8], sizes = [1], strides = [1]} : vector<16xi32> to vector<1xi32>
          %squeeze3A_375 = vector.extract %slice3A_374[0] : i32 from vector<1xi32>
          %mul3A_376 = arith.constant 16 : i32
          %mul3A_377 = arith.muli %scan3A_217, %mul3A_376 : i32
          %add3A_378 = arith.constant 8 : i32
          %add3A_379 = arith.addi %mul3A_377, %add3A_378 : i32
          %dma_start3A_380 = arith.constant 0 : i32
          %dma_start3A_381 = arith.constant 0 : i32
          %dma_start3A_382 = tpu.memref_slice %arg6[%dma_start3A_380, %add3A_379, %dma_start3A_381] : memref<2x256x64xf32, #tpu.memory_space<vmem>> -> memref<1x1x64xf32, #tpu.memory_space<vmem>>
          %dma_start3A_383 = tpu.memref_squeeze %dma_start3A_382 : memref<1x1x64xf32, #tpu.memory_space<vmem>> -> memref<64xf32, #tpu.memory_space<vmem>>
          %dma_start3A_384 = arith.constant 0 : i32
          %dma_start3A_385 = tpu.memref_slice %arg3[%squeeze3A_375, %dma_start3A_384] : memref<1000000x64xf32, #tpu.memory_space<hbm>> -> memref<1x64xf32, #tpu.memory_space<hbm>>
          %dma_start3A_386 = tpu.memref_squeeze %dma_start3A_385 : memref<1x64xf32, #tpu.memory_space<hbm>> -> memref<64xf32, #tpu.memory_space<hbm>>
          %dma_start3A_387 = arith.constant 0 : i32
          %dma_start3A_388 = tpu.memref_slice %arg6[%dma_start3A_380, %add3A_379, %dma_start3A_387] : memref<2x256x64xf32, #tpu.memory_space<vmem>> -> memref<1x1x64xf32, #tpu.memory_space<vmem>>
          %dma_start3A_389 = tpu.memref_squeeze %dma_start3A_388 : memref<1x1x64xf32, #tpu.memory_space<vmem>> -> memref<64xf32, #tpu.memory_space<vmem>>
          %dma_start3A_390 = arith.constant 0 : i32
          %dma_start3A_391 = tpu.memref_slice %arg3[%squeeze3A_375, %dma_start3A_390] : memref<1000000x64xf32, #tpu.memory_space<hbm>> -> memref<1x64xf32, #tpu.memory_space<hbm>>
          %dma_start3A_392 = tpu.memref_squeeze %dma_start3A_391 : memref<1x64xf32, #tpu.memory_space<hbm>> -> memref<64xf32, #tpu.memory_space<hbm>>
          tpu.enqueue_dma source(%dma_start3A_392 : memref<64xf32, #tpu.memory_space<hbm>>) target(%dma_start3A_389 : memref<64xf32, #tpu.memory_space<vmem>>) target_semaphore(%arg7 : memref<!tpu.dma_semaphore, #tpu.memory_space<semaphore_mem>>)
          %slice3A_393 = vector.extract_strided_slice %get3A_223 {offsets = [9], sizes = [1], strides = [1]} : vector<16xi32> to vector<1xi32>
          %squeeze3A_394 = vector.extract %slice3A_393[0] : i32 from vector<1xi32>
          %mul3A_395 = arith.constant 16 : i32
          %mul3A_396 = arith.muli %scan3A_217, %mul3A_395 : i32
          %add3A_397 = arith.constant 9 : i32
          %add3A_398 = arith.addi %mul3A_396, %add3A_397 : i32
          %dma_start3A_399 = arith.constant 0 : i32
          %dma_start3A_400 = arith.constant 0 : i32
          %dma_start3A_401 = tpu.memref_slice %arg6[%dma_start3A_399, %add3A_398, %dma_start3A_400] : memref<2x256x64xf32, #tpu.memory_space<vmem>> -> memref<1x1x64xf32, #tpu.memory_space<vmem>>
          %dma_start3A_402 = tpu.memref_squeeze %dma_start3A_401 : memref<1x1x64xf32, #tpu.memory_space<vmem>> -> memref<64xf32, #tpu.memory_space<vmem>>
          %dma_start3A_403 = arith.constant 0 : i32
          %dma_start3A_404 = tpu.memref_slice %arg3[%squeeze3A_394, %dma_start3A_403] : memref<1000000x64xf32, #tpu.memory_space<hbm>> -> memref<1x64xf32, #tpu.memory_space<hbm>>
          %dma_start3A_405 = tpu.memref_squeeze %dma_start3A_404 : memref<1x64xf32, #tpu.memory_space<hbm>> -> memref<64xf32, #tpu.memory_space<hbm>>
          %dma_start3A_406 = arith.constant 0 : i32
          %dma_start3A_407 = tpu.memref_slice %arg6[%dma_start3A_399, %add3A_398, %dma_start3A_406] : memref<2x256x64xf32, #tpu.memory_space<vmem>> -> memref<1x1x64xf32, #tpu.memory_space<vmem>>
          %dma_start3A_408 = tpu.memref_squeeze %dma_start3A_407 : memref<1x1x64xf32, #tpu.memory_space<vmem>> -> memref<64xf32, #tpu.memory_space<vmem>>
          %dma_start3A_409 = arith.constant 0 : i32
          %dma_start3A_410 = tpu.memref_slice %arg3[%squeeze3A_394, %dma_start3A_409] : memref<1000000x64xf32, #tpu.memory_space<hbm>> -> memref<1x64xf32, #tpu.memory_space<hbm>>
          %dma_start3A_411 = tpu.memref_squeeze %dma_start3A_410 : memref<1x64xf32, #tpu.memory_space<hbm>> -> memref<64xf32, #tpu.memory_space<hbm>>
          tpu.enqueue_dma source(%dma_start3A_411 : memref<64xf32, #tpu.memory_space<hbm>>) target(%dma_start3A_408 : memref<64xf32, #tpu.memory_space<vmem>>) target_semaphore(%arg7 : memref<!tpu.dma_semaphore, #tpu.memory_space<semaphore_mem>>)
          %slice3A_412 = vector.extract_strided_slice %get3A_223 {offsets = [10], sizes = [1], strides = [1]} : vector<16xi32> to vector<1xi32>
          %squeeze3A_413 = vector.extract %slice3A_412[0] : i32 from vector<1xi32>
          %mul3A_414 = arith.constant 16 : i32
          %mul3A_415 = arith.muli %scan3A_217, %mul3A_414 : i32
          %add3A_416 = arith.constant 10 : i32
          %add3A_417 = arith.addi %mul3A_415, %add3A_416 : i32
          %dma_start3A_418 = arith.constant 0 : i32
          %dma_start3A_419 = arith.constant 0 : i32
          %dma_start3A_420 = tpu.memref_slice %arg6[%dma_start3A_418, %add3A_417, %dma_start3A_419] : memref<2x256x64xf32, #tpu.memory_space<vmem>> -> memref<1x1x64xf32, #tpu.memory_space<vmem>>
          %dma_start3A_421 = tpu.memref_squeeze %dma_start3A_420 : memref<1x1x64xf32, #tpu.memory_space<vmem>> -> memref<64xf32, #tpu.memory_space<vmem>>
          %dma_start3A_422 = arith.constant 0 : i32
          %dma_start3A_423 = tpu.memref_slice %arg3[%squeeze3A_413, %dma_start3A_422] : memref<1000000x64xf32, #tpu.memory_space<hbm>> -> memref<1x64xf32, #tpu.memory_space<hbm>>
          %dma_start3A_424 = tpu.memref_squeeze %dma_start3A_423 : memref<1x64xf32, #tpu.memory_space<hbm>> -> memref<64xf32, #tpu.memory_space<hbm>>
          %dma_start3A_425 = arith.constant 0 : i32
          %dma_start3A_426 = tpu.memref_slice %arg6[%dma_start3A_418, %add3A_417, %dma_start3A_425] : memref<2x256x64xf32, #tpu.memory_space<vmem>> -> memref<1x1x64xf32, #tpu.memory_space<vmem>>
          %dma_start3A_427 = tpu.memref_squeeze %dma_start3A_426 : memref<1x1x64xf32, #tpu.memory_space<vmem>> -> memref<64xf32, #tpu.memory_space<vmem>>
          %dma_start3A_428 = arith.constant 0 : i32
          %dma_start3A_429 = tpu.memref_slice %arg3[%squeeze3A_413, %dma_start3A_428] : memref<1000000x64xf32, #tpu.memory_space<hbm>> -> memref<1x64xf32, #tpu.memory_space<hbm>>
          %dma_start3A_430 = tpu.memref_squeeze %dma_start3A_429 : memref<1x64xf32, #tpu.memory_space<hbm>> -> memref<64xf32, #tpu.memory_space<hbm>>
          tpu.enqueue_dma source(%dma_start3A_430 : memref<64xf32, #tpu.memory_space<hbm>>) target(%dma_start3A_427 : memref<64xf32, #tpu.memory_space<vmem>>) target_semaphore(%arg7 : memref<!tpu.dma_semaphore, #tpu.memory_space<semaphore_mem>>)
          %slice3A_431 = vector.extract_strided_slice %get3A_223 {offsets = [11], sizes = [1], strides = [1]} : vector<16xi32> to vector<1xi32>
          %squeeze3A_432 = vector.extract %slice3A_431[0] : i32 from vector<1xi32>
          %mul3A_433 = arith.constant 16 : i32
          %mul3A_434 = arith.muli %scan3A_217, %mul3A_433 : i32
          %add3A_435 = arith.constant 11 : i32
          %add3A_436 = arith.addi %mul3A_434, %add3A_435 : i32
          %dma_start3A_437 = arith.constant 0 : i32
          %dma_start3A_438 = arith.constant 0 : i32
          %dma_start3A_439 = tpu.memref_slice %arg6[%dma_start3A_437, %add3A_436, %dma_start3A_438] : memref<2x256x64xf32, #tpu.memory_space<vmem>> -> memref<1x1x64xf32, #tpu.memory_space<vmem>>
          %dma_start3A_440 = tpu.memref_squeeze %dma_start3A_439 : memref<1x1x64xf32, #tpu.memory_space<vmem>> -> memref<64xf32, #tpu.memory_space<vmem>>
          %dma_start3A_441 = arith.constant 0 : i32
          %dma_start3A_442 = tpu.memref_slice %arg3[%squeeze3A_432, %dma_start3A_441] : memref<1000000x64xf32, #tpu.memory_space<hbm>> -> memref<1x64xf32, #tpu.memory_space<hbm>>
          %dma_start3A_443 = tpu.memref_squeeze %dma_start3A_442 : memref<1x64xf32, #tpu.memory_space<hbm>> -> memref<64xf32, #tpu.memory_space<hbm>>
          %dma_start3A_444 = arith.constant 0 : i32
          %dma_start3A_445 = tpu.memref_slice %arg6[%dma_start3A_437, %add3A_436, %dma_start3A_444] : memref<2x256x64xf32, #tpu.memory_space<vmem>> -> memref<1x1x64xf32, #tpu.memory_space<vmem>>
          %dma_start3A_446 = tpu.memref_squeeze %dma_start3A_445 : memref<1x1x64xf32, #tpu.memory_space<vmem>> -> memref<64xf32, #tpu.memory_space<vmem>>
          %dma_start3A_447 = arith.constant 0 : i32
          %dma_start3A_448 = tpu.memref_slice %arg3[%squeeze3A_432, %dma_start3A_447] : memref<1000000x64xf32, #tpu.memory_space<hbm>> -> memref<1x64xf32, #tpu.memory_space<hbm>>
          %dma_start3A_449 = tpu.memref_squeeze %dma_start3A_448 : memref<1x64xf32, #tpu.memory_space<hbm>> -> memref<64xf32, #tpu.memory_space<hbm>>
          tpu.enqueue_dma source(%dma_start3A_449 : memref<64xf32, #tpu.memory_space<hbm>>) target(%dma_start3A_446 : memref<64xf32, #tpu.memory_space<vmem>>) target_semaphore(%arg7 : memref<!tpu.dma_semaphore, #tpu.memory_space<semaphore_mem>>)
          %slice3A_450 = vector.extract_strided_slice %get3A_223 {offsets = [12], sizes = [1], strides = [1]} : vector<16xi32> to vector<1xi32>
          %squeeze3A_451 = vector.extract %slice3A_450[0] : i32 from vector<1xi32>
          %mul3A_452 = arith.constant 16 : i32
          %mul3A_453 = arith.muli %scan3A_217, %mul3A_452 : i32
          %add3A_454 = arith.constant 12 : i32
          %add3A_455 = arith.addi %mul3A_453, %add3A_454 : i32
          %dma_start3A_456 = arith.constant 0 : i32
          %dma_start3A_457 = arith.constant 0 : i32
          %dma_start3A_458 = tpu.memref_slice %arg6[%dma_start3A_456, %add3A_455, %dma_start3A_457] : memref<2x256x64xf32, #tpu.memory_space<vmem>> -> memref<1x1x64xf32, #tpu.memory_space<vmem>>
          %dma_start3A_459 = tpu.memref_squeeze %dma_start3A_458 : memref<1x1x64xf32, #tpu.memory_space<vmem>> -> memref<64xf32, #tpu.memory_space<vmem>>
          %dma_start3A_460 = arith.constant 0 : i32
          %dma_start3A_461 = tpu.memref_slice %arg3[%squeeze3A_451, %dma_start3A_460] : memref<1000000x64xf32, #tpu.memory_space<hbm>> -> memref<1x64xf32, #tpu.memory_space<hbm>>
          %dma_start3A_462 = tpu.memref_squeeze %dma_start3A_461 : memref<1x64xf32, #tpu.memory_space<hbm>> -> memref<64xf32, #tpu.memory_space<hbm>>
          %dma_start3A_463 = arith.constant 0 : i32
          %dma_start3A_464 = tpu.memref_slice %arg6[%dma_start3A_456, %add3A_455, %dma_start3A_463] : memref<2x256x64xf32, #tpu.memory_space<vmem>> -> memref<1x1x64xf32, #tpu.memory_space<vmem>>
          %dma_start3A_465 = tpu.memref_squeeze %dma_start3A_464 : memref<1x1x64xf32, #tpu.memory_space<vmem>> -> memref<64xf32, #tpu.memory_space<vmem>>
          %dma_start3A_466 = arith.constant 0 : i32
          %dma_start3A_467 = tpu.memref_slice %arg3[%squeeze3A_451, %dma_start3A_466] : memref<1000000x64xf32, #tpu.memory_space<hbm>> -> memref<1x64xf32, #tpu.memory_space<hbm>>
          %dma_start3A_468 = tpu.memref_squeeze %dma_start3A_467 : memref<1x64xf32, #tpu.memory_space<hbm>> -> memref<64xf32, #tpu.memory_space<hbm>>
          tpu.enqueue_dma source(%dma_start3A_468 : memref<64xf32, #tpu.memory_space<hbm>>) target(%dma_start3A_465 : memref<64xf32, #tpu.memory_space<vmem>>) target_semaphore(%arg7 : memref<!tpu.dma_semaphore, #tpu.memory_space<semaphore_mem>>)
          %slice3A_469 = vector.extract_strided_slice %get3A_223 {offsets = [13], sizes = [1], strides = [1]} : vector<16xi32> to vector<1xi32>
          %squeeze3A_470 = vector.extract %slice3A_469[0] : i32 from vector<1xi32>
          %mul3A_471 = arith.constant 16 : i32
          %mul3A_472 = arith.muli %scan3A_217, %mul3A_471 : i32
          %add3A_473 = arith.constant 13 : i32
          %add3A_474 = arith.addi %mul3A_472, %add3A_473 : i32
          %dma_start3A_475 = arith.constant 0 : i32
          %dma_start3A_476 = arith.constant 0 : i32
          %dma_start3A_477 = tpu.memref_slice %arg6[%dma_start3A_475, %add3A_474, %dma_start3A_476] : memref<2x256x64xf32, #tpu.memory_space<vmem>> -> memref<1x1x64xf32, #tpu.memory_space<vmem>>
          %dma_start3A_478 = tpu.memref_squeeze %dma_start3A_477 : memref<1x1x64xf32, #tpu.memory_space<vmem>> -> memref<64xf32, #tpu.memory_space<vmem>>
          %dma_start3A_479 = arith.constant 0 : i32
          %dma_start3A_480 = tpu.memref_slice %arg3[%squeeze3A_470, %dma_start3A_479] : memref<1000000x64xf32, #tpu.memory_space<hbm>> -> memref<1x64xf32, #tpu.memory_space<hbm>>
          %dma_start3A_481 = tpu.memref_squeeze %dma_start3A_480 : memref<1x64xf32, #tpu.memory_space<hbm>> -> memref<64xf32, #tpu.memory_space<hbm>>
          %dma_start3A_482 = arith.constant 0 : i32
          %dma_start3A_483 = tpu.memref_slice %arg6[%dma_start3A_475, %add3A_474, %dma_start3A_482] : memref<2x256x64xf32, #tpu.memory_space<vmem>> -> memref<1x1x64xf32, #tpu.memory_space<vmem>>
          %dma_start3A_484 = tpu.memref_squeeze %dma_start3A_483 : memref<1x1x64xf32, #tpu.memory_space<vmem>> -> memref<64xf32, #tpu.memory_space<vmem>>
          %dma_start3A_485 = arith.constant 0 : i32
          %dma_start3A_486 = tpu.memref_slice %arg3[%squeeze3A_470, %dma_start3A_485] : memref<1000000x64xf32, #tpu.memory_space<hbm>> -> memref<1x64xf32, #tpu.memory_space<hbm>>
          %dma_start3A_487 = tpu.memref_squeeze %dma_start3A_486 : memref<1x64xf32, #tpu.memory_space<hbm>> -> memref<64xf32, #tpu.memory_space<hbm>>
          tpu.enqueue_dma source(%dma_start3A_487 : memref<64xf32, #tpu.memory_space<hbm>>) target(%dma_start3A_484 : memref<64xf32, #tpu.memory_space<vmem>>) target_semaphore(%arg7 : memref<!tpu.dma_semaphore, #tpu.memory_space<semaphore_mem>>)
          %slice3A_488 = vector.extract_strided_slice %get3A_223 {offsets = [14], sizes = [1], strides = [1]} : vector<16xi32> to vector<1xi32>
          %squeeze3A_489 = vector.extract %slice3A_488[0] : i32 from vector<1xi32>
          %mul3A_490 = arith.constant 16 : i32
          %mul3A_491 = arith.muli %scan3A_217, %mul3A_490 : i32
          %add3A_492 = arith.constant 14 : i32
          %add3A_493 = arith.addi %mul3A_491, %add3A_492 : i32
          %dma_start3A_494 = arith.constant 0 : i32
          %dma_start3A_495 = arith.constant 0 : i32
          %dma_start3A_496 = tpu.memref_slice %arg6[%dma_start3A_494, %add3A_493, %dma_start3A_495] : memref<2x256x64xf32, #tpu.memory_space<vmem>> -> memref<1x1x64xf32, #tpu.memory_space<vmem>>
          %dma_start3A_497 = tpu.memref_squeeze %dma_start3A_496 : memref<1x1x64xf32, #tpu.memory_space<vmem>> -> memref<64xf32, #tpu.memory_space<vmem>>
          %dma_start3A_498 = arith.constant 0 : i32
          %dma_start3A_499 = tpu.memref_slice %arg3[%squeeze3A_489, %dma_start3A_498] : memref<1000000x64xf32, #tpu.memory_space<hbm>> -> memref<1x64xf32, #tpu.memory_space<hbm>>
          %dma_start3A_500 = tpu.memref_squeeze %dma_start3A_499 : memref<1x64xf32, #tpu.memory_space<hbm>> -> memref<64xf32, #tpu.memory_space<hbm>>
          %dma_start3A_501 = arith.constant 0 : i32
          %dma_start3A_502 = tpu.memref_slice %arg6[%dma_start3A_494, %add3A_493, %dma_start3A_501] : memref<2x256x64xf32, #tpu.memory_space<vmem>> -> memref<1x1x64xf32, #tpu.memory_space<vmem>>
          %dma_start3A_503 = tpu.memref_squeeze %dma_start3A_502 : memref<1x1x64xf32, #tpu.memory_space<vmem>> -> memref<64xf32, #tpu.memory_space<vmem>>
          %dma_start3A_504 = arith.constant 0 : i32
          %dma_start3A_505 = tpu.memref_slice %arg3[%squeeze3A_489, %dma_start3A_504] : memref<1000000x64xf32, #tpu.memory_space<hbm>> -> memref<1x64xf32, #tpu.memory_space<hbm>>
          %dma_start3A_506 = tpu.memref_squeeze %dma_start3A_505 : memref<1x64xf32, #tpu.memory_space<hbm>> -> memref<64xf32, #tpu.memory_space<hbm>>
          tpu.enqueue_dma source(%dma_start3A_506 : memref<64xf32, #tpu.memory_space<hbm>>) target(%dma_start3A_503 : memref<64xf32, #tpu.memory_space<vmem>>) target_semaphore(%arg7 : memref<!tpu.dma_semaphore, #tpu.memory_space<semaphore_mem>>)
          %slice3A_507 = vector.extract_strided_slice %get3A_223 {offsets = [15], sizes = [1], strides = [1]} : vector<16xi32> to vector<1xi32>
          %squeeze3A_508 = vector.extract %slice3A_507[0] : i32 from vector<1xi32>
          %mul3A_509 = arith.constant 16 : i32
          %mul3A_510 = arith.muli %scan3A_217, %mul3A_509 : i32
          %add3A_511 = arith.constant 15 : i32
          %add3A_512 = arith.addi %mul3A_510, %add3A_511 : i32
          %dma_start3A_513 = arith.constant 0 : i32
          %dma_start3A_514 = arith.constant 0 : i32
          %dma_start3A_515 = tpu.memref_slice %arg6[%dma_start3A_513, %add3A_512, %dma_start3A_514] : memref<2x256x64xf32, #tpu.memory_space<vmem>> -> memref<1x1x64xf32, #tpu.memory_space<vmem>>
          %dma_start3A_516 = tpu.memref_squeeze %dma_start3A_515 : memref<1x1x64xf32, #tpu.memory_space<vmem>> -> memref<64xf32, #tpu.memory_space<vmem>>
          %dma_start3A_517 = arith.constant 0 : i32
          %dma_start3A_518 = tpu.memref_slice %arg3[%squeeze3A_508, %dma_start3A_517] : memref<1000000x64xf32, #tpu.memory_space<hbm>> -> memref<1x64xf32, #tpu.memory_space<hbm>>
          %dma_start3A_519 = tpu.memref_squeeze %dma_start3A_518 : memref<1x64xf32, #tpu.memory_space<hbm>> -> memref<64xf32, #tpu.memory_space<hbm>>
          %dma_start3A_520 = arith.constant 0 : i32
          %dma_start3A_521 = tpu.memref_slice %arg6[%dma_start3A_513, %add3A_512, %dma_start3A_520] : memref<2x256x64xf32, #tpu.memory_space<vmem>> -> memref<1x1x64xf32, #tpu.memory_space<vmem>>
          %dma_start3A_522 = tpu.memref_squeeze %dma_start3A_521 : memref<1x1x64xf32, #tpu.memory_space<vmem>> -> memref<64xf32, #tpu.memory_space<vmem>>
          %dma_start3A_523 = arith.constant 0 : i32
          %dma_start3A_524 = tpu.memref_slice %arg3[%squeeze3A_508, %dma_start3A_523] : memref<1000000x64xf32, #tpu.memory_space<hbm>> -> memref<1x64xf32, #tpu.memory_space<hbm>>
          %dma_start3A_525 = tpu.memref_squeeze %dma_start3A_524 : memref<1x64xf32, #tpu.memory_space<hbm>> -> memref<64xf32, #tpu.memory_space<hbm>>
          tpu.enqueue_dma source(%dma_start3A_525 : memref<64xf32, #tpu.memory_space<hbm>>) target(%dma_start3A_522 : memref<64xf32, #tpu.memory_space<vmem>>) target_semaphore(%arg7 : memref<!tpu.dma_semaphore, #tpu.memory_space<semaphore_mem>>)
          %scan3A_526 = arith.constant 1 : i32
          %scan3A_527 = arith.addi %scan3A_217, %scan3A_526 : i32
          %mul3A_528 = arith.constant 16 : i32
          %mul3A_529 = arith.muli %scan3A_527, %mul3A_528 : i32
          %get3A_530 = arith.constant 0 : i32
          %get3A_531 = arith.index_cast %get3A_530 : i32 to index
          %get3A_532 = arith.index_cast %mul3A_529 : i32 to index
          %get3A_533 = tpu.vector_load %arg5[%get3A_531, %get3A_532] {strides = array<i32>} : memref<2x256xi32, #tpu.memory_space<vmem>>, vector<1x16xi32>,
          %get3A_534 = vector.shape_cast %get3A_533 : vector<1x16xi32> to vector<16xi32>
          %slice3A_535 = vector.extract_strided_slice %get3A_534 {offsets = [0], sizes = [1], strides = [1]} : vector<16xi32> to vector<1xi32>
          %squeeze3A_536 = vector.extract %slice3A_535[0] : i32 from vector<1xi32>
          %mul3A_537 = arith.constant 16 : i32
          %mul3A_538 = arith.muli %scan3A_527, %mul3A_537 : i32
          %add3A_539 = arith.constant 0 : i32
          %add3A_540 = arith.addi %mul3A_538, %add3A_539 : i32
          %dma_start3A_541 = arith.constant 0 : i32
          %dma_start3A_542 = arith.constant 0 : i32
          %dma_start3A_543 = tpu.memref_slice %arg6[%dma_start3A_541, %add3A_540, %dma_start3A_542] : memref<2x256x64xf32, #tpu.memory_space<vmem>> -> memref<1x1x64xf32, #tpu.memory_space<vmem>>
          %dma_start3A_544 = tpu.memref_squeeze %dma_start3A_543 : memref<1x1x64xf32, #tpu.memory_space<vmem>> -> memref<64xf32, #tpu.memory_space<vmem>>
          %dma_start3A_545 = arith.constant 0 : i32
          %dma_start3A_546 = tpu.memref_slice %arg3[%squeeze3A_536, %dma_start3A_545] : memref<1000000x64xf32, #tpu.memory_space<hbm>> -> memref<1x64xf32, #tpu.memory_space<hbm>>
          %dma_start3A_547 = tpu.memref_squeeze %dma_start3A_546 : memref<1x64xf32, #tpu.memory_space<hbm>> -> memref<64xf32, #tpu.memory_space<hbm>>
          %dma_start3A_548 = arith.constant 0 : i32
          %dma_start3A_549 = tpu.memref_slice %arg6[%dma_start3A_541, %add3A_540, %dma_start3A_548] : memref<2x256x64xf32, #tpu.memory_space<vmem>> -> memref<1x1x64xf32, #tpu.memory_space<vmem>>
          %dma_start3A_550 = tpu.memref_squeeze %dma_start3A_549 : memref<1x1x64xf32, #tpu.memory_space<vmem>> -> memref<64xf32, #tpu.memory_space<vmem>>
          %dma_start3A_551 = arith.constant 0 : i32
          %dma_start3A_552 = tpu.memref_slice %arg3[%squeeze3A_536, %dma_start3A_551] : memref<1000000x64xf32, #tpu.memory_space<hbm>> -> memref<1x64xf32, #tpu.memory_space<hbm>>
          %dma_start3A_553 = tpu.memref_squeeze %dma_start3A_552 : memref<1x64xf32, #tpu.memory_space<hbm>> -> memref<64xf32, #tpu.memory_space<hbm>>
          tpu.enqueue_dma source(%dma_start3A_553 : memref<64xf32, #tpu.memory_space<hbm>>) target(%dma_start3A_550 : memref<64xf32, #tpu.memory_space<vmem>>) target_semaphore(%arg7 : memref<!tpu.dma_semaphore, #tpu.memory_space<semaphore_mem>>)
          %slice3A_554 = vector.extract_strided_slice %get3A_534 {offsets = [1], sizes = [1], strides = [1]} : vector<16xi32> to vector<1xi32>
          %squeeze3A_555 = vector.extract %slice3A_554[0] : i32 from vector<1xi32>
          %mul3A_556 = arith.constant 16 : i32
          %mul3A_557 = arith.muli %scan3A_527, %mul3A_556 : i32
          %add3A_558 = arith.constant 1 : i32
          %add3A_559 = arith.addi %mul3A_557, %add3A_558 : i32
          %dma_start3A_560 = arith.constant 0 : i32
          %dma_start3A_561 = arith.constant 0 : i32
          %dma_start3A_562 = tpu.memref_slice %arg6[%dma_start3A_560, %add3A_559, %dma_start3A_561] : memref<2x256x64xf32, #tpu.memory_space<vmem>> -> memref<1x1x64xf32, #tpu.memory_space<vmem>>
          %dma_start3A_563 = tpu.memref_squeeze %dma_start3A_562 : memref<1x1x64xf32, #tpu.memory_space<vmem>> -> memref<64xf32, #tpu.memory_space<vmem>>
          %dma_start3A_564 = arith.constant 0 : i32
          %dma_start3A_565 = tpu.memref_slice %arg3[%squeeze3A_555, %dma_start3A_564] : memref<1000000x64xf32, #tpu.memory_space<hbm>> -> memref<1x64xf32, #tpu.memory_space<hbm>>
          %dma_start3A_566 = tpu.memref_squeeze %dma_start3A_565 : memref<1x64xf32, #tpu.memory_space<hbm>> -> memref<64xf32, #tpu.memory_space<hbm>>
          %dma_start3A_567 = arith.constant 0 : i32
          %dma_start3A_568 = tpu.memref_slice %arg6[%dma_start3A_560, %add3A_559, %dma_start3A_567] : memref<2x256x64xf32, #tpu.memory_space<vmem>> -> memref<1x1x64xf32, #tpu.memory_space<vmem>>
          %dma_start3A_569 = tpu.memref_squeeze %dma_start3A_568 : memref<1x1x64xf32, #tpu.memory_space<vmem>> -> memref<64xf32, #tpu.memory_space<vmem>>
          %dma_start3A_570 = arith.constant 0 : i32
          %dma_start3A_571 = tpu.memref_slice %arg3[%squeeze3A_555, %dma_start3A_570] : memref<1000000x64xf32, #tpu.memory_space<hbm>> -> memref<1x64xf32, #tpu.memory_space<hbm>>
          %dma_start3A_572 = tpu.memref_squeeze %dma_start3A_571 : memref<1x64xf32, #tpu.memory_space<hbm>> -> memref<64xf32, #tpu.memory_space<hbm>>
          tpu.enqueue_dma source(%dma_start3A_572 : memref<64xf32, #tpu.memory_space<hbm>>) target(%dma_start3A_569 : memref<64xf32, #tpu.memory_space<vmem>>) target_semaphore(%arg7 : memref<!tpu.dma_semaphore, #tpu.memory_space<semaphore_mem>>)
          %slice3A_573 = vector.extract_strided_slice %get3A_534 {offsets = [2], sizes = [1], strides = [1]} : vector<16xi32> to vector<1xi32>
          %squeeze3A_574 = vector.extract %slice3A_573[0] : i32 from vector<1xi32>
          %mul3A_575 = arith.constant 16 : i32
          %mul3A_576 = arith.muli %scan3A_527, %mul3A_575 : i32
          %add3A_577 = arith.constant 2 : i32
          %add3A_578 = arith.addi %mul3A_576, %add3A_577 : i32
          %dma_start3A_579 = arith.constant 0 : i32
          %dma_start3A_580 = arith.constant 0 : i32
          %dma_start3A_581 = tpu.memref_slice %arg6[%dma_start3A_579, %add3A_578, %dma_start3A_580] : memref<2x256x64xf32, #tpu.memory_space<vmem>> -> memref<1x1x64xf32, #tpu.memory_space<vmem>>
          %dma_start3A_582 = tpu.memref_squeeze %dma_start3A_581 : memref<1x1x64xf32, #tpu.memory_space<vmem>> -> memref<64xf32, #tpu.memory_space<vmem>>
          %dma_start3A_583 = arith.constant 0 : i32
          %dma_start3A_584 = tpu.memref_slice %arg3[%squeeze3A_574, %dma_start3A_583] : memref<1000000x64xf32, #tpu.memory_space<hbm>> -> memref<1x64xf32, #tpu.memory_space<hbm>>
          %dma_start3A_585 = tpu.memref_squeeze %dma_start3A_584 : memref<1x64xf32, #tpu.memory_space<hbm>> -> memref<64xf32, #tpu.memory_space<hbm>>
          %dma_start3A_586 = arith.constant 0 : i32
          %dma_start3A_587 = tpu.memref_slice %arg6[%dma_start3A_579, %add3A_578, %dma_start3A_586] : memref<2x256x64xf32, #tpu.memory_space<vmem>> -> memref<1x1x64xf32, #tpu.memory_space<vmem>>
          %dma_start3A_588 = tpu.memref_squeeze %dma_start3A_587 : memref<1x1x64xf32, #tpu.memory_space<vmem>> -> memref<64xf32, #tpu.memory_space<vmem>>
          %dma_start3A_589 = arith.constant 0 : i32
          %dma_start3A_590 = tpu.memref_slice %arg3[%squeeze3A_574, %dma_start3A_589] : memref<1000000x64xf32, #tpu.memory_space<hbm>> -> memref<1x64xf32, #tpu.memory_space<hbm>>
          %dma_start3A_591 = tpu.memref_squeeze %dma_start3A_590 : memref<1x64xf32, #tpu.memory_space<hbm>> -> memref<64xf32, #tpu.memory_space<hbm>>
          tpu.enqueue_dma source(%dma_start3A_591 : memref<64xf32, #tpu.memory_space<hbm>>) target(%dma_start3A_588 : memref<64xf32, #tpu.memory_space<vmem>>) target_semaphore(%arg7 : memref<!tpu.dma_semaphore, #tpu.memory_space<semaphore_mem>>)
          %slice3A_592 = vector.extract_strided_slice %get3A_534 {offsets = [3], sizes = [1], strides = [1]} : vector<16xi32> to vector<1xi32>
          %squeeze3A_593 = vector.extract %slice3A_592[0] : i32 from vector<1xi32>
          %mul3A_594 = arith.constant 16 : i32
          %mul3A_595 = arith.muli %scan3A_527, %mul3A_594 : i32
          %add3A_596 = arith.constant 3 : i32
          %add3A_597 = arith.addi %mul3A_595, %add3A_596 : i32
          %dma_start3A_598 = arith.constant 0 : i32
          %dma_start3A_599 = arith.constant 0 : i32
          %dma_start3A_600 = tpu.memref_slice %arg6[%dma_start3A_598, %add3A_597, %dma_start3A_599] : memref<2x256x64xf32, #tpu.memory_space<vmem>> -> memref<1x1x64xf32, #tpu.memory_space<vmem>>
          %dma_start3A_601 = tpu.memref_squeeze %dma_start3A_600 : memref<1x1x64xf32, #tpu.memory_space<vmem>> -> memref<64xf32, #tpu.memory_space<vmem>>
          %dma_start3A_602 = arith.constant 0 : i32
          %dma_start3A_603 = tpu.memref_slice %arg3[%squeeze3A_593, %dma_start3A_602] : memref<1000000x64xf32, #tpu.memory_space<hbm>> -> memref<1x64xf32, #tpu.memory_space<hbm>>
          %dma_start3A_604 = tpu.memref_squeeze %dma_start3A_603 : memref<1x64xf32, #tpu.memory_space<hbm>> -> memref<64xf32, #tpu.memory_space<hbm>>
          %dma_start3A_605 = arith.constant 0 : i32
          %dma_start3A_606 = tpu.memref_slice %arg6[%dma_start3A_598, %add3A_597, %dma_start3A_605] : memref<2x256x64xf32, #tpu.memory_space<vmem>> -> memref<1x1x64xf32, #tpu.memory_space<vmem>>
          %dma_start3A_607 = tpu.memref_squeeze %dma_start3A_606 : memref<1x1x64xf32, #tpu.memory_space<vmem>> -> memref<64xf32, #tpu.memory_space<vmem>>
          %dma_start3A_608 = arith.constant 0 : i32
          %dma_start3A_609 = tpu.memref_slice %arg3[%squeeze3A_593, %dma_start3A_608] : memref<1000000x64xf32, #tpu.memory_space<hbm>> -> memref<1x64xf32, #tpu.memory_space<hbm>>
          %dma_start3A_610 = tpu.memref_squeeze %dma_start3A_609 : memref<1x64xf32, #tpu.memory_space<hbm>> -> memref<64xf32, #tpu.memory_space<hbm>>
          tpu.enqueue_dma source(%dma_start3A_610 : memref<64xf32, #tpu.memory_space<hbm>>) target(%dma_start3A_607 : memref<64xf32, #tpu.memory_space<vmem>>) target_semaphore(%arg7 : memref<!tpu.dma_semaphore, #tpu.memory_space<semaphore_mem>>)
          %slice3A_611 = vector.extract_strided_slice %get3A_534 {offsets = [4], sizes = [1], strides = [1]} : vector<16xi32> to vector<1xi32>
          %squeeze3A_612 = vector.extract %slice3A_611[0] : i32 from vector<1xi32>
          %mul3A_613 = arith.constant 16 : i32
          %mul3A_614 = arith.muli %scan3A_527, %mul3A_613 : i32
          %add3A_615 = arith.constant 4 : i32
          %add3A_616 = arith.addi %mul3A_614, %add3A_615 : i32
          %dma_start3A_617 = arith.constant 0 : i32
          %dma_start3A_618 = arith.constant 0 : i32
          %dma_start3A_619 = tpu.memref_slice %arg6[%dma_start3A_617, %add3A_616, %dma_start3A_618] : memref<2x256x64xf32, #tpu.memory_space<vmem>> -> memref<1x1x64xf32, #tpu.memory_space<vmem>>
          %dma_start3A_620 = tpu.memref_squeeze %dma_start3A_619 : memref<1x1x64xf32, #tpu.memory_space<vmem>> -> memref<64xf32, #tpu.memory_space<vmem>>
          %dma_start3A_621 = arith.constant 0 : i32
          %dma_start3A_622 = tpu.memref_slice %arg3[%squeeze3A_612, %dma_start3A_621] : memref<1000000x64xf32, #tpu.memory_space<hbm>> -> memref<1x64xf32, #tpu.memory_space<hbm>>
          %dma_start3A_623 = tpu.memref_squeeze %dma_start3A_622 : memref<1x64xf32, #tpu.memory_space<hbm>> -> memref<64xf32, #tpu.memory_space<hbm>>
          %dma_start3A_624 = arith.constant 0 : i32
          %dma_start3A_625 = tpu.memref_slice %arg6[%dma_start3A_617, %add3A_616, %dma_start3A_624] : memref<2x256x64xf32, #tpu.memory_space<vmem>> -> memref<1x1x64xf32, #tpu.memory_space<vmem>>
          %dma_start3A_626 = tpu.memref_squeeze %dma_start3A_625 : memref<1x1x64xf32, #tpu.memory_space<vmem>> -> memref<64xf32, #tpu.memory_space<vmem>>
          %dma_start3A_627 = arith.constant 0 : i32
          %dma_start3A_628 = tpu.memref_slice %arg3[%squeeze3A_612, %dma_start3A_627] : memref<1000000x64xf32, #tpu.memory_space<hbm>> -> memref<1x64xf32, #tpu.memory_space<hbm>>
          %dma_start3A_629 = tpu.memref_squeeze %dma_start3A_628 : memref<1x64xf32, #tpu.memory_space<hbm>> -> memref<64xf32, #tpu.memory_space<hbm>>
          tpu.enqueue_dma source(%dma_start3A_629 : memref<64xf32, #tpu.memory_space<hbm>>) target(%dma_start3A_626 : memref<64xf32, #tpu.memory_space<vmem>>) target_semaphore(%arg7 : memref<!tpu.dma_semaphore, #tpu.memory_space<semaphore_mem>>)
          %slice3A_630 = vector.extract_strided_slice %get3A_534 {offsets = [5], sizes = [1], strides = [1]} : vector<16xi32> to vector<1xi32>
          %squeeze3A_631 = vector.extract %slice3A_630[0] : i32 from vector<1xi32>
          %mul3A_632 = arith.constant 16 : i32
          %mul3A_633 = arith.muli %scan3A_527, %mul3A_632 : i32
          %add3A_634 = arith.constant 5 : i32
          %add3A_635 = arith.addi %mul3A_633, %add3A_634 : i32
          %dma_start3A_636 = arith.constant 0 : i32
          %dma_start3A_637 = arith.constant 0 : i32
          %dma_start3A_638 = tpu.memref_slice %arg6[%dma_start3A_636, %add3A_635, %dma_start3A_637] : memref<2x256x64xf32, #tpu.memory_space<vmem>> -> memref<1x1x64xf32, #tpu.memory_space<vmem>>
          %dma_start3A_639 = tpu.memref_squeeze %dma_start3A_638 : memref<1x1x64xf32, #tpu.memory_space<vmem>> -> memref<64xf32, #tpu.memory_space<vmem>>
          %dma_start3A_640 = arith.constant 0 : i32
          %dma_start3A_641 = tpu.memref_slice %arg3[%squeeze3A_631, %dma_start3A_640] : memref<1000000x64xf32, #tpu.memory_space<hbm>> -> memref<1x64xf32, #tpu.memory_space<hbm>>
          %dma_start3A_642 = tpu.memref_squeeze %dma_start3A_641 : memref<1x64xf32, #tpu.memory_space<hbm>> -> memref<64xf32, #tpu.memory_space<hbm>>
          %dma_start3A_643 = arith.constant 0 : i32
          %dma_start3A_644 = tpu.memref_slice %arg6[%dma_start3A_636, %add3A_635, %dma_start3A_643] : memref<2x256x64xf32, #tpu.memory_space<vmem>> -> memref<1x1x64xf32, #tpu.memory_space<vmem>>
          %dma_start3A_645 = tpu.memref_squeeze %dma_start3A_644 : memref<1x1x64xf32, #tpu.memory_space<vmem>> -> memref<64xf32, #tpu.memory_space<vmem>>
          %dma_start3A_646 = arith.constant 0 : i32
          %dma_start3A_647 = tpu.memref_slice %arg3[%squeeze3A_631, %dma_start3A_646] : memref<1000000x64xf32, #tpu.memory_space<hbm>> -> memref<1x64xf32, #tpu.memory_space<hbm>>
          %dma_start3A_648 = tpu.memref_squeeze %dma_start3A_647 : memref<1x64xf32, #tpu.memory_space<hbm>> -> memref<64xf32, #tpu.memory_space<hbm>>
          tpu.enqueue_dma source(%dma_start3A_648 : memref<64xf32, #tpu.memory_space<hbm>>) target(%dma_start3A_645 : memref<64xf32, #tpu.memory_space<vmem>>) target_semaphore(%arg7 : memref<!tpu.dma_semaphore, #tpu.memory_space<semaphore_mem>>)
          %slice3A_649 = vector.extract_strided_slice %get3A_534 {offsets = [6], sizes = [1], strides = [1]} : vector<16xi32> to vector<1xi32>
          %squeeze3A_650 = vector.extract %slice3A_649[0] : i32 from vector<1xi32>
          %mul3A_651 = arith.constant 16 : i32
          %mul3A_652 = arith.muli %scan3A_527, %mul3A_651 : i32
          %add3A_653 = arith.constant 6 : i32
          %add3A_654 = arith.addi %mul3A_652, %add3A_653 : i32
          %dma_start3A_655 = arith.constant 0 : i32
          %dma_start3A_656 = arith.constant 0 : i32
          %dma_start3A_657 = tpu.memref_slice %arg6[%dma_start3A_655, %add3A_654, %dma_start3A_656] : memref<2x256x64xf32, #tpu.memory_space<vmem>> -> memref<1x1x64xf32, #tpu.memory_space<vmem>>
          %dma_start3A_658 = tpu.memref_squeeze %dma_start3A_657 : memref<1x1x64xf32, #tpu.memory_space<vmem>> -> memref<64xf32, #tpu.memory_space<vmem>>
          %dma_start3A_659 = arith.constant 0 : i32
          %dma_start3A_660 = tpu.memref_slice %arg3[%squeeze3A_650, %dma_start3A_659] : memref<1000000x64xf32, #tpu.memory_space<hbm>> -> memref<1x64xf32, #tpu.memory_space<hbm>>
          %dma_start3A_661 = tpu.memref_squeeze %dma_start3A_660 : memref<1x64xf32, #tpu.memory_space<hbm>> -> memref<64xf32, #tpu.memory_space<hbm>>
          %dma_start3A_662 = arith.constant 0 : i32
          %dma_start3A_663 = tpu.memref_slice %arg6[%dma_start3A_655, %add3A_654, %dma_start3A_662] : memref<2x256x64xf32, #tpu.memory_space<vmem>> -> memref<1x1x64xf32, #tpu.memory_space<vmem>>
          %dma_start3A_664 = tpu.memref_squeeze %dma_start3A_663 : memref<1x1x64xf32, #tpu.memory_space<vmem>> -> memref<64xf32, #tpu.memory_space<vmem>>
          %dma_start3A_665 = arith.constant 0 : i32
          %dma_start3A_666 = tpu.memref_slice %arg3[%squeeze3A_650, %dma_start3A_665] : memref<1000000x64xf32, #tpu.memory_space<hbm>> -> memref<1x64xf32, #tpu.memory_space<hbm>>
          %dma_start3A_667 = tpu.memref_squeeze %dma_start3A_666 : memref<1x64xf32, #tpu.memory_space<hbm>> -> memref<64xf32, #tpu.memory_space<hbm>>
          tpu.enqueue_dma source(%dma_start3A_667 : memref<64xf32, #tpu.memory_space<hbm>>) target(%dma_start3A_664 : memref<64xf32, #tpu.memory_space<vmem>>) target_semaphore(%arg7 : memref<!tpu.dma_semaphore, #tpu.memory_space<semaphore_mem>>)
          %slice3A_668 = vector.extract_strided_slice %get3A_534 {offsets = [7], sizes = [1], strides = [1]} : vector<16xi32> to vector<1xi32>
          %squeeze3A_669 = vector.extract %slice3A_668[0] : i32 from vector<1xi32>
          %mul3A_670 = arith.constant 16 : i32
          %mul3A_671 = arith.muli %scan3A_527, %mul3A_670 : i32
          %add3A_672 = arith.constant 7 : i32
          %add3A_673 = arith.addi %mul3A_671, %add3A_672 : i32
          %dma_start3A_674 = arith.constant 0 : i32
          %dma_start3A_675 = arith.constant 0 : i32
          %dma_start3A_676 = tpu.memref_slice %arg6[%dma_start3A_674, %add3A_673, %dma_start3A_675] : memref<2x256x64xf32, #tpu.memory_space<vmem>> -> memref<1x1x64xf32, #tpu.memory_space<vmem>>
          %dma_start3A_677 = tpu.memref_squeeze %dma_start3A_676 : memref<1x1x64xf32, #tpu.memory_space<vmem>> -> memref<64xf32, #tpu.memory_space<vmem>>
          %dma_start3A_678 = arith.constant 0 : i32
          %dma_start3A_679 = tpu.memref_slice %arg3[%squeeze3A_669, %dma_start3A_678] : memref<1000000x64xf32, #tpu.memory_space<hbm>> -> memref<1x64xf32, #tpu.memory_space<hbm>>
          %dma_start3A_680 = tpu.memref_squeeze %dma_start3A_679 : memref<1x64xf32, #tpu.memory_space<hbm>> -> memref<64xf32, #tpu.memory_space<hbm>>
          %dma_start3A_681 = arith.constant 0 : i32
          %dma_start3A_682 = tpu.memref_slice %arg6[%dma_start3A_674, %add3A_673, %dma_start3A_681] : memref<2x256x64xf32, #tpu.memory_space<vmem>> -> memref<1x1x64xf32, #tpu.memory_space<vmem>>
          %dma_start3A_683 = tpu.memref_squeeze %dma_start3A_682 : memref<1x1x64xf32, #tpu.memory_space<vmem>> -> memref<64xf32, #tpu.memory_space<vmem>>
          %dma_start3A_684 = arith.constant 0 : i32
          %dma_start3A_685 = tpu.memref_slice %arg3[%squeeze3A_669, %dma_start3A_684] : memref<1000000x64xf32, #tpu.memory_space<hbm>> -> memref<1x64xf32, #tpu.memory_space<hbm>>
          %dma_start3A_686 = tpu.memref_squeeze %dma_start3A_685 : memref<1x64xf32, #tpu.memory_space<hbm>> -> memref<64xf32, #tpu.memory_space<hbm>>
          tpu.enqueue_dma source(%dma_start3A_686 : memref<64xf32, #tpu.memory_space<hbm>>) target(%dma_start3A_683 : memref<64xf32, #tpu.memory_space<vmem>>) target_semaphore(%arg7 : memref<!tpu.dma_semaphore, #tpu.memory_space<semaphore_mem>>)
          %slice3A_687 = vector.extract_strided_slice %get3A_534 {offsets = [8], sizes = [1], strides = [1]} : vector<16xi32> to vector<1xi32>
          %squeeze3A_688 = vector.extract %slice3A_687[0] : i32 from vector<1xi32>
          %mul3A_689 = arith.constant 16 : i32
          %mul3A_690 = arith.muli %scan3A_527, %mul3A_689 : i32
          %add3A_691 = arith.constant 8 : i32
          %add3A_692 = arith.addi %mul3A_690, %add3A_691 : i32
          %dma_start3A_693 = arith.constant 0 : i32
          %dma_start3A_694 = arith.constant 0 : i32
          %dma_start3A_695 = tpu.memref_slice %arg6[%dma_start3A_693, %add3A_692, %dma_start3A_694] : memref<2x256x64xf32, #tpu.memory_space<vmem>> -> memref<1x1x64xf32, #tpu.memory_space<vmem>>
          %dma_start3A_696 = tpu.memref_squeeze %dma_start3A_695 : memref<1x1x64xf32, #tpu.memory_space<vmem>> -> memref<64xf32, #tpu.memory_space<vmem>>
          %dma_start3A_697 = arith.constant 0 : i32
          %dma_start3A_698 = tpu.memref_slice %arg3[%squeeze3A_688, %dma_start3A_697] : memref<1000000x64xf32, #tpu.memory_space<hbm>> -> memref<1x64xf32, #tpu.memory_space<hbm>>
          %dma_start3A_699 = tpu.memref_squeeze %dma_start3A_698 : memref<1x64xf32, #tpu.memory_space<hbm>> -> memref<64xf32, #tpu.memory_space<hbm>>
          %dma_start3A_700 = arith.constant 0 : i32
          %dma_start3A_701 = tpu.memref_slice %arg6[%dma_start3A_693, %add3A_692, %dma_start3A_700] : memref<2x256x64xf32, #tpu.memory_space<vmem>> -> memref<1x1x64xf32, #tpu.memory_space<vmem>>
          %dma_start3A_702 = tpu.memref_squeeze %dma_start3A_701 : memref<1x1x64xf32, #tpu.memory_space<vmem>> -> memref<64xf32, #tpu.memory_space<vmem>>
          %dma_start3A_703 = arith.constant 0 : i32
          %dma_start3A_704 = tpu.memref_slice %arg3[%squeeze3A_688, %dma_start3A_703] : memref<1000000x64xf32, #tpu.memory_space<hbm>> -> memref<1x64xf32, #tpu.memory_space<hbm>>
          %dma_start3A_705 = tpu.memref_squeeze %dma_start3A_704 : memref<1x64xf32, #tpu.memory_space<hbm>> -> memref<64xf32, #tpu.memory_space<hbm>>
          tpu.enqueue_dma source(%dma_start3A_705 : memref<64xf32, #tpu.memory_space<hbm>>) target(%dma_start3A_702 : memref<64xf32, #tpu.memory_space<vmem>>) target_semaphore(%arg7 : memref<!tpu.dma_semaphore, #tpu.memory_space<semaphore_mem>>)
          %slice3A_706 = vector.extract_strided_slice %get3A_534 {offsets = [9], sizes = [1], strides = [1]} : vector<16xi32> to vector<1xi32>
          %squeeze3A_707 = vector.extract %slice3A_706[0] : i32 from vector<1xi32>
          %mul3A_708 = arith.constant 16 : i32
          %mul3A_709 = arith.muli %scan3A_527, %mul3A_708 : i32
          %add3A_710 = arith.constant 9 : i32
          %add3A_711 = arith.addi %mul3A_709, %add3A_710 : i32
          %dma_start3A_712 = arith.constant 0 : i32
          %dma_start3A_713 = arith.constant 0 : i32
          %dma_start3A_714 = tpu.memref_slice %arg6[%dma_start3A_712, %add3A_711, %dma_start3A_713] : memref<2x256x64xf32, #tpu.memory_space<vmem>> -> memref<1x1x64xf32, #tpu.memory_space<vmem>>
          %dma_start3A_715 = tpu.memref_squeeze %dma_start3A_714 : memref<1x1x64xf32, #tpu.memory_space<vmem>> -> memref<64xf32, #tpu.memory_space<vmem>>
          %dma_start3A_716 = arith.constant 0 : i32
          %dma_start3A_717 = tpu.memref_slice %arg3[%squeeze3A_707, %dma_start3A_716] : memref<1000000x64xf32, #tpu.memory_space<hbm>> -> memref<1x64xf32, #tpu.memory_space<hbm>>
          %dma_start3A_718 = tpu.memref_squeeze %dma_start3A_717 : memref<1x64xf32, #tpu.memory_space<hbm>> -> memref<64xf32, #tpu.memory_space<hbm>>
          %dma_start3A_719 = arith.constant 0 : i32
          %dma_start3A_720 = tpu.memref_slice %arg6[%dma_start3A_712, %add3A_711, %dma_start3A_719] : memref<2x256x64xf32, #tpu.memory_space<vmem>> -> memref<1x1x64xf32, #tpu.memory_space<vmem>>
          %dma_start3A_721 = tpu.memref_squeeze %dma_start3A_720 : memref<1x1x64xf32, #tpu.memory_space<vmem>> -> memref<64xf32, #tpu.memory_space<vmem>>
          %dma_start3A_722 = arith.constant 0 : i32
          %dma_start3A_723 = tpu.memref_slice %arg3[%squeeze3A_707, %dma_start3A_722] : memref<1000000x64xf32, #tpu.memory_space<hbm>> -> memref<1x64xf32, #tpu.memory_space<hbm>>
          %dma_start3A_724 = tpu.memref_squeeze %dma_start3A_723 : memref<1x64xf32, #tpu.memory_space<hbm>> -> memref<64xf32, #tpu.memory_space<hbm>>
          tpu.enqueue_dma source(%dma_start3A_724 : memref<64xf32, #tpu.memory_space<hbm>>) target(%dma_start3A_721 : memref<64xf32, #tpu.memory_space<vmem>>) target_semaphore(%arg7 : memref<!tpu.dma_semaphore, #tpu.memory_space<semaphore_mem>>)
          %slice3A_725 = vector.extract_strided_slice %get3A_534 {offsets = [10], sizes = [1], strides = [1]} : vector<16xi32> to vector<1xi32>
          %squeeze3A_726 = vector.extract %slice3A_725[0] : i32 from vector<1xi32>
          %mul3A_727 = arith.constant 16 : i32
          %mul3A_728 = arith.muli %scan3A_527, %mul3A_727 : i32
          %add3A_729 = arith.constant 10 : i32
          %add3A_730 = arith.addi %mul3A_728, %add3A_729 : i32
          %dma_start3A_731 = arith.constant 0 : i32
          %dma_start3A_732 = arith.constant 0 : i32
          %dma_start3A_733 = tpu.memref_slice %arg6[%dma_start3A_731, %add3A_730, %dma_start3A_732] : memref<2x256x64xf32, #tpu.memory_space<vmem>> -> memref<1x1x64xf32, #tpu.memory_space<vmem>>
          %dma_start3A_734 = tpu.memref_squeeze %dma_start3A_733 : memref<1x1x64xf32, #tpu.memory_space<vmem>> -> memref<64xf32, #tpu.memory_space<vmem>>
          %dma_start3A_735 = arith.constant 0 : i32
          %dma_start3A_736 = tpu.memref_slice %arg3[%squeeze3A_726, %dma_start3A_735] : memref<1000000x64xf32, #tpu.memory_space<hbm>> -> memref<1x64xf32, #tpu.memory_space<hbm>>
          %dma_start3A_737 = tpu.memref_squeeze %dma_start3A_736 : memref<1x64xf32, #tpu.memory_space<hbm>> -> memref<64xf32, #tpu.memory_space<hbm>>
          %dma_start3A_738 = arith.constant 0 : i32
          %dma_start3A_739 = tpu.memref_slice %arg6[%dma_start3A_731, %add3A_730, %dma_start3A_738] : memref<2x256x64xf32, #tpu.memory_space<vmem>> -> memref<1x1x64xf32, #tpu.memory_space<vmem>>
          %dma_start3A_740 = tpu.memref_squeeze %dma_start3A_739 : memref<1x1x64xf32, #tpu.memory_space<vmem>> -> memref<64xf32, #tpu.memory_space<vmem>>
          %dma_start3A_741 = arith.constant 0 : i32
          %dma_start3A_742 = tpu.memref_slice %arg3[%squeeze3A_726, %dma_start3A_741] : memref<1000000x64xf32, #tpu.memory_space<hbm>> -> memref<1x64xf32, #tpu.memory_space<hbm>>
          %dma_start3A_743 = tpu.memref_squeeze %dma_start3A_742 : memref<1x64xf32, #tpu.memory_space<hbm>> -> memref<64xf32, #tpu.memory_space<hbm>>
          tpu.enqueue_dma source(%dma_start3A_743 : memref<64xf32, #tpu.memory_space<hbm>>) target(%dma_start3A_740 : memref<64xf32, #tpu.memory_space<vmem>>) target_semaphore(%arg7 : memref<!tpu.dma_semaphore, #tpu.memory_space<semaphore_mem>>)
          %slice3A_744 = vector.extract_strided_slice %get3A_534 {offsets = [11], sizes = [1], strides = [1]} : vector<16xi32> to vector<1xi32>
          %squeeze3A_745 = vector.extract %slice3A_744[0] : i32 from vector<1xi32>
          %mul3A_746 = arith.constant 16 : i32
          %mul3A_747 = arith.muli %scan3A_527, %mul3A_746 : i32
          %add3A_748 = arith.constant 11 : i32
          %add3A_749 = arith.addi %mul3A_747, %add3A_748 : i32
          %dma_start3A_750 = arith.constant 0 : i32
          %dma_start3A_751 = arith.constant 0 : i32
          %dma_start3A_752 = tpu.memref_slice %arg6[%dma_start3A_750, %add3A_749, %dma_start3A_751] : memref<2x256x64xf32, #tpu.memory_space<vmem>> -> memref<1x1x64xf32, #tpu.memory_space<vmem>>
          %dma_start3A_753 = tpu.memref_squeeze %dma_start3A_752 : memref<1x1x64xf32, #tpu.memory_space<vmem>> -> memref<64xf32, #tpu.memory_space<vmem>>
          %dma_start3A_754 = arith.constant 0 : i32
          %dma_start3A_755 = tpu.memref_slice %arg3[%squeeze3A_745, %dma_start3A_754] : memref<1000000x64xf32, #tpu.memory_space<hbm>> -> memref<1x64xf32, #tpu.memory_space<hbm>>
          %dma_start3A_756 = tpu.memref_squeeze %dma_start3A_755 : memref<1x64xf32, #tpu.memory_space<hbm>> -> memref<64xf32, #tpu.memory_space<hbm>>
          %dma_start3A_757 = arith.constant 0 : i32
          %dma_start3A_758 = tpu.memref_slice %arg6[%dma_start3A_750, %add3A_749, %dma_start3A_757] : memref<2x256x64xf32, #tpu.memory_space<vmem>> -> memref<1x1x64xf32, #tpu.memory_space<vmem>>
          %dma_start3A_759 = tpu.memref_squeeze %dma_start3A_758 : memref<1x1x64xf32, #tpu.memory_space<vmem>> -> memref<64xf32, #tpu.memory_space<vmem>>
          %dma_start3A_760 = arith.constant 0 : i32
          %dma_start3A_761 = tpu.memref_slice %arg3[%squeeze3A_745, %dma_start3A_760] : memref<1000000x64xf32, #tpu.memory_space<hbm>> -> memref<1x64xf32, #tpu.memory_space<hbm>>
          %dma_start3A_762 = tpu.memref_squeeze %dma_start3A_761 : memref<1x64xf32, #tpu.memory_space<hbm>> -> memref<64xf32, #tpu.memory_space<hbm>>
          tpu.enqueue_dma source(%dma_start3A_762 : memref<64xf32, #tpu.memory_space<hbm>>) target(%dma_start3A_759 : memref<64xf32, #tpu.memory_space<vmem>>) target_semaphore(%arg7 : memref<!tpu.dma_semaphore, #tpu.memory_space<semaphore_mem>>)
          %slice3A_763 = vector.extract_strided_slice %get3A_534 {offsets = [12], sizes = [1], strides = [1]} : vector<16xi32> to vector<1xi32>
          %squeeze3A_764 = vector.extract %slice3A_763[0] : i32 from vector<1xi32>
          %mul3A_765 = arith.constant 16 : i32
          %mul3A_766 = arith.muli %scan3A_527, %mul3A_765 : i32
          %add3A_767 = arith.constant 12 : i32
          %add3A_768 = arith.addi %mul3A_766, %add3A_767 : i32
          %dma_start3A_769 = arith.constant 0 : i32
          %dma_start3A_770 = arith.constant 0 : i32
          %dma_start3A_771 = tpu.memref_slice %arg6[%dma_start3A_769, %add3A_768, %dma_start3A_770] : memref<2x256x64xf32, #tpu.memory_space<vmem>> -> memref<1x1x64xf32, #tpu.memory_space<vmem>>
          %dma_start3A_772 = tpu.memref_squeeze %dma_start3A_771 : memref<1x1x64xf32, #tpu.memory_space<vmem>> -> memref<64xf32, #tpu.memory_space<vmem>>
          %dma_start3A_773 = arith.constant 0 : i32
          %dma_start3A_774 = tpu.memref_slice %arg3[%squeeze3A_764, %dma_start3A_773] : memref<1000000x64xf32, #tpu.memory_space<hbm>> -> memref<1x64xf32, #tpu.memory_space<hbm>>
          %dma_start3A_775 = tpu.memref_squeeze %dma_start3A_774 : memref<1x64xf32, #tpu.memory_space<hbm>> -> memref<64xf32, #tpu.memory_space<hbm>>
          %dma_start3A_776 = arith.constant 0 : i32
          %dma_start3A_777 = tpu.memref_slice %arg6[%dma_start3A_769, %add3A_768, %dma_start3A_776] : memref<2x256x64xf32, #tpu.memory_space<vmem>> -> memref<1x1x64xf32, #tpu.memory_space<vmem>>
          %dma_start3A_778 = tpu.memref_squeeze %dma_start3A_777 : memref<1x1x64xf32, #tpu.memory_space<vmem>> -> memref<64xf32, #tpu.memory_space<vmem>>
          %dma_start3A_779 = arith.constant 0 : i32
          %dma_start3A_780 = tpu.memref_slice %arg3[%squeeze3A_764, %dma_start3A_779] : memref<1000000x64xf32, #tpu.memory_space<hbm>> -> memref<1x64xf32, #tpu.memory_space<hbm>>
          %dma_start3A_781 = tpu.memref_squeeze %dma_start3A_780 : memref<1x64xf32, #tpu.memory_space<hbm>> -> memref<64xf32, #tpu.memory_space<hbm>>
          tpu.enqueue_dma source(%dma_start3A_781 : memref<64xf32, #tpu.memory_space<hbm>>) target(%dma_start3A_778 : memref<64xf32, #tpu.memory_space<vmem>>) target_semaphore(%arg7 : memref<!tpu.dma_semaphore, #tpu.memory_space<semaphore_mem>>)
          %slice3A_782 = vector.extract_strided_slice %get3A_534 {offsets = [13], sizes = [1], strides = [1]} : vector<16xi32> to vector<1xi32>
          %squeeze3A_783 = vector.extract %slice3A_782[0] : i32 from vector<1xi32>
          %mul3A_784 = arith.constant 16 : i32
          %mul3A_785 = arith.muli %scan3A_527, %mul3A_784 : i32
          %add3A_786 = arith.constant 13 : i32
          %add3A_787 = arith.addi %mul3A_785, %add3A_786 : i32
          %dma_start3A_788 = arith.constant 0 : i32
          %dma_start3A_789 = arith.constant 0 : i32
          %dma_start3A_790 = tpu.memref_slice %arg6[%dma_start3A_788, %add3A_787, %dma_start3A_789] : memref<2x256x64xf32, #tpu.memory_space<vmem>> -> memref<1x1x64xf32, #tpu.memory_space<vmem>>
          %dma_start3A_791 = tpu.memref_squeeze %dma_start3A_790 : memref<1x1x64xf32, #tpu.memory_space<vmem>> -> memref<64xf32, #tpu.memory_space<vmem>>
          %dma_start3A_792 = arith.constant 0 : i32
          %dma_start3A_793 = tpu.memref_slice %arg3[%squeeze3A_783, %dma_start3A_792] : memref<1000000x64xf32, #tpu.memory_space<hbm>> -> memref<1x64xf32, #tpu.memory_space<hbm>>
          %dma_start3A_794 = tpu.memref_squeeze %dma_start3A_793 : memref<1x64xf32, #tpu.memory_space<hbm>> -> memref<64xf32, #tpu.memory_space<hbm>>
          %dma_start3A_795 = arith.constant 0 : i32
          %dma_start3A_796 = tpu.memref_slice %arg6[%dma_start3A_788, %add3A_787, %dma_start3A_795] : memref<2x256x64xf32, #tpu.memory_space<vmem>> -> memref<1x1x64xf32, #tpu.memory_space<vmem>>
          %dma_start3A_797 = tpu.memref_squeeze %dma_start3A_796 : memref<1x1x64xf32, #tpu.memory_space<vmem>> -> memref<64xf32, #tpu.memory_space<vmem>>
          %dma_start3A_798 = arith.constant 0 : i32
          %dma_start3A_799 = tpu.memref_slice %arg3[%squeeze3A_783, %dma_start3A_798] : memref<1000000x64xf32, #tpu.memory_space<hbm>> -> memref<1x64xf32, #tpu.memory_space<hbm>>
          %dma_start3A_800 = tpu.memref_squeeze %dma_start3A_799 : memref<1x64xf32, #tpu.memory_space<hbm>> -> memref<64xf32, #tpu.memory_space<hbm>>
          tpu.enqueue_dma source(%dma_start3A_800 : memref<64xf32, #tpu.memory_space<hbm>>) target(%dma_start3A_797 : memref<64xf32, #tpu.memory_space<vmem>>) target_semaphore(%arg7 : memref<!tpu.dma_semaphore, #tpu.memory_space<semaphore_mem>>)
          %slice3A_801 = vector.extract_strided_slice %get3A_534 {offsets = [14], sizes = [1], strides = [1]} : vector<16xi32> to vector<1xi32>
          %squeeze3A_802 = vector.extract %slice3A_801[0] : i32 from vector<1xi32>
          %mul3A_803 = arith.constant 16 : i32
          %mul3A_804 = arith.muli %scan3A_527, %mul3A_803 : i32
          %add3A_805 = arith.constant 14 : i32
          %add3A_806 = arith.addi %mul3A_804, %add3A_805 : i32
          %dma_start3A_807 = arith.constant 0 : i32
          %dma_start3A_808 = arith.constant 0 : i32
          %dma_start3A_809 = tpu.memref_slice %arg6[%dma_start3A_807, %add3A_806, %dma_start3A_808] : memref<2x256x64xf32, #tpu.memory_space<vmem>> -> memref<1x1x64xf32, #tpu.memory_space<vmem>>
          %dma_start3A_810 = tpu.memref_squeeze %dma_start3A_809 : memref<1x1x64xf32, #tpu.memory_space<vmem>> -> memref<64xf32, #tpu.memory_space<vmem>>
          %dma_start3A_811 = arith.constant 0 : i32
          %dma_start3A_812 = tpu.memref_slice %arg3[%squeeze3A_802, %dma_start3A_811] : memref<1000000x64xf32, #tpu.memory_space<hbm>> -> memref<1x64xf32, #tpu.memory_space<hbm>>
          %dma_start3A_813 = tpu.memref_squeeze %dma_start3A_812 : memref<1x64xf32, #tpu.memory_space<hbm>> -> memref<64xf32, #tpu.memory_space<hbm>>
          %dma_start3A_814 = arith.constant 0 : i32
          %dma_start3A_815 = tpu.memref_slice %arg6[%dma_start3A_807, %add3A_806, %dma_start3A_814] : memref<2x256x64xf32, #tpu.memory_space<vmem>> -> memref<1x1x64xf32, #tpu.memory_space<vmem>>
          %dma_start3A_816 = tpu.memref_squeeze %dma_start3A_815 : memref<1x1x64xf32, #tpu.memory_space<vmem>> -> memref<64xf32, #tpu.memory_space<vmem>>
          %dma_start3A_817 = arith.constant 0 : i32
          %dma_start3A_818 = tpu.memref_slice %arg3[%squeeze3A_802, %dma_start3A_817] : memref<1000000x64xf32, #tpu.memory_space<hbm>> -> memref<1x64xf32, #tpu.memory_space<hbm>>
          %dma_start3A_819 = tpu.memref_squeeze %dma_start3A_818 : memref<1x64xf32, #tpu.memory_space<hbm>> -> memref<64xf32, #tpu.memory_space<hbm>>
          tpu.enqueue_dma source(%dma_start3A_819 : memref<64xf32, #tpu.memory_space<hbm>>) target(%dma_start3A_816 : memref<64xf32, #tpu.memory_space<vmem>>) target_semaphore(%arg7 : memref<!tpu.dma_semaphore, #tpu.memory_space<semaphore_mem>>)
          %slice3A_820 = vector.extract_strided_slice %get3A_534 {offsets = [15], sizes = [1], strides = [1]} : vector<16xi32> to vector<1xi32>
          %squeeze3A_821 = vector.extract %slice3A_820[0] : i32 from vector<1xi32>
          %mul3A_822 = arith.constant 16 : i32
          %mul3A_823 = arith.muli %scan3A_527, %mul3A_822 : i32
          %add3A_824 = arith.constant 15 : i32
          %add3A_825 = arith.addi %mul3A_823, %add3A_824 : i32
          %dma_start3A_826 = arith.constant 0 : i32
          %dma_start3A_827 = arith.constant 0 : i32
          %dma_start3A_828 = tpu.memref_slice %arg6[%dma_start3A_826, %add3A_825, %dma_start3A_827] : memref<2x256x64xf32, #tpu.memory_space<vmem>> -> memref<1x1x64xf32, #tpu.memory_space<vmem>>
          %dma_start3A_829 = tpu.memref_squeeze %dma_start3A_828 : memref<1x1x64xf32, #tpu.memory_space<vmem>> -> memref<64xf32, #tpu.memory_space<vmem>>
          %dma_start3A_830 = arith.constant 0 : i32
          %dma_start3A_831 = tpu.memref_slice %arg3[%squeeze3A_821, %dma_start3A_830] : memref<1000000x64xf32, #tpu.memory_space<hbm>> -> memref<1x64xf32, #tpu.memory_space<hbm>>
          %dma_start3A_832 = tpu.memref_squeeze %dma_start3A_831 : memref<1x64xf32, #tpu.memory_space<hbm>> -> memref<64xf32, #tpu.memory_space<hbm>>
          %dma_start3A_833 = arith.constant 0 : i32
          %dma_start3A_834 = tpu.memref_slice %arg6[%dma_start3A_826, %add3A_825, %dma_start3A_833] : memref<2x256x64xf32, #tpu.memory_space<vmem>> -> memref<1x1x64xf32, #tpu.memory_space<vmem>>
          %dma_start3A_835 = tpu.memref_squeeze %dma_start3A_834 : memref<1x1x64xf32, #tpu.memory_space<vmem>> -> memref<64xf32, #tpu.memory_space<vmem>>
          %dma_start3A_836 = arith.constant 0 : i32
          %dma_start3A_837 = tpu.memref_slice %arg3[%squeeze3A_821, %dma_start3A_836] : memref<1000000x64xf32, #tpu.memory_space<hbm>> -> memref<1x64xf32, #tpu.memory_space<hbm>>
          %dma_start3A_838 = tpu.memref_squeeze %dma_start3A_837 : memref<1x64xf32, #tpu.memory_space<hbm>> -> memref<64xf32, #tpu.memory_space<hbm>>
          tpu.enqueue_dma source(%dma_start3A_838 : memref<64xf32, #tpu.memory_space<hbm>>) target(%dma_start3A_835 : memref<64xf32, #tpu.memory_space<vmem>>) target_semaphore(%arg7 : memref<!tpu.dma_semaphore, #tpu.memory_space<semaphore_mem>>)
        }
        %scan3A_202 = arith.constant 16 : i32
        %add3A_203 = arith.constant 2 : i32
        %add3A_204 = arith.addi %add3A_64, %add3A_203 : i32
        %mul3A_205 = arith.constant 256 : i32
        %mul3A_206 = arith.muli %add3A_204, %mul3A_205 : i32
        %add3A_207 = arith.addi %mul3A_2, %mul3A_206 : i32
        %dma_start3A_208 = arith.constant 1 : i32
        %dma_start3A_209 = arith.constant 0 : i32
        %dma_start3A_210 = tpu.memref_slice %arg5[%dma_start3A_208, %dma_start3A_209] : memref<2x256xi32, #tpu.memory_space<vmem>> -> memref<1x256xi32, #tpu.memory_space<vmem>>
        %dma_start3A_211 = tpu.memref_squeeze %dma_start3A_210 : memref<1x256xi32, #tpu.memory_space<vmem>> -> memref<256xi32, #tpu.memory_space<vmem>>
        %dma_start3A_212 = tpu.memref_slice %arg2[%add3A_207] : memref<819200xi32, #tpu.memory_space<hbm>> -> memref<256xi32, #tpu.memory_space<hbm>>
        %dma_start3A_213 = arith.constant 0 : i32
        %dma_start3A_214 = tpu.memref_slice %arg5[%dma_start3A_208, %dma_start3A_213] : memref<2x256xi32, #tpu.memory_space<vmem>> -> memref<1x256xi32, #tpu.memory_space<vmem>>
        %dma_start3A_215 = tpu.memref_squeeze %dma_start3A_214 : memref<1x256xi32, #tpu.memory_space<vmem>> -> memref<256xi32, #tpu.memory_space<vmem>>
        %dma_start3A_216 = tpu.memref_slice %arg2[%add3A_207] : memref<819200xi32, #tpu.memory_space<hbm>> -> memref<256xi32, #tpu.memory_space<hbm>>
        tpu.enqueue_dma source(%dma_start3A_216 : memref<256xi32, #tpu.memory_space<hbm>>) target(%dma_start3A_215 : memref<256xi32, #tpu.memory_space<vmem>>) target_semaphore(%arg12 : memref<!tpu.dma_semaphore, #tpu.memory_space<semaphore_mem>>)
      } else {
      }
      %scan3A_164 = arith.constant 0 : i32
      %scan3A_165 = arith.constant 0 : i32
      %scan3A_166 = arith.constant 256 : i32
      %scan3A_167 = arith.addi %scan3A_165, %scan3A_166 : i32
      %scan3A_168 = arith.constant 4 : i32
      scf.for %scan3A_186 = %scan3A_165 to %scan3A_167 step %scan3A_168  : i32 {
        %get3A = arith.constant 1 : i32
        %get3A_187 = arith.index_cast %get3A : i32 to index
        %get3A_188 = arith.index_cast %scan3A_186 : i32 to index
        %get3A_189 = arith.constant 0 : index
        %get3A_190 = tpu.vector_load %arg6[%get3A_187, %get3A_188, %get3A_189] {strides = array<i32>} : memref<2x256x64xf32, #tpu.memory_space<vmem>>, vector<1x1x16xf32>,
        %get3A_191 = vector.shape_cast %get3A_190 : vector<1x1x16xf32> to vector<16xf32>
        %mul3A_192 = arith.constant 8.000000e+00 : f32
        %mul3A_193 = vector.broadcast %mul3A_192 : f32 to vector<16xf32>
        %mul3A_194 = arith.mulf %get3A_191, %mul3A_193 : vector<16xf32>
        %swap3A = arith.constant 1 : i32
        %swap3A_195 = arith.index_cast %swap3A : i32 to index
        %swap3A_196 = arith.index_cast %scan3A_186 : i32 to index
        %swap3A_197 = arith.constant 0 : index
        %swap3A_198 = tpu.vector_load %arg6[%swap3A_195, %swap3A_196, %swap3A_197] {strides = array<i32>} : memref<2x256x64xf32, #tpu.memory_space<vmem>>, vector<1x1x16xf32>,
        %swap3A_199 = vector.shape_cast %swap3A_198 : vector<1x1x16xf32> to vector<16xf32>
        %swap3A_200 = vector.shape_cast %mul3A_194 : vector<16xf32> to vector<1x1x16xf32>
        tpu.vector_store %arg6[%swap3A_195, %swap3A_196, %swap3A_197], %swap3A_200 {strides = array<i32>} : memref<2x256x64xf32, #tpu.memory_space<vmem>>, vector<1x1x16xf32>,
        %get3A_201 = arith.constant 1 : i32
        %get3A_202 = arith.index_cast %get3A_201 : i32 to index
        %get3A_203 = arith.index_cast %scan3A_186 : i32 to index
        %get3A_204 = arith.constant 16 : index
        %get3A_205 = tpu.vector_load %arg6[%get3A_202, %get3A_203, %get3A_204] {strides = array<i32>} : memref<2x256x64xf32, #tpu.memory_space<vmem>>, vector<1x1x16xf32>,
        %get3A_206 = vector.shape_cast %get3A_205 : vector<1x1x16xf32> to vector<16xf32>
        %mul3A_207 = arith.constant 8.000000e+00 : f32
        %mul3A_208 = vector.broadcast %mul3A_207 : f32 to vector<16xf32>
        %mul3A_209 = arith.mulf %get3A_206, %mul3A_208 : vector<16xf32>
        %swap3A_210 = arith.constant 1 : i32
        %swap3A_211 = arith.index_cast %swap3A_210 : i32 to index
        %swap3A_212 = arith.index_cast %scan3A_186 : i32 to index
        %swap3A_213 = arith.constant 16 : index
        %swap3A_214 = tpu.vector_load %arg6[%swap3A_211, %swap3A_212, %swap3A_213] {strides = array<i32>} : memref<2x256x64xf32, #tpu.memory_space<vmem>>, vector<1x1x16xf32>,
        %swap3A_215 = vector.shape_cast %swap3A_214 : vector<1x1x16xf32> to vector<16xf32>
        %swap3A_216 = vector.shape_cast %mul3A_209 : vector<16xf32> to vector<1x1x16xf32>
        tpu.vector_store %arg6[%swap3A_211, %swap3A_212, %swap3A_213], %swap3A_216 {strides = array<i32>} : memref<2x256x64xf32, #tpu.memory_space<vmem>>, vector<1x1x16xf32>,
        %get3A_217 = arith.constant 1 : i32
        %get3A_218 = arith.index_cast %get3A_217 : i32 to index
        %get3A_219 = arith.index_cast %scan3A_186 : i32 to index
        %get3A_220 = arith.constant 32 : index
        %get3A_221 = tpu.vector_load %arg6[%get3A_218, %get3A_219, %get3A_220] {strides = array<i32>} : memref<2x256x64xf32, #tpu.memory_space<vmem>>, vector<1x1x16xf32>,
        %get3A_222 = vector.shape_cast %get3A_221 : vector<1x1x16xf32> to vector<16xf32>
        %mul3A_223 = arith.constant 8.000000e+00 : f32
        %mul3A_224 = vector.broadcast %mul3A_223 : f32 to vector<16xf32>
        %mul3A_225 = arith.mulf %get3A_222, %mul3A_224 : vector<16xf32>
        %swap3A_226 = arith.constant 1 : i32
        %swap3A_227 = arith.index_cast %swap3A_226 : i32 to index
        %swap3A_228 = arith.index_cast %scan3A_186 : i32 to index
        %swap3A_229 = arith.constant 32 : index
        %swap3A_230 = tpu.vector_load %arg6[%swap3A_227, %swap3A_228, %swap3A_229] {strides = array<i32>} : memref<2x256x64xf32, #tpu.memory_space<vmem>>, vector<1x1x16xf32>,
        %swap3A_231 = vector.shape_cast %swap3A_230 : vector<1x1x16xf32> to vector<16xf32>
        %swap3A_232 = vector.shape_cast %mul3A_225 : vector<16xf32> to vector<1x1x16xf32>
        tpu.vector_store %arg6[%swap3A_227, %swap3A_228, %swap3A_229], %swap3A_232 {strides = array<i32>} : memref<2x256x64xf32, #tpu.memory_space<vmem>>, vector<1x1x16xf32>,
        %get3A_233 = arith.constant 1 : i32
        %get3A_234 = arith.index_cast %get3A_233 : i32 to index
        %get3A_235 = arith.index_cast %scan3A_186 : i32 to index
        %get3A_236 = arith.constant 48 : index
        %get3A_237 = tpu.vector_load %arg6[%get3A_234, %get3A_235, %get3A_236] {strides = array<i32>} : memref<2x256x64xf32, #tpu.memory_space<vmem>>, vector<1x1x16xf32>,
        %get3A_238 = vector.shape_cast %get3A_237 : vector<1x1x16xf32> to vector<16xf32>
        %mul3A_239 = arith.constant 8.000000e+00 : f32
        %mul3A_240 = vector.broadcast %mul3A_239 : f32 to vector<16xf32>
        %mul3A_241 = arith.mulf %get3A_238, %mul3A_240 : vector<16xf32>
        %swap3A_242 = arith.constant 1 : i32
        %swap3A_243 = arith.index_cast %swap3A_242 : i32 to index
        %swap3A_244 = arith.index_cast %scan3A_186 : i32 to index
        %swap3A_245 = arith.constant 48 : index
        %swap3A_246 = tpu.vector_load %arg6[%swap3A_243, %swap3A_244, %swap3A_245] {strides = array<i32>} : memref<2x256x64xf32, #tpu.memory_space<vmem>>, vector<1x1x16xf32>,
        %swap3A_247 = vector.shape_cast %swap3A_246 : vector<1x1x16xf32> to vector<16xf32>
        %swap3A_248 = vector.shape_cast %mul3A_241 : vector<16xf32> to vector<1x1x16xf32>
        tpu.vector_store %arg6[%swap3A_243, %swap3A_244, %swap3A_245], %swap3A_248 {strides = array<i32>} : memref<2x256x64xf32, #tpu.memory_space<vmem>>, vector<1x1x16xf32>,
        %scan3A_249 = arith.constant 1 : i32
        %scan3A_250 = arith.addi %scan3A_186, %scan3A_249 : i32
        %get3A_251 = arith.constant 1 : i32
        %get3A_252 = arith.index_cast %get3A_251 : i32 to index
        %get3A_253 = arith.index_cast %scan3A_250 : i32 to index
        %get3A_254 = arith.constant 0 : index
        %get3A_255 = tpu.vector_load %arg6[%get3A_252, %get3A_253, %get3A_254] {strides = array<i32>} : memref<2x256x64xf32, #tpu.memory_space<vmem>>, vector<1x1x16xf32>,
        %get3A_256 = vector.shape_cast %get3A_255 : vector<1x1x16xf32> to vector<16xf32>
        %mul3A_257 = arith.constant 8.000000e+00 : f32
        %mul3A_258 = vector.broadcast %mul3A_257 : f32 to vector<16xf32>
        %mul3A_259 = arith.mulf %get3A_256, %mul3A_258 : vector<16xf32>
        %swap3A_260 = arith.constant 1 : i32
        %swap3A_261 = arith.index_cast %swap3A_260 : i32 to index
        %swap3A_262 = arith.index_cast %scan3A_250 : i32 to index
        %swap3A_263 = arith.constant 0 : index
        %swap3A_264 = tpu.vector_load %arg6[%swap3A_261, %swap3A_262, %swap3A_263] {strides = array<i32>} : memref<2x256x64xf32, #tpu.memory_space<vmem>>, vector<1x1x16xf32>,
        %swap3A_265 = vector.shape_cast %swap3A_264 : vector<1x1x16xf32> to vector<16xf32>
        %swap3A_266 = vector.shape_cast %mul3A_259 : vector<16xf32> to vector<1x1x16xf32>
        tpu.vector_store %arg6[%swap3A_261, %swap3A_262, %swap3A_263], %swap3A_266 {strides = array<i32>} : memref<2x256x64xf32, #tpu.memory_space<vmem>>, vector<1x1x16xf32>,
        %get3A_267 = arith.constant 1 : i32
        %get3A_268 = arith.index_cast %get3A_267 : i32 to index
        %get3A_269 = arith.index_cast %scan3A_250 : i32 to index
        %get3A_270 = arith.constant 16 : index
        %get3A_271 = tpu.vector_load %arg6[%get3A_268, %get3A_269, %get3A_270] {strides = array<i32>} : memref<2x256x64xf32, #tpu.memory_space<vmem>>, vector<1x1x16xf32>,
        %get3A_272 = vector.shape_cast %get3A_271 : vector<1x1x16xf32> to vector<16xf32>
        %mul3A_273 = arith.constant 8.000000e+00 : f32
        %mul3A_274 = vector.broadcast %mul3A_273 : f32 to vector<16xf32>
        %mul3A_275 = arith.mulf %get3A_272, %mul3A_274 : vector<16xf32>
        %swap3A_276 = arith.constant 1 : i32
        %swap3A_277 = arith.index_cast %swap3A_276 : i32 to index
        %swap3A_278 = arith.index_cast %scan3A_250 : i32 to index
        %swap3A_279 = arith.constant 16 : index
        %swap3A_280 = tpu.vector_load %arg6[%swap3A_277, %swap3A_278, %swap3A_279] {strides = array<i32>} : memref<2x256x64xf32, #tpu.memory_space<vmem>>, vector<1x1x16xf32>,
        %swap3A_281 = vector.shape_cast %swap3A_280 : vector<1x1x16xf32> to vector<16xf32>
        %swap3A_282 = vector.shape_cast %mul3A_275 : vector<16xf32> to vector<1x1x16xf32>
        tpu.vector_store %arg6[%swap3A_277, %swap3A_278, %swap3A_279], %swap3A_282 {strides = array<i32>} : memref<2x256x64xf32, #tpu.memory_space<vmem>>, vector<1x1x16xf32>,
        %get3A_283 = arith.constant 1 : i32
        %get3A_284 = arith.index_cast %get3A_283 : i32 to index
        %get3A_285 = arith.index_cast %scan3A_250 : i32 to index
        %get3A_286 = arith.constant 32 : index
        %get3A_287 = tpu.vector_load %arg6[%get3A_284, %get3A_285, %get3A_286] {strides = array<i32>} : memref<2x256x64xf32, #tpu.memory_space<vmem>>, vector<1x1x16xf32>,
        %get3A_288 = vector.shape_cast %get3A_287 : vector<1x1x16xf32> to vector<16xf32>
        %mul3A_289 = arith.constant 8.000000e+00 : f32
        %mul3A_290 = vector.broadcast %mul3A_289 : f32 to vector<16xf32>
        %mul3A_291 = arith.mulf %get3A_288, %mul3A_290 : vector<16xf32>
        %swap3A_292 = arith.constant 1 : i32
        %swap3A_293 = arith.index_cast %swap3A_292 : i32 to index
        %swap3A_294 = arith.index_cast %scan3A_250 : i32 to index
        %swap3A_295 = arith.constant 32 : index
        %swap3A_296 = tpu.vector_load %arg6[%swap3A_293, %swap3A_294, %swap3A_295] {strides = array<i32>} : memref<2x256x64xf32, #tpu.memory_space<vmem>>, vector<1x1x16xf32>,
        %swap3A_297 = vector.shape_cast %swap3A_296 : vector<1x1x16xf32> to vector<16xf32>
        %swap3A_298 = vector.shape_cast %mul3A_291 : vector<16xf32> to vector<1x1x16xf32>
        tpu.vector_store %arg6[%swap3A_293, %swap3A_294, %swap3A_295], %swap3A_298 {strides = array<i32>} : memref<2x256x64xf32, #tpu.memory_space<vmem>>, vector<1x1x16xf32>,
        %get3A_299 = arith.constant 1 : i32
        %get3A_300 = arith.index_cast %get3A_299 : i32 to index
        %get3A_301 = arith.index_cast %scan3A_250 : i32 to index
        %get3A_302 = arith.constant 48 : index
        %get3A_303 = tpu.vector_load %arg6[%get3A_300, %get3A_301, %get3A_302] {strides = array<i32>} : memref<2x256x64xf32, #tpu.memory_space<vmem>>, vector<1x1x16xf32>,
        %get3A_304 = vector.shape_cast %get3A_303 : vector<1x1x16xf32> to vector<16xf32>
        %mul3A_305 = arith.constant 8.000000e+00 : f32
        %mul3A_306 = vector.broadcast %mul3A_305 : f32 to vector<16xf32>
        %mul3A_307 = arith.mulf %get3A_304, %mul3A_306 : vector<16xf32>
        %swap3A_308 = arith.constant 1 : i32
        %swap3A_309 = arith.index_cast %swap3A_308 : i32 to index
        %swap3A_310 = arith.index_cast %scan3A_250 : i32 to index
        %swap3A_311 = arith.constant 48 : index
        %swap3A_312 = tpu.vector_load %arg6[%swap3A_309, %swap3A_310, %swap3A_311] {strides = array<i32>} : memref<2x256x64xf32, #tpu.memory_space<vmem>>, vector<1x1x16xf32>,
        %swap3A_313 = vector.shape_cast %swap3A_312 : vector<1x1x16xf32> to vector<16xf32>
        %swap3A_314 = vector.shape_cast %mul3A_307 : vector<16xf32> to vector<1x1x16xf32>
        tpu.vector_store %arg6[%swap3A_309, %swap3A_310, %swap3A_311], %swap3A_314 {strides = array<i32>} : memref<2x256x64xf32, #tpu.memory_space<vmem>>, vector<1x1x16xf32>,
        %scan3A_315 = arith.constant 2 : i32
        %scan3A_316 = arith.addi %scan3A_186, %scan3A_315 : i32
        %get3A_317 = arith.constant 1 : i32
        %get3A_318 = arith.index_cast %get3A_317 : i32 to index
        %get3A_319 = arith.index_cast %scan3A_316 : i32 to index
        %get3A_320 = arith.constant 0 : index
        %get3A_321 = tpu.vector_load %arg6[%get3A_318, %get3A_319, %get3A_320] {strides = array<i32>} : memref<2x256x64xf32, #tpu.memory_space<vmem>>, vector<1x1x16xf32>,
        %get3A_322 = vector.shape_cast %get3A_321 : vector<1x1x16xf32> to vector<16xf32>
        %mul3A_323 = arith.constant 8.000000e+00 : f32
        %mul3A_324 = vector.broadcast %mul3A_323 : f32 to vector<16xf32>
        %mul3A_325 = arith.mulf %get3A_322, %mul3A_324 : vector<16xf32>
        %swap3A_326 = arith.constant 1 : i32
        %swap3A_327 = arith.index_cast %swap3A_326 : i32 to index
        %swap3A_328 = arith.index_cast %scan3A_316 : i32 to index
        %swap3A_329 = arith.constant 0 : index
        %swap3A_330 = tpu.vector_load %arg6[%swap3A_327, %swap3A_328, %swap3A_329] {strides = array<i32>} : memref<2x256x64xf32, #tpu.memory_space<vmem>>, vector<1x1x16xf32>,
        %swap3A_331 = vector.shape_cast %swap3A_330 : vector<1x1x16xf32> to vector<16xf32>
        %swap3A_332 = vector.shape_cast %mul3A_325 : vector<16xf32> to vector<1x1x16xf32>
        tpu.vector_store %arg6[%swap3A_327, %swap3A_328, %swap3A_329], %swap3A_332 {strides = array<i32>} : memref<2x256x64xf32, #tpu.memory_space<vmem>>, vector<1x1x16xf32>,
        %get3A_333 = arith.constant 1 : i32
        %get3A_334 = arith.index_cast %get3A_333 : i32 to index
        %get3A_335 = arith.index_cast %scan3A_316 : i32 to index
        %get3A_336 = arith.constant 16 : index
        %get3A_337 = tpu.vector_load %arg6[%get3A_334, %get3A_335, %get3A_336] {strides = array<i32>} : memref<2x256x64xf32, #tpu.memory_space<vmem>>, vector<1x1x16xf32>,
        %get3A_338 = vector.shape_cast %get3A_337 : vector<1x1x16xf32> to vector<16xf32>
        %mul3A_339 = arith.constant 8.000000e+00 : f32
        %mul3A_340 = vector.broadcast %mul3A_339 : f32 to vector<16xf32>
        %mul3A_341 = arith.mulf %get3A_338, %mul3A_340 : vector<16xf32>
        %swap3A_342 = arith.constant 1 : i32
        %swap3A_343 = arith.index_cast %swap3A_342 : i32 to index
        %swap3A_344 = arith.index_cast %scan3A_316 : i32 to index
        %swap3A_345 = arith.constant 16 : index
        %swap3A_346 = tpu.vector_load %arg6[%swap3A_343, %swap3A_344, %swap3A_345] {strides = array<i32>} : memref<2x256x64xf32, #tpu.memory_space<vmem>>, vector<1x1x16xf32>,
        %swap3A_347 = vector.shape_cast %swap3A_346 : vector<1x1x16xf32> to vector<16xf32>
        %swap3A_348 = vector.shape_cast %mul3A_341 : vector<16xf32> to vector<1x1x16xf32>
        tpu.vector_store %arg6[%swap3A_343, %swap3A_344, %swap3A_345], %swap3A_348 {strides = array<i32>} : memref<2x256x64xf32, #tpu.memory_space<vmem>>, vector<1x1x16xf32>,
        %get3A_349 = arith.constant 1 : i32
        %get3A_350 = arith.index_cast %get3A_349 : i32 to index
        %get3A_351 = arith.index_cast %scan3A_316 : i32 to index
        %get3A_352 = arith.constant 32 : index
        %get3A_353 = tpu.vector_load %arg6[%get3A_350, %get3A_351, %get3A_352] {strides = array<i32>} : memref<2x256x64xf32, #tpu.memory_space<vmem>>, vector<1x1x16xf32>,
        %get3A_354 = vector.shape_cast %get3A_353 : vector<1x1x16xf32> to vector<16xf32>
        %mul3A_355 = arith.constant 8.000000e+00 : f32
        %mul3A_356 = vector.broadcast %mul3A_355 : f32 to vector<16xf32>
        %mul3A_357 = arith.mulf %get3A_354, %mul3A_356 : vector<16xf32>
        %swap3A_358 = arith.constant 1 : i32
        %swap3A_359 = arith.index_cast %swap3A_358 : i32 to index
        %swap3A_360 = arith.index_cast %scan3A_316 : i32 to index
        %swap3A_361 = arith.constant 32 : index
        %swap3A_362 = tpu.vector_load %arg6[%swap3A_359, %swap3A_360, %swap3A_361] {strides = array<i32>} : memref<2x256x64xf32, #tpu.memory_space<vmem>>, vector<1x1x16xf32>,
        %swap3A_363 = vector.shape_cast %swap3A_362 : vector<1x1x16xf32> to vector<16xf32>
        %swap3A_364 = vector.shape_cast %mul3A_357 : vector<16xf32> to vector<1x1x16xf32>
        tpu.vector_store %arg6[%swap3A_359, %swap3A_360, %swap3A_361], %swap3A_364 {strides = array<i32>} : memref<2x256x64xf32, #tpu.memory_space<vmem>>, vector<1x1x16xf32>,
        %get3A_365 = arith.constant 1 : i32
        %get3A_366 = arith.index_cast %get3A_365 : i32 to index
        %get3A_367 = arith.index_cast %scan3A_316 : i32 to index
        %get3A_368 = arith.constant 48 : index
        %get3A_369 = tpu.vector_load %arg6[%get3A_366, %get3A_367, %get3A_368] {strides = array<i32>} : memref<2x256x64xf32, #tpu.memory_space<vmem>>, vector<1x1x16xf32>,
        %get3A_370 = vector.shape_cast %get3A_369 : vector<1x1x16xf32> to vector<16xf32>
        %mul3A_371 = arith.constant 8.000000e+00 : f32
        %mul3A_372 = vector.broadcast %mul3A_371 : f32 to vector<16xf32>
        %mul3A_373 = arith.mulf %get3A_370, %mul3A_372 : vector<16xf32>
        %swap3A_374 = arith.constant 1 : i32
        %swap3A_375 = arith.index_cast %swap3A_374 : i32 to index
        %swap3A_376 = arith.index_cast %scan3A_316 : i32 to index
        %swap3A_377 = arith.constant 48 : index
        %swap3A_378 = tpu.vector_load %arg6[%swap3A_375, %swap3A_376, %swap3A_377] {strides = array<i32>} : memref<2x256x64xf32, #tpu.memory_space<vmem>>, vector<1x1x16xf32>,
        %swap3A_379 = vector.shape_cast %swap3A_378 : vector<1x1x16xf32> to vector<16xf32>
        %swap3A_380 = vector.shape_cast %mul3A_373 : vector<16xf32> to vector<1x1x16xf32>
        tpu.vector_store %arg6[%swap3A_375, %swap3A_376, %swap3A_377], %swap3A_380 {strides = array<i32>} : memref<2x256x64xf32, #tpu.memory_space<vmem>>, vector<1x1x16xf32>,
        %scan3A_381 = arith.constant 3 : i32
        %scan3A_382 = arith.addi %scan3A_186, %scan3A_381 : i32
        %get3A_383 = arith.constant 1 : i32
        %get3A_384 = arith.index_cast %get3A_383 : i32 to index
        %get3A_385 = arith.index_cast %scan3A_382 : i32 to index
        %get3A_386 = arith.constant 0 : index
        %get3A_387 = tpu.vector_load %arg6[%get3A_384, %get3A_385, %get3A_386] {strides = array<i32>} : memref<2x256x64xf32, #tpu.memory_space<vmem>>, vector<1x1x16xf32>,
        %get3A_388 = vector.shape_cast %get3A_387 : vector<1x1x16xf32> to vector<16xf32>
        %mul3A_389 = arith.constant 8.000000e+00 : f32
        %mul3A_390 = vector.broadcast %mul3A_389 : f32 to vector<16xf32>
        %mul3A_391 = arith.mulf %get3A_388, %mul3A_390 : vector<16xf32>
        %swap3A_392 = arith.constant 1 : i32
        %swap3A_393 = arith.index_cast %swap3A_392 : i32 to index
        %swap3A_394 = arith.index_cast %scan3A_382 : i32 to index
        %swap3A_395 = arith.constant 0 : index
        %swap3A_396 = tpu.vector_load %arg6[%swap3A_393, %swap3A_394, %swap3A_395] {strides = array<i32>} : memref<2x256x64xf32, #tpu.memory_space<vmem>>, vector<1x1x16xf32>,
        %swap3A_397 = vector.shape_cast %swap3A_396 : vector<1x1x16xf32> to vector<16xf32>
        %swap3A_398 = vector.shape_cast %mul3A_391 : vector<16xf32> to vector<1x1x16xf32>
        tpu.vector_store %arg6[%swap3A_393, %swap3A_394, %swap3A_395], %swap3A_398 {strides = array<i32>} : memref<2x256x64xf32, #tpu.memory_space<vmem>>, vector<1x1x16xf32>,
        %get3A_399 = arith.constant 1 : i32
        %get3A_400 = arith.index_cast %get3A_399 : i32 to index
        %get3A_401 = arith.index_cast %scan3A_382 : i32 to index
        %get3A_402 = arith.constant 16 : index
        %get3A_403 = tpu.vector_load %arg6[%get3A_400, %get3A_401, %get3A_402] {strides = array<i32>} : memref<2x256x64xf32, #tpu.memory_space<vmem>>, vector<1x1x16xf32>,
        %get3A_404 = vector.shape_cast %get3A_403 : vector<1x1x16xf32> to vector<16xf32>
        %mul3A_405 = arith.constant 8.000000e+00 : f32
        %mul3A_406 = vector.broadcast %mul3A_405 : f32 to vector<16xf32>
        %mul3A_407 = arith.mulf %get3A_404, %mul3A_406 : vector<16xf32>
        %swap3A_408 = arith.constant 1 : i32
        %swap3A_409 = arith.index_cast %swap3A_408 : i32 to index
        %swap3A_410 = arith.index_cast %scan3A_382 : i32 to index
        %swap3A_411 = arith.constant 16 : index
        %swap3A_412 = tpu.vector_load %arg6[%swap3A_409, %swap3A_410, %swap3A_411] {strides = array<i32>} : memref<2x256x64xf32, #tpu.memory_space<vmem>>, vector<1x1x16xf32>,
        %swap3A_413 = vector.shape_cast %swap3A_412 : vector<1x1x16xf32> to vector<16xf32>
        %swap3A_414 = vector.shape_cast %mul3A_407 : vector<16xf32> to vector<1x1x16xf32>
        tpu.vector_store %arg6[%swap3A_409, %swap3A_410, %swap3A_411], %swap3A_414 {strides = array<i32>} : memref<2x256x64xf32, #tpu.memory_space<vmem>>, vector<1x1x16xf32>,
        %get3A_415 = arith.constant 1 : i32
        %get3A_416 = arith.index_cast %get3A_415 : i32 to index
        %get3A_417 = arith.index_cast %scan3A_382 : i32 to index
        %get3A_418 = arith.constant 32 : index
        %get3A_419 = tpu.vector_load %arg6[%get3A_416, %get3A_417, %get3A_418] {strides = array<i32>} : memref<2x256x64xf32, #tpu.memory_space<vmem>>, vector<1x1x16xf32>,
        %get3A_420 = vector.shape_cast %get3A_419 : vector<1x1x16xf32> to vector<16xf32>
        %mul3A_421 = arith.constant 8.000000e+00 : f32
        %mul3A_422 = vector.broadcast %mul3A_421 : f32 to vector<16xf32>
        %mul3A_423 = arith.mulf %get3A_420, %mul3A_422 : vector<16xf32>
        %swap3A_424 = arith.constant 1 : i32
        %swap3A_425 = arith.index_cast %swap3A_424 : i32 to index
        %swap3A_426 = arith.index_cast %scan3A_382 : i32 to index
        %swap3A_427 = arith.constant 32 : index
        %swap3A_428 = tpu.vector_load %arg6[%swap3A_425, %swap3A_426, %swap3A_427] {strides = array<i32>} : memref<2x256x64xf32, #tpu.memory_space<vmem>>, vector<1x1x16xf32>,
        %swap3A_429 = vector.shape_cast %swap3A_428 : vector<1x1x16xf32> to vector<16xf32>
        %swap3A_430 = vector.shape_cast %mul3A_423 : vector<16xf32> to vector<1x1x16xf32>
        tpu.vector_store %arg6[%swap3A_425, %swap3A_426, %swap3A_427], %swap3A_430 {strides = array<i32>} : memref<2x256x64xf32, #tpu.memory_space<vmem>>, vector<1x1x16xf32>,
        %get3A_431 = arith.constant 1 : i32
        %get3A_432 = arith.index_cast %get3A_431 : i32 to index
        %get3A_433 = arith.index_cast %scan3A_382 : i32 to index
        %get3A_434 = arith.constant 48 : index
        %get3A_435 = tpu.vector_load %arg6[%get3A_432, %get3A_433, %get3A_434] {strides = array<i32>} : memref<2x256x64xf32, #tpu.memory_space<vmem>>, vector<1x1x16xf32>,
        %get3A_436 = vector.shape_cast %get3A_435 : vector<1x1x16xf32> to vector<16xf32>
        %mul3A_437 = arith.constant 8.000000e+00 : f32
        %mul3A_438 = vector.broadcast %mul3A_437 : f32 to vector<16xf32>
        %mul3A_439 = arith.mulf %get3A_436, %mul3A_438 : vector<16xf32>
        %swap3A_440 = arith.constant 1 : i32
        %swap3A_441 = arith.index_cast %swap3A_440 : i32 to index
        %swap3A_442 = arith.index_cast %scan3A_382 : i32 to index
        %swap3A_443 = arith.constant 48 : index
        %swap3A_444 = tpu.vector_load %arg6[%swap3A_441, %swap3A_442, %swap3A_443] {strides = array<i32>} : memref<2x256x64xf32, #tpu.memory_space<vmem>>, vector<1x1x16xf32>,
        %swap3A_445 = vector.shape_cast %swap3A_444 : vector<1x1x16xf32> to vector<16xf32>
        %swap3A_446 = vector.shape_cast %mul3A_439 : vector<16xf32> to vector<1x1x16xf32>
        tpu.vector_store %arg6[%swap3A_441, %swap3A_442, %swap3A_443], %swap3A_446 {strides = array<i32>} : memref<2x256x64xf32, #tpu.memory_space<vmem>>, vector<1x1x16xf32>,
      }
      %scan3A_169 = arith.constant 256 : i32
      %mul3A_170 = arith.constant 256 : i32
      %mul3A_171 = arith.muli %add3A_64, %mul3A_170 : i32
      %add3A_172 = arith.addi %mul3A_2, %mul3A_171 : i32
      %dma_start3A_173 = arith.constant 1 : i32
      %dma_start3A_174 = arith.constant 0 : i32
      %dma_start3A_175 = arith.constant 0 : i32
      %dma_start3A_176 = tpu.memref_slice %arg6[%dma_start3A_173, %dma_start3A_174, %dma_start3A_175] : memref<2x256x64xf32, #tpu.memory_space<vmem>> -> memref<1x256x64xf32, #tpu.memory_space<vmem>>
      %dma_start3A_177 = tpu.memref_squeeze %dma_start3A_176 : memref<1x256x64xf32, #tpu.memory_space<vmem>> -> memref<256x64xf32, #tpu.memory_space<vmem>>
      %dma_start3A_178 = arith.constant 0 : i32
      %dma_start3A_179 = tpu.memref_slice %arg4[%add3A_172, %dma_start3A_178] : memref<819200x64xf32, #tpu.memory_space<hbm>> -> memref<256x64xf32, #tpu.memory_space<hbm>>
      %dma_start3A_180 = arith.constant 0 : i32
      %dma_start3A_181 = tpu.memref_slice %arg4[%add3A_172, %dma_start3A_180] : memref<819200x64xf32, #tpu.memory_space<hbm>> -> memref<256x64xf32, #tpu.memory_space<hbm>>
      %dma_start3A_182 = arith.constant 0 : i32
      %dma_start3A_183 = arith.constant 0 : i32
      %dma_start3A_184 = tpu.memref_slice %arg6[%dma_start3A_173, %dma_start3A_182, %dma_start3A_183] : memref<2x256x64xf32, #tpu.memory_space<vmem>> -> memref<1x256x64xf32, #tpu.memory_space<vmem>>
      %dma_start3A_185 = tpu.memref_squeeze %dma_start3A_184 : memref<1x256x64xf32, #tpu.memory_space<vmem>> -> memref<256x64xf32, #tpu.memory_space<vmem>>
      tpu.enqueue_dma source(%dma_start3A_185 : memref<256x64xf32, #tpu.memory_space<vmem>>) target(%dma_start3A_181 : memref<256x64xf32, #tpu.memory_space<hbm>>) target_semaphore(%arg10 : memref<!tpu.dma_semaphore, #tpu.memory_space<semaphore_mem>>)
    }
    %scan3A_44 = arith.constant 50 : i32
    %dma_wait3A_45 = arith.constant 1 : i32
    %dma_wait3A_46 = arith.constant 0 : i32
    %dma_wait3A_47 = arith.constant 0 : i32
    %dma_wait3A_48 = tpu.memref_slice %arg6[%dma_wait3A_45, %dma_wait3A_46, %dma_wait3A_47] : memref<2x256x64xf32, #tpu.memory_space<vmem>> -> memref<1x256x64xf32, #tpu.memory_space<vmem>>
    %dma_wait3A_49 = tpu.memref_squeeze %dma_wait3A_48 : memref<1x256x64xf32, #tpu.memory_space<vmem>> -> memref<256x64xf32, #tpu.memory_space<vmem>>
    %dma_wait3A_50 = arith.constant 0 : i32
    %dma_wait3A_51 = arith.constant 0 : i32
    %dma_wait3A_52 = tpu.memref_slice %arg4[%dma_wait3A_50, %dma_wait3A_51] : memref<819200x64xf32, #tpu.memory_space<hbm>> -> memref<256x64xf32, #tpu.memory_space<hbm>>
    %dma_wait3A_53 = arith.constant 0 : i32
    %dma_wait3A_54 = arith.constant 0 : i32
    %dma_wait3A_55 = tpu.memref_slice %arg4[%dma_wait3A_53, %dma_wait3A_54] : memref<819200x64xf32, #tpu.memory_space<hbm>> -> memref<256x64xf32, #tpu.memory_space<hbm>>
    %dma_wait3A_56 = arith.constant 0 : i32
    %dma_wait3A_57 = arith.constant 0 : i32
    %dma_wait3A_58 = tpu.memref_slice %arg6[%dma_wait3A_45, %dma_wait3A_56, %dma_wait3A_57] : memref<2x256x64xf32, #tpu.memory_space<vmem>> -> memref<1x256x64xf32, #tpu.memory_space<vmem>>
    %dma_wait3A_59 = tpu.memref_squeeze %dma_wait3A_58 : memref<1x256x64xf32, #tpu.memory_space<vmem>> -> memref<256x64xf32, #tpu.memory_space<vmem>>
    tpu.wait_dma2 semaphore(%arg10 : memref<!tpu.dma_semaphore, #tpu.memory_space<semaphore_mem>>) src(%dma_wait3A_59 : memref<256x64xf32, #tpu.memory_space<vmem>>) dst(%dma_wait3A_55 : memref<256x64xf32, #tpu.memory_space<hbm>>)
    return
  }
}

</mosaic_0001>

<sc_bundles>
// kernel: kernel.3.cloned.1.call-start
scs
__scs_entry_jumppad:
0x0: {  	(pc) =	sbr.rel $0x88, $3  }
0x1: {  	(tag) =	ssettag $0x0;
	lr =	simm.s32 $0x1  }
0x2: {  	[smem:$0x3F9F] =	sst lr;
	_ =	strace $0xD0000000  }
0x3: {  	_ = 	snop  }
0x4: {  	_ = 	snop  }
0x5: {  	_ = 	snop  }
0x6: {  	_ = 	snop  }
0x7: {  	_ = 	snop  }
__scs_overlays_trampoline_lowered:
0x8: {  	[smem:$0x3FAE] =	sst s0  }
0x9: {  	[smem:$0x3FAF] =	sst s1  }
0xa: {  	[smem:$0x3FB0] =	sst s2  }
0xb: {  	[smem:$0x3FB1] =	sst s3  }
0xc: {  	[smem:$0x3FB2] =	sst s4  }
0xd: {  	[smem:$0x3FB3] =	sst s5  }
0xe: {  	[smem:$0x3FB4] =	sst s6  }
0xf: {  	[smem:$0x3FB5] =	sst s7  }
0x10: {  	[smem:$0x3FB6] =	sst s8  }
0x11: {  	[smem:$0x3FB7] =	sst s9;
	s0 =	simm.s32 @!p0 $0x0  }
0x12: {  	s1 =	sld [smem:$0x3F9D];
	s0 =	simm.s32 @p0 $0x1  }
0x13: {  	[smem:$0x3FB8] =	sst s0;
	s0 =	simm.s32 @!p1 $0x0  }
0x14: {  	s2 =	sld [smem:$0x3F9C];
	s0 =	simm.s32 @p1 $0x1  }
0x15: {  	[smem:$0x3FB9] =	sst s0;
	s0 =	simm.s32 @!p2 $0x0  }
0x16: {  	s3 =	sld [smem:$0x3FDB];
	s0 =	simm.s32 @p2 $0x1  }
0x17: {  	s4 =	simm.s32 $0x1BF5;
	[smem:$0x3FBB] =	sst s0  }
0x18: {  	s0 =	sld [smem:$0x3F9E];
	_ =	swait.ge [sflag:s4], $0x0  }
0x19: {  	s7 =	sld [smem:$0x3F9F]  }
0x1a: {  	s8 =	sadd.s32 $0xFFFFE003, lr  }
0x1b: {  	s9 =	sadd.s32 $0xFFFFFEF7, lr;
	s5 =	simm.s32 $0xFFFFFFFF;
	p2 =	slt.u32 s8, $0xFFFFF086  }
0x1c: {  	p1 =	slt.u32 s9, $0xF7A;
	s5 =	simm.s32 @!p2 $0x0  }
0x1d: {  	s5 =	simm.s32 @p1 $0x1;
	p0 =	seq.s32 s7, s2  }
0x1e: {  	s7 =	smul.u32 @!p0 $0xF7A, s2;
	p2 =	seq.s32 @!p0 s5, $0x0  }
0x1f: {  	s9 =	smul.u32 $0xF7A, s1;
	s8 =	simm.s32 @!p0 $0x1BF5;
	p2 =	por !p2, p0  }
0x20: {  	[sflag:s8] =	ssyncset.s32 @!p0 $0xFFFFF086;
	s6 =	sadd.s32 @!p0 s3, s7;
	s7 =	simm.s32 @!p0 $0x108  }
0x21: {  	s3 =	sadd.s32 s3, s9;
	s6 =	sadd.s32 @!p0 $0x88, s6;
	s7 =	simm.s32 @p2 $0x1082  }
0x22: {  	[simem:s7], [sflag:s8] =	dma.local @!p0 [hbm:s6], $0xF7A  }
0x23: {  	s9 =	sor.u32 $0xD0000000, s2;
	s6 =	simm.s32 $0x108;
	_ =	swait.ge @!p0 [sflag:s8], $0x0  }
0x24: {  	s3 =	sadd.s32 $0x88, s3;
	s6 =	simm.s32 @!p1 $0x1082;
	[sflag:s4] =	ssyncset.s32 $0xFFFFF086  }
0x25: {  	[simem:s6], [sflag:s4] =	dma.local [hbm:s3], $0xF7A  }
0x26: {  	[smem:$0x3F9F] =	sst s1;
	(tag) =	ssettag s2;
	_ =	strace s9  }
0x27: {  	s1 =	sld [smem:$0x3FAF]  }
0x28: {  	s2 =	sld [smem:$0x3FB0]  }
0x29: {  	s4 =	sld [smem:$0x3FB2]  }
0x2a: {  	p0 =	seq.s32 s5, $0x0;
	s5 =	sld [smem:$0x3FB3]  }
0x2b: {  	s6 =	sld [smem:$0x3FB4]  }
0x2c: {  	s7 =	sld [smem:$0x3FB5]  }
0x2d: {  	s3 =	simm.s32 $0x108;
	s8 =	sld [smem:$0x3FB6]  }
0x2e: {  	s3 =	simm.s32 @!p0 $0x1082;
	s9 =	sld [smem:$0x3FB7]  }
0x2f: {  	lr =	sadd.s32 s0, s3;
	s0 =	sld [smem:$0x3FAE]  }
0x30: {  	s3 =	sld [smem:$0x3FB1]  }
0x31: {  	[smem:$0x3FBA] =	sst s10  }
0x32: {  	s10 =	sld [smem:$0x3FB8];
	_ =	sdelay $0x3  }
0x33: {  	p0 =	seq.s32 s10, $0x1;
	s10 =	sld [smem:$0x3FBA];
	_ =	sdelay $0x3  }
0x34: {  	[smem:$0x3FBA] =	sst s10  }
0x35: {  	s10 =	sld [smem:$0x3FB9];
	_ =	sdelay $0x3  }
0x36: {  	p1 =	seq.s32 s10, $0x1;
	s10 =	sld [smem:$0x3FBA];
	_ =	sdelay $0x3  }
0x37: {  	[smem:$0x3FBA] =	sst s10  }
0x38: {  	s10 =	sld [smem:$0x3FBB]  }
0x39: {  	_ = 	snop;
	(pc) =	sbr.ind lr, $3  }
0x3a: {  	_ = 	snop  }
0x3b: {  	_ = 	snop  }
0x3c: {  	p2 =	seq.s32 s10, $0x1;
	s10 =	sld [smem:$0x3FBA]  }
0x3d: {  	_ =	shalt  }
0x3e: {  	_ =	shalt  }
0x3f: {  	_ =	shalt  }
0x40: {  	_ =	shalt  }
0x41: {  	_ =	shalt  }
0x42: {  	_ =	shalt  }
0x43: {  	_ =	shalt  }
0x44: {  	_ =	shalt  }
0x45: {  	_ =	shalt  }
0x46: {  	_ =	shalt  }
0x47: {  	_ =	shalt  }
0x48: {  	_ =	shalt  }
0x49: {  	_ =	shalt  }
0x4a: {  	_ =	shalt  }
0x4b: {  	_ =	shalt  }
0x4c: {  	_ =	shalt  }
0x4d: {  	_ =	shalt  }
0x4e: {  	_ =	shalt  }
0x4f: {  	_ =	shalt  }
0x50: {  	_ =	shalt  }
0x51: {  	_ =	shalt  }
0x52: {  	_ =	shalt  }
0x53: {  	_ =	shalt  }
0x54: {  	_ =	shalt  }
0x55: {  	_ =	shalt  }
0x56: {  	_ =	shalt  }
0x57: {  	_ =	shalt  }
0x58: {  	_ =	shalt  }
0x59: {  	_ =	shalt  }
0x5a: {  	_ =	shalt  }
0x5b: {  	_ =	shalt  }
0x5c: {  	_ =	shalt  }
0x5d: {  	_ =	shalt  }
0x5e: {  	_ =	shalt  }
0x5f: {  	_ =	shalt  }
0x60: {  	_ =	shalt  }
0x61: {  	_ =	shalt  }
0x62: {  	_ =	shalt  }
0x63: {  	_ =	shalt  }
0x64: {  	_ =	shalt  }
0x65: {  	_ =	shalt  }
0x66: {  	_ =	shalt  }
0x67: {  	_ =	shalt  }
0x68: {  	_ =	shalt  }
0x69: {  	_ =	shalt  }
0x6a: {  	_ =	shalt  }
0x6b: {  	_ =	shalt  }
0x6c: {  	_ =	shalt  }
0x6d: {  	_ =	shalt  }
0x6e: {  	_ =	shalt  }
0x6f: {  	_ =	shalt  }
0x70: {  	_ =	shalt  }
0x71: {  	_ =	shalt  }
0x72: {  	_ =	shalt  }
0x73: {  	_ =	shalt  }
0x74: {  	_ =	shalt  }
0x75: {  	_ =	shalt  }
0x76: {  	_ =	shalt  }
0x77: {  	_ =	shalt  }
0x78: {  	_ =	shalt  }
0x79: {  	_ =	shalt  }
0x7a: {  	_ =	shalt  }
0x7b: {  	_ =	shalt  }
0x7c: {  	_ =	shalt  }
0x7d: {  	_ =	shalt  }
0x7e: {  	_ =	shalt  }
0x7f: {  	_ =	shalt  }
0x80: {  	_ =	shalt  }
0x81: {  	_ =	shalt  }
0x82: {  	_ =	shalt  }
0x83: {  	_ =	shalt  }
0x84: {  	_ =	shalt  }
0x85: {  	_ =	shalt  }
0x86: {  	_ =	shalt  }
0x87: {  	_ =	shalt  }
.Lfunc_end0:
.L_simem_size_0:
called_computation.1_lowered:
.L_overlay_start_0:
0x88: {  	s2 =	sld [smem:$0x3FD9]  }
0x89: {  	s3 =	sld [smem:$0x3FFE];
	_ =	sdelay $0x1  }
0x8a: {  	s1 =	srdreg.scid  }
0x8b: {  	s0 =	sand.u32 $0x1, s1  }
0x8c: {  	s17 =	sshll.u32 s0, $0xA;
	s2 =	sadd.s32 s3, s2  }
0x8d: {  	s2 =	sadd.s32 s2, s17  }
0x8e: {  	[smem:$0x3FC6] =	sst s2  }
0x8f: {  	_ = 	snop  }
0x90: {  	s2 =	sld [smem:$0x3FD0];
	(tm) =	ssettm $0x1  }
0x91: {  	s18 =	sld [smem:$0x3FFB];
	_ =	sdelay $0x3  }
0x92: {  	_ =	strace s18  }
0x93: {  	s3 =	sld [smem:$0x3FFC];
	_ =	sdelay $0x3  }
0x94: {  	_ =	strace s3  }
0x95: {  	s3 =	sld [smem:$0x3FFD];
	_ =	sdelay $0x3  }
0x96: {  	_ =	strace s3  }
0x97: {  	_ =	strace $0x8FFFFFFF  }
0x98: {  	s19 =	sld [smem:$0x3FDB];
	_ =	sdelay $0x1  }
0x99: {  	s4 =	simm.s32 $_scs_section_size  }
0x9a: {  	s5 =	simm.s32 $_size__tile_overlayer_lowered;
	s6 =	simm.s32 $_tile_overlayer_lowered  }
0x9b: {  	s22 =	simm.s32 $0x1BFF;
	s21 =	sshll.u32 s6, $0x1;
	s3 =	sadd.s32 s4, s19  }
0x9c: {  	s7 =	simm.s32 $0x0;
	s20 =	sshll.u32 s5, $0x1;
	s5 =	sadd.s32 s21, s3  }
0x9d: {  	[timem:s7], [sflag:s22] =	dma.local [hbm:s5], s20  }
0x9e: {  	_ =	swait.ge [sflag:s22], s20  }
0x9f: {  	s4 =	ssub.s32 $0x0, s20;
	[sflag:s22] =	ssyncset.done $0x0  }
0xa0: {  	[sflag:s22] =	ssyncadd.s32 s4;
	_ =	sdelay $0x1  }
0xa1: {  	s23 =	simm.s32 $0x1B8B  }
0xa2: {  	_ =	swait.ge [sflag:s23], $0x1  }
0xa3: {  	[sflag:s23] =	ssyncset.done $0x0  }
0xa4: {  	s25 =	simm.s32 $0x1B8E;
	s24 =	sld [smem:$0x3FFE];
	[sflag:s23] =	ssyncadd.s32 $0xFFFFFFFF  }
0xa5: {  	s26 =	simm.s32 $execute0_lowered;
	[smem:$0x3FD2] =	sst s25  }
0xa6: {  	s5 =	sshll.u32 s26, $0x1;
	_ =	strace $0x80000046;
	[dreg:$0x1] =	wrdreg $0xFFFFFFFF  }
0xa7: {  	s28 =	simm.s32 $_size_execute0_lowered;
	s3 =	sadd.s32 s3, s5;
	[dreg:$0x0] =	wrdreg $0x0  }
0xa8: {  	s5 =	sshll.u32 s28, $0x1;
	[dreg:$0x2] =	wrdreg s3  }
0xa9: {  	[dreg:$0x3] =	wrdreg s5  }
0xaa: {  	[dreg:$0x4] =	wrdreg $0xC0  }
0xab: {  	_ =	task [dreg:s7], $0x5FFFF  }
0xac: {  	[dreg:$0x1] =	wrdreg $0xFFFFFFFF  }
0xad: {  	[dreg:$0x0] =	wrdreg $0x60  }
0xae: {  	[dreg:$0x2] =	wrdreg s2  }
0xaf: {  	[dreg:$0x3] =	wrdreg s24  }
0xb0: {  	[dreg:$0x4] =	wrdreg $0x9  }
0xb1: {  	_ =	task.clear_ibuf [dreg:s7], $0x5FFFF;
	_ =	strace $0x90000046  }
0xb2: {  	s29 =	simm.s32 $0x9;
	_ =	strace $0x80000048  }
0xb3: {  	_ =	swait.ge [sflag:s29], $0x1  }
0xb4: {  	[sflag:s29] =	ssyncadd.s32 $0xFFFFFFFF  }
0xb5: {  	_ =	strace $0x90000048  }
0xb6: {  	_ =	sfence  }
0xb7: {  	s30 =	sld [smem:$0x0];
	_ =	sdelay $0x2  }
0xb8: {  	s31 =	sshll.u32 s1, $0xD;
	s1 =	sshrl.u32 s1, $0x2  }
0xb9: {  	s3 =	sand.u32 $0x4000, s31;
	s1 =	sadd.s32 s1, s30  }
0xba: {  	s0 =	sor.u32 s3, s0;
	s1 =	sshll.u32 s1, $0x11  }
0xbb: {  	s0 =	sor.u32 s1, s0  }
0xbc: {  	s0 =	sadd.s32 $0x8F2B, s0  }
0xbd: {  	[sflag:s0] =	ssyncadd.remote.s32 $0x1  }
0xbe: {  	_ =	sfence.sel $0xFFFF  }
0xbf: {  	[dreg:$0x0] =	wrdreg $0xFFFFFFFF;
	(pc) =	sbr.abs _section_cstart, $3  }
0xc0: {  	[dreg:$0x1] =	wrdreg $0xFFFFFFFF  }
0xc1: {  	_ =	task.clear_ibuf [dreg:s7], $0x2FFFF;
	_ =	strace $0x9FFFFFFF  }
0xc2: {  	(tm) =	ssettm $0x7FFFFFFF  }
0xc3: {  	_ =	shalt  }
tec
execute0_lowered:
.L_overlay_start_1:
0x0: {  	(tag) =	ssettag $0x1  }
0x1: {  	s0 =	srdreg.scid;
	s2 =	stileid.u32  }
0x2: {  	s0 =	sand.u32 $0x1, s0;
	s4 =	sshll.u32 s2, $0x1  }
0x3: {  	s6 =	sor.u32 s0, s4  }
0x4: {  	s9 =	rddreg [dreg:$0x0];
	s3 =	simm.s32 $0x0;
	s7 =	smul.u32 $0x6400, s6  }
0x5: {  	[smem:$0x7FF] =	sst s3;
	s26 =	smul.u32 $0x320000, s6  }
0x6: {  	s1 =	rddreg [dreg:$0x1];
	_ =	strace $0x80000047  }
0x7: {  	s0 =	ssub.s32 $0x2, s0;
	s25 =	sor.u32 $0x200, s7;
	[dreg:$0x6] =	wrdreg s26  }
0x8: {  	s22 =	sshrl.u32 s0, $0x1;
	s28 =	sor.u32 $0x300, s7;
	[dreg:$0x5] =	wrdreg s25  }
0x9: {  	s0 =	ssub.s32 s0, s22;
	s29 =	sor.u32 $0x100, s7;
	[dreg:$0x7] =	wrdreg s28  }
0xa: {  	s8 =	sshrl.u32 s7, $0x3;
	s0 =	smax.u32 s0, $0x1;
	[dreg:$0x8] =	wrdreg s29  }
0xb: {  	s23 =	sadd.s32 s9, s8;
	[dreg:$0x9] =	wrdreg s0  }
0xc: {  	s24 =	sadd.s32 $0x20, s23;
	[dreg:$0x3] =	wrdreg s23  }
0xd: {  	s5 =	sadd.s32 $0xF42C00, s1;
	s30 =	sadd.s32 $0x10, s23;
	[dreg:$0x4] =	wrdreg s24  }
0xe: {  	s2 =	simm.s32 $0x0;
	s31 =	sadd.s32 $0x30, s23;
	[dreg:$0xa] =	wrdreg s30  }
0xf: {  	s4 =	sadd.s32 $0x800, s1;
	s23 =	simm.s32 $0x3;
	[dreg:$0xb] =	wrdreg s31  }
.LBB2_1:
0x10: {  	[dreg:$0xc] =	wrdreg s2  }
0x11: {  	s0 =	rddreg [dreg:$0x3]  }
0x12: {  	[tilespmem:s3], [sflag:$0x5] =	stream.linear.gather [hbm4b:s0+s3], $0x80, $0x38;
	[tilespmem:$0x10200] =	vst v63  }
0x13: {  	s2 =	rddreg [dreg:$0xa];
	s1 =	simm.s32 $0x100  }
0x14: {  	[tilespmem:s1], [sflag:$0x5] =	stream.linear.gather [hbm4b:s2+s3], $0x80, $0x38;
	[tilespmem:$0x10200] =	vst v63  }
0x15: {  	s6 =	rddreg [dreg:$0x4];
	s7 =	simm.s32 $0x80  }
0x16: {  	[tilespmem:s7], [sflag:$0x6] =	stream.linear.gather [hbm4b:s6+s3], $0x80, $0x38;
	[tilespmem:$0x10200] =	vst v63  }
0x17: {  	s8 =	rddreg [dreg:$0xb];
	s9 =	simm.s32 $0x180;
	s10 =	simm.s32 $0x5  }
0x18: {  	[tilespmem:s9], [sflag:$0x6] =	stream.linear.gather [hbm4b:s8+s3], $0x80, $0x38;
	[tilespmem:$0x10200] =	vst v63  }
0x19: {  	s11 =	simm.s32 $0x0;
	_ =	swait.ge [sflag:s10], $0x100  }
0x1a: {  	s12 =	sand.u32 $0x60, s11;
	s0 =	sand.u32 $0x100, s3;
	[sflag:s10] =	ssyncset.done $0x0  }
0x1b: {  	s1 =	sor.u32 s12, s0;
	[sflag:s10] =	ssyncadd.s32 $0xFFFFFF00  }
0x1c: {  	v0 =	vld [tilespmem:s1+$0x0];
	_ =	sdelay $0x4  }
0x1d: {  	v0 =	vshll.u32 v0, $0x4  }
0x1e: {  	(v2sf) =	vpush v0, $0x0;
	_ =	sdelay $0x1  }
0x1f: {  	(v2sf) =	vpush v0, $0x1;
	_ =	sdelay $0x1  }
0x20: {  	(v2sf) =	vpush v0, $0x2  }
0x21: {  	(v2sf) =	vpush v0, $0x3;
	_ =	sdelay $0x1  }
0x22: {  	(v2sf) =	vpush v0, $0x4;
	_ =	sdelay $0x1  }
0x23: {  	(v2sf) =	vpush v0, $0x5;
	_ =	sdelay $0x1  }
0x24: {  	(v2sf) =	vpush v0, $0x6  }
0x25: {  	s13 =	simm.s32 $0x10  }
0x26: {  	s14 =	simm.s32 $0x200;
	s18 =	simm.s32 $0x300;
	s20 =	simm.s32 $0x380;
	(v2sf) =	vpush v0, $0x7  }
0x27: {  	s24 =	simm.s32 $0x400;
	s31 =	simm.s32 $0x480;
	s12 =	simm.s32 $0x780  }
0x28: {  	s7 =	simm.s32 $0x800;
	s1 =	sand.u32 $0x70, s13;
	s13 =	spop (v2sf)  }
0x29: {  	s6 =	simm.s32 $0x880;
	s8 =	simm.s32 $0x500;
	(v2sf) =	vpush v0, $0x8;
	s13 =	sand.u32 $0x1FFFFFF0, s13  }
0x2a: {  	s10 =	simm.s32 $0x600;
	s15 =	spop (v2sf);
	s13 =	sadd.s32 s4, s13  }
0x2b: {  	(v2sf) =	vpush v0, $0x9;
	[tilespmem:s14], [sflag:$0x1] =	stream.linear.gather [hbm4b:s13+s3], $0x80, $0x38;
	[tilespmem:$0x10200] =	vst v63  }
0x2c: {  	s15 =	sand.u32 $0x1FFFFFF0, s15;
	s16 =	spop (v2sf);
	s14 =	simm.s32 $0x280  }
0x2d: {  	(v2sf) =	vpush v0, $0xA;
	s15 =	sadd.s32 s4, s15;
	s17 =	sand.u32 $0x1FFFFFF0, s16;
	s19 =	spop (v2sf)  }
0x2e: {  	[tilespmem:s14], [sflag:$0x1] =	stream.linear.gather [hbm4b:s15+s3], $0x80, $0x38;
	[tilespmem:$0x10200] =	vst v63  }
0x2f: {  	(v2sf) =	vpush v0, $0xB;
	s21 =	spop (v2sf);
	s15 =	sadd.s32 s4, s17;
	s14 =	sand.u32 $0x1FFFFFF0, s19  }
0x30: {  	[tilespmem:s18], [sflag:$0x1] =	stream.linear.gather [hbm4b:s15+s3], $0x80, $0x38;
	[tilespmem:$0x10200] =	vst v63  }
0x31: {  	(v2sf) =	vpush v0, $0xC;
	s22 =	spop (v2sf);
	s14 =	sadd.s32 s4, s14;
	s15 =	sand.u32 $0x1FFFFFF0, s21  }
0x32: {  	[tilespmem:s20], [sflag:$0x1] =	stream.linear.gather [hbm4b:s14+s3], $0x80, $0x38;
	[tilespmem:$0x10200] =	vst v63  }
0x33: {  	(v2sf) =	vpush v0, $0xD;
	s26 =	sand.u32 $0x1FFFFFF0, s22;
	s2 =	spop (v2sf);
	s25 =	sadd.s32 s4, s15  }
0x34: {  	[tilespmem:s24], [sflag:$0x1] =	stream.linear.gather [hbm4b:s25+s3], $0x80, $0x38;
	[tilespmem:$0x10200] =	vst v63  }
0x35: {  	s17 =	simm.s32 $0x680;
	(v2sf) =	vpush v0, $0xE;
	s9 =	spop (v2sf);
	s15 =	sadd.s32 s4, s26  }
0x36: {  	[tilespmem:s31], [sflag:$0x1] =	stream.linear.gather [hbm4b:s15+s3], $0x80, $0x38;
	[tilespmem:$0x10200] =	vst v63  }
0x37: {  	s19 =	simm.s32 $0x700;
	(v2sf) =	vpush v0, $0xF;
	s14 =	sand.u32 $0x1FFFFFF0, s2;
	s15 =	sand.u32 $0x1FFFFFF0, s9  }
0x38: {  	s14 =	sadd.s32 s4, s14;
	s15 =	sadd.s32 s4, s15;
	s11 =	spop (v2sf)  }
0x39: {  	[tilespmem:s8], [sflag:$0x1] =	stream.linear.gather [hbm4b:s14+s3], $0x80, $0x38;
	[tilespmem:$0x10200] =	vst v63  }
0x3a: {  	s14 =	simm.s32 $0x580;
	s16 =	sand.u32 $0x1FFFFFF0, s11;
	s18 =	spop (v2sf)  }
0x3b: {  	[tilespmem:s14], [sflag:$0x1] =	stream.linear.gather [hbm4b:s15+s3], $0x80, $0x38;
	[tilespmem:$0x10200] =	vst v63  }
0x3c: {  	s15 =	sadd.s32 s4, s16;
	s14 =	sand.u32 $0x1FFFFFF0, s18;
	s20 =	spop (v2sf)  }
0x3d: {  	[tilespmem:s10], [sflag:$0x1] =	stream.linear.gather [hbm4b:s15+s3], $0x80, $0x38;
	[tilespmem:$0x10200] =	vst v63  }
0x3e: {  	s14 =	sadd.s32 s4, s14;
	s21 =	spop (v2sf);
	s15 =	sand.u32 $0x1FFFFFF0, s20  }
0x3f: {  	[tilespmem:s17], [sflag:$0x1] =	stream.linear.gather [hbm4b:s14+s3], $0x80, $0x38;
	[tilespmem:$0x10200] =	vst v63  }
0x40: {  	s24 =	sand.u32 $0x1FFFFFF0, s21;
	s25 =	spop (v2sf);
	s22 =	sadd.s32 s4, s15  }
0x41: {  	[tilespmem:s19], [sflag:$0x1] =	stream.linear.gather [hbm4b:s22+s3], $0x80, $0x38;
	[tilespmem:$0x10200] =	vst v63  }
0x42: {  	s26 =	sadd.s32 s4, s24;
	s31 =	sand.u32 $0x1FFFFFF0, s25;
	s2 =	spop (v2sf)  }
0x43: {  	[tilespmem:s12], [sflag:$0x1] =	stream.linear.gather [hbm4b:s26+s3], $0x80, $0x38;
	[tilespmem:$0x10200] =	vst v63  }
0x44: {  	s8 =	sadd.s32 s4, s31;
	s9 =	sand.u32 $0x1FFFFFF0, s2;
	s11 =	spop (v2sf)  }
0x45: {  	[tilespmem:s7], [sflag:$0x1] =	stream.linear.gather [hbm4b:s8+s3], $0x80, $0x38;
	[tilespmem:$0x10200] =	vst v63  }
0x46: {  	s14 =	sand.u32 $0x1FFFFFF0, s11;
	s15 =	spop (v2sf);
	s12 =	sadd.s32 s4, s9  }
0x47: {  	[tilespmem:s6], [sflag:$0x1] =	stream.linear.gather [hbm4b:s12+s3], $0x80, $0x38;
	[tilespmem:$0x10200] =	vst v63  }
0x48: {  	s16 =	simm.s32 $0x900;
	s17 =	sadd.s32 s4, s14;
	s18 =	sand.u32 $0x1FFFFFF0, s15  }
0x49: {  	[tilespmem:s16], [sflag:$0x1] =	stream.linear.gather [hbm4b:s17+s3], $0x80, $0x38;
	[tilespmem:$0x10200] =	vst v63  }
0x4a: {  	s0 =	sor.u32 s1, s0;
	s19 =	simm.s32 $0x980;
	s20 =	sadd.s32 s4, s18  }
0x4b: {  	[tilespmem:s19], [sflag:$0x1] =	stream.linear.gather [hbm4b:s20+s3], $0x80, $0x38;
	[tilespmem:$0x10200] =	vst v63  }
0x4c: {  	v63 =	vld [tilespmem:s0+$0x0];
	_ =	sdelay $0x4  }
0x4d: {  	v0 =	vshll.u32 v63, $0x4  }
0x4e: {  	(v2sf) =	vpush v0, $0x0  }
0x4f: {  	(v2sf) =	vpush v0, $0x1  }
0x50: {  	(v2sf) =	vpush v0, $0x2;
	_ =	sdelay $0x1  }
0x51: {  	(v2sf) =	vpush v0, $0x3;
	_ =	sdelay $0x2  }
0x52: {  	(v2sf) =	vpush v0, $0x4;
	_ =	sdelay $0x1  }
0x53: {  	(v2sf) =	vpush v0, $0x5;
	_ =	sdelay $0x1  }
0x54: {  	(v2sf) =	vpush v0, $0x6  }
0x55: {  	s30 =	simm.s32 $0x1100;
	s29 =	simm.s32 $0x2180;
	s28 =	simm.s32 $0x0  }
0x56: {  	s1 =	simm.s32 $0x1180;
	s24 =	simm.s32 $0xA00;
	s25 =	simm.s32 $0xA80  }
0x57: {  	s31 =	simm.s32 $0xB00;
	s11 =	simm.s32 $0xB80;
	s15 =	simm.s32 $0x40  }
0x58: {  	s6 =	simm.s32 $0x1000;
	s17 =	simm.s32 $0xC00;
	(v2sf) =	vpush v0, $0x7;
	s21 =	spop (v2sf)  }
0x59: {  	s19 =	simm.s32 $0xC80;
	s7 =	sand.u32 $0x1FFFFFF0, s21;
	s22 =	spop (v2sf)  }
0x5a: {  	(v2sf) =	vpush v0, $0x8;
	s7 =	sadd.s32 s4, s7;
	s10 =	sand.u32 $0x1FFFFFF0, s22;
	s26 =	spop (v2sf)  }
0x5b: {  	(v2sf) =	vpush v0, $0x9;
	[tilespmem:s24], [sflag:$0x1] =	stream.linear.gather [hbm4b:s7+s3], $0x80, $0x38;
	[tilespmem:$0x10200] =	vst v63  }
0x5c: {  	s22 =	simm.s32 $0xD00;
	s10 =	sadd.s32 s4, s10;
	s8 =	spop (v2sf)  }
0x5d: {  	(v2sf) =	vpush v0, $0xA;
	s2 =	sand.u32 $0x1FFFFFF0, s26;
	s26 =	simm.s32 $0xD80;
	s12 =	sand.u32 $0x1FFFFFF0, s8  }
0x5e: {  	[tilespmem:s25], [sflag:$0x1] =	stream.linear.gather [hbm4b:s10+s3], $0x80, $0x38;
	[tilespmem:$0x10200] =	vst v63  }
0x5f: {  	(v2sf) =	vpush v0, $0xB;
	s9 =	spop (v2sf);
	s10 =	sadd.s32 s4, s2;
	s14 =	sadd.s32 s4, s12  }
0x60: {  	[tilespmem:s31], [sflag:$0x1] =	stream.linear.gather [hbm4b:s10+s3], $0x80, $0x38;
	[tilespmem:$0x10200] =	vst v63  }
0x61: {  	(v2sf) =	vpush v0, $0xC;
	s16 =	sand.u32 $0x1FFFFFF0, s9;
	s18 =	spop (v2sf);
	s2 =	simm.s32 $0xE00  }
0x62: {  	[tilespmem:s11], [sflag:$0x1] =	stream.linear.gather [hbm4b:s14+s3], $0x80, $0x38;
	[tilespmem:$0x10200] =	vst v63  }
0x63: {  	(v2sf) =	vpush v0, $0xD;
	s12 =	sadd.s32 s4, s16;
	s20 =	spop (v2sf);
	s10 =	sand.u32 $0x1FFFFFF0, s18  }
0x64: {  	[tilespmem:s17], [sflag:$0x1] =	stream.linear.gather [hbm4b:s12+s3], $0x80, $0x38;
	[tilespmem:$0x10200] =	vst v63  }
0x65: {  	s16 =	simm.s32 $0xF00;
	s10 =	sadd.s32 s4, s10;
	s12 =	sand.u32 $0x1FFFFFF0, s20  }
0x66: {  	[tilespmem:s19], [sflag:$0x1] =	stream.linear.gather [hbm4b:s10+s3], $0x80, $0x38;
	[tilespmem:$0x10200] =	vst v63  }
0x67: {  	(v2sf) =	vpush v0, $0xE;
	s21 =	spop (v2sf);
	s18 =	simm.s32 $0xF80;
	s24 =	sadd.s32 s4, s12  }
0x68: {  	[tilespmem:s22], [sflag:$0x1] =	stream.linear.gather [hbm4b:s24+s3], $0x80, $0x38;
	[tilespmem:$0x10200] =	vst v63  }
0x69: {  	s25 =	sand.u32 $0x1FFFFFF0, s21;
	s11 =	simm.s32 $0xE80;
	s31 =	spop (v2sf);
	(v2sf) =	vpush v0, $0xF  }
0x6a: {  	s12 =	sadd.s32 s4, s25;
	s10 =	sand.u32 $0x1FFFFFF0, s31;
	s8 =	spop (v2sf)  }
0x6b: {  	[tilespmem:s26], [sflag:$0x1] =	stream.linear.gather [hbm4b:s12+s3], $0x80, $0x38;
	[tilespmem:$0x10200] =	vst v63  }
0x6c: {  	s10 =	sadd.s32 s4, s10;
	s12 =	sand.u32 $0x1FFFFFF0, s8;
	s9 =	spop (v2sf)  }
0x6d: {  	[tilespmem:s2], [sflag:$0x1] =	stream.linear.gather [hbm4b:s10+s3], $0x80, $0x38;
	[tilespmem:$0x10200] =	vst v63  }
0x6e: {  	s12 =	sadd.s32 s4, s12;
	s14 =	sand.u32 $0x1FFFFFF0, s9;
	s17 =	spop (v2sf)  }
0x6f: {  	[tilespmem:s11], [sflag:$0x1] =	stream.linear.gather [hbm4b:s12+s3], $0x80, $0x38;
	[tilespmem:$0x10200] =	vst v63  }
0x70: {  	s10 =	sand.u32 $0x1FFFFFF0, s17;
	s19 =	spop (v2sf);
	s12 =	sadd.s32 s4, s14  }
0x71: {  	[tilespmem:s16], [sflag:$0x1] =	stream.linear.gather [hbm4b:s12+s3], $0x80, $0x38;
	[tilespmem:$0x10200] =	vst v63  }
0x72: {  	s10 =	sadd.s32 s4, s10;
	s20 =	spop (v2sf);
	s12 =	sand.u32 $0x1FFFFFF0, s19  }
0x73: {  	[tilespmem:s18], [sflag:$0x1] =	stream.linear.gather [hbm4b:s10+s3], $0x80, $0x38;
	[tilespmem:$0x10200] =	vst v63  }
0x74: {  	s0 =	simm.s32 $0x2;
	s24 =	sand.u32 $0x1FFFFFF0, s20;
	s22 =	sadd.s32 s4, s12  }
0x75: {  	[tilespmem:s6], [sflag:$0x1] =	stream.linear.gather [hbm4b:s22+s3], $0x80, $0x38;
	[tilespmem:$0x10200] =	vst v63  }
0x76: {  	s21 =	simm.s32 $0x1080;
	s25 =	spop (v2sf);
	s12 =	sadd.s32 s4, s24  }
0x77: {  	[tilespmem:s21], [sflag:$0x1] =	stream.linear.gather [hbm4b:s12+s3], $0x80, $0x38;
	[tilespmem:$0x10200] =	vst v63  }
0x78: {  	s7 =	simm.s32 $0x30;
	s26 =	sand.u32 $0x1FFFFFF0, s25;
	s31 =	spop (v2sf)  }
0x79: {  	s6 =	simm.s32 $0x20;
	s12 =	sadd.s32 s4, s26;
	s10 =	sand.u32 $0x1FFFFFF0, s31  }
.LBB2_2:
0x7a: {  	[tilespmem:s30], [sflag:$0x1] =	stream.linear.gather [hbm4b:s12+s28], $0x80, $0x38;
	[tilespmem:$0x10200] =	vst v63  }
0x7b: {  	s6 =	sand.u32 $0x60, s6;
	s12 =	sand.u32 $0x100, s15;
	s10 =	sadd.s32 s4, s10  }
0x7c: {  	s0 =	sadd.s32 $0x2, s0;
	s6 =	sor.u32 s6, s12  }
0x7d: {  	[tilespmem:s1], [sflag:$0x1] =	stream.linear.gather [hbm4b:s10+s28], $0x80, $0x38;
	[tilespmem:$0x10200] =	vst v63  }
0x7e: {  	p0 =	slt.u32 s0, $0xE;
	s1 =	smov.u32 s29;
	v0 =	vld [tilespmem:s6+$0x0];
	_ =	sdelay $0x4  }
0x7f: {  	v0 =	vshll.u32 v0, $0x4  }
0x80: {  	(v2sf) =	vpush v0, $0x0  }
0x81: {  	(v2sf) =	vpush v0, $0x1  }
0x82: {  	(v2sf) =	vpush v0, $0x2;
	_ =	sdelay $0x1  }
0x83: {  	(v2sf) =	vpush v0, $0x3;
	_ =	sdelay $0x1  }
0x84: {  	(v2sf) =	vpush v0, $0x4;
	_ =	sdelay $0x1  }
0x85: {  	(v2sf) =	vpush v0, $0x5;
	_ =	sdelay $0x1  }
0x86: {  	s30 =	sand.u32 $0x70, s7;
	(v2sf) =	vpush v0, $0x6  }
0x87: {  	s14 =	sadd.s32 $0xFFFFF600, s29;
	s13 =	sadd.s32 $0xFFFFF700, s29;
	s6 =	sadd.s32 $0xFFFFF680, s29  }
0x88: {  	s26 =	sadd.s32 $0xFFFFF480, s29;
	s16 =	sadd.s32 $0xFFFFF500, s29;
	s25 =	sadd.s32 $0xFFFFF580, s29;
	(v2sf) =	vpush v0, $0x7  }
0x89: {  	s21 =	sadd.s32 $0xFFFFF300, s29;
	s17 =	sadd.s32 $0xFFFFF380, s29;
	s10 =	sadd.s32 $0xFFFFF400, s29  }
0x8a: {  	s31 =	sadd.s32 $0xFFFFF180, s29;
	s24 =	sadd.s32 $0xFFFFF200, s29;
	s2 =	sadd.s32 $0xFFFFF280, s29;
	(v2sf) =	vpush v0, $0x8  }
0x8b: {  	s18 =	sadd.s32 $0xFFFFF100, s29;
	s28 =	simm.s32 $0x0;
	s8 =	spop (v2sf)  }
0x8c: {  	s9 =	sadd.s32 $0xFFFFF080, s29;
	s8 =	sand.u32 $0x1FFFFFF0, s8;
	s11 =	spop (v2sf);
	(v2sf) =	vpush v0, $0x9  }
0x8d: {  	s8 =	sadd.s32 s4, s8;
	s11 =	sand.u32 $0x1FFFFFF0, s11;
	s19 =	spop (v2sf)  }
0x8e: {  	[tilespmem:s9], [sflag:$0x1] =	stream.linear.gather [hbm4b:s8+s28], $0x80, $0x38;
	(v2sf) =	vpush v0, $0xA;
	[tilespmem:$0x10200] =	vst v63  }
0x8f: {  	s8 =	sadd.s32 s4, s11;
	s9 =	sand.u32 $0x1FFFFFF0, s19;
	s11 =	spop (v2sf)  }
0x90: {  	[tilespmem:s18], [sflag:$0x1] =	stream.linear.gather [hbm4b:s8+s28], $0x80, $0x38;
	(v2sf) =	vpush v0, $0xB;
	[tilespmem:$0x10200] =	vst v63  }
0x91: {  	s8 =	sadd.s32 s4, s9;
	s9 =	sand.u32 $0x1FFFFFF0, s11;
	s11 =	spop (v2sf)  }
0x92: {  	[tilespmem:s31], [sflag:$0x1] =	stream.linear.gather [hbm4b:s8+s28], $0x80, $0x38;
	(v2sf) =	vpush v0, $0xC;
	[tilespmem:$0x10200] =	vst v63  }
0x93: {  	s8 =	sadd.s32 s4, s9;
	s9 =	sand.u32 $0x1FFFFFF0, s11;
	s11 =	spop (v2sf)  }
0x94: {  	[tilespmem:s24], [sflag:$0x1] =	stream.linear.gather [hbm4b:s8+s28], $0x80, $0x38;
	(v2sf) =	vpush v0, $0xD;
	[tilespmem:$0x10200] =	vst v63  }
0x95: {  	s8 =	sadd.s32 s4, s9;
	s9 =	sand.u32 $0x1FFFFFF0, s11;
	s11 =	spop (v2sf)  }
0x96: {  	[tilespmem:s2], [sflag:$0x1] =	stream.linear.gather [hbm4b:s8+s28], $0x80, $0x38;
	(v2sf) =	vpush v0, $0xE;
	[tilespmem:$0x10200] =	vst v63  }
0x97: {  	s2 =	sadd.s32 s4, s9;
	s8 =	sand.u32 $0x1FFFFFF0, s11;
	s9 =	spop (v2sf)  }
0x98: {  	[tilespmem:s21], [sflag:$0x1] =	stream.linear.gather [hbm4b:s2+s28], $0x80, $0x38;
	(v2sf) =	vpush v0, $0xF;
	[tilespmem:$0x10200] =	vst v63  }
0x99: {  	s2 =	sadd.s32 s4, s8;
	s8 =	sand.u32 $0x1FFFFFF0, s9;
	s9 =	spop (v2sf)  }
0x9a: {  	[tilespmem:s17], [sflag:$0x1] =	stream.linear.gather [hbm4b:s2+s28], $0x80, $0x38;
	[tilespmem:$0x10200] =	vst v63  }
0x9b: {  	s2 =	sadd.s32 s4, s8;
	s8 =	sand.u32 $0x1FFFFFF0, s9;
	s9 =	spop (v2sf)  }
0x9c: {  	[tilespmem:s10], [sflag:$0x1] =	stream.linear.gather [hbm4b:s2+s28], $0x80, $0x38;
	[tilespmem:$0x10200] =	vst v63  }
0x9d: {  	s2 =	sadd.s32 s4, s8;
	s8 =	sand.u32 $0x1FFFFFF0, s9;
	s9 =	spop (v2sf)  }
0x9e: {  	[tilespmem:s26], [sflag:$0x1] =	stream.linear.gather [hbm4b:s2+s28], $0x80, $0x38;
	[tilespmem:$0x10200] =	vst v63  }
0x9f: {  	s2 =	sadd.s32 s4, s8;
	s8 =	sand.u32 $0x1FFFFFF0, s9;
	s9 =	spop (v2sf)  }
0xa0: {  	[tilespmem:s16], [sflag:$0x1] =	stream.linear.gather [hbm4b:s2+s28], $0x80, $0x38;
	[tilespmem:$0x10200] =	vst v63  }
0xa1: {  	s2 =	sadd.s32 s4, s8;
	s8 =	sand.u32 $0x1FFFFFF0, s9;
	s9 =	spop (v2sf)  }
0xa2: {  	[tilespmem:s25], [sflag:$0x1] =	stream.linear.gather [hbm4b:s2+s28], $0x80, $0x38;
	[tilespmem:$0x10200] =	vst v63  }
0xa3: {  	s2 =	sadd.s32 s4, s8;
	s8 =	sand.u32 $0x1FFFFFF0, s9;
	s9 =	spop (v2sf)  }
0xa4: {  	[tilespmem:s14], [sflag:$0x1] =	stream.linear.gather [hbm4b:s2+s28], $0x80, $0x38;
	[tilespmem:$0x10200] =	vst v63  }
0xa5: {  	s2 =	sadd.s32 s4, s8;
	s8 =	sand.u32 $0x1FFFFFF0, s9;
	s9 =	spop (v2sf)  }
0xa6: {  	[tilespmem:s6], [sflag:$0x1] =	stream.linear.gather [hbm4b:s2+s28], $0x80, $0x38;
	[tilespmem:$0x10200] =	vst v63  }
0xa7: {  	s2 =	sadd.s32 s4, s8;
	s6 =	sand.u32 $0x1FFFFFF0, s9;
	s8 =	spop (v2sf)  }
0xa8: {  	[tilespmem:s13], [sflag:$0x1] =	stream.linear.gather [hbm4b:s2+s28], $0x80, $0x38;
	[tilespmem:$0x10200] =	vst v63  }
0xa9: {  	s6 =	sadd.s32 s4, s6;
	s2 =	sadd.s32 $0xFFFFF780, s29;
	s8 =	sand.u32 $0x1FFFFFF0, s8  }
0xaa: {  	[tilespmem:s2], [sflag:$0x1] =	stream.linear.gather [hbm4b:s6+s28], $0x80, $0x38;
	[tilespmem:$0x10200] =	vst v63  }
0xab: {  	s2 =	sadd.s32 $0xFFFFF800, s29;
	s6 =	sadd.s32 s4, s8;
	s8 =	sor.u32 s30, s12  }
0xac: {  	[tilespmem:s2], [sflag:$0x1] =	stream.linear.gather [hbm4b:s6+s28], $0x80, $0x38;
	[tilespmem:$0x10200] =	vst v63  }
0xad: {  	v0 =	vld [tilespmem:s8+$0x0];
	_ =	sdelay $0x4  }
0xae: {  	v0 =	vshll.u32 v0, $0x4  }
0xaf: {  	(v2sf) =	vpush v0, $0x0  }
0xb0: {  	(v2sf) =	vpush v0, $0x1  }
0xb1: {  	(v2sf) =	vpush v0, $0x2;
	_ =	sdelay $0x1  }
0xb2: {  	(v2sf) =	vpush v0, $0x3;
	_ =	sdelay $0x1  }
0xb3: {  	(v2sf) =	vpush v0, $0x4;
	_ =	sdelay $0x1  }
0xb4: {  	(v2sf) =	vpush v0, $0x5;
	_ =	sdelay $0x1  }
0xb5: {  	s15 =	sadd.s32 $0x40, s15;
	s30 =	sadd.s32 $0xFFFFFF80, s1;
	s29 =	sadd.s32 $0x1000, s29;
	(v2sf) =	vpush v0, $0x6  }
0xb6: {  	s7 =	sadd.s32 $0x20, s7;
	s13 =	sadd.s32 $0xFFFFFE80, s1;
	s12 =	sadd.s32 $0xFFFFFF00, s1  }
0xb7: {  	s25 =	sadd.s32 $0xFFFFFD00, s1;
	s14 =	sadd.s32 $0xFFFFFD80, s1;
	s6 =	sadd.s32 $0xFFFFFE00, s1;
	(v2sf) =	vpush v0, $0x7  }
0xb8: {  	s17 =	sadd.s32 $0xFFFFFC00, s1;
	s10 =	sadd.s32 $0xFFFFFB80, s1;
	s16 =	sadd.s32 $0xFFFFFC80, s1  }
0xb9: {  	s9 =	sadd.s32 $0xFFFFFB00, s1;
	s2 =	sadd.s32 $0xFFFFFA00, s1;
	s8 =	sadd.s32 $0xFFFFFA80, s1;
	(v2sf) =	vpush v0, $0x8  }
0xba: {  	s18 =	sadd.s32 $0xFFFFF980, s1;
	s11 =	sadd.s32 $0xFFFFF900, s1;
	s19 =	spop (v2sf)  }
0xbb: {  	s21 =	sadd.s32 $0xFFFFF880, s1;
	s19 =	sand.u32 $0x1FFFFFF0, s19;
	s24 =	spop (v2sf);
	(v2sf) =	vpush v0, $0x9  }
0xbc: {  	s19 =	sadd.s32 s4, s19;
	s24 =	sand.u32 $0x1FFFFFF0, s24;
	s26 =	spop (v2sf)  }
0xbd: {  	[tilespmem:s21], [sflag:$0x1] =	stream.linear.gather [hbm4b:s19+s28], $0x80, $0x38;
	(v2sf) =	vpush v0, $0xA;
	[tilespmem:$0x10200] =	vst v63  }
0xbe: {  	s19 =	sadd.s32 s4, s24;
	s21 =	sand.u32 $0x1FFFFFF0, s26;
	s24 =	spop (v2sf)  }
0xbf: {  	[tilespmem:s11], [sflag:$0x1] =	stream.linear.gather [hbm4b:s19+s28], $0x80, $0x38;
	(v2sf) =	vpush v0, $0xB;
	[tilespmem:$0x10200] =	vst v63  }
0xc0: {  	s11 =	sadd.s32 s4, s21;
	s19 =	sand.u32 $0x1FFFFFF0, s24;
	s21 =	spop (v2sf)  }
0xc1: {  	[tilespmem:s18], [sflag:$0x1] =	stream.linear.gather [hbm4b:s11+s28], $0x80, $0x38;
	(v2sf) =	vpush v0, $0xC;
	[tilespmem:$0x10200] =	vst v63  }
0xc2: {  	s11 =	sadd.s32 s4, s19;
	s18 =	sand.u32 $0x1FFFFFF0, s21;
	s19 =	spop (v2sf)  }
0xc3: {  	[tilespmem:s2], [sflag:$0x1] =	stream.linear.gather [hbm4b:s11+s28], $0x80, $0x38;
	(v2sf) =	vpush v0, $0xD;
	[tilespmem:$0x10200] =	vst v63  }
0xc4: {  	s2 =	sadd.s32 s4, s18;
	s11 =	sand.u32 $0x1FFFFFF0, s19;
	s18 =	spop (v2sf)  }
0xc5: {  	[tilespmem:s8], [sflag:$0x1] =	stream.linear.gather [hbm4b:s2+s28], $0x80, $0x38;
	(v2sf) =	vpush v0, $0xE;
	[tilespmem:$0x10200] =	vst v63  }
0xc6: {  	s2 =	sadd.s32 s4, s11;
	s8 =	sand.u32 $0x1FFFFFF0, s18;
	s11 =	spop (v2sf)  }
0xc7: {  	[tilespmem:s9], [sflag:$0x1] =	stream.linear.gather [hbm4b:s2+s28], $0x80, $0x38;
	(v2sf) =	vpush v0, $0xF;
	[tilespmem:$0x10200] =	vst v63  }
0xc8: {  	s2 =	sadd.s32 s4, s8;
	s8 =	sand.u32 $0x1FFFFFF0, s11;
	s9 =	spop (v2sf)  }
0xc9: {  	[tilespmem:s10], [sflag:$0x1] =	stream.linear.gather [hbm4b:s2+s28], $0x80, $0x38;
	[tilespmem:$0x10200] =	vst v63  }
0xca: {  	s2 =	sadd.s32 s4, s8;
	s8 =	sand.u32 $0x1FFFFFF0, s9;
	s9 =	spop (v2sf)  }
0xcb: {  	[tilespmem:s17], [sflag:$0x1] =	stream.linear.gather [hbm4b:s2+s28], $0x80, $0x38;
	[tilespmem:$0x10200] =	vst v63  }
0xcc: {  	s2 =	sadd.s32 s4, s8;
	s8 =	sand.u32 $0x1FFFFFF0, s9;
	s9 =	spop (v2sf)  }
0xcd: {  	[tilespmem:s16], [sflag:$0x1] =	stream.linear.gather [hbm4b:s2+s28], $0x80, $0x38;
	[tilespmem:$0x10200] =	vst v63  }
0xce: {  	s2 =	sadd.s32 s4, s8;
	s8 =	sand.u32 $0x1FFFFFF0, s9;
	s9 =	spop (v2sf)  }
0xcf: {  	[tilespmem:s25], [sflag:$0x1] =	stream.linear.gather [hbm4b:s2+s28], $0x80, $0x38;
	[tilespmem:$0x10200] =	vst v63  }
0xd0: {  	s2 =	sadd.s32 s4, s8;
	s8 =	sand.u32 $0x1FFFFFF0, s9;
	s9 =	spop (v2sf)  }
0xd1: {  	[tilespmem:s14], [sflag:$0x1] =	stream.linear.gather [hbm4b:s2+s28], $0x80, $0x38;
	[tilespmem:$0x10200] =	vst v63  }
0xd2: {  	s2 =	sadd.s32 s4, s8;
	s8 =	sand.u32 $0x1FFFFFF0, s9;
	s9 =	spop (v2sf)  }
0xd3: {  	[tilespmem:s6], [sflag:$0x1] =	stream.linear.gather [hbm4b:s2+s28], $0x80, $0x38;
	[tilespmem:$0x10200] =	vst v63  }
0xd4: {  	s2 =	sadd.s32 s4, s8  }
.Ltmp0:
0xd5: {  	s6 =	sand.u32 $0x1FFFFFF0, s9;
	s8 =	spop (v2sf);
	(pc) =	sbr.rel @p0 .LBB2_2-.Ltmp0, $4  }
0xd6: {  	[tilespmem:s13], [sflag:$0x1] =	stream.linear.gather [hbm4b:s2+s28], $0x80, $0x38;
	[tilespmem:$0x10200] =	vst v63  }
0xd7: {  	s2 =	sadd.s32 s4, s6;
	s8 =	sand.u32 $0x1FFFFFF0, s8;
	s9 =	spop (v2sf)  }
0xd8: {  	[tilespmem:s12], [sflag:$0x1] =	stream.linear.gather [hbm4b:s2+s28], $0x80, $0x38;
	[tilespmem:$0x10200] =	vst v63  }
0xd9: {  	s6 =	sadd.s32 $0xFFFFFFF0, s7;
	s12 =	sadd.s32 s4, s8;
	s10 =	sand.u32 $0x1FFFFFF0, s9  }
0xda: {  	[tilespmem:s30], [sflag:$0x1] =	stream.linear.gather [hbm4b:s12+s28], $0x80, $0x38;
	[tilespmem:$0x10200] =	vst v63  }
0xdb: {  	s2 =	sand.u32 $0x60, s6;
	s0 =	sand.u32 $0x100, s15  }
0xdc: {  	s24 =	sadd.s32 s4, s10;
	s2 =	sor.u32 s2, s0  }
0xdd: {  	[tilespmem:s1], [sflag:$0x1] =	stream.linear.gather [hbm4b:s24+s28], $0x80, $0x38;
	[tilespmem:$0x10200] =	vst v63  }
0xde: {  	v0 =	vld [tilespmem:s2+$0x0];
	_ =	sdelay $0x4  }
0xdf: {  	v0 =	vshll.u32 v0, $0x4  }
0xe0: {  	(v2sf) =	vpush v0, $0x0  }
0xe1: {  	(v2sf) =	vpush v0, $0x1  }
0xe2: {  	(v2sf) =	vpush v0, $0x2;
	_ =	sdelay $0x1  }
0xe3: {  	(v2sf) =	vpush v0, $0x3;
	_ =	sdelay $0x1  }
0xe4: {  	(v2sf) =	vpush v0, $0x4;
	_ =	sdelay $0x1  }
0xe5: {  	(v2sf) =	vpush v0, $0x5;
	_ =	sdelay $0x1  }
0xe6: {  	(v2sf) =	vpush v0, $0x6  }
0xe7: {  	s12 =	sadd.s32 $0xFFFFF600, s29;
	s6 =	sadd.s32 $0xFFFFF700, s29;
	s8 =	sadd.s32 $0xFFFFF500, s29  }
0xe8: {  	s10 =	sadd.s32 $0xFFFFF580, s29;
	s9 =	sadd.s32 $0xFFFFF300, s29;
	s11 =	sadd.s32 $0xFFFFF380, s29;
	(v2sf) =	vpush v0, $0x7  }
0xe9: {  	s13 =	sadd.s32 $0xFFFFF400, s29;
	s14 =	sadd.s32 $0xFFFFF180, s29;
	s15 =	sadd.s32 $0xFFFFF200, s29  }
0xea: {  	s16 =	sadd.s32 $0xFFFFF280, s29;
	s17 =	sadd.s32 $0xFFFFF100, s29;
	s19 =	sadd.s32 $0xFFFFF080, s29;
	(v2sf) =	vpush v0, $0x8  }
0xeb: {  	s1 =	sand.u32 $0x70, s7;
	s7 =	sadd.s32 $0xFFFFF680, s29;
	s18 =	spop (v2sf)  }
0xec: {  	s2 =	sadd.s32 $0xFFFFF480, s29;
	s18 =	sand.u32 $0x1FFFFFF0, s18;
	s21 =	spop (v2sf);
	(v2sf) =	vpush v0, $0x9  }
0xed: {  	s18 =	sadd.s32 s4, s18;
	s21 =	sand.u32 $0x1FFFFFF0, s21;
	s24 =	spop (v2sf)  }
0xee: {  	(v2sf) =	vpush v0, $0xA;
	[tilespmem:s19], [sflag:$0x1] =	stream.linear.gather [hbm4b:s18+s28], $0x80, $0x38;
	[tilespmem:$0x10200] =	vst v63  }
0xef: {  	s25 =	sadd.s32 s4, s21;
	s26 =	sand.u32 $0x1FFFFFF0, s24;
	s30 =	spop (v2sf)  }
0xf0: {  	(v2sf) =	vpush v0, $0xB;
	[tilespmem:s17], [sflag:$0x1] =	stream.linear.gather [hbm4b:s25+s28], $0x80, $0x38;
	[tilespmem:$0x10200] =	vst v63  }
0xf1: {  	s20 =	sadd.s32 s4, s26;
	s22 =	sand.u32 $0x1FFFFFF0, s30;
	s24 =	spop (v2sf)  }
0xf2: {  	(v2sf) =	vpush v0, $0xC;
	[tilespmem:s14], [sflag:$0x1] =	stream.linear.gather [hbm4b:s20+s28], $0x80, $0x38;
	[tilespmem:$0x10200] =	vst v63  }
0xf3: {  	s25 =	sadd.s32 s4, s22;
	s26 =	sand.u32 $0x1FFFFFF0, s24;
	s30 =	spop (v2sf)  }
0xf4: {  	(v2sf) =	vpush v0, $0xD;
	[tilespmem:s15], [sflag:$0x1] =	stream.linear.gather [hbm4b:s25+s28], $0x80, $0x38;
	[tilespmem:$0x10200] =	vst v63  }
0xf5: {  	s17 =	sadd.s32 s4, s26;
	s19 =	sand.u32 $0x1FFFFFF0, s30;
	s20 =	spop (v2sf)  }
0xf6: {  	(v2sf) =	vpush v0, $0xE;
	[tilespmem:s16], [sflag:$0x1] =	stream.linear.gather [hbm4b:s17+s28], $0x80, $0x38;
	[tilespmem:$0x10200] =	vst v63  }
0xf7: {  	s21 =	sadd.s32 s4, s19;
	s22 =	sand.u32 $0x1FFFFFF0, s20;
	s24 =	spop (v2sf)  }
0xf8: {  	(v2sf) =	vpush v0, $0xF;
	[tilespmem:s9], [sflag:$0x1] =	stream.linear.gather [hbm4b:s21+s28], $0x80, $0x38;
	[tilespmem:$0x10200] =	vst v63  }
0xf9: {  	s25 =	sadd.s32 s4, s22;
	s26 =	sand.u32 $0x1FFFFFF0, s24;
	s30 =	spop (v2sf)  }
0xfa: {  	[tilespmem:s11], [sflag:$0x1] =	stream.linear.gather [hbm4b:s25+s28], $0x80, $0x38;
	[tilespmem:$0x10200] =	vst v63  }
0xfb: {  	s14 =	sadd.s32 s4, s26;
	s16 =	sand.u32 $0x1FFFFFF0, s30;
	s17 =	spop (v2sf)  }
0xfc: {  	[tilespmem:s13], [sflag:$0x1] =	stream.linear.gather [hbm4b:s14+s28], $0x80, $0x38;
	[tilespmem:$0x10200] =	vst v63  }
0xfd: {  	s18 =	sadd.s32 s4, s16;
	s19 =	sand.u32 $0x1FFFFFF0, s17;
	s20 =	spop (v2sf)  }
0xfe: {  	[tilespmem:s2], [sflag:$0x1] =	stream.linear.gather [hbm4b:s18+s28], $0x80, $0x38;
	[tilespmem:$0x10200] =	vst v63  }
0xff: {  	s21 =	sadd.s32 s4, s19;
	s22 =	sand.u32 $0x1FFFFFF0, s20;
	s24 =	spop (v2sf)  }
0x100: {  	[tilespmem:s8], [sflag:$0x1] =	stream.linear.gather [hbm4b:s21+s28], $0x80, $0x38;
	[tilespmem:$0x10200] =	vst v63  }
0x101: {  	s25 =	sadd.s32 s4, s22;
	s26 =	sand.u32 $0x1FFFFFF0, s24;
	s30 =	spop (v2sf)  }
0x102: {  	[tilespmem:s10], [sflag:$0x1] =	stream.linear.gather [hbm4b:s25+s28], $0x80, $0x38;
	[tilespmem:$0x10200] =	vst v63  }
0x103: {  	s11 =	spop (v2sf);
	s8 =	sadd.s32 s4, s26;
	s10 =	sand.u32 $0x1FFFFFF0, s30  }
0x104: {  	[tilespmem:s12], [sflag:$0x1] =	stream.linear.gather [hbm4b:s8+s28], $0x80, $0x38;
	[tilespmem:$0x10200] =	vst v63  }
0x105: {  	s14 =	sand.u32 $0x1FFFFFF0, s11;
	s15 =	spop (v2sf);
	s13 =	sadd.s32 s4, s10  }
0x106: {  	[tilespmem:s7], [sflag:$0x1] =	stream.linear.gather [hbm4b:s13+s28], $0x80, $0x38;
	[tilespmem:$0x10200] =	vst v63  }
0x107: {  	s16 =	sadd.s32 s4, s14;
	s17 =	sand.u32 $0x1FFFFFF0, s15;
	s18 =	spop (v2sf)  }
0x108: {  	[tilespmem:s6], [sflag:$0x1] =	stream.linear.gather [hbm4b:s16+s28], $0x80, $0x38;
	[tilespmem:$0x10200] =	vst v63  }
0x109: {  	s19 =	sadd.s32 $0xFFFFF780, s29;
	s20 =	sadd.s32 s4, s17;
	s21 =	sand.u32 $0x1FFFFFF0, s18  }
0x10a: {  	[tilespmem:s19], [sflag:$0x1] =	stream.linear.gather [hbm4b:s20+s28], $0x80, $0x38;
	[tilespmem:$0x10200] =	vst v63  }
0x10b: {  	s0 =	sor.u32 s1, s0;
	s22 =	sadd.s32 $0xFFFFF800, s29;
	s24 =	sadd.s32 s4, s21  }
0x10c: {  	[tilespmem:s22], [sflag:$0x1] =	stream.linear.gather [hbm4b:s24+s28], $0x80, $0x38;
	[tilespmem:$0x10200] =	vst v63  }
0x10d: {  	v63 =	vld [tilespmem:s0+$0x0];
	_ =	sdelay $0x4  }
0x10e: {  	v0 =	vshll.u32 v63, $0x4  }
0x10f: {  	(v2sf) =	vpush v0, $0x0  }
0x110: {  	(v2sf) =	vpush v0, $0x1  }
0x111: {  	(v2sf) =	vpush v0, $0x2;
	_ =	sdelay $0x1  }
0x112: {  	(v2sf) =	vpush v0, $0x3;
	_ =	sdelay $0x1  }
0x113: {  	(v2sf) =	vpush v0, $0x4;
	_ =	sdelay $0x1  }
0x114: {  	(v2sf) =	vpush v0, $0x5;
	_ =	sdelay $0x1  }
0x115: {  	(v2sf) =	vpush v0, $0x6  }
0x116: {  	s1 =	sadd.s32 $0xFFFFFE80, s29;
	s9 =	sadd.s32 $0xFFFFFC80, s29  }
0x117: {  	s2 =	sadd.s32 $0xFFFFFB80, s29;
	s11 =	sadd.s32 $0xFFFFFA00, s29;
	s25 =	sadd.s32 $0xFFFFF900, s29;
	(v2sf) =	vpush v0, $0x7  }
0x118: {  	s15 =	sadd.s32 $0xFFFFF980, s29;
	s30 =	sadd.s32 $0xFFFFF880, s29;
	s10 =	sadd.s32 $0xFFFFFD00, s29  }
0x119: {  	s8 =	sadd.s32 $0xFFFFFC00, s29;
	s12 =	sadd.s32 $0xFFFFFA80, s29;
	s7 =	sadd.s32 $0xFFFFFD80, s29;
	(v2sf) =	vpush v0, $0x8  }
0x11a: {  	s13 =	sadd.s32 $0xFFFFFB00, s29;
	s6 =	sadd.s32 $0xFFFFFE00, s29;
	s26 =	spop (v2sf)  }
0x11b: {  	s0 =	sadd.s32 $0xFFFFFF00, s29;
	(v2sf) =	vpush v0, $0x9;
	s16 =	sand.u32 $0x1FFFFFF0, s26;
	s19 =	spop (v2sf)  }
0x11c: {  	s16 =	sadd.s32 s4, s16;
	s18 =	sand.u32 $0x1FFFFFF0, s19;
	s20 =	spop (v2sf)  }
0x11d: {  	(v2sf) =	vpush v0, $0xA;
	[tilespmem:s30], [sflag:$0x1] =	stream.linear.gather [hbm4b:s16+s28], $0x80, $0x38;
	[tilespmem:$0x10200] =	vst v63  }
0x11e: {  	s21 =	sadd.s32 s4, s18;
	s22 =	sand.u32 $0x1FFFFFF0, s20;
	s24 =	spop (v2sf)  }
0x11f: {  	(v2sf) =	vpush v0, $0xB;
	[tilespmem:s25], [sflag:$0x1] =	stream.linear.gather [hbm4b:s21+s28], $0x80, $0x38;
	[tilespmem:$0x10200] =	vst v63  }
0x120: {  	s26 =	sand.u32 $0x1FFFFFF0, s24;
	s30 =	spop (v2sf);
	s25 =	sadd.s32 s4, s22  }
0x121: {  	(v2sf) =	vpush v0, $0xC;
	[tilespmem:s15], [sflag:$0x1] =	stream.linear.gather [hbm4b:s25+s28], $0x80, $0x38;
	[tilespmem:$0x10200] =	vst v63  }
0x122: {  	s18 =	sadd.s32 s4, s26;
	s19 =	sand.u32 $0x1FFFFFF0, s30;
	s20 =	spop (v2sf)  }
0x123: {  	(v2sf) =	vpush v0, $0xD;
	[tilespmem:s11], [sflag:$0x1] =	stream.linear.gather [hbm4b:s18+s28], $0x80, $0x38;
	[tilespmem:$0x10200] =	vst v63  }
0x124: {  	s21 =	sadd.s32 s4, s19;
	s22 =	sand.u32 $0x1FFFFFF0, s20;
	s24 =	spop (v2sf)  }
0x125: {  	(v2sf) =	vpush v0, $0xE;
	[tilespmem:s12], [sflag:$0x1] =	stream.linear.gather [hbm4b:s21+s28], $0x80, $0x38;
	[tilespmem:$0x10200] =	vst v63  }
0x126: {  	s25 =	sadd.s32 s4, s22;
	s26 =	sand.u32 $0x1FFFFFF0, s24;
	s30 =	spop (v2sf)  }
0x127: {  	(v2sf) =	vpush v0, $0xF;
	[tilespmem:s13], [sflag:$0x1] =	stream.linear.gather [hbm4b:s25+s28], $0x80, $0x38;
	[tilespmem:$0x10200] =	vst v63  }
0x128: {  	s15 =	sadd.s32 s4, s26;
	s16 =	sand.u32 $0x1FFFFFF0, s30;
	s17 =	spop (v2sf)  }
0x129: {  	[tilespmem:s2], [sflag:$0x1] =	stream.linear.gather [hbm4b:s15+s28], $0x80, $0x38;
	[tilespmem:$0x10200] =	vst v63  }
0x12a: {  	s18 =	sadd.s32 s4, s16;
	s19 =	sand.u32 $0x1FFFFFF0, s17;
	s20 =	spop (v2sf)  }
0x12b: {  	[tilespmem:s8], [sflag:$0x1] =	stream.linear.gather [hbm4b:s18+s28], $0x80, $0x38;
	[tilespmem:$0x10200] =	vst v63  }
0x12c: {  	s21 =	sadd.s32 s4, s19;
	s22 =	sand.u32 $0x1FFFFFF0, s20;
	s24 =	spop (v2sf)  }
0x12d: {  	[tilespmem:s9], [sflag:$0x1] =	stream.linear.gather [hbm4b:s21+s28], $0x80, $0x38;
	[tilespmem:$0x10200] =	vst v63  }
0x12e: {  	s25 =	sadd.s32 s4, s22;
	s26 =	sand.u32 $0x1FFFFFF0, s24;
	s30 =	spop (v2sf)  }
0x12f: {  	[tilespmem:s10], [sflag:$0x1] =	stream.linear.gather [hbm4b:s25+s28], $0x80, $0x38;
	[tilespmem:$0x10200] =	vst v63  }
0x130: {  	s11 =	sadd.s32 s4, s26;
	s12 =	sand.u32 $0x1FFFFFF0, s30;
	s13 =	spop (v2sf)  }
0x131: {  	[tilespmem:s7], [sflag:$0x1] =	stream.linear.gather [hbm4b:s11+s28], $0x80, $0x38;
	[tilespmem:$0x10200] =	vst v63  }
0x132: {  	s14 =	sadd.s32 s4, s12;
	s15 =	sand.u32 $0x1FFFFFF0, s13;
	s16 =	spop (v2sf)  }
0x133: {  	[tilespmem:s6], [sflag:$0x1] =	stream.linear.gather [hbm4b:s14+s28], $0x80, $0x38;
	[tilespmem:$0x10200] =	vst v63  }
0x134: {  	s17 =	sadd.s32 s4, s15;
	s18 =	sand.u32 $0x1FFFFFF0, s16;
	s19 =	spop (v2sf)  }
0x135: {  	[tilespmem:s1], [sflag:$0x1] =	stream.linear.gather [hbm4b:s17+s28], $0x80, $0x38;
	[tilespmem:$0x10200] =	vst v63  }
0x136: {  	s20 =	sadd.s32 s4, s18;
	s21 =	sand.u32 $0x1FFFFFF0, s19;
	s22 =	spop (v2sf)  }
0x137: {  	[tilespmem:s0], [sflag:$0x1] =	stream.linear.gather [hbm4b:s20+s28], $0x80, $0x38;
	[tilespmem:$0x10200] =	vst v63  }
0x138: {  	s24 =	sadd.s32 $0xFFFFFF80, s29;
	s25 =	sadd.s32 s4, s21;
	s26 =	sand.u32 $0x1FFFFFF0, s22  }
0x139: {  	[tilespmem:s24], [sflag:$0x1] =	stream.linear.gather [hbm4b:s25+s28], $0x80, $0x38;
	[tilespmem:$0x10200] =	vst v63  }
0x13a: {  	s31 =	simm.s32 $0x0;
	s30 =	sadd.s32 s4, s26  }
0x13b: {  	[tilespmem:s29], [sflag:$0x1] =	stream.linear.gather [hbm4b:s30+s28], $0x80, $0x38;
	[tilespmem:$0x10200] =	vst v63  }
.LBB2_4:
0x13c: {  	s0 =	simm.s32 $0x1  }
0x13d: {  	_ =	swait.ge [sflag:s0], $0x8000  }
0x13e: {  	p0 =	seq.s32 s31, $0x0;
	[sflag:s0] =	ssyncset.done $0x0  }
0x13f: {  	[sflag:s0] =	ssyncadd.s32 $0xFFFF8000;
	s0 =	simm.s32 @!p0 $0x4  }
0x140: {  	_ =	swait.ge @!p0 [sflag:s0], $0x8000  }
0x141: {  	[sflag:s0] =	ssyncset.done @!p0 $0x0  }
0x142: {  	s2 =	simm.s32 $0x6;
	[sflag:s0] =	ssyncadd.s32 @!p0 $0xFFFF8000  }
0x143: {  	s18 =	simm.s32 $0x0;
	_ =	swait.ge [sflag:s2], $0x100  }
0x144: {  	s1 =	sand.u32 $0x60, s18;
	s0 =	sand.u32 $0x100, s28;
	[sflag:s2] =	ssyncset.done $0x0  }
0x145: {  	s1 =	sor.u32 s1, s0;
	[sflag:s2] =	ssyncadd.s32 $0xFFFFFF00  }
0x146: {  	v0 =	vld [tilespmem:s1+$0x80];
	_ =	sdelay $0x4  }
0x147: {  	v0 =	vshll.u32 v0, $0x4  }
0x148: {  	(v2sf) =	vpush v0, $0x0  }
0x149: {  	(v2sf) =	vpush v0, $0x1;
	_ =	sdelay $0x2  }
0x14a: {  	(v2sf) =	vpush v0, $0x2  }
0x14b: {  	(v2sf) =	vpush v0, $0x3  }
0x14c: {  	(v2sf) =	vpush v0, $0x4;
	_ =	sdelay $0x1  }
0x14d: {  	(v2sf) =	vpush v0, $0x5;
	_ =	sdelay $0x1  }
0x14e: {  	(v2sf) =	vpush v0, $0x6;
	_ =	sdelay $0x1  }
0x14f: {  	s19 =	simm.s32 $0x10;
	(v2sf) =	vpush v0, $0x7  }
0x150: {  	s7 =	simm.s32 $0x8800;
	s6 =	simm.s32 $0x8880;
	s12 =	simm.s32 $0x8680  }
0x151: {  	s10 =	simm.s32 $0x8700;
	s8 =	simm.s32 $0x8200;
	s21 =	simm.s32 $0x8280  }
0x152: {  	s25 =	simm.s32 $0x8300;
	s15 =	simm.s32 $0x8400;
	s20 =	spop (v2sf)  }
0x153: {  	s18 =	simm.s32 $0x8480;
	(v2sf) =	vpush v0, $0x8;
	s2 =	sand.u32 $0x1FFFFFF0, s20;
	s9 =	spop (v2sf)  }
0x154: {  	s1 =	sand.u32 $0x70, s19;
	s2 =	sadd.s32 s4, s2;
	s9 =	sand.u32 $0x1FFFFFF0, s9  }
0x155: {  	(v2sf) =	vpush v0, $0x9;
	[tilespmem:s8], [sflag:$0x2] =	stream.linear.gather [hbm4b:s2+s3], $0x80, $0x38;
	[tilespmem:$0x10200] =	vst v63  }
0x156: {  	s20 =	simm.s32 $0x8500;
	s11 =	spop (v2sf);
	s22 =	sadd.s32 s4, s9  }
0x157: {  	(v2sf) =	vpush v0, $0xA;
	s24 =	sand.u32 $0x1FFFFFF0, s11;
	s26 =	spop (v2sf);
	s11 =	simm.s32 $0x8380  }
0x158: {  	s9 =	sadd.s32 s4, s24;
	s8 =	sand.u32 $0x1FFFFFF0, s26;
	s13 =	spop (v2sf)  }
0x159: {  	(v2sf) =	vpush v0, $0xB;
	[tilespmem:s21], [sflag:$0x2] =	stream.linear.gather [hbm4b:s22+s3], $0x80, $0x38;
	[tilespmem:$0x10200] =	vst v63  }
0x15a: {  	s24 =	simm.s32 $0x8580;
	s8 =	sadd.s32 s4, s8;
	s14 =	spop (v2sf)  }
0x15b: {  	(v2sf) =	vpush v0, $0xC;
	[tilespmem:s25], [sflag:$0x2] =	stream.linear.gather [hbm4b:s9+s3], $0x80, $0x38;
	[tilespmem:$0x10200] =	vst v63  }
0x15c: {  	s17 =	sand.u32 $0x1FFFFFF0, s14;
	s19 =	spop (v2sf);
	s9 =	sand.u32 $0x1FFFFFF0, s13  }
0x15d: {  	(v2sf) =	vpush v0, $0xD;
	[tilespmem:s11], [sflag:$0x2] =	stream.linear.gather [hbm4b:s8+s3], $0x80, $0x38;
	[tilespmem:$0x10200] =	vst v63  }
0x15e: {  	s14 =	simm.s32 $0x8780;
	s21 =	spop (v2sf);
	s16 =	sadd.s32 s4, s9  }
0x15f: {  	(v2sf) =	vpush v0, $0xE;
	[tilespmem:s15], [sflag:$0x2] =	stream.linear.gather [hbm4b:s16+s3], $0x80, $0x38;
	[tilespmem:$0x10200] =	vst v63  }
0x160: {  	s9 =	sadd.s32 s4, s17;
	s8 =	sand.u32 $0x1FFFFFF0, s19;
	s11 =	simm.s32 $0x8600  }
0x161: {  	(v2sf) =	vpush v0, $0xF;
	[tilespmem:s18], [sflag:$0x2] =	stream.linear.gather [hbm4b:s9+s3], $0x80, $0x38;
	[tilespmem:$0x10200] =	vst v63  }
0x162: {  	s8 =	sadd.s32 s4, s8;
	s9 =	sand.u32 $0x1FFFFFF0, s21;
	s22 =	spop (v2sf)  }
0x163: {  	[tilespmem:s20], [sflag:$0x2] =	stream.linear.gather [hbm4b:s8+s3], $0x80, $0x38;
	[tilespmem:$0x10200] =	vst v63  }
0x164: {  	s25 =	sadd.s32 s4, s9;
	s26 =	sand.u32 $0x1FFFFFF0, s22;
	s13 =	spop (v2sf)  }
0x165: {  	[tilespmem:s24], [sflag:$0x2] =	stream.linear.gather [hbm4b:s25+s3], $0x80, $0x38;
	[tilespmem:$0x10200] =	vst v63  }
0x166: {  	s9 =	sadd.s32 s4, s26;
	s8 =	sand.u32 $0x1FFFFFF0, s13;
	s15 =	spop (v2sf)  }
0x167: {  	[tilespmem:s11], [sflag:$0x2] =	stream.linear.gather [hbm4b:s9+s3], $0x80, $0x38;
	[tilespmem:$0x10200] =	vst v63  }
0x168: {  	s8 =	sadd.s32 s4, s8;
	s16 =	spop (v2sf);
	s9 =	sand.u32 $0x1FFFFFF0, s15  }
0x169: {  	[tilespmem:s12], [sflag:$0x2] =	stream.linear.gather [hbm4b:s8+s3], $0x80, $0x38;
	[tilespmem:$0x10200] =	vst v63  }
0x16a: {  	s18 =	sand.u32 $0x1FFFFFF0, s16;
	s19 =	spop (v2sf);
	s17 =	sadd.s32 s4, s9  }
0x16b: {  	[tilespmem:s10], [sflag:$0x2] =	stream.linear.gather [hbm4b:s17+s3], $0x80, $0x38;
	[tilespmem:$0x10200] =	vst v63  }
0x16c: {  	s20 =	sadd.s32 s4, s18;
	s21 =	sand.u32 $0x1FFFFFF0, s19;
	s22 =	spop (v2sf)  }
0x16d: {  	[tilespmem:s14], [sflag:$0x2] =	stream.linear.gather [hbm4b:s20+s3], $0x80, $0x38;
	[tilespmem:$0x10200] =	vst v63  }
0x16e: {  	s24 =	sadd.s32 s4, s21;
	s25 =	sand.u32 $0x1FFFFFF0, s22;
	s26 =	spop (v2sf)  }
0x16f: {  	[tilespmem:s7], [sflag:$0x2] =	stream.linear.gather [hbm4b:s24+s3], $0x80, $0x38;
	[tilespmem:$0x10200] =	vst v63  }
0x170: {  	s8 =	sadd.s32 s4, s25;
	s11 =	spop (v2sf);
	s10 =	sand.u32 $0x1FFFFFF0, s26  }
0x171: {  	[tilespmem:s6], [sflag:$0x2] =	stream.linear.gather [hbm4b:s8+s3], $0x80, $0x38;
	[tilespmem:$0x10200] =	vst v63  }
0x172: {  	s12 =	simm.s32 $0x8900;
	s13 =	sadd.s32 s4, s10;
	s14 =	sand.u32 $0x1FFFFFF0, s11  }
0x173: {  	[tilespmem:s12], [sflag:$0x2] =	stream.linear.gather [hbm4b:s13+s3], $0x80, $0x38;
	[tilespmem:$0x10200] =	vst v63  }
0x174: {  	s0 =	sor.u32 s1, s0;
	s15 =	simm.s32 $0x8980;
	s16 =	sadd.s32 s4, s14  }
0x175: {  	[tilespmem:s15], [sflag:$0x2] =	stream.linear.gather [hbm4b:s16+s3], $0x80, $0x38;
	[tilespmem:$0x10200] =	vst v63  }
0x176: {  	v63 =	vld [tilespmem:s0+$0x80];
	_ =	sdelay $0x4  }
0x177: {  	v0 =	vshll.u32 v63, $0x4  }
0x178: {  	(v2sf) =	vpush v0, $0x0;
	_ =	sdelay $0x1  }
0x179: {  	(v2sf) =	vpush v0, $0x1  }
0x17a: {  	(v2sf) =	vpush v0, $0x2;
	_ =	sdelay $0x1  }
0x17b: {  	(v2sf) =	vpush v0, $0x3  }
0x17c: {  	(v2sf) =	vpush v0, $0x4;
	_ =	sdelay $0x3  }
0x17d: {  	(v2sf) =	vpush v0, $0x5;
	_ =	sdelay $0x1  }
0x17e: {  	(v2sf) =	vpush v0, $0x6  }
0x17f: {  	s29 =	sshll.u32 s31, $0x9;
	s30 =	simm.s32 $0xA180;
	s1 =	simm.s32 $0x9180  }
0x180: {  	s19 =	simm.s32 $0x8A00;
	s22 =	simm.s32 $0x8B00;
	s20 =	simm.s32 $0x8A80;
	(v2sf) =	vpush v0, $0x7  }
0x181: {  	s7 =	simm.s32 $0x40;
	s12 =	simm.s32 $0x9100;
	s17 =	spop (v2sf)  }
0x182: {  	s13 =	simm.s32 $0x8C00;
	s15 =	simm.s32 $0x8C80;
	s2 =	sand.u32 $0x1FFFFFF0, s17  }
0x183: {  	s0 =	simm.s32 $0x2;
	s18 =	spop (v2sf);
	s2 =	sadd.s32 s4, s2  }
0x184: {  	(v2sf) =	vpush v0, $0x8;
	s6 =	sand.u32 $0x1FFFFFF0, s18;
	s21 =	spop (v2sf);
	s18 =	simm.s32 $0x8D00  }
0x185: {  	(v2sf) =	vpush v0, $0x9;
	[tilespmem:s19], [sflag:$0x2] =	stream.linear.gather [hbm4b:s2+s3], $0x80, $0x38;
	[tilespmem:$0x10200] =	vst v63  }
0x186: {  	s6 =	sadd.s32 s4, s6;
	s24 =	sand.u32 $0x1FFFFFF0, s21;
	s25 =	spop (v2sf)  }
0x187: {  	(v2sf) =	vpush v0, $0xA;
	s21 =	simm.s32 $0x8D80;
	s8 =	sand.u32 $0x1FFFFFF0, s25;
	s26 =	spop (v2sf)  }
0x188: {  	[tilespmem:s20], [sflag:$0x2] =	stream.linear.gather [hbm4b:s6+s3], $0x80, $0x38;
	[tilespmem:$0x10200] =	vst v63  }
0x189: {  	(v2sf) =	vpush v0, $0xB;
	s6 =	sadd.s32 s4, s24;
	s10 =	sadd.s32 s4, s8;
	s11 =	sand.u32 $0x1FFFFFF0, s26  }
0x18a: {  	[tilespmem:s22], [sflag:$0x2] =	stream.linear.gather [hbm4b:s6+s3], $0x80, $0x38;
	[tilespmem:$0x10200] =	vst v63  }
0x18b: {  	(v2sf) =	vpush v0, $0xC;
	s14 =	spop (v2sf);
	s24 =	simm.s32 $0x8E00;
	s6 =	simm.s32 $0x8B80  }
0x18c: {  	[tilespmem:s6], [sflag:$0x2] =	stream.linear.gather [hbm4b:s10+s3], $0x80, $0x38;
	[tilespmem:$0x10200] =	vst v63  }
0x18d: {  	(v2sf) =	vpush v0, $0xD;
	s8 =	sadd.s32 s4, s11;
	s16 =	spop (v2sf);
	s6 =	sand.u32 $0x1FFFFFF0, s14  }
0x18e: {  	[tilespmem:s13], [sflag:$0x2] =	stream.linear.gather [hbm4b:s8+s3], $0x80, $0x38;
	[tilespmem:$0x10200] =	vst v63  }
0x18f: {  	s17 =	spop (v2sf);
	s6 =	sadd.s32 s4, s6;
	s8 =	sand.u32 $0x1FFFFFF0, s16  }
0x190: {  	[tilespmem:s15], [sflag:$0x2] =	stream.linear.gather [hbm4b:s6+s3], $0x80, $0x38;
	[tilespmem:$0x10200] =	vst v63  }
0x191: {  	(v2sf) =	vpush v0, $0xE;
	s20 =	sand.u32 $0x1FFFFFF0, s17;
	s10 =	simm.s32 $0x8E80;
	s19 =	sadd.s32 s4, s8  }
0x192: {  	[tilespmem:s18], [sflag:$0x2] =	stream.linear.gather [hbm4b:s19+s3], $0x80, $0x38;
	[tilespmem:$0x10200] =	vst v63  }
0x193: {  	s14 =	simm.s32 $0x8F00;
	s16 =	simm.s32 $0x8F80;
	s22 =	spop (v2sf);
	(v2sf) =	vpush v0, $0xF  }
0x194: {  	s8 =	sadd.s32 s4, s20;
	s6 =	sand.u32 $0x1FFFFFF0, s22;
	s25 =	spop (v2sf)  }
0x195: {  	[tilespmem:s21], [sflag:$0x2] =	stream.linear.gather [hbm4b:s8+s3], $0x80, $0x38;
	[tilespmem:$0x10200] =	vst v63  }
0x196: {  	s6 =	sadd.s32 s4, s6;
	s8 =	sand.u32 $0x1FFFFFF0, s25;
	s26 =	spop (v2sf)  }
0x197: {  	[tilespmem:s24], [sflag:$0x2] =	stream.linear.gather [hbm4b:s6+s3], $0x80, $0x38;
	[tilespmem:$0x10200] =	vst v63  }
0x198: {  	s11 =	sadd.s32 s4, s8;
	s13 =	sand.u32 $0x1FFFFFF0, s26;
	s15 =	spop (v2sf)  }
0x199: {  	[tilespmem:s10], [sflag:$0x2] =	stream.linear.gather [hbm4b:s11+s3], $0x80, $0x38;
	[tilespmem:$0x10200] =	vst v63  }
0x19a: {  	s8 =	sadd.s32 s4, s13;
	s6 =	sand.u32 $0x1FFFFFF0, s15;
	s17 =	spop (v2sf)  }
0x19b: {  	[tilespmem:s14], [sflag:$0x2] =	stream.linear.gather [hbm4b:s8+s3], $0x80, $0x38;
	[tilespmem:$0x10200] =	vst v63  }
0x19c: {  	s6 =	sadd.s32 s4, s6;
	s18 =	spop (v2sf);
	s8 =	sand.u32 $0x1FFFFFF0, s17  }
0x19d: {  	[tilespmem:s16], [sflag:$0x2] =	stream.linear.gather [hbm4b:s6+s3], $0x80, $0x38;
	[tilespmem:$0x10200] =	vst v63  }
0x19e: {  	s19 =	simm.s32 $0x9000;
	s21 =	sand.u32 $0x1FFFFFF0, s18;
	s20 =	sadd.s32 s4, s8  }
0x19f: {  	[tilespmem:s19], [sflag:$0x2] =	stream.linear.gather [hbm4b:s20+s3], $0x80, $0x38;
	[tilespmem:$0x10200] =	vst v63  }
0x1a0: {  	s22 =	simm.s32 $0x9080;
	s24 =	spop (v2sf);
	s8 =	sadd.s32 s4, s21  }
0x1a1: {  	[tilespmem:s22], [sflag:$0x2] =	stream.linear.gather [hbm4b:s8+s3], $0x80, $0x38;
	[tilespmem:$0x10200] =	vst v63  }
0x1a2: {  	s15 =	simm.s32 $0x30;
	s25 =	sand.u32 $0x1FFFFFF0, s24;
	s26 =	spop (v2sf)  }
0x1a3: {  	s13 =	sadd.s32 s4, s25;
	s6 =	simm.s32 $0x20;
	s10 =	sand.u32 $0x1FFFFFF0, s26  }
.LBB2_5:
0x1a4: {  	[tilespmem:s12], [sflag:$0x2] =	stream.linear.gather [hbm4b:s13+s3], $0x80, $0x38;
	[tilespmem:$0x10200] =	vst v63  }
0x1a5: {  	s2 =	sand.u32 $0x60, s6;
	s12 =	sand.u32 $0x100, s7;
	s6 =	sadd.s32 s4, s10  }
0x1a6: {  	s0 =	sadd.s32 $0x2, s0;
	s2 =	sor.u32 s2, s12  }
0x1a7: {  	[tilespmem:s1], [sflag:$0x2] =	stream.linear.gather [hbm4b:s6+s3], $0x80, $0x38;
	[tilespmem:$0x10200] =	vst v63  }
0x1a8: {  	p0 =	slt.u32 s0, $0xE;
	s1 =	smov.u32 s30;
	v0 =	vld [tilespmem:s2+$0x80];
	_ =	sdelay $0x4  }
0x1a9: {  	v0 =	vshll.u32 v0, $0x4  }
0x1aa: {  	(v2sf) =	vpush v0, $0x0  }
0x1ab: {  	(v2sf) =	vpush v0, $0x1  }
0x1ac: {  	(v2sf) =	vpush v0, $0x2;
	_ =	sdelay $0x1  }
0x1ad: {  	(v2sf) =	vpush v0, $0x3;
	_ =	sdelay $0x1  }
0x1ae: {  	(v2sf) =	vpush v0, $0x4;
	_ =	sdelay $0x1  }
0x1af: {  	(v2sf) =	vpush v0, $0x5;
	_ =	sdelay $0x1  }
0x1b0: {  	(v2sf) =	vpush v0, $0x6  }
0x1b1: {  	s14 =	sadd.s32 $0xFFFFF700, s30;
	s13 =	sand.u32 $0x70, s15;
	s6 =	sadd.s32 $0xFFFFF680, s30  }
0x1b2: {  	s16 =	sadd.s32 $0xFFFFF500, s30;
	s26 =	sadd.s32 $0xFFFFF580, s30;
	s25 =	sadd.s32 $0xFFFFF600, s30;
	(v2sf) =	vpush v0, $0x7  }
0x1b3: {  	s21 =	sadd.s32 $0xFFFFF380, s30;
	s10 =	sadd.s32 $0xFFFFF400, s30;
	s17 =	sadd.s32 $0xFFFFF480, s30  }
0x1b4: {  	s8 =	sadd.s32 $0xFFFFF280, s30;
	s9 =	sadd.s32 $0xFFFFF300, s30;
	s2 =	sadd.s32 $0xFFFFF200, s30;
	(v2sf) =	vpush v0, $0x8  }
0x1b5: {  	s11 =	sadd.s32 $0xFFFFF100, s30;
	s18 =	sadd.s32 $0xFFFFF180, s30;
	s19 =	spop (v2sf)  }
0x1b6: {  	s24 =	sadd.s32 $0xFFFFF080, s30;
	s19 =	sand.u32 $0x1FFFFFF0, s19;
	s20 =	spop (v2sf);
	(v2sf) =	vpush v0, $0x9  }
0x1b7: {  	s19 =	sadd.s32 s4, s19;
	s20 =	sand.u32 $0x1FFFFFF0, s20;
	s22 =	spop (v2sf)  }
0x1b8: {  	[tilespmem:s24], [sflag:$0x2] =	stream.linear.gather [hbm4b:s19+s3], $0x80, $0x38;
	(v2sf) =	vpush v0, $0xA;
	[tilespmem:$0x10200] =	vst v63  }
0x1b9: {  	s19 =	sadd.s32 s4, s20;
	s20 =	sand.u32 $0x1FFFFFF0, s22;
	s22 =	spop (v2sf)  }
0x1ba: {  	[tilespmem:s11], [sflag:$0x2] =	stream.linear.gather [hbm4b:s19+s3], $0x80, $0x38;
	(v2sf) =	vpush v0, $0xB;
	[tilespmem:$0x10200] =	vst v63  }
0x1bb: {  	s11 =	sadd.s32 s4, s20;
	s19 =	sand.u32 $0x1FFFFFF0, s22;
	s20 =	spop (v2sf)  }
0x1bc: {  	[tilespmem:s18], [sflag:$0x2] =	stream.linear.gather [hbm4b:s11+s3], $0x80, $0x38;
	(v2sf) =	vpush v0, $0xC;
	[tilespmem:$0x10200] =	vst v63  }
0x1bd: {  	s11 =	sadd.s32 s4, s19;
	s18 =	sand.u32 $0x1FFFFFF0, s20;
	s19 =	spop (v2sf)  }
0x1be: {  	[tilespmem:s2], [sflag:$0x2] =	stream.linear.gather [hbm4b:s11+s3], $0x80, $0x38;
	(v2sf) =	vpush v0, $0xD;
	[tilespmem:$0x10200] =	vst v63  }
0x1bf: {  	s2 =	sadd.s32 s4, s18;
	s11 =	sand.u32 $0x1FFFFFF0, s19;
	s18 =	spop (v2sf)  }
0x1c0: {  	[tilespmem:s8], [sflag:$0x2] =	stream.linear.gather [hbm4b:s2+s3], $0x80, $0x38;
	(v2sf) =	vpush v0, $0xE;
	[tilespmem:$0x10200] =	vst v63  }
0x1c1: {  	s2 =	sadd.s32 s4, s11;
	s8 =	sand.u32 $0x1FFFFFF0, s18;
	s11 =	spop (v2sf)  }
0x1c2: {  	[tilespmem:s9], [sflag:$0x2] =	stream.linear.gather [hbm4b:s2+s3], $0x80, $0x38;
	(v2sf) =	vpush v0, $0xF;
	[tilespmem:$0x10200] =	vst v63  }
0x1c3: {  	s2 =	sadd.s32 s4, s8;
	s8 =	sand.u32 $0x1FFFFFF0, s11;
	s9 =	spop (v2sf)  }
0x1c4: {  	[tilespmem:s21], [sflag:$0x2] =	stream.linear.gather [hbm4b:s2+s3], $0x80, $0x38;
	[tilespmem:$0x10200] =	vst v63  }
0x1c5: {  	s2 =	sadd.s32 s4, s8;
	s8 =	sand.u32 $0x1FFFFFF0, s9;
	s9 =	spop (v2sf)  }
0x1c6: {  	[tilespmem:s10], [sflag:$0x2] =	stream.linear.gather [hbm4b:s2+s3], $0x80, $0x38;
	[tilespmem:$0x10200] =	vst v63  }
0x1c7: {  	s2 =	sadd.s32 s4, s8;
	s8 =	sand.u32 $0x1FFFFFF0, s9;
	s9 =	spop (v2sf)  }
0x1c8: {  	[tilespmem:s17], [sflag:$0x2] =	stream.linear.gather [hbm4b:s2+s3], $0x80, $0x38;
	[tilespmem:$0x10200] =	vst v63  }
0x1c9: {  	s2 =	sadd.s32 s4, s8;
	s8 =	sand.u32 $0x1FFFFFF0, s9;
	s9 =	spop (v2sf)  }
0x1ca: {  	[tilespmem:s16], [sflag:$0x2] =	stream.linear.gather [hbm4b:s2+s3], $0x80, $0x38;
	[tilespmem:$0x10200] =	vst v63  }
0x1cb: {  	s2 =	sadd.s32 s4, s8;
	s8 =	sand.u32 $0x1FFFFFF0, s9;
	s9 =	spop (v2sf)  }
0x1cc: {  	[tilespmem:s26], [sflag:$0x2] =	stream.linear.gather [hbm4b:s2+s3], $0x80, $0x38;
	[tilespmem:$0x10200] =	vst v63  }
0x1cd: {  	s2 =	sadd.s32 s4, s8;
	s8 =	sand.u32 $0x1FFFFFF0, s9;
	s9 =	spop (v2sf)  }
0x1ce: {  	[tilespmem:s25], [sflag:$0x2] =	stream.linear.gather [hbm4b:s2+s3], $0x80, $0x38;
	[tilespmem:$0x10200] =	vst v63  }
0x1cf: {  	s2 =	sadd.s32 s4, s8;
	s8 =	sand.u32 $0x1FFFFFF0, s9;
	s9 =	spop (v2sf)  }
0x1d0: {  	[tilespmem:s6], [sflag:$0x2] =	stream.linear.gather [hbm4b:s2+s3], $0x80, $0x38;
	[tilespmem:$0x10200] =	vst v63  }
0x1d1: {  	s2 =	sadd.s32 s4, s8;
	s6 =	sand.u32 $0x1FFFFFF0, s9;
	s8 =	spop (v2sf)  }
0x1d2: {  	[tilespmem:s14], [sflag:$0x2] =	stream.linear.gather [hbm4b:s2+s3], $0x80, $0x38;
	[tilespmem:$0x10200] =	vst v63  }
0x1d3: {  	s6 =	sadd.s32 s4, s6;
	s2 =	sadd.s32 $0xFFFFF780, s30;
	s8 =	sand.u32 $0x1FFFFFF0, s8  }
0x1d4: {  	[tilespmem:s2], [sflag:$0x2] =	stream.linear.gather [hbm4b:s6+s3], $0x80, $0x38;
	[tilespmem:$0x10200] =	vst v63  }
0x1d5: {  	s2 =	sadd.s32 $0xFFFFF800, s30;
	s6 =	sadd.s32 s4, s8;
	s8 =	sor.u32 s13, s12  }
0x1d6: {  	[tilespmem:s2], [sflag:$0x2] =	stream.linear.gather [hbm4b:s6+s3], $0x80, $0x38;
	[tilespmem:$0x10200] =	vst v63  }
0x1d7: {  	v0 =	vld [tilespmem:s8+$0x80];
	_ =	sdelay $0x4  }
0x1d8: {  	v0 =	vshll.u32 v0, $0x4  }
0x1d9: {  	(v2sf) =	vpush v0, $0x0  }
0x1da: {  	(v2sf) =	vpush v0, $0x1  }
0x1db: {  	(v2sf) =	vpush v0, $0x2;
	_ =	sdelay $0x1  }
0x1dc: {  	(v2sf) =	vpush v0, $0x3;
	_ =	sdelay $0x1  }
0x1dd: {  	(v2sf) =	vpush v0, $0x4;
	_ =	sdelay $0x1  }
0x1de: {  	(v2sf) =	vpush v0, $0x5;
	_ =	sdelay $0x1  }
0x1df: {  	s7 =	sadd.s32 $0x40, s7;
	s12 =	sadd.s32 $0xFFFFFF80, s1;
	s30 =	sadd.s32 $0x1000, s30;
	(v2sf) =	vpush v0, $0x6  }
0x1e0: {  	s15 =	sadd.s32 $0x20, s15;
	s13 =	sadd.s32 $0xFFFFFF00, s1;
	s6 =	sadd.s32 $0xFFFFFE80, s1  }
0x1e1: {  	s16 =	sadd.s32 $0xFFFFFD00, s1;
	s25 =	sadd.s32 $0xFFFFFD80, s1;
	s14 =	sadd.s32 $0xFFFFFE00, s1;
	(v2sf) =	vpush v0, $0x7  }
0x1e2: {  	s21 =	sadd.s32 $0xFFFFFB80, s1;
	s10 =	sadd.s32 $0xFFFFFC00, s1;
	s17 =	sadd.s32 $0xFFFFFC80, s1  }
0x1e3: {  	s9 =	sadd.s32 $0xFFFFFB00, s1;
	s2 =	sadd.s32 $0xFFFFFA00, s1;
	s8 =	sadd.s32 $0xFFFFFA80, s1;
	(v2sf) =	vpush v0, $0x8  }
0x1e4: {  	s18 =	sadd.s32 $0xFFFFF980, s1;
	s11 =	sadd.s32 $0xFFFFF900, s1;
	s19 =	spop (v2sf)  }
0x1e5: {  	s20 =	sadd.s32 $0xFFFFF880, s1;
	s19 =	sand.u32 $0x1FFFFFF0, s19;
	s22 =	spop (v2sf);
	(v2sf) =	vpush v0, $0x9  }
0x1e6: {  	s19 =	sadd.s32 s4, s19;
	s22 =	sand.u32 $0x1FFFFFF0, s22;
	s24 =	spop (v2sf)  }
0x1e7: {  	[tilespmem:s20], [sflag:$0x2] =	stream.linear.gather [hbm4b:s19+s3], $0x80, $0x38;
	(v2sf) =	vpush v0, $0xA;
	[tilespmem:$0x10200] =	vst v63  }
0x1e8: {  	s19 =	sadd.s32 s4, s22;
	s20 =	sand.u32 $0x1FFFFFF0, s24;
	s22 =	spop (v2sf)  }
0x1e9: {  	[tilespmem:s11], [sflag:$0x2] =	stream.linear.gather [hbm4b:s19+s3], $0x80, $0x38;
	(v2sf) =	vpush v0, $0xB;
	[tilespmem:$0x10200] =	vst v63  }
0x1ea: {  	s11 =	sadd.s32 s4, s20;
	s19 =	sand.u32 $0x1FFFFFF0, s22;
	s20 =	spop (v2sf)  }
0x1eb: {  	[tilespmem:s18], [sflag:$0x2] =	stream.linear.gather [hbm4b:s11+s3], $0x80, $0x38;
	(v2sf) =	vpush v0, $0xC;
	[tilespmem:$0x10200] =	vst v63  }
0x1ec: {  	s11 =	sadd.s32 s4, s19;
	s18 =	sand.u32 $0x1FFFFFF0, s20;
	s19 =	spop (v2sf)  }
0x1ed: {  	[tilespmem:s2], [sflag:$0x2] =	stream.linear.gather [hbm4b:s11+s3], $0x80, $0x38;
	(v2sf) =	vpush v0, $0xD;
	[tilespmem:$0x10200] =	vst v63  }
0x1ee: {  	s2 =	sadd.s32 s4, s18;
	s11 =	sand.u32 $0x1FFFFFF0, s19;
	s18 =	spop (v2sf)  }
0x1ef: {  	[tilespmem:s8], [sflag:$0x2] =	stream.linear.gather [hbm4b:s2+s3], $0x80, $0x38;
	(v2sf) =	vpush v0, $0xE;
	[tilespmem:$0x10200] =	vst v63  }
0x1f0: {  	s2 =	sadd.s32 s4, s11;
	s8 =	sand.u32 $0x1FFFFFF0, s18;
	s11 =	spop (v2sf)  }
0x1f1: {  	[tilespmem:s9], [sflag:$0x2] =	stream.linear.gather [hbm4b:s2+s3], $0x80, $0x38;
	(v2sf) =	vpush v0, $0xF;
	[tilespmem:$0x10200] =	vst v63  }
0x1f2: {  	s2 =	sadd.s32 s4, s8;
	s8 =	sand.u32 $0x1FFFFFF0, s11;
	s9 =	spop (v2sf)  }
0x1f3: {  	[tilespmem:s21], [sflag:$0x2] =	stream.linear.gather [hbm4b:s2+s3], $0x80, $0x38;
	[tilespmem:$0x10200] =	vst v63  }
0x1f4: {  	s2 =	sadd.s32 s4, s8;
	s8 =	sand.u32 $0x1FFFFFF0, s9;
	s9 =	spop (v2sf)  }
0x1f5: {  	[tilespmem:s10], [sflag:$0x2] =	stream.linear.gather [hbm4b:s2+s3], $0x80, $0x38;
	[tilespmem:$0x10200] =	vst v63  }
0x1f6: {  	s2 =	sadd.s32 s4, s8;
	s8 =	sand.u32 $0x1FFFFFF0, s9;
	s9 =	spop (v2sf)  }
0x1f7: {  	[tilespmem:s17], [sflag:$0x2] =	stream.linear.gather [hbm4b:s2+s3], $0x80, $0x38;
	[tilespmem:$0x10200] =	vst v63  }
0x1f8: {  	s2 =	sadd.s32 s4, s8;
	s8 =	sand.u32 $0x1FFFFFF0, s9;
	s9 =	spop (v2sf)  }
0x1f9: {  	[tilespmem:s16], [sflag:$0x2] =	stream.linear.gather [hbm4b:s2+s3], $0x80, $0x38;
	[tilespmem:$0x10200] =	vst v63  }
0x1fa: {  	s2 =	sadd.s32 s4, s8;
	s8 =	sand.u32 $0x1FFFFFF0, s9;
	s9 =	spop (v2sf)  }
0x1fb: {  	[tilespmem:s25], [sflag:$0x2] =	stream.linear.gather [hbm4b:s2+s3], $0x80, $0x38;
	[tilespmem:$0x10200] =	vst v63  }
0x1fc: {  	s2 =	sadd.s32 s4, s8;
	s8 =	sand.u32 $0x1FFFFFF0, s9;
	s9 =	spop (v2sf)  }
0x1fd: {  	[tilespmem:s14], [sflag:$0x2] =	stream.linear.gather [hbm4b:s2+s3], $0x80, $0x38;
	[tilespmem:$0x10200] =	vst v63  }
0x1fe: {  	s2 =	sadd.s32 s4, s8  }
.Ltmp1:
0x1ff: {  	s8 =	sand.u32 $0x1FFFFFF0, s9;
	s9 =	spop (v2sf);
	(pc) =	sbr.rel @p0 .LBB2_5-.Ltmp1, $4  }
0x200: {  	[tilespmem:s6], [sflag:$0x2] =	stream.linear.gather [hbm4b:s2+s3], $0x80, $0x38;
	[tilespmem:$0x10200] =	vst v63  }
0x201: {  	s2 =	sadd.s32 s4, s8;
	s8 =	sand.u32 $0x1FFFFFF0, s9;
	s9 =	spop (v2sf)  }
0x202: {  	[tilespmem:s13], [sflag:$0x2] =	stream.linear.gather [hbm4b:s2+s3], $0x80, $0x38;
	[tilespmem:$0x10200] =	vst v63  }
0x203: {  	s6 =	sadd.s32 $0xFFFFFFF0, s15;
	s13 =	sadd.s32 s4, s8;
	s10 =	sand.u32 $0x1FFFFFF0, s9  }
0x204: {  	[tilespmem:s12], [sflag:$0x2] =	stream.linear.gather [hbm4b:s13+s3], $0x80, $0x38;
	[tilespmem:$0x10200] =	vst v63  }
0x205: {  	s2 =	sand.u32 $0x60, s6;
	s0 =	sand.u32 $0x100, s7  }
0x206: {  	s19 =	sadd.s32 s4, s10;
	s2 =	sor.u32 s2, s0  }
0x207: {  	[tilespmem:s1], [sflag:$0x2] =	stream.linear.gather [hbm4b:s19+s3], $0x80, $0x38;
	[tilespmem:$0x10200] =	vst v63  }
0x208: {  	v0 =	vld [tilespmem:s2+$0x80];
	_ =	sdelay $0x4  }
0x209: {  	v0 =	vshll.u32 v0, $0x4  }
0x20a: {  	(v2sf) =	vpush v0, $0x0  }
0x20b: {  	(v2sf) =	vpush v0, $0x1  }
0x20c: {  	(v2sf) =	vpush v0, $0x2;
	_ =	sdelay $0x1  }
0x20d: {  	(v2sf) =	vpush v0, $0x3;
	_ =	sdelay $0x1  }
0x20e: {  	(v2sf) =	vpush v0, $0x4;
	_ =	sdelay $0x1  }
0x20f: {  	(v2sf) =	vpush v0, $0x5;
	_ =	sdelay $0x1  }
0x210: {  	(v2sf) =	vpush v0, $0x6  }
0x211: {  	s7 =	sadd.s32 $0xFFFFF680, s30;
	s6 =	sadd.s32 $0xFFFFF700, s30;
	s13 =	sadd.s32 $0xFFFFF500, s30  }
0x212: {  	s12 =	sadd.s32 $0xFFFFF580, s30;
	s10 =	sadd.s32 $0xFFFFF600, s30;
	s8 =	sadd.s32 $0xFFFFF400, s30;
	(v2sf) =	vpush v0, $0x7  }
0x213: {  	s9 =	sadd.s32 $0xFFFFF480, s30;
	s11 =	sadd.s32 $0xFFFFF200, s30;
	s14 =	sadd.s32 $0xFFFFF280, s30  }
0x214: {  	s16 =	sadd.s32 $0xFFFFF100, s30;
	s17 =	sadd.s32 $0xFFFFF180, s30;
	s1 =	sand.u32 $0x70, s15;
	(v2sf) =	vpush v0, $0x8  }
0x215: {  	s15 =	sadd.s32 $0xFFFFF300, s30;
	s19 =	sadd.s32 $0xFFFFF080, s30;
	s18 =	spop (v2sf)  }
0x216: {  	s2 =	sadd.s32 $0xFFFFF380, s30;
	s18 =	sand.u32 $0x1FFFFFF0, s18;
	s20 =	spop (v2sf);
	(v2sf) =	vpush v0, $0x9  }
0x217: {  	s18 =	sadd.s32 s4, s18;
	s20 =	sand.u32 $0x1FFFFFF0, s20;
	s21 =	spop (v2sf)  }
0x218: {  	(v2sf) =	vpush v0, $0xA;
	[tilespmem:s19], [sflag:$0x2] =	stream.linear.gather [hbm4b:s18+s3], $0x80, $0x38;
	[tilespmem:$0x10200] =	vst v63  }
0x219: {  	s20 =	sadd.s32 s4, s20;
	s21 =	sand.u32 $0x1FFFFFF0, s21;
	s22 =	spop (v2sf)  }
0x21a: {  	(v2sf) =	vpush v0, $0xB;
	[tilespmem:s16], [sflag:$0x2] =	stream.linear.gather [hbm4b:s20+s3], $0x80, $0x38;
	[tilespmem:$0x10200] =	vst v63  }
0x21b: {  	s24 =	sadd.s32 s4, s21;
	s25 =	sand.u32 $0x1FFFFFF0, s22;
	s26 =	spop (v2sf)  }
0x21c: {  	(v2sf) =	vpush v0, $0xC;
	[tilespmem:s17], [sflag:$0x2] =	stream.linear.gather [hbm4b:s24+s3], $0x80, $0x38;
	[tilespmem:$0x10200] =	vst v63  }
0x21d: {  	s20 =	sadd.s32 s4, s25;
	s21 =	sand.u32 $0x1FFFFFF0, s26;
	s22 =	spop (v2sf)  }
0x21e: {  	(v2sf) =	vpush v0, $0xD;
	[tilespmem:s11], [sflag:$0x2] =	stream.linear.gather [hbm4b:s20+s3], $0x80, $0x38;
	[tilespmem:$0x10200] =	vst v63  }
0x21f: {  	s25 =	sand.u32 $0x1FFFFFF0, s22;
	s26 =	spop (v2sf);
	s24 =	sadd.s32 s4, s21  }
0x220: {  	(v2sf) =	vpush v0, $0xE;
	[tilespmem:s14], [sflag:$0x2] =	stream.linear.gather [hbm4b:s24+s3], $0x80, $0x38;
	[tilespmem:$0x10200] =	vst v63  }
0x221: {  	s16 =	sadd.s32 s4, s25;
	s18 =	sand.u32 $0x1FFFFFF0, s26;
	s19 =	spop (v2sf)  }
0x222: {  	(v2sf) =	vpush v0, $0xF;
	[tilespmem:s15], [sflag:$0x2] =	stream.linear.gather [hbm4b:s16+s3], $0x80, $0x38;
	[tilespmem:$0x10200] =	vst v63  }
0x223: {  	s21 =	sand.u32 $0x1FFFFFF0, s19;
	s22 =	spop (v2sf);
	s20 =	sadd.s32 s4, s18  }
0x224: {  	[tilespmem:s2], [sflag:$0x2] =	stream.linear.gather [hbm4b:s20+s3], $0x80, $0x38;
	[tilespmem:$0x10200] =	vst v63  }
0x225: {  	s25 =	sand.u32 $0x1FFFFFF0, s22;
	s24 =	sadd.s32 s4, s21;
	s26 =	spop (v2sf)  }
0x226: {  	[tilespmem:s8], [sflag:$0x2] =	stream.linear.gather [hbm4b:s24+s3], $0x80, $0x38;
	[tilespmem:$0x10200] =	vst v63  }
0x227: {  	s11 =	sadd.s32 s4, s25;
	s15 =	sand.u32 $0x1FFFFFF0, s26;
	s16 =	spop (v2sf)  }
0x228: {  	[tilespmem:s9], [sflag:$0x2] =	stream.linear.gather [hbm4b:s11+s3], $0x80, $0x38;
	[tilespmem:$0x10200] =	vst v63  }
0x229: {  	s17 =	sadd.s32 s4, s15;
	s18 =	sand.u32 $0x1FFFFFF0, s16;
	s19 =	spop (v2sf)  }
0x22a: {  	[tilespmem:s13], [sflag:$0x2] =	stream.linear.gather [hbm4b:s17+s3], $0x80, $0x38;
	[tilespmem:$0x10200] =	vst v63  }
0x22b: {  	s20 =	sadd.s32 s4, s18;
	s21 =	sand.u32 $0x1FFFFFF0, s19;
	s22 =	spop (v2sf)  }
0x22c: {  	[tilespmem:s12], [sflag:$0x2] =	stream.linear.gather [hbm4b:s20+s3], $0x80, $0x38;
	[tilespmem:$0x10200] =	vst v63  }
0x22d: {  	s24 =	sadd.s32 s4, s21;
	s25 =	sand.u32 $0x1FFFFFF0, s22;
	s26 =	spop (v2sf)  }
0x22e: {  	[tilespmem:s10], [sflag:$0x2] =	stream.linear.gather [hbm4b:s24+s3], $0x80, $0x38;
	[tilespmem:$0x10200] =	vst v63  }
0x22f: {  	s11 =	sadd.s32 s4, s25;
	s13 =	spop (v2sf);
	s12 =	sand.u32 $0x1FFFFFF0, s26  }
0x230: {  	[tilespmem:s7], [sflag:$0x2] =	stream.linear.gather [hbm4b:s11+s3], $0x80, $0x38;
	[tilespmem:$0x10200] =	vst v63  }
0x231: {  	s15 =	sand.u32 $0x1FFFFFF0, s13;
	s16 =	spop (v2sf);
	s14 =	sadd.s32 s4, s12  }
0x232: {  	[tilespmem:s6], [sflag:$0x2] =	stream.linear.gather [hbm4b:s14+s3], $0x80, $0x38;
	[tilespmem:$0x10200] =	vst v63  }
0x233: {  	s17 =	sadd.s32 $0xFFFFF780, s30;
	s18 =	sadd.s32 s4, s15;
	s19 =	sand.u32 $0x1FFFFFF0, s16  }
0x234: {  	[tilespmem:s17], [sflag:$0x2] =	stream.linear.gather [hbm4b:s18+s3], $0x80, $0x38;
	[tilespmem:$0x10200] =	vst v63  }
0x235: {  	s0 =	sor.u32 s1, s0;
	s20 =	sadd.s32 $0xFFFFF800, s30;
	s21 =	sadd.s32 s4, s19  }
0x236: {  	[tilespmem:s20], [sflag:$0x2] =	stream.linear.gather [hbm4b:s21+s3], $0x80, $0x38;
	[tilespmem:$0x10200] =	vst v63  }
0x237: {  	v0 =	vld [tilespmem:s0+$0x80];
	_ =	sdelay $0x4  }
0x238: {  	v0 =	vshll.u32 v0, $0x4  }
0x239: {  	(v2sf) =	vpush v0, $0x0  }
0x23a: {  	(v2sf) =	vpush v0, $0x1  }
0x23b: {  	(v2sf) =	vpush v0, $0x2;
	_ =	sdelay $0x1  }
0x23c: {  	(v2sf) =	vpush v0, $0x3;
	_ =	sdelay $0x1  }
0x23d: {  	(v2sf) =	vpush v0, $0x4;
	_ =	sdelay $0x1  }
0x23e: {  	(v2sf) =	vpush v0, $0x5;
	_ =	sdelay $0x1  }
0x23f: {  	(v2sf) =	vpush v0, $0x6  }
0x240: {  	p0 =	seq.s32 s31, $0x31;
	s1 =	sadd.s32 $0xFFFFFE80, s30  }
0x241: {  	s2 =	sadd.s32 $0xFFFFFB80, s30;
	s8 =	sadd.s32 $0xFFFFFC00, s30;
	s9 =	sadd.s32 $0xFFFFFC80, s30;
	(v2sf) =	vpush v0, $0x7  }
0x242: {  	s13 =	sadd.s32 $0xFFFFFB00, s30;
	s15 =	sadd.s32 $0xFFFFF980, s30;
	s12 =	sadd.s32 $0xFFFFFA80, s30  }
0x243: {  	s10 =	sadd.s32 $0xFFFFFD00, s30;
	s24 =	sadd.s32 $0xFFFFF880, s30;
	s7 =	sadd.s32 $0xFFFFFD80, s30;
	(v2sf) =	vpush v0, $0x8  }
0x244: {  	s11 =	sadd.s32 $0xFFFFFA00, s30;
	s6 =	sadd.s32 $0xFFFFFE00, s30;
	s22 =	spop (v2sf)  }
0x245: {  	s14 =	sadd.s32 $0xFFFFF900, s30;
	(v2sf) =	vpush v0, $0x9;
	s16 =	sand.u32 $0x1FFFFFF0, s22;
	s25 =	spop (v2sf)  }
0x246: {  	s16 =	sadd.s32 s4, s16;
	s18 =	sand.u32 $0x1FFFFFF0, s25;
	s26 =	spop (v2sf)  }
0x247: {  	(v2sf) =	vpush v0, $0xA;
	[tilespmem:s24], [sflag:$0x2] =	stream.linear.gather [hbm4b:s16+s3], $0x80, $0x38;
	[tilespmem:$0x10200] =	vst v63  }
0x248: {  	s20 =	sadd.s32 s4, s18;
	s21 =	sand.u32 $0x1FFFFFF0, s26;
	s22 =	spop (v2sf)  }
0x249: {  	(v2sf) =	vpush v0, $0xB;
	[tilespmem:s14], [sflag:$0x2] =	stream.linear.gather [hbm4b:s20+s3], $0x80, $0x38;
	[tilespmem:$0x10200] =	vst v63  }
0x24a: {  	s24 =	sadd.s32 s4, s21;
	s25 =	sand.u32 $0x1FFFFFF0, s22;
	s26 =	spop (v2sf)  }
0x24b: {  	(v2sf) =	vpush v0, $0xC;
	[tilespmem:s15], [sflag:$0x2] =	stream.linear.gather [hbm4b:s24+s3], $0x80, $0x38;
	[tilespmem:$0x10200] =	vst v63  }
0x24c: {  	s16 =	sadd.s32 s4, s25;
	s18 =	sand.u32 $0x1FFFFFF0, s26;
	s19 =	spop (v2sf)  }
0x24d: {  	(v2sf) =	vpush v0, $0xD;
	[tilespmem:s11], [sflag:$0x2] =	stream.linear.gather [hbm4b:s16+s3], $0x80, $0x38;
	[tilespmem:$0x10200] =	vst v63  }
0x24e: {  	s20 =	sadd.s32 s4, s18;
	s21 =	sand.u32 $0x1FFFFFF0, s19;
	s22 =	spop (v2sf)  }
0x24f: {  	[tilespmem:s12], [sflag:$0x2] =	stream.linear.gather [hbm4b:s20+s3], $0x80, $0x38;
	[tilespmem:$0x10200] =	vst v63  }
0x250: {  	s24 =	sadd.s32 s4, s21;
	s25 =	sand.u32 $0x1FFFFFF0, s22;
	s26 =	spop (v2sf)  }
0x251: {  	(v2sf) =	vpush v0, $0xE;
	[tilespmem:s13], [sflag:$0x2] =	stream.linear.gather [hbm4b:s24+s3], $0x80, $0x38;
	[tilespmem:$0x10200] =	vst v63  }
0x252: {  	s15 =	sand.u32 $0x1FFFFFF0, s26;
	s16 =	spop (v2sf);
	s13 =	sadd.s32 s4, s25  }
0x253: {  	(v2sf) =	vpush v0, $0xF;
	[tilespmem:s2], [sflag:$0x2] =	stream.linear.gather [hbm4b:s13+s3], $0x80, $0x38;
	[tilespmem:$0x10200] =	vst v63  }
0x254: {  	s17 =	sadd.s32 s4, s15;
	s18 =	sand.u32 $0x1FFFFFF0, s16;
	s19 =	spop (v2sf)  }
0x255: {  	[tilespmem:s8], [sflag:$0x2] =	stream.linear.gather [hbm4b:s17+s3], $0x80, $0x38;
	[tilespmem:$0x10200] =	vst v63  }
0x256: {  	s20 =	sadd.s32 s4, s18;
	s21 =	sand.u32 $0x1FFFFFF0, s19;
	s22 =	spop (v2sf)  }
0x257: {  	[tilespmem:s9], [sflag:$0x2] =	stream.linear.gather [hbm4b:s20+s3], $0x80, $0x38;
	[tilespmem:$0x10200] =	vst v63  }
0x258: {  	s24 =	sadd.s32 s4, s21;
	s25 =	sand.u32 $0x1FFFFFF0, s22;
	s26 =	spop (v2sf)  }
0x259: {  	[tilespmem:s10], [sflag:$0x2] =	stream.linear.gather [hbm4b:s24+s3], $0x80, $0x38;
	[tilespmem:$0x10200] =	vst v63  }
0x25a: {  	s11 =	sand.u32 $0x1FFFFFF0, s26;
	s12 =	spop (v2sf);
	s10 =	sadd.s32 s4, s25  }
0x25b: {  	[tilespmem:s7], [sflag:$0x2] =	stream.linear.gather [hbm4b:s10+s3], $0x80, $0x38;
	[tilespmem:$0x10200] =	vst v63  }
0x25c: {  	s13 =	sadd.s32 s4, s11;
	s14 =	sand.u32 $0x1FFFFFF0, s12;
	s15 =	spop (v2sf)  }
0x25d: {  	[tilespmem:s6], [sflag:$0x2] =	stream.linear.gather [hbm4b:s13+s3], $0x80, $0x38;
	[tilespmem:$0x10200] =	vst v63  }
0x25e: {  	s0 =	sadd.s32 $0xFFFFFF00, s30;
	s16 =	sadd.s32 s4, s14;
	s17 =	sand.u32 $0x1FFFFFF0, s15  }
0x25f: {  	[tilespmem:s1], [sflag:$0x2] =	stream.linear.gather [hbm4b:s16+s3], $0x80, $0x38;
	[tilespmem:$0x10200] =	vst v63  }
0x260: {  	s22 =	sadd.s32 $0xFFFFFF80, s30;
	s18 =	spop (v2sf);
	s19 =	sadd.s32 s4, s17  }
0x261: {  	[tilespmem:s0], [sflag:$0x2] =	stream.linear.gather [hbm4b:s19+s3], $0x80, $0x38;
	[tilespmem:$0x10200] =	vst v63  }
0x262: {  	s20 =	sand.u32 $0x1FFFFFF0, s18;
	s21 =	spop (v2sf);
	s0 =	rddreg [dreg:$0x5]  }
0x263: {  	s24 =	sadd.s32 s4, s20;
	s25 =	sand.u32 $0x1FFFFFF0, s21;
	s0 =	sadd.s32 @!p0 s29, s0  }
0x264: {  	[tilespmem:s22], [sflag:$0x2] =	stream.linear.gather [hbm4b:s24+s3], $0x80, $0x38;
	[tilespmem:$0x10200] =	vst v63  }
0x265: {  	s26 =	sadd.s32 s4, s25;
	s1 =	rddreg [dreg:$0x0];
	s0 =	sshrl.u32 @!p0 s0, $0x3  }
0x266: {  	[tilespmem:s30], [sflag:$0x2] =	stream.linear.gather [hbm4b:s26+s3], $0x80, $0x38;
	[tilespmem:$0x10200] =	vst v63  }
0x267: {  	s0 =	sadd.s32 @!p0 s1, s0;
	s1 =	simm.s32 @!p0 $0x0  }
0x268: {  	[tilespmem:s1], [sflag:$0x5] =	stream.linear.gather @!p0 [hbm4b:s0+s1], $0x80, $0x38;
	[tilespmem:$0x10200] =	vst v63  }
0x269: {  	s2 =	simm.s32 @!p0 $0x100;
	s0 =	sadd.s32 @!p0 $0x10, s0  }
0x26a: {  	[tilespmem:s2], [sflag:$0x5] =	stream.linear.gather @!p0 [hbm4b:s0+s1], $0x80, $0x38;
	[tilespmem:$0x10200] =	vst v63  }
0x26b: {  	s0 =	simm.s32 $0x300  }
0x26c: {  	v1 =	vld [tilespmem:s0+$0x20]  }
0x26d: {  	v2 =	vld [tilespmem:s0+$0xFFFFFF80]  }
0x26e: {  	v3 =	vld [tilespmem:s0+$0xA0]  }
0x26f: {  	v4 =	vld [tilespmem:s0+$0x90]  }
0x270: {  	v5 =	vld [tilespmem:s0+$0xFFFFFF20]  }
0x271: {  	v0 =	vld [tilespmem:s0+$0x10]  }
0x272: {  	v7 =	vld [tilespmem:s0+$0xFFFFFF10]  }
0x273: {  	v8 =	vld [tilespmem:s0+$0x80]  }
0x274: {  	v9 =	vld [tilespmem:s0+$0xFFFFFF00];
	v4 =	vmul.f32 $8.000000000e+00, v4  }
0x275: {  	v10 =	vld [tilespmem:s0+$0x30];
	v1 =	vmul.f32 $8.000000000e+00, v1  }
0x276: {  	v11 =	vld [tilespmem:s0+$0xFFFFFF90];
	v2 =	vmul.f32 $8.000000000e+00, v2;
	[tilespmem:s0+$0x90] =	vst v4  }
0x277: {  	v6 =	vld [tilespmem:s0+$0xB0];
	v4 =	vmul.f32 $8.000000000e+00, v3;
	[tilespmem:s0+$0x20] =	vst v1  }
0x278: {  	v12 =	vmul.f32 $8.000000000e+00, v5;
	v3 =	vld [tilespmem:s0+$0x0];
	[tilespmem:s0+$0xFFFFFF80] =	vst v2  }
0x279: {  	v2 =	vmul.f32 $8.000000000e+00, v8;
	[tilespmem:s0+$0xA0] =	vst v4;
	v4 =	vld [tilespmem:s0+$0xFFFFFFB0]  }
0x27a: {  	v5 =	vld [tilespmem:s0+$0xFFFFFFA0];
	v8 =	vmul.f32 $8.000000000e+00, v9;
	v1 =	vmul.f32 $8.000000000e+00, v7;
	[tilespmem:s0+$0xFFFFFF20] =	vst v12  }
0x27b: {  	s6 =	simm.s32 $0x500;
	s30 =	sadd.s32 $0x1, s31;
	s1 =	simm.s32 $0x0;
	v7 =	vld [tilespmem:s0+$0xFFFFFF30];
	v9 =	vmul.f32 $8.000000000e+00, v11;
	[tilespmem:s0+$0x80] =	vst v2;
	v2 =	vmul.f32 $8.000000000e+00, v10  }
.LBB2_7:
0x27c: {  	v10 =	vld [tilespmem:s6+$0x20];
	s1 =	sadd.s32 $0x4, s1;
	[tilespmem:s0+$0xFFFFFF00] =	vst v8;
	v0 =	vmul.f32 $8.000000000e+00, v0;
	v6 =	vmul.f32 $8.000000000e+00, v6  }
0x27d: {  	v8 =	vld [tilespmem:s6+$0xFFFFFF80];
	p1 =	slt.u32 s1, $0xFC;
	[tilespmem:s0+$0xFFFFFF90] =	vst v9;
	v3 =	vmul.f32 $8.000000000e+00, v3  }
0x27e: {  	v9 =	vld [tilespmem:s6+$0xA0];
	v4 =	vmul.f32 $8.000000000e+00, v4;
	[tilespmem:s0+$0xB0] =	vst v6  }
0x27f: {  	v11 =	vld [tilespmem:s6+$0xFFFFFF20];
	v5 =	vmul.f32 $8.000000000e+00, v5;
	[tilespmem:s0+$0x0] =	vst v3  }
0x280: {  	v3 =	vld [tilespmem:s6+$0x90];
	v6 =	vmul.f32 $8.000000000e+00, v7;
	[tilespmem:s0+$0x10] =	vst v0  }
0x281: {  	v0 =	vld [tilespmem:s6+$0x10];
	v7 =	vmul.f32 $8.000000000e+00, v10;
	[tilespmem:s0+$0xFFFFFF10] =	vst v1  }
0x282: {  	v1 =	vld [tilespmem:s6+$0xFFFFFF10];
	[tilespmem:s0+$0xFFFFFF30] =	vst v6  }
0x283: {  	v10 =	vld [tilespmem:s6+$0x80];
	v9 =	vmul.f32 $8.000000000e+00, v9;
	[tilespmem:s0+$0x30] =	vst v2  }
0x284: {  	v2 =	vld [tilespmem:s6+$0xFFFFFF00];
	[tilespmem:s0+$0xFFFFFFB0] =	vst v4  }
0x285: {  	v12 =	vld [tilespmem:s6+$0x30];
	v3 =	vmul.f32 $8.000000000e+00, v3;
	[tilespmem:s0+$0xFFFFFFA0] =	vst v5;
	s0 =	smov.u32 s6  }
0x286: {  	v13 =	vld [tilespmem:s6+$0xFFFFFF90];
	[tilespmem:s6+$0x20] =	vst v7  }
.Ltmp2:
0x287: {  	v4 =	vmul.f32 $8.000000000e+00, v8;
	[tilespmem:s6+$0x90] =	vst v3;
	v6 =	vld [tilespmem:s6+$0xB0];
	(pc) =	sbr.rel @p1 .LBB2_7-.Ltmp2, $4  }
0x288: {  	v3 =	vld [tilespmem:s6+$0x0];
	v7 =	vmul.f32 $8.000000000e+00, v10;
	[tilespmem:s6+$0xA0] =	vst v9  }
0x289: {  	v9 =	vmul.f32 $8.000000000e+00, v11;
	[tilespmem:s6+$0xFFFFFF80] =	vst v4;
	v4 =	vld [tilespmem:s6+$0xFFFFFFB0]  }
0x28a: {  	v1 =	vmul.f32 $8.000000000e+00, v1;
	v8 =	vmul.f32 $8.000000000e+00, v2;
	v5 =	vld [tilespmem:s6+$0xFFFFFFA0];
	[tilespmem:s6+$0x80] =	vst v7  }
0x28b: {  	v2 =	vmul.f32 $8.000000000e+00, v12;
	s6 =	sadd.s32 $0x200, s6;
	[tilespmem:s0+$0xFFFFFF20] =	vst v9;
	v7 =	vld [tilespmem:s0+$0xFFFFFF30];
	v9 =	vmul.f32 $8.000000000e+00, v13  }
0x28c: {  	[tilespmem:s0+$0xFFFFFF00] =	vst v8  }
0x28d: {  	[tilespmem:s0+$0xFFFFFF10] =	vst v1  }
0x28e: {  	v6 =	vmul.f32 $8.000000000e+00, v6;
	[tilespmem:s0+$0xFFFFFF90] =	vst v9  }
0x28f: {  	v0 =	vmul.f32 $8.000000000e+00, v0;
	[tilespmem:s0+$0x30] =	vst v2  }
0x290: {  	v3 =	vmul.f32 $8.000000000e+00, v3;
	[tilespmem:s0+$0xB0] =	vst v6  }
0x291: {  	[tilespmem:s0+$0x10] =	vst v0;
	v62 =	vmul.f32 $8.000000000e+00, v4  }
0x292: {  	s1 =	sshll.u32 s31, $0x10;
	s2 =	rddreg [dreg:$0x6];
	[tilespmem:s0+$0x0] =	vst v3;
	v63 =	vmul.f32 $8.000000000e+00, v5  }
0x293: {  	s1 =	sadd.s32 s2, s1;
	v61 =	vmul.f32 $8.000000000e+00, v7;
	[tilespmem:s0+$0xFFFFFFB0] =	vst v62  }
0x294: {  	s1 =	sshrl.u32 s1, $0x3;
	[tilespmem:s0+$0xFFFFFFA0] =	vst v63  }
0x295: {  	s26 =	simm.s32 $0x200;
	s31 =	simm.s32 $0x2;
	s25 =	sadd.s32 s5, s1;
	[tilespmem:s0+$0xFFFFFF30] =	vst v61  }
0x296: {  	[hbm4b:s25+s3] =	stream.linear.scatter [tilespmem:s26], [sflag:$0x3], $0x8000, $0x38;
	[tilespmem:$0x10200] =	vst v63  }
0x297: {  	_ =	swait.ge [sflag:s31], $0x8000  }
.Ltmp3:
0x298: {  	[sflag:s31] =	ssyncset.done $0x0;
	(pc) =	sbr.rel @p0 .LBB2_12-.Ltmp3, $4  }
0x299: {  	[sflag:s31] =	ssyncadd.s32 $0xFFFF8000  }
0x29a: {  	_ =	swait.ge [sflag:s23], $0x8000  }
0x29b: {  	[sflag:s23] =	ssyncset.done $0x0  }
0x29c: {  	[sflag:s23] =	ssyncadd.s32 $0xFFFF8000  }
0x29d: {  	s2 =	simm.s32 $0x5  }
0x29e: {  	s0 =	simm.s32 $0x0;
	s1 =	simm.s32 $0x0;
	_ =	swait.ge [sflag:s2], $0x100  }
0x29f: {  	s1 =	sand.u32 $0x60, s1;
	s0 =	sand.u32 $0x100, s0;
	[sflag:s2] =	ssyncset.done $0x0  }
0x2a0: {  	s1 =	sor.u32 s1, s0;
	[sflag:s2] =	ssyncadd.s32 $0xFFFFFF00  }
0x2a1: {  	v0 =	vld [tilespmem:s1+$0x0];
	_ =	sdelay $0x4  }
0x2a2: {  	v0 =	vshll.u32 v0, $0x4  }
0x2a3: {  	(v2sf) =	vpush v0, $0x0  }
0x2a4: {  	(v2sf) =	vpush v0, $0x1  }
0x2a5: {  	(v2sf) =	vpush v0, $0x2;
	_ =	sdelay $0x1  }
0x2a6: {  	(v2sf) =	vpush v0, $0x3;
	_ =	sdelay $0x1  }
0x2a7: {  	(v2sf) =	vpush v0, $0x4;
	_ =	sdelay $0x1  }
0x2a8: {  	(v2sf) =	vpush v0, $0x5;
	_ =	sdelay $0x1  }
0x2a9: {  	s19 =	simm.s32 $0x10;
	(v2sf) =	vpush v0, $0x6  }
0x2aa: {  	s7 =	simm.s32 $0x800;
	s6 =	simm.s32 $0x880;
	s13 =	simm.s32 $0x680  }
0x2ab: {  	s12 =	simm.s32 $0x700;
	s10 =	simm.s32 $0x780;
	s8 =	simm.s32 $0x580;
	(v2sf) =	vpush v0, $0x7  }
0x2ac: {  	s9 =	simm.s32 $0x600;
	s11 =	simm.s32 $0x380;
	s14 =	simm.s32 $0x400  }
0x2ad: {  	s15 =	simm.s32 $0x480;
	s16 =	simm.s32 $0x280;
	s17 =	simm.s32 $0x300;
	(v2sf) =	vpush v0, $0x8  }
0x2ae: {  	s2 =	simm.s32 $0x500;
	s1 =	sand.u32 $0x70, s19;
	s18 =	spop (v2sf)  }
0x2af: {  	s19 =	simm.s32 $0x200;
	s18 =	sand.u32 $0x1FFFFFF0, s18;
	s20 =	spop (v2sf);
	(v2sf) =	vpush v0, $0x9  }
0x2b0: {  	s18 =	sadd.s32 s4, s18;
	s20 =	sand.u32 $0x1FFFFFF0, s20;
	s21 =	spop (v2sf)  }
0x2b1: {  	(v2sf) =	vpush v0, $0xA;
	[tilespmem:s19], [sflag:$0x1] =	stream.linear.gather [hbm4b:s18+s3], $0x80, $0x38;
	[tilespmem:$0x10200] =	vst v63  }
0x2b2: {  	s20 =	sadd.s32 s4, s20;
	s21 =	sand.u32 $0x1FFFFFF0, s21;
	s22 =	spop (v2sf)  }
0x2b3: {  	(v2sf) =	vpush v0, $0xB;
	[tilespmem:s16], [sflag:$0x1] =	stream.linear.gather [hbm4b:s20+s3], $0x80, $0x38;
	[tilespmem:$0x10200] =	vst v63  }
0x2b4: {  	s24 =	sadd.s32 s4, s21;
	s25 =	sand.u32 $0x1FFFFFF0, s22;
	s26 =	spop (v2sf)  }
0x2b5: {  	(v2sf) =	vpush v0, $0xC;
	[tilespmem:s17], [sflag:$0x1] =	stream.linear.gather [hbm4b:s24+s3], $0x80, $0x38;
	[tilespmem:$0x10200] =	vst v63  }
0x2b6: {  	s20 =	sadd.s32 s4, s25;
	s21 =	sand.u32 $0x1FFFFFF0, s26;
	s22 =	spop (v2sf)  }
0x2b7: {  	(v2sf) =	vpush v0, $0xD;
	[tilespmem:s11], [sflag:$0x1] =	stream.linear.gather [hbm4b:s20+s3], $0x80, $0x38;
	[tilespmem:$0x10200] =	vst v63  }
0x2b8: {  	s25 =	sand.u32 $0x1FFFFFF0, s22;
	s26 =	spop (v2sf);
	s24 =	sadd.s32 s4, s21  }
0x2b9: {  	(v2sf) =	vpush v0, $0xE;
	[tilespmem:s14], [sflag:$0x1] =	stream.linear.gather [hbm4b:s24+s3], $0x80, $0x38;
	[tilespmem:$0x10200] =	vst v63  }
0x2ba: {  	s16 =	sadd.s32 s4, s25;
	s18 =	sand.u32 $0x1FFFFFF0, s26;
	s19 =	spop (v2sf)  }
0x2bb: {  	(v2sf) =	vpush v0, $0xF;
	[tilespmem:s15], [sflag:$0x1] =	stream.linear.gather [hbm4b:s16+s3], $0x80, $0x38;
	[tilespmem:$0x10200] =	vst v63  }
0x2bc: {  	s21 =	sand.u32 $0x1FFFFFF0, s19;
	s22 =	spop (v2sf);
	s20 =	sadd.s32 s4, s18  }
0x2bd: {  	[tilespmem:s2], [sflag:$0x1] =	stream.linear.gather [hbm4b:s20+s3], $0x80, $0x38;
	[tilespmem:$0x10200] =	vst v63  }
0x2be: {  	s25 =	sand.u32 $0x1FFFFFF0, s22;
	s24 =	sadd.s32 s4, s21;
	s26 =	spop (v2sf)  }
0x2bf: {  	[tilespmem:s8], [sflag:$0x1] =	stream.linear.gather [hbm4b:s24+s3], $0x80, $0x38;
	[tilespmem:$0x10200] =	vst v63  }
0x2c0: {  	s11 =	sadd.s32 s4, s25;
	s15 =	sand.u32 $0x1FFFFFF0, s26;
	s16 =	spop (v2sf)  }
0x2c1: {  	[tilespmem:s9], [sflag:$0x1] =	stream.linear.gather [hbm4b:s11+s3], $0x80, $0x38;
	[tilespmem:$0x10200] =	vst v63  }
0x2c2: {  	s17 =	sadd.s32 s4, s15;
	s18 =	sand.u32 $0x1FFFFFF0, s16;
	s19 =	spop (v2sf)  }
0x2c3: {  	[tilespmem:s13], [sflag:$0x1] =	stream.linear.gather [hbm4b:s17+s3], $0x80, $0x38;
	[tilespmem:$0x10200] =	vst v63  }
0x2c4: {  	s20 =	sadd.s32 s4, s18;
	s21 =	sand.u32 $0x1FFFFFF0, s19;
	s22 =	spop (v2sf)  }
0x2c5: {  	[tilespmem:s12], [sflag:$0x1] =	stream.linear.gather [hbm4b:s20+s3], $0x80, $0x38;
	[tilespmem:$0x10200] =	vst v63  }
0x2c6: {  	s24 =	sadd.s32 s4, s21;
	s25 =	sand.u32 $0x1FFFFFF0, s22;
	s26 =	spop (v2sf)  }
0x2c7: {  	[tilespmem:s10], [sflag:$0x1] =	stream.linear.gather [hbm4b:s24+s3], $0x80, $0x38;
	[tilespmem:$0x10200] =	vst v63  }
0x2c8: {  	s11 =	sadd.s32 s4, s25;
	s13 =	spop (v2sf);
	s12 =	sand.u32 $0x1FFFFFF0, s26  }
0x2c9: {  	[tilespmem:s7], [sflag:$0x1] =	stream.linear.gather [hbm4b:s11+s3], $0x80, $0x38;
	[tilespmem:$0x10200] =	vst v63  }
0x2ca: {  	s15 =	sand.u32 $0x1FFFFFF0, s13;
	s16 =	spop (v2sf);
	s14 =	sadd.s32 s4, s12  }
0x2cb: {  	[tilespmem:s6], [sflag:$0x1] =	stream.linear.gather [hbm4b:s14+s3], $0x80, $0x38;
	[tilespmem:$0x10200] =	vst v63  }
0x2cc: {  	s17 =	simm.s32 $0x900;
	s18 =	sadd.s32 s4, s15;
	s19 =	sand.u32 $0x1FFFFFF0, s16  }
0x2cd: {  	[tilespmem:s17], [sflag:$0x1] =	stream.linear.gather [hbm4b:s18+s3], $0x80, $0x38;
	[tilespmem:$0x10200] =	vst v63  }
0x2ce: {  	s0 =	sor.u32 s1, s0;
	s20 =	simm.s32 $0x980;
	s21 =	sadd.s32 s4, s19  }
0x2cf: {  	[tilespmem:s20], [sflag:$0x1] =	stream.linear.gather [hbm4b:s21+s3], $0x80, $0x38;
	[tilespmem:$0x10200] =	vst v63  }
0x2d0: {  	v63 =	vld [tilespmem:s0+$0x0];
	_ =	sdelay $0x4  }
0x2d1: {  	v0 =	vshll.u32 v63, $0x4  }
0x2d2: {  	(v2sf) =	vpush v0, $0x0  }
0x2d3: {  	(v2sf) =	vpush v0, $0x1  }
0x2d4: {  	(v2sf) =	vpush v0, $0x2;
	_ =	sdelay $0x1  }
0x2d5: {  	(v2sf) =	vpush v0, $0x3;
	_ =	sdelay $0x1  }
0x2d6: {  	(v2sf) =	vpush v0, $0x4;
	_ =	sdelay $0x1  }
0x2d7: {  	(v2sf) =	vpush v0, $0x5;
	_ =	sdelay $0x1  }
0x2d8: {  	s31 =	simm.s32 $0x2180;
	s1 =	simm.s32 $0xF80;
	(v2sf) =	vpush v0, $0x6  }
0x2d9: {  	s2 =	simm.s32 $0xD00;
	s8 =	simm.s32 $0xD80;
	s9 =	simm.s32 $0xE00  }
0x2da: {  	s13 =	simm.s32 $0xC00;
	s15 =	simm.s32 $0x1180;
	s16 =	simm.s32 $0xA80;
	(v2sf) =	vpush v0, $0x7  }
0x2db: {  	s12 =	simm.s32 $0x1100;
	s10 =	simm.s32 $0xE80;
	s24 =	simm.s32 $0xA00  }
0x2dc: {  	s7 =	simm.s32 $0x2;
	s11 =	simm.s32 $0xB80;
	s6 =	simm.s32 $0xF00;
	(v2sf) =	vpush v0, $0x8  }
0x2dd: {  	s14 =	simm.s32 $0xC80;
	s17 =	simm.s32 $0xB00;
	s22 =	spop (v2sf)  }
0x2de: {  	s0 =	simm.s32 $0x40;
	(v2sf) =	vpush v0, $0x9;
	s18 =	sand.u32 $0x1FFFFFF0, s22;
	s25 =	spop (v2sf)  }
0x2df: {  	(v2sf) =	vpush v0, $0xA;
	s18 =	sadd.s32 s4, s18;
	s20 =	sand.u32 $0x1FFFFFF0, s25;
	s26 =	spop (v2sf)  }
0x2e0: {  	[tilespmem:s24], [sflag:$0x1] =	stream.linear.gather [hbm4b:s18+s3], $0x80, $0x38;
	[tilespmem:$0x10200] =	vst v63  }
0x2e1: {  	(v2sf) =	vpush v0, $0xB;
	s20 =	sadd.s32 s4, s20;
	s21 =	sand.u32 $0x1FFFFFF0, s26;
	s22 =	spop (v2sf)  }
0x2e2: {  	[tilespmem:s16], [sflag:$0x1] =	stream.linear.gather [hbm4b:s20+s3], $0x80, $0x38;
	[tilespmem:$0x10200] =	vst v63  }
0x2e3: {  	(v2sf) =	vpush v0, $0xC;
	s24 =	sadd.s32 s4, s21;
	s25 =	sand.u32 $0x1FFFFFF0, s22;
	s26 =	spop (v2sf)  }
0x2e4: {  	[tilespmem:s17], [sflag:$0x1] =	stream.linear.gather [hbm4b:s24+s3], $0x80, $0x38;
	[tilespmem:$0x10200] =	vst v63  }
0x2e5: {  	(v2sf) =	vpush v0, $0xD;
	s18 =	sand.u32 $0x1FFFFFF0, s26;
	s19 =	spop (v2sf);
	s17 =	sadd.s32 s4, s25  }
0x2e6: {  	[tilespmem:s11], [sflag:$0x1] =	stream.linear.gather [hbm4b:s17+s3], $0x80, $0x38;
	[tilespmem:$0x10200] =	vst v63  }
0x2e7: {  	(v2sf) =	vpush v0, $0xE;
	s20 =	sadd.s32 s4, s18;
	s21 =	sand.u32 $0x1FFFFFF0, s19;
	s22 =	spop (v2sf)  }
0x2e8: {  	[tilespmem:s13], [sflag:$0x1] =	stream.linear.gather [hbm4b:s20+s3], $0x80, $0x38;
	[tilespmem:$0x10200] =	vst v63  }
0x2e9: {  	(v2sf) =	vpush v0, $0xF;
	s24 =	sadd.s32 s4, s21;
	s25 =	sand.u32 $0x1FFFFFF0, s22;
	s26 =	spop (v2sf)  }
0x2ea: {  	[tilespmem:s14], [sflag:$0x1] =	stream.linear.gather [hbm4b:s24+s3], $0x80, $0x38;
	[tilespmem:$0x10200] =	vst v63  }
0x2eb: {  	s18 =	sand.u32 $0x1FFFFFF0, s26;
	s19 =	spop (v2sf);
	s17 =	sadd.s32 s4, s25  }
0x2ec: {  	[tilespmem:s2], [sflag:$0x1] =	stream.linear.gather [hbm4b:s17+s3], $0x80, $0x38;
	[tilespmem:$0x10200] =	vst v63  }
0x2ed: {  	s21 =	sand.u32 $0x1FFFFFF0, s19;
	s20 =	sadd.s32 s4, s18;
	s22 =	spop (v2sf)  }
0x2ee: {  	s24 =	sadd.s32 s4, s21;
	s25 =	sand.u32 $0x1FFFFFF0, s22;
	s26 =	spop (v2sf)  }
0x2ef: {  	[tilespmem:s8], [sflag:$0x1] =	stream.linear.gather [hbm4b:s20+s3], $0x80, $0x38;
	[tilespmem:$0x10200] =	vst v63  }
0x2f0: {  	s8 =	sadd.s32 s4, s25;
	s11 =	spop (v2sf);
	s20 =	simm.s32 $0x1000  }
0x2f1: {  	[tilespmem:s9], [sflag:$0x1] =	stream.linear.gather [hbm4b:s24+s3], $0x80, $0x38;
	[tilespmem:$0x10200] =	vst v63  }
0x2f2: {  	s14 =	sand.u32 $0x1FFFFFF0, s11;
	s16 =	spop (v2sf);
	s9 =	sand.u32 $0x1FFFFFF0, s26  }
0x2f3: {  	[tilespmem:s10], [sflag:$0x1] =	stream.linear.gather [hbm4b:s8+s3], $0x80, $0x38;
	[tilespmem:$0x10200] =	vst v63  }
0x2f4: {  	s17 =	sadd.s32 s4, s14;
	s19 =	spop (v2sf);
	s13 =	sadd.s32 s4, s9  }
0x2f5: {  	[tilespmem:s6], [sflag:$0x1] =	stream.linear.gather [hbm4b:s13+s3], $0x80, $0x38;
	[tilespmem:$0x10200] =	vst v63  }
0x2f6: {  	s18 =	sand.u32 $0x1FFFFFF0, s16;
	s24 =	simm.s32 $0x1080;
	s25 =	spop (v2sf)  }
0x2f7: {  	[tilespmem:s1], [sflag:$0x1] =	stream.linear.gather [hbm4b:s17+s3], $0x80, $0x38;
	[tilespmem:$0x10200] =	vst v63  }
0x2f8: {  	s21 =	sadd.s32 s4, s18;
	s22 =	sand.u32 $0x1FFFFFF0, s19;
	s26 =	spop (v2sf)  }
0x2f9: {  	[tilespmem:s20], [sflag:$0x1] =	stream.linear.gather [hbm4b:s21+s3], $0x80, $0x38;
	[tilespmem:$0x10200] =	vst v63  }
0x2fa: {  	s2 =	sand.u32 $0x1FFFFFF0, s25;
	s10 =	sand.u32 $0x1FFFFFF0, s26;
	s6 =	sadd.s32 s4, s22  }
0x2fb: {  	[tilespmem:s24], [sflag:$0x1] =	stream.linear.gather [hbm4b:s6+s3], $0x80, $0x38;
	[tilespmem:$0x10200] =	vst v63  }
0x2fc: {  	s13 =	sadd.s32 s4, s2;
	s1 =	simm.s32 $0x30;
	s6 =	simm.s32 $0x20  }
.LBB2_10:
0x2fd: {  	[tilespmem:s12], [sflag:$0x1] =	stream.linear.gather [hbm4b:s13+s3], $0x80, $0x38;
	[tilespmem:$0x10200] =	vst v63  }
0x2fe: {  	s2 =	sand.u32 $0x60, s6;
	s12 =	sand.u32 $0x100, s0;
	s6 =	sadd.s32 s4, s10  }
0x2ff: {  	s7 =	sadd.s32 $0x2, s7;
	s2 =	sor.u32 s2, s12  }
0x300: {  	[tilespmem:s15], [sflag:$0x1] =	stream.linear.gather [hbm4b:s6+s3], $0x80, $0x38;
	[tilespmem:$0x10200] =	vst v63  }
0x301: {  	p0 =	slt.u32 s7, $0xE;
	s15 =	smov.u32 s31;
	v0 =	vld [tilespmem:s2+$0x0];
	_ =	sdelay $0x4  }
0x302: {  	v0 =	vshll.u32 v0, $0x4  }
0x303: {  	(v2sf) =	vpush v0, $0x0  }
0x304: {  	(v2sf) =	vpush v0, $0x1  }
0x305: {  	(v2sf) =	vpush v0, $0x2;
	_ =	sdelay $0x1  }
0x306: {  	(v2sf) =	vpush v0, $0x3;
	_ =	sdelay $0x1  }
0x307: {  	(v2sf) =	vpush v0, $0x4;
	_ =	sdelay $0x1  }
0x308: {  	(v2sf) =	vpush v0, $0x5;
	_ =	sdelay $0x1  }
0x309: {  	(v2sf) =	vpush v0, $0x6  }
0x30a: {  	s14 =	sadd.s32 $0xFFFFF700, s31;
	s13 =	sand.u32 $0x70, s1;
	s6 =	sadd.s32 $0xFFFFF680, s31  }
0x30b: {  	s16 =	sadd.s32 $0xFFFFF500, s31;
	s26 =	sadd.s32 $0xFFFFF580, s31;
	s25 =	sadd.s32 $0xFFFFF600, s31;
	(v2sf) =	vpush v0, $0x7  }
0x30c: {  	s21 =	sadd.s32 $0xFFFFF380, s31;
	s10 =	sadd.s32 $0xFFFFF400, s31;
	s17 =	sadd.s32 $0xFFFFF480, s31  }
0x30d: {  	s8 =	sadd.s32 $0xFFFFF280, s31;
	s9 =	sadd.s32 $0xFFFFF300, s31;
	s2 =	sadd.s32 $0xFFFFF200, s31;
	(v2sf) =	vpush v0, $0x8  }
0x30e: {  	s11 =	sadd.s32 $0xFFFFF100, s31;
	s18 =	sadd.s32 $0xFFFFF180, s31;
	s19 =	spop (v2sf)  }
0x30f: {  	s20 =	sadd.s32 $0xFFFFF080, s31;
	s19 =	sand.u32 $0x1FFFFFF0, s19;
	s22 =	spop (v2sf);
	(v2sf) =	vpush v0, $0x9  }
0x310: {  	s19 =	sadd.s32 s4, s19;
	s22 =	sand.u32 $0x1FFFFFF0, s22;
	s24 =	spop (v2sf)  }
0x311: {  	[tilespmem:s20], [sflag:$0x1] =	stream.linear.gather [hbm4b:s19+s3], $0x80, $0x38;
	(v2sf) =	vpush v0, $0xA;
	[tilespmem:$0x10200] =	vst v63  }
0x312: {  	s19 =	sadd.s32 s4, s22;
	s20 =	sand.u32 $0x1FFFFFF0, s24;
	s22 =	spop (v2sf)  }
0x313: {  	[tilespmem:s11], [sflag:$0x1] =	stream.linear.gather [hbm4b:s19+s3], $0x80, $0x38;
	(v2sf) =	vpush v0, $0xB;
	[tilespmem:$0x10200] =	vst v63  }
0x314: {  	s11 =	sadd.s32 s4, s20;
	s19 =	sand.u32 $0x1FFFFFF0, s22;
	s20 =	spop (v2sf)  }
0x315: {  	[tilespmem:s18], [sflag:$0x1] =	stream.linear.gather [hbm4b:s11+s3], $0x80, $0x38;
	(v2sf) =	vpush v0, $0xC;
	[tilespmem:$0x10200] =	vst v63  }
0x316: {  	s11 =	sadd.s32 s4, s19;
	s18 =	sand.u32 $0x1FFFFFF0, s20;
	s19 =	spop (v2sf)  }
0x317: {  	[tilespmem:s2], [sflag:$0x1] =	stream.linear.gather [hbm4b:s11+s3], $0x80, $0x38;
	(v2sf) =	vpush v0, $0xD;
	[tilespmem:$0x10200] =	vst v63  }
0x318: {  	s2 =	sadd.s32 s4, s18;
	s11 =	sand.u32 $0x1FFFFFF0, s19;
	s18 =	spop (v2sf)  }
0x319: {  	[tilespmem:s8], [sflag:$0x1] =	stream.linear.gather [hbm4b:s2+s3], $0x80, $0x38;
	(v2sf) =	vpush v0, $0xE;
	[tilespmem:$0x10200] =	vst v63  }
0x31a: {  	s2 =	sadd.s32 s4, s11;
	s8 =	sand.u32 $0x1FFFFFF0, s18;
	s11 =	spop (v2sf)  }
0x31b: {  	[tilespmem:s9], [sflag:$0x1] =	stream.linear.gather [hbm4b:s2+s3], $0x80, $0x38;
	(v2sf) =	vpush v0, $0xF;
	[tilespmem:$0x10200] =	vst v63  }
0x31c: {  	s2 =	sadd.s32 s4, s8;
	s8 =	sand.u32 $0x1FFFFFF0, s11;
	s9 =	spop (v2sf)  }
0x31d: {  	[tilespmem:s21], [sflag:$0x1] =	stream.linear.gather [hbm4b:s2+s3], $0x80, $0x38;
	[tilespmem:$0x10200] =	vst v63  }
0x31e: {  	s2 =	sadd.s32 s4, s8;
	s8 =	sand.u32 $0x1FFFFFF0, s9;
	s9 =	spop (v2sf)  }
0x31f: {  	[tilespmem:s10], [sflag:$0x1] =	stream.linear.gather [hbm4b:s2+s3], $0x80, $0x38;
	[tilespmem:$0x10200] =	vst v63  }
0x320: {  	s2 =	sadd.s32 s4, s8;
	s8 =	sand.u32 $0x1FFFFFF0, s9;
	s9 =	spop (v2sf)  }
0x321: {  	[tilespmem:s17], [sflag:$0x1] =	stream.linear.gather [hbm4b:s2+s3], $0x80, $0x38;
	[tilespmem:$0x10200] =	vst v63  }
0x322: {  	s2 =	sadd.s32 s4, s8;
	s8 =	sand.u32 $0x1FFFFFF0, s9;
	s9 =	spop (v2sf)  }
0x323: {  	[tilespmem:s16], [sflag:$0x1] =	stream.linear.gather [hbm4b:s2+s3], $0x80, $0x38;
	[tilespmem:$0x10200] =	vst v63  }
0x324: {  	s2 =	sadd.s32 s4, s8;
	s8 =	sand.u32 $0x1FFFFFF0, s9;
	s9 =	spop (v2sf)  }
0x325: {  	[tilespmem:s26], [sflag:$0x1] =	stream.linear.gather [hbm4b:s2+s3], $0x80, $0x38;
	[tilespmem:$0x10200] =	vst v63  }
0x326: {  	s2 =	sadd.s32 s4, s8;
	s8 =	sand.u32 $0x1FFFFFF0, s9;
	s9 =	spop (v2sf)  }
0x327: {  	[tilespmem:s25], [sflag:$0x1] =	stream.linear.gather [hbm4b:s2+s3], $0x80, $0x38;
	[tilespmem:$0x10200] =	vst v63  }
0x328: {  	s2 =	sadd.s32 s4, s8;
	s8 =	sand.u32 $0x1FFFFFF0, s9;
	s9 =	spop (v2sf)  }
0x329: {  	[tilespmem:s6], [sflag:$0x1] =	stream.linear.gather [hbm4b:s2+s3], $0x80, $0x38;
	[tilespmem:$0x10200] =	vst v63  }
0x32a: {  	s2 =	sadd.s32 s4, s8;
	s6 =	sand.u32 $0x1FFFFFF0, s9;
	s8 =	spop (v2sf)  }
0x32b: {  	[tilespmem:s14], [sflag:$0x1] =	stream.linear.gather [hbm4b:s2+s3], $0x80, $0x38;
	[tilespmem:$0x10200] =	vst v63  }
0x32c: {  	s6 =	sadd.s32 s4, s6;
	s2 =	sadd.s32 $0xFFFFF780, s31;
	s8 =	sand.u32 $0x1FFFFFF0, s8  }
0x32d: {  	[tilespmem:s2], [sflag:$0x1] =	stream.linear.gather [hbm4b:s6+s3], $0x80, $0x38;
	[tilespmem:$0x10200] =	vst v63  }
0x32e: {  	s2 =	sadd.s32 $0xFFFFF800, s31;
	s6 =	sadd.s32 s4, s8;
	s8 =	sor.u32 s13, s12  }
0x32f: {  	[tilespmem:s2], [sflag:$0x1] =	stream.linear.gather [hbm4b:s6+s3], $0x80, $0x38;
	[tilespmem:$0x10200] =	vst v63  }
0x330: {  	v0 =	vld [tilespmem:s8+$0x0];
	_ =	sdelay $0x4  }
0x331: {  	v0 =	vshll.u32 v0, $0x4  }
0x332: {  	(v2sf) =	vpush v0, $0x0  }
0x333: {  	(v2sf) =	vpush v0, $0x1  }
0x334: {  	(v2sf) =	vpush v0, $0x2;
	_ =	sdelay $0x1  }
0x335: {  	(v2sf) =	vpush v0, $0x3;
	_ =	sdelay $0x1  }
0x336: {  	(v2sf) =	vpush v0, $0x4;
	_ =	sdelay $0x1  }
0x337: {  	(v2sf) =	vpush v0, $0x5;
	_ =	sdelay $0x1  }
0x338: {  	s0 =	sadd.s32 $0x40, s0;
	s12 =	sadd.s32 $0xFFFFFF80, s15;
	s31 =	sadd.s32 $0x1000, s31;
	(v2sf) =	vpush v0, $0x6  }
0x339: {  	s1 =	sadd.s32 $0x20, s1;
	s13 =	sadd.s32 $0xFFFFFF00, s15;
	s6 =	sadd.s32 $0xFFFFFE80, s15  }
0x33a: {  	s16 =	sadd.s32 $0xFFFFFD00, s15;
	s25 =	sadd.s32 $0xFFFFFD80, s15;
	s14 =	sadd.s32 $0xFFFFFE00, s15;
	(v2sf) =	vpush v0, $0x7  }
0x33b: {  	s21 =	sadd.s32 $0xFFFFFB80, s15;
	s10 =	sadd.s32 $0xFFFFFC00, s15;
	s17 =	sadd.s32 $0xFFFFFC80, s15  }
0x33c: {  	s9 =	sadd.s32 $0xFFFFFB00, s15;
	s2 =	sadd.s32 $0xFFFFFA00, s15;
	s8 =	sadd.s32 $0xFFFFFA80, s15;
	(v2sf) =	vpush v0, $0x8  }
0x33d: {  	s18 =	sadd.s32 $0xFFFFF980, s15;
	s11 =	sadd.s32 $0xFFFFF900, s15;
	s19 =	spop (v2sf)  }
0x33e: {  	s20 =	sadd.s32 $0xFFFFF880, s15;
	s19 =	sand.u32 $0x1FFFFFF0, s19;
	s22 =	spop (v2sf);
	(v2sf) =	vpush v0, $0x9  }
0x33f: {  	s19 =	sadd.s32 s4, s19;
	s22 =	sand.u32 $0x1FFFFFF0, s22;
	s24 =	spop (v2sf)  }
0x340: {  	[tilespmem:s20], [sflag:$0x1] =	stream.linear.gather [hbm4b:s19+s3], $0x80, $0x38;
	(v2sf) =	vpush v0, $0xA;
	[tilespmem:$0x10200] =	vst v63  }
0x341: {  	s19 =	sadd.s32 s4, s22;
	s20 =	sand.u32 $0x1FFFFFF0, s24;
	s22 =	spop (v2sf)  }
0x342: {  	[tilespmem:s11], [sflag:$0x1] =	stream.linear.gather [hbm4b:s19+s3], $0x80, $0x38;
	(v2sf) =	vpush v0, $0xB;
	[tilespmem:$0x10200] =	vst v63  }
0x343: {  	s11 =	sadd.s32 s4, s20;
	s19 =	sand.u32 $0x1FFFFFF0, s22;
	s20 =	spop (v2sf)  }
0x344: {  	[tilespmem:s18], [sflag:$0x1] =	stream.linear.gather [hbm4b:s11+s3], $0x80, $0x38;
	(v2sf) =	vpush v0, $0xC;
	[tilespmem:$0x10200] =	vst v63  }
0x345: {  	s11 =	sadd.s32 s4, s19;
	s18 =	sand.u32 $0x1FFFFFF0, s20;
	s19 =	spop (v2sf)  }
0x346: {  	[tilespmem:s2], [sflag:$0x1] =	stream.linear.gather [hbm4b:s11+s3], $0x80, $0x38;
	(v2sf) =	vpush v0, $0xD;
	[tilespmem:$0x10200] =	vst v63  }
0x347: {  	s2 =	sadd.s32 s4, s18;
	s11 =	sand.u32 $0x1FFFFFF0, s19;
	s18 =	spop (v2sf)  }
0x348: {  	[tilespmem:s8], [sflag:$0x1] =	stream.linear.gather [hbm4b:s2+s3], $0x80, $0x38;
	(v2sf) =	vpush v0, $0xE;
	[tilespmem:$0x10200] =	vst v63  }
0x349: {  	s2 =	sadd.s32 s4, s11;
	s8 =	sand.u32 $0x1FFFFFF0, s18;
	s11 =	spop (v2sf)  }
0x34a: {  	[tilespmem:s9], [sflag:$0x1] =	stream.linear.gather [hbm4b:s2+s3], $0x80, $0x38;
	(v2sf) =	vpush v0, $0xF;
	[tilespmem:$0x10200] =	vst v63  }
0x34b: {  	s2 =	sadd.s32 s4, s8;
	s8 =	sand.u32 $0x1FFFFFF0, s11;
	s9 =	spop (v2sf)  }
0x34c: {  	[tilespmem:s21], [sflag:$0x1] =	stream.linear.gather [hbm4b:s2+s3], $0x80, $0x38;
	[tilespmem:$0x10200] =	vst v63  }
0x34d: {  	s2 =	sadd.s32 s4, s8;
	s8 =	sand.u32 $0x1FFFFFF0, s9;
	s9 =	spop (v2sf)  }
0x34e: {  	[tilespmem:s10], [sflag:$0x1] =	stream.linear.gather [hbm4b:s2+s3], $0x80, $0x38;
	[tilespmem:$0x10200] =	vst v63  }
0x34f: {  	s2 =	sadd.s32 s4, s8;
	s8 =	sand.u32 $0x1FFFFFF0, s9;
	s9 =	spop (v2sf)  }
0x350: {  	[tilespmem:s17], [sflag:$0x1] =	stream.linear.gather [hbm4b:s2+s3], $0x80, $0x38;
	[tilespmem:$0x10200] =	vst v63  }
0x351: {  	s2 =	sadd.s32 s4, s8;
	s8 =	sand.u32 $0x1FFFFFF0, s9;
	s9 =	spop (v2sf)  }
0x352: {  	[tilespmem:s16], [sflag:$0x1] =	stream.linear.gather [hbm4b:s2+s3], $0x80, $0x38;
	[tilespmem:$0x10200] =	vst v63  }
0x353: {  	s2 =	sadd.s32 s4, s8;
	s8 =	sand.u32 $0x1FFFFFF0, s9;
	s9 =	spop (v2sf)  }
0x354: {  	[tilespmem:s25], [sflag:$0x1] =	stream.linear.gather [hbm4b:s2+s3], $0x80, $0x38;
	[tilespmem:$0x10200] =	vst v63  }
0x355: {  	s2 =	sadd.s32 s4, s8;
	s8 =	sand.u32 $0x1FFFFFF0, s9;
	s9 =	spop (v2sf)  }
0x356: {  	[tilespmem:s14], [sflag:$0x1] =	stream.linear.gather [hbm4b:s2+s3], $0x80, $0x38;
	[tilespmem:$0x10200] =	vst v63  }
0x357: {  	s2 =	sadd.s32 s4, s8  }
.Ltmp4:
0x358: {  	s8 =	sand.u32 $0x1FFFFFF0, s9;
	s9 =	spop (v2sf);
	(pc) =	sbr.rel @p0 .LBB2_10-.Ltmp4, $4  }
0x359: {  	[tilespmem:s6], [sflag:$0x1] =	stream.linear.gather [hbm4b:s2+s3], $0x80, $0x38;
	[tilespmem:$0x10200] =	vst v63  }
0x35a: {  	s2 =	sadd.s32 s4, s8;
	s8 =	sand.u32 $0x1FFFFFF0, s9;
	s9 =	spop (v2sf)  }
0x35b: {  	[tilespmem:s13], [sflag:$0x1] =	stream.linear.gather [hbm4b:s2+s3], $0x80, $0x38;
	[tilespmem:$0x10200] =	vst v63  }
0x35c: {  	s6 =	sadd.s32 $0xFFFFFFF0, s1;
	s13 =	sadd.s32 s4, s8;
	s10 =	sand.u32 $0x1FFFFFF0, s9  }
0x35d: {  	[tilespmem:s12], [sflag:$0x1] =	stream.linear.gather [hbm4b:s13+s3], $0x80, $0x38;
	[tilespmem:$0x10200] =	vst v63  }
0x35e: {  	s2 =	sadd.s32 s4, s10;
	s21 =	sand.u32 $0x60, s6;
	s0 =	sand.u32 $0x100, s0  }
0x35f: {  	[tilespmem:s15], [sflag:$0x1] =	stream.linear.gather [hbm4b:s2+s3], $0x80, $0x38;
	[tilespmem:$0x10200] =	vst v63  }
0x360: {  	s2 =	sor.u32 s21, s0  }
0x361: {  	v0 =	vld [tilespmem:s2+$0x0];
	_ =	sdelay $0x4  }
0x362: {  	v0 =	vshll.u32 v0, $0x4  }
0x363: {  	(v2sf) =	vpush v0, $0x0;
	_ =	sdelay $0x1  }
0x364: {  	(v2sf) =	vpush v0, $0x1;
	_ =	sdelay $0x1  }
0x365: {  	(v2sf) =	vpush v0, $0x2;
	_ =	sdelay $0x2  }
0x366: {  	(v2sf) =	vpush v0, $0x3;
	_ =	sdelay $0x7  }
0x367: {  	s22 =	spop (v2sf);
	(v2sf) =	vpush v0, $0x4;
	_ =	sdelay $0x1  }
0x368: {  	s25 =	spop (v2sf);
	(v2sf) =	vpush v0, $0x5;
	_ =	sdelay $0x1  }
0x369: {  	s6 =	spop (v2sf);
	(v2sf) =	vpush v0, $0x6;
	_ =	sdelay $0x1  }
0x36a: {  	s2 =	sand.u32 $0x1FFFFFF0, s22  }
0x36b: {  	s24 =	sadd.s32 $0xFFFFF080, s31;
	s2 =	sadd.s32 s4, s2;
	s8 =	spop (v2sf);
	(v2sf) =	vpush v0, $0x7  }
0x36c: {  	[tilespmem:s24], [sflag:$0x1] =	stream.linear.gather [hbm4b:s2+s3], $0x80, $0x38;
	[tilespmem:$0x10200] =	vst v63  }
0x36d: {  	s2 =	sand.u32 $0x1FFFFFF0, s25  }
0x36e: {  	s26 =	sadd.s32 $0xFFFFF100, s31;
	s2 =	sadd.s32 s4, s2  }
0x36f: {  	[tilespmem:s26], [sflag:$0x1] =	stream.linear.gather [hbm4b:s2+s3], $0x80, $0x38;
	[tilespmem:$0x10200] =	vst v63  }
0x370: {  	s2 =	sand.u32 $0x1FFFFFF0, s6  }
0x371: {  	s7 =	sadd.s32 $0xFFFFF180, s31;
	s2 =	sadd.s32 s4, s2  }
0x372: {  	[tilespmem:s7], [sflag:$0x1] =	stream.linear.gather [hbm4b:s2+s3], $0x80, $0x38;
	[tilespmem:$0x10200] =	vst v63  }
0x373: {  	s10 =	spop (v2sf);
	(v2sf) =	vpush v0, $0x8  }
0x374: {  	s2 =	sand.u32 $0x1FFFFFF0, s8  }
0x375: {  	s9 =	sadd.s32 $0xFFFFF200, s31;
	s2 =	sadd.s32 s4, s2;
	s12 =	spop (v2sf);
	(v2sf) =	vpush v0, $0x9  }
0x376: {  	[tilespmem:s9], [sflag:$0x1] =	stream.linear.gather [hbm4b:s2+s3], $0x80, $0x38;
	[tilespmem:$0x10200] =	vst v63  }
0x377: {  	s2 =	sand.u32 $0x1FFFFFF0, s10;
	s14 =	spop (v2sf);
	(v2sf) =	vpush v0, $0xA  }
0x378: {  	s11 =	sadd.s32 $0xFFFFF280, s31;
	s2 =	sadd.s32 s4, s2  }
0x379: {  	[tilespmem:s11], [sflag:$0x1] =	stream.linear.gather [hbm4b:s2+s3], $0x80, $0x38;
	[tilespmem:$0x10200] =	vst v63  }
0x37a: {  	s16 =	spop (v2sf);
	(v2sf) =	vpush v0, $0xB  }
0x37b: {  	s2 =	sand.u32 $0x1FFFFFF0, s12  }
0x37c: {  	s13 =	sadd.s32 $0xFFFFF300, s31;
	s2 =	sadd.s32 s4, s2  }
0x37d: {  	[tilespmem:s13], [sflag:$0x1] =	stream.linear.gather [hbm4b:s2+s3], $0x80, $0x38;
	[tilespmem:$0x10200] =	vst v63  }
0x37e: {  	s2 =	sand.u32 $0x1FFFFFF0, s14  }
0x37f: {  	s15 =	sadd.s32 $0xFFFFF380, s31;
	s2 =	sadd.s32 s4, s2  }
0x380: {  	[tilespmem:s15], [sflag:$0x1] =	stream.linear.gather [hbm4b:s2+s3], $0x80, $0x38;
	[tilespmem:$0x10200] =	vst v63  }
0x381: {  	s2 =	sand.u32 $0x1FFFFFF0, s16  }
0x382: {  	s17 =	sadd.s32 $0xFFFFF400, s31;
	s2 =	sadd.s32 s4, s2;
	s18 =	spop (v2sf);
	(v2sf) =	vpush v0, $0xC  }
0x383: {  	[tilespmem:s17], [sflag:$0x1] =	stream.linear.gather [hbm4b:s2+s3], $0x80, $0x38;
	[tilespmem:$0x10200] =	vst v63  }
0x384: {  	s20 =	spop (v2sf);
	(v2sf) =	vpush v0, $0xD  }
0x385: {  	s2 =	sand.u32 $0x1FFFFFF0, s18  }
0x386: {  	s19 =	sadd.s32 $0xFFFFF480, s31;
	s2 =	sadd.s32 s4, s2;
	s22 =	spop (v2sf)  }
0x387: {  	(v2sf) =	vpush v0, $0xE;
	[tilespmem:s19], [sflag:$0x1] =	stream.linear.gather [hbm4b:s2+s3], $0x80, $0x38;
	[tilespmem:$0x10200] =	vst v63  }
0x388: {  	s2 =	sand.u32 $0x1FFFFFF0, s20  }
0x389: {  	s21 =	sadd.s32 $0xFFFFF500, s31;
	s25 =	spop (v2sf);
	s2 =	sadd.s32 s4, s2  }
0x38a: {  	(v2sf) =	vpush v0, $0xF;
	[tilespmem:s21], [sflag:$0x1] =	stream.linear.gather [hbm4b:s2+s3], $0x80, $0x38;
	[tilespmem:$0x10200] =	vst v63  }
0x38b: {  	s2 =	sand.u32 $0x1FFFFFF0, s22  }
0x38c: {  	s24 =	sadd.s32 $0xFFFFF580, s31;
	s2 =	sadd.s32 s4, s2  }
0x38d: {  	[tilespmem:s24], [sflag:$0x1] =	stream.linear.gather [hbm4b:s2+s3], $0x80, $0x38;
	[tilespmem:$0x10200] =	vst v63  }
0x38e: {  	s2 =	sand.u32 $0x1FFFFFF0, s25  }
0x38f: {  	s26 =	sadd.s32 $0xFFFFF600, s31;
	s2 =	sadd.s32 s4, s2  }
0x390: {  	[tilespmem:s26], [sflag:$0x1] =	stream.linear.gather [hbm4b:s2+s3], $0x80, $0x38;
	[tilespmem:$0x10200] =	vst v63  }
0x391: {  	s6 =	spop (v2sf)  }
0x392: {  	s2 =	sand.u32 $0x1FFFFFF0, s6  }
0x393: {  	s7 =	sadd.s32 $0xFFFFF680, s31;
	s8 =	spop (v2sf);
	s2 =	sadd.s32 s4, s2  }
0x394: {  	[tilespmem:s7], [sflag:$0x1] =	stream.linear.gather [hbm4b:s2+s3], $0x80, $0x38;
	[tilespmem:$0x10200] =	vst v63  }
0x395: {  	s2 =	sand.u32 $0x1FFFFFF0, s8  }
0x396: {  	s9 =	sadd.s32 $0xFFFFF700, s31;
	s10 =	spop (v2sf);
	s2 =	sadd.s32 s4, s2  }
0x397: {  	[tilespmem:s9], [sflag:$0x1] =	stream.linear.gather [hbm4b:s2+s3], $0x80, $0x38;
	[tilespmem:$0x10200] =	vst v63  }
0x398: {  	s2 =	sand.u32 $0x1FFFFFF0, s10  }
0x399: {  	s11 =	sadd.s32 $0xFFFFF780, s31;
	s12 =	spop (v2sf);
	s2 =	sadd.s32 s4, s2  }
0x39a: {  	[tilespmem:s11], [sflag:$0x1] =	stream.linear.gather [hbm4b:s2+s3], $0x80, $0x38;
	[tilespmem:$0x10200] =	vst v63  }
0x39b: {  	s1 =	sand.u32 $0x70, s1;
	s2 =	sand.u32 $0x1FFFFFF0, s12  }
0x39c: {  	s0 =	sor.u32 s1, s0;
	s13 =	sadd.s32 $0xFFFFF800, s31;
	s2 =	sadd.s32 s4, s2  }
0x39d: {  	[tilespmem:s13], [sflag:$0x1] =	stream.linear.gather [hbm4b:s2+s3], $0x80, $0x38;
	[tilespmem:$0x10200] =	vst v63  }
0x39e: {  	v63 =	vld [tilespmem:s0+$0x0];
	_ =	sdelay $0x4  }
0x39f: {  	v0 =	vshll.u32 v63, $0x4  }
0x3a0: {  	(v2sf) =	vpush v0, $0x0;
	_ =	sdelay $0x1  }
0x3a1: {  	(v2sf) =	vpush v0, $0x1;
	_ =	sdelay $0x1  }
0x3a2: {  	(v2sf) =	vpush v0, $0x2;
	_ =	sdelay $0x2  }
0x3a3: {  	(v2sf) =	vpush v0, $0x3;
	_ =	sdelay $0x7  }
0x3a4: {  	s14 =	spop (v2sf);
	(v2sf) =	vpush v0, $0x4;
	_ =	sdelay $0x1  }
0x3a5: {  	s16 =	spop (v2sf);
	(v2sf) =	vpush v0, $0x5;
	_ =	sdelay $0x1  }
0x3a6: {  	s18 =	spop (v2sf);
	(v2sf) =	vpush v0, $0x6;
	_ =	sdelay $0x1  }
0x3a7: {  	s0 =	sand.u32 $0x1FFFFFF0, s14  }
0x3a8: {  	s15 =	sadd.s32 $0xFFFFF880, s31;
	s0 =	sadd.s32 s4, s0;
	s20 =	spop (v2sf);
	(v2sf) =	vpush v0, $0x7  }
0x3a9: {  	[tilespmem:s15], [sflag:$0x1] =	stream.linear.gather [hbm4b:s0+s3], $0x80, $0x38;
	[tilespmem:$0x10200] =	vst v63  }
0x3aa: {  	s0 =	sand.u32 $0x1FFFFFF0, s16  }
0x3ab: {  	s17 =	sadd.s32 $0xFFFFF900, s31;
	s0 =	sadd.s32 s4, s0  }
0x3ac: {  	[tilespmem:s17], [sflag:$0x1] =	stream.linear.gather [hbm4b:s0+s3], $0x80, $0x38;
	[tilespmem:$0x10200] =	vst v63  }
0x3ad: {  	s0 =	sand.u32 $0x1FFFFFF0, s18  }
0x3ae: {  	s19 =	sadd.s32 $0xFFFFF980, s31;
	s0 =	sadd.s32 s4, s0  }
0x3af: {  	[tilespmem:s19], [sflag:$0x1] =	stream.linear.gather [hbm4b:s0+s3], $0x80, $0x38;
	[tilespmem:$0x10200] =	vst v63  }
0x3b0: {  	s22 =	spop (v2sf);
	(v2sf) =	vpush v0, $0x8  }
0x3b1: {  	s0 =	sand.u32 $0x1FFFFFF0, s20  }
0x3b2: {  	s21 =	sadd.s32 $0xFFFFFA00, s31;
	s0 =	sadd.s32 s4, s0;
	s25 =	spop (v2sf);
	(v2sf) =	vpush v0, $0x9  }
0x3b3: {  	[tilespmem:s21], [sflag:$0x1] =	stream.linear.gather [hbm4b:s0+s3], $0x80, $0x38;
	[tilespmem:$0x10200] =	vst v63  }
0x3b4: {  	s0 =	sand.u32 $0x1FFFFFF0, s22;
	s1 =	spop (v2sf);
	(v2sf) =	vpush v0, $0xA  }
0x3b5: {  	s24 =	sadd.s32 $0xFFFFFA80, s31;
	s0 =	sadd.s32 s4, s0  }
0x3b6: {  	[tilespmem:s24], [sflag:$0x1] =	stream.linear.gather [hbm4b:s0+s3], $0x80, $0x38;
	[tilespmem:$0x10200] =	vst v63  }
0x3b7: {  	s6 =	spop (v2sf);
	(v2sf) =	vpush v0, $0xB  }
0x3b8: {  	s0 =	sand.u32 $0x1FFFFFF0, s25  }
0x3b9: {  	s26 =	sadd.s32 $0xFFFFFB00, s31;
	s0 =	sadd.s32 s4, s0  }
0x3ba: {  	[tilespmem:s26], [sflag:$0x1] =	stream.linear.gather [hbm4b:s0+s3], $0x80, $0x38;
	[tilespmem:$0x10200] =	vst v63  }
0x3bb: {  	s0 =	sand.u32 $0x1FFFFFF0, s1  }
0x3bc: {  	s2 =	sadd.s32 $0xFFFFFB80, s31;
	s0 =	sadd.s32 s4, s0  }
0x3bd: {  	[tilespmem:s2], [sflag:$0x1] =	stream.linear.gather [hbm4b:s0+s3], $0x80, $0x38;
	[tilespmem:$0x10200] =	vst v63  }
0x3be: {  	s0 =	sand.u32 $0x1FFFFFF0, s6  }
0x3bf: {  	s7 =	sadd.s32 $0xFFFFFC00, s31;
	s0 =	sadd.s32 s4, s0;
	s8 =	spop (v2sf);
	(v2sf) =	vpush v0, $0xC  }
0x3c0: {  	[tilespmem:s7], [sflag:$0x1] =	stream.linear.gather [hbm4b:s0+s3], $0x80, $0x38;
	[tilespmem:$0x10200] =	vst v63  }
0x3c1: {  	s10 =	spop (v2sf);
	(v2sf) =	vpush v0, $0xD  }
0x3c2: {  	s0 =	sand.u32 $0x1FFFFFF0, s8  }
0x3c3: {  	s9 =	sadd.s32 $0xFFFFFC80, s31;
	s0 =	sadd.s32 s4, s0;
	s12 =	spop (v2sf)  }
0x3c4: {  	(v2sf) =	vpush v0, $0xE;
	[tilespmem:s9], [sflag:$0x1] =	stream.linear.gather [hbm4b:s0+s3], $0x80, $0x38;
	[tilespmem:$0x10200] =	vst v63  }
0x3c5: {  	s0 =	sand.u32 $0x1FFFFFF0, s10  }
0x3c6: {  	s11 =	sadd.s32 $0xFFFFFD00, s31;
	s14 =	spop (v2sf);
	s0 =	sadd.s32 s4, s0  }
0x3c7: {  	(v2sf) =	vpush v0, $0xF;
	[tilespmem:s11], [sflag:$0x1] =	stream.linear.gather [hbm4b:s0+s3], $0x80, $0x38;
	[tilespmem:$0x10200] =	vst v63  }
0x3c8: {  	s0 =	sand.u32 $0x1FFFFFF0, s12  }
0x3c9: {  	s13 =	sadd.s32 $0xFFFFFD80, s31;
	s0 =	sadd.s32 s4, s0  }
0x3ca: {  	[tilespmem:s13], [sflag:$0x1] =	stream.linear.gather [hbm4b:s0+s3], $0x80, $0x38;
	[tilespmem:$0x10200] =	vst v63  }
0x3cb: {  	s0 =	sand.u32 $0x1FFFFFF0, s14  }
0x3cc: {  	s15 =	sadd.s32 $0xFFFFFE00, s31;
	s0 =	sadd.s32 s4, s0  }
0x3cd: {  	[tilespmem:s15], [sflag:$0x1] =	stream.linear.gather [hbm4b:s0+s3], $0x80, $0x38;
	[tilespmem:$0x10200] =	vst v63  }
0x3ce: {  	s16 =	spop (v2sf)  }
0x3cf: {  	s0 =	sand.u32 $0x1FFFFFF0, s16  }
0x3d0: {  	s17 =	sadd.s32 $0xFFFFFE80, s31;
	s18 =	spop (v2sf);
	s0 =	sadd.s32 s4, s0  }
0x3d1: {  	[tilespmem:s17], [sflag:$0x1] =	stream.linear.gather [hbm4b:s0+s3], $0x80, $0x38;
	[tilespmem:$0x10200] =	vst v63  }
0x3d2: {  	s0 =	sand.u32 $0x1FFFFFF0, s18  }
0x3d3: {  	s19 =	sadd.s32 $0xFFFFFF00, s31;
	s20 =	spop (v2sf);
	s0 =	sadd.s32 s4, s0  }
0x3d4: {  	[tilespmem:s19], [sflag:$0x1] =	stream.linear.gather [hbm4b:s0+s3], $0x80, $0x38;
	[tilespmem:$0x10200] =	vst v63  }
0x3d5: {  	s0 =	sand.u32 $0x1FFFFFF0, s20  }
0x3d6: {  	s21 =	sadd.s32 $0xFFFFFF80, s31;
	s22 =	spop (v2sf);
	s0 =	sadd.s32 s4, s0  }
0x3d7: {  	[tilespmem:s21], [sflag:$0x1] =	stream.linear.gather [hbm4b:s0+s3], $0x80, $0x38;
	[tilespmem:$0x10200] =	vst v63  }
0x3d8: {  	s0 =	sand.u32 $0x1FFFFFF0, s22  }
0x3d9: {  	s24 =	rddreg [dreg:$0x7];
	s0 =	sadd.s32 s4, s0  }
0x3da: {  	[tilespmem:s31], [sflag:$0x1] =	stream.linear.gather [hbm4b:s0+s3], $0x80, $0x38;
	[tilespmem:$0x10200] =	vst v63  }
0x3db: {  	s0 =	sadd.s32 s29, s24  }
0x3dc: {  	s25 =	rddreg [dreg:$0x0];
	s0 =	sshrl.u32 s0, $0x3  }
0x3dd: {  	s26 =	simm.s32 $0x80;
	s0 =	sadd.s32 s25, s0  }
0x3de: {  	[tilespmem:s26], [sflag:$0x6] =	stream.linear.gather [hbm4b:s0+s3], $0x80, $0x38;
	[tilespmem:$0x10200] =	vst v63  }
0x3df: {  	s31 =	simm.s32 $0x180;
	s0 =	sadd.s32 $0x10, s0  }
0x3e0: {  	[tilespmem:s31], [sflag:$0x6] =	stream.linear.gather [hbm4b:s0+s3], $0x80, $0x38;
	[tilespmem:$0x10200] =	vst v63  }
.LBB2_12:
0x3e1: {  	s0 =	simm.s32 $0x8200  }
0x3e2: {  	v1 =	vld [tilespmem:s0+$0x120]  }
0x3e3: {  	v2 =	vld [tilespmem:s0+$0x80]  }
0x3e4: {  	v3 =	vld [tilespmem:s0+$0x1A0]  }
0x3e5: {  	v4 =	vld [tilespmem:s0+$0x190]  }
0x3e6: {  	v5 =	vld [tilespmem:s0+$0x20]  }
0x3e7: {  	v0 =	vld [tilespmem:s0+$0x110]  }
0x3e8: {  	v7 =	vld [tilespmem:s0+$0x10]  }
0x3e9: {  	v8 =	vld [tilespmem:s0+$0x180]  }
0x3ea: {  	v9 =	vld [tilespmem:s0+$0x0];
	v4 =	vmul.f32 $8.000000000e+00, v4  }
0x3eb: {  	v10 =	vld [tilespmem:s0+$0x130];
	v1 =	vmul.f32 $8.000000000e+00, v1  }
0x3ec: {  	v11 =	vld [tilespmem:s0+$0x90];
	v2 =	vmul.f32 $8.000000000e+00, v2;
	[tilespmem:s0+$0x190] =	vst v4  }
0x3ed: {  	v6 =	vld [tilespmem:s0+$0x1B0];
	v4 =	vmul.f32 $8.000000000e+00, v3;
	[tilespmem:s0+$0x120] =	vst v1  }
0x3ee: {  	v12 =	vmul.f32 $8.000000000e+00, v5;
	v3 =	vld [tilespmem:s0+$0x100];
	[tilespmem:s0+$0x80] =	vst v2  }
0x3ef: {  	v2 =	vmul.f32 $8.000000000e+00, v8;
	[tilespmem:s0+$0x1A0] =	vst v4;
	v4 =	vld [tilespmem:s0+$0xB0]  }
0x3f0: {  	v5 =	vld [tilespmem:s0+$0xA0];
	v8 =	vmul.f32 $8.000000000e+00, v9;
	v1 =	vmul.f32 $8.000000000e+00, v7;
	[tilespmem:s0+$0x20] =	vst v12  }
0x3f1: {  	s1 =	simm.s32 $0x0;
	s6 =	simm.s32 $0x8400;
	v7 =	vld [tilespmem:s0+$0x30];
	v9 =	vmul.f32 $8.000000000e+00, v11;
	[tilespmem:s0+$0x180] =	vst v2;
	v2 =	vmul.f32 $8.000000000e+00, v10  }
.LBB2_13:
0x3f2: {  	v10 =	vld [tilespmem:s6+$0x120];
	s1 =	sadd.s32 $0x4, s1;
	[tilespmem:s0+$0x0] =	vst v8;
	v0 =	vmul.f32 $8.000000000e+00, v0;
	v6 =	vmul.f32 $8.000000000e+00, v6  }
0x3f3: {  	v8 =	vld [tilespmem:s6+$0x80];
	p0 =	slt.u32 s1, $0xFC;
	[tilespmem:s0+$0x90] =	vst v9;
	v3 =	vmul.f32 $8.000000000e+00, v3  }
0x3f4: {  	v9 =	vld [tilespmem:s6+$0x1A0];
	v4 =	vmul.f32 $8.000000000e+00, v4;
	[tilespmem:s0+$0x1B0] =	vst v6  }
0x3f5: {  	v11 =	vld [tilespmem:s6+$0x20];
	v5 =	vmul.f32 $8.000000000e+00, v5;
	[tilespmem:s0+$0x100] =	vst v3  }
0x3f6: {  	v3 =	vld [tilespmem:s6+$0x190];
	v6 =	vmul.f32 $8.000000000e+00, v7;
	[tilespmem:s0+$0x110] =	vst v0  }
0x3f7: {  	v0 =	vld [tilespmem:s6+$0x110];
	v7 =	vmul.f32 $8.000000000e+00, v10;
	[tilespmem:s0+$0x10] =	vst v1  }
0x3f8: {  	v1 =	vld [tilespmem:s6+$0x10];
	[tilespmem:s0+$0x30] =	vst v6  }
0x3f9: {  	v10 =	vld [tilespmem:s6+$0x180];
	v9 =	vmul.f32 $8.000000000e+00, v9;
	[tilespmem:s0+$0x130] =	vst v2  }
0x3fa: {  	v2 =	vld [tilespmem:s6+$0x0];
	[tilespmem:s0+$0xB0] =	vst v4  }
0x3fb: {  	v12 =	vld [tilespmem:s6+$0x130];
	v3 =	vmul.f32 $8.000000000e+00, v3;
	[tilespmem:s0+$0xA0] =	vst v5;
	s0 =	smov.u32 s6  }
0x3fc: {  	v13 =	vld [tilespmem:s6+$0x90];
	[tilespmem:s6+$0x120] =	vst v7  }
.Ltmp5:
0x3fd: {  	v4 =	vmul.f32 $8.000000000e+00, v8;
	[tilespmem:s6+$0x190] =	vst v3;
	v6 =	vld [tilespmem:s6+$0x1B0];
	(pc) =	sbr.rel @p0 .LBB2_13-.Ltmp5, $4  }
0x3fe: {  	v3 =	vld [tilespmem:s6+$0x100];
	v7 =	vmul.f32 $8.000000000e+00, v10;
	[tilespmem:s6+$0x1A0] =	vst v9  }
0x3ff: {  	v9 =	vmul.f32 $8.000000000e+00, v11;
	[tilespmem:s6+$0x80] =	vst v4;
	v4 =	vld [tilespmem:s6+$0xB0]  }
0x400: {  	v1 =	vmul.f32 $8.000000000e+00, v1;
	v8 =	vmul.f32 $8.000000000e+00, v2;
	v5 =	vld [tilespmem:s6+$0xA0];
	[tilespmem:s6+$0x180] =	vst v7  }
0x401: {  	v2 =	vmul.f32 $8.000000000e+00, v12;
	s6 =	sadd.s32 $0x200, s6;
	[tilespmem:s0+$0x20] =	vst v9;
	v7 =	vld [tilespmem:s0+$0x30];
	v9 =	vmul.f32 $8.000000000e+00, v13  }
0x402: {  	[tilespmem:s0+$0x0] =	vst v8  }
0x403: {  	[tilespmem:s0+$0x10] =	vst v1  }
0x404: {  	v6 =	vmul.f32 $8.000000000e+00, v6;
	[tilespmem:s0+$0x90] =	vst v9  }
0x405: {  	v0 =	vmul.f32 $8.000000000e+00, v0;
	[tilespmem:s0+$0x130] =	vst v2  }
0x406: {  	v3 =	vmul.f32 $8.000000000e+00, v3;
	[tilespmem:s0+$0x1B0] =	vst v6  }
0x407: {  	p0 =	sne.s32 s30, $0x32;
	[tilespmem:s0+$0x110] =	vst v0;
	v62 =	vmul.f32 $8.000000000e+00, v4  }
.Ltmp6:
0x408: {  	s1 =	rddreg [dreg:$0x8];
	[tilespmem:s0+$0x100] =	vst v3;
	v63 =	vmul.f32 $8.000000000e+00, v5;
	(pc) =	sbr.rel @p0 .LBB2_4-.Ltmp6, $4  }
0x409: {  	s1 =	sadd.s32 s29, s1;
	v61 =	vmul.f32 $8.000000000e+00, v7;
	[tilespmem:s0+$0xB0] =	vst v62  }
0x40a: {  	s1 =	sshll.u32 s1, $0x4;
	[tilespmem:s0+$0xA0] =	vst v63  }
0x40b: {  	s31 =	smov.u32 s30;
	s29 =	simm.s32 $0x8200;
	s26 =	sadd.s32 s5, s1;
	[tilespmem:s0+$0x30] =	vst v61  }
0x40c: {  	[hbm4b:s26+s3] =	stream.linear.scatter [tilespmem:s29], [sflag:$0x4], $0x8000, $0x38;
	[tilespmem:$0x10200] =	vst v63  }
0x40d: {  	s1 =	simm.s32 $0x4  }
0x40e: {  	_ =	swait.ge [sflag:s1], $0x8000  }
0x40f: {  	s2 =	rddreg [dreg:$0xc]  }
0x410: {  	s0 =	rddreg [dreg:$0x9];
	s2 =	sadd.s32 $0x1, s2  }
0x411: {  	p0 =	sne.s32 s2, s0  }
.Ltmp7:
0x412: {  	_ = 	snop;
	(pc) =	sbr.rel @p0 .LBB2_1-.Ltmp7, $3  }
0x413: {  	_ =	sdelay $0x1  }
0x414: {  	[sflag:s1] =	ssyncset.done $0x0  }
0x415: {  	[sflag:s1] =	ssyncadd.s32 $0xFFFF8000  }
0x416: {  	_ =	sfence.sel $0x180000  }
0x417: {  	[bflag:$0x0] =	sbarrier.arrive $0xFFFF  }
0x418: {  	_ =	strace $0x90000047  }
0x419: {  	s0 =	stileid.u32;
	[bflag:$0x2] =	sbarrier.arrive $0xFFFF  }
0x41a: {  	p0 =	sne.s32 s0, $0x0;
	s0 =	rddreg [dreg:$0x2]  }
0x41b: {  	s0 =	sadd.s32 @!p0 $0x100000, s0  }
0x41c: {  	[sflag:s0] =	ssyncadd.tile.s32 @!p0 $0x1;
	_ =	shalt  }
.Lfunc_end2:
_tile_overlayer_lowered:
.L_overlay_start_2:
0x41d: {  	(tag) =	ssettag $0x2  }
0x41e: {  	s0 =	rddreg [dreg:$0x0];
	s2 =	stileid.u32  }
0x41f: {  	s1 =	rddreg [dreg:$0x1];
	p0 =	sne.s32 s2, $0x0  }
0x420: {  	s3 =	rddreg [dreg:$0x2];
	[bflag:$0x3] =	sbarrier.arrive $0xFFFF;
	s2 =	simm.s32 @!p0 $0x1C07  }
0x421: {  	[timem:s3], [sflag:s2] =	dma.local @!p0 [hbm:s0], s1  }
0x422: {  	s0 =	simm.s32 @!p0 $0x7  }
0x423: {  	_ =	swait.ge @!p0 [sflag:s0], s1  }
0x424: {  	s1 =	ssub.s32 @!p0 $0x0, s1;
	[sflag:s0] =	ssyncset.done @!p0 $0x0  }
0x425: {  	[sflag:s0] =	ssyncadd.s32 @!p0 s1  }
0x426: {  	[bflag:$0x3] =	sbarrier.arrive $0xFFFF  }
0x427: {  	_ =	shalt  }

// kernel: sparse-core-data-format-call.cloned.1.call-start
scs
called_computation_lowered:
.L_overlay_start_0:
0x0: {  	s2 =	sld [smem:$0x3FD9]  }
0x1: {  	s3 =	sld [smem:$0x3FFE];
	_ =	sdelay $0x1  }
0x2: {  	s1 =	srdreg.scid  }
0x3: {  	s0 =	sand.u32 $0x1, s1  }
0x4: {  	s18 =	sshll.u32 s0, $0xA;
	s2 =	sadd.s32 s3, s2  }
0x5: {  	s2 =	sadd.s32 s2, s18  }
0x6: {  	[smem:$0x3FC6] =	sst s2  }
0x7: {  	_ = 	snop  }
0x8: {  	s2 =	sld [smem:$0x3FD0];
	(tm) =	ssettm $0x1  }
0x9: {  	s19 =	sld [smem:$0x3FFB];
	_ =	sdelay $0x3  }
0xa: {  	_ =	strace s19  }
0xb: {  	s3 =	sld [smem:$0x3FFC];
	_ =	sdelay $0x3  }
0xc: {  	_ =	strace s3  }
0xd: {  	s3 =	sld [smem:$0x3FFD];
	_ =	sdelay $0x3  }
0xe: {  	_ =	strace s3  }
0xf: {  	_ =	strace $0x8FFFFFFF  }
0x10: {  	s20 =	sld [smem:$0x3FDB];
	_ =	sdelay $0x1  }
0x11: {  	s4 =	simm.s32 $_scs_section_size  }
0x12: {  	s5 =	simm.s32 $_size__tile_overlayer_lowered;
	s6 =	simm.s32 $_tile_overlayer_lowered  }
0x13: {  	s23 =	simm.s32 $0x1BFF;
	s22 =	sshll.u32 s6, $0x1;
	s3 =	sadd.s32 s4, s20  }
0x14: {  	s7 =	simm.s32 $0x0;
	s21 =	sshll.u32 s5, $0x1;
	s5 =	sadd.s32 s22, s3  }
0x15: {  	[timem:s7], [sflag:s23] =	dma.local [hbm:s5], s21  }
0x16: {  	_ =	swait.ge [sflag:s23], s21  }
0x17: {  	s4 =	ssub.s32 $0x0, s21;
	[sflag:s23] =	ssyncset.done $0x0  }
0x18: {  	[sflag:s23] =	ssyncadd.s32 s4;
	_ =	sdelay $0x1  }
0x19: {  	s24 =	simm.s32 $0x1B8B  }
0x1a: {  	_ =	swait.ge [sflag:s24], $0x1  }
0x1b: {  	[sflag:s24] =	ssyncset.done $0x0  }
0x1c: {  	s26 =	simm.s32 $0x1B8E;
	s25 =	sld [smem:$0x3FFE];
	[sflag:s24] =	ssyncadd.s32 $0xFFFFFFFF  }
0x1d: {  	s27 =	simm.s32 $execute0_lowered;
	[smem:$0x3FD2] =	sst s26  }
0x1e: {  	s5 =	sshll.u32 s27, $0x1;
	_ =	strace $0x80000049;
	[dreg:$0x1] =	wrdreg $0xFFFFFFFF  }
0x1f: {  	s28 =	simm.s32 $_size_execute0_lowered;
	s3 =	sadd.s32 s3, s5;
	[dreg:$0x0] =	wrdreg $0x0  }
0x20: {  	s5 =	sshll.u32 s28, $0x1;
	[dreg:$0x2] =	wrdreg s3  }
0x21: {  	[dreg:$0x3] =	wrdreg s5  }
0x22: {  	[dreg:$0x4] =	wrdreg $0xC0  }
0x23: {  	_ =	task [dreg:s7], $0x5FFFF  }
0x24: {  	[dreg:$0x1] =	wrdreg $0xFFFFFFFF  }
0x25: {  	[dreg:$0x0] =	wrdreg $0x60  }
0x26: {  	[dreg:$0x2] =	wrdreg s25  }
0x27: {  	[dreg:$0x3] =	wrdreg s2  }
0x28: {  	[dreg:$0x4] =	wrdreg $0x9  }
0x29: {  	_ =	task.clear_ibuf [dreg:s7], $0x5FFFF;
	_ =	strace $0x90000049  }
0x2a: {  	s29 =	simm.s32 $0x9;
	_ =	strace $0x8000004B  }
0x2b: {  	_ =	swait.ge [sflag:s29], $0x1  }
0x2c: {  	[sflag:s29] =	ssyncadd.s32 $0xFFFFFFFF  }
0x2d: {  	_ =	strace $0x9000004B  }
0x2e: {  	_ =	sfence  }
0x2f: {  	s30 =	sld [smem:$0x0];
	_ =	sdelay $0x2  }
0x30: {  	s31 =	sshll.u32 s1, $0xD;
	s1 =	sshrl.u32 s1, $0x2  }
0x31: {  	s3 =	sand.u32 $0x4000, s31;
	s1 =	sadd.s32 s1, s30  }
0x32: {  	s0 =	sor.u32 s3, s0;
	s1 =	sshll.u32 s1, $0x11  }
0x33: {  	s0 =	sor.u32 s1, s0  }
0x34: {  	s0 =	sadd.s32 $0x8F2B, s0  }
0x35: {  	[sflag:s0] =	ssyncadd.remote.s32 $0x1  }
0x36: {  	_ =	sfence.sel $0xFFFF  }
0x37: {  	[dreg:$0x0] =	wrdreg $0xFFFFFFFF;
	(pc) =	sbr.abs _section_cstart, $3  }
0x38: {  	[dreg:$0x1] =	wrdreg $0xFFFFFFFF  }
0x39: {  	_ =	task.clear_ibuf [dreg:s7], $0x2FFFF;
	_ =	strace $0x9FFFFFFF  }
0x3a: {  	(tm) =	ssettm $0x7FFFFFFF  }
0x3b: {  	_ =	shalt  }
tec
execute0_lowered:
.L_overlay_start_1:
0x0: {  	(tag) =	ssettag $0x1  }
0x1: {  	s0 =	srdreg.scid  }
0x2: {  	s1 =	sshll.u32 s0, $0x4  }
0x3: {  	s0 =	stileid.u32;
	s1 =	sand.u32 $0x10, s1  }
0x4: {  	s1 =	sor.u32 s0, s1  }
0x5: {  	s6 =	rddreg [dreg:$0x0];
	s4 =	simm.s32 $0x1;
	s2 =	sshll.u32 s1, $0x7  }
0x6: {  	s7 =	simm.s32 $0x2;
	s12 =	simm.s32 $0x0;
	s1 =	ssub.s32 $0x1000, s2  }
0x7: {  	s8 =	simm.s32 $0x8000;
	s13 =	simm.s32 $0x0;
	s3 =	sand.u32 $0xF80, s1  }
0x8: {  	s9 =	simm.s32 $0x0;
	s5 =	sshrl.u32 s1, $0xC;
	p0 =	sne.s32 s3, $0x0  }
.Ltmp0:
0x9: {  	s1 =	rddreg [dreg:$0x2];
	s4 =	simm.s32 @!p0 $0x0;
	(pc) =	sbr.rel .LBB1_1-.Ltmp0, $4  }
0xa: {  	s11 =	simm.s32 $0x0;
	s3 =	rddreg [dreg:$0x1];
	s5 =	sadd.s32 s4, s5  }
0xb: {  	_ =	strace $0x8000004A;
	s4 =	simm.s32 $0x1;
	s5 =	smul.u32 $0xC8, s5  }
0xc: {  	s6 =	sadd.s32 $0xF42C00, s6;
	s10 =	smov.u32 s2;
	[sflag:s4] =	ssyncpa.u1 $0x0  }
0xd: {  	p0 =	por $0x0, $0x0;
	[sflag:s7] =	ssyncpa.u1 $0x0;
	s7 =	sor.u32 $0x1, s5  }
.LBB1_4:
0xe: {  	s16 =	sshll.u32 s13, $0x3;
	s17 =	sand.u32 $0x78, s13  }
0xf: {  	s30 =	sand.u32 $0x7E00, s13;
	s12 =	sshll.u32 s12, $0xF;
	s16 =	sand.u32 $0xC00, s16  }
0x10: {  	[tilespmem:s15+$0x810 ss:$0x81] =	vst.msk $0xffff, v2;
	s31 =	sand.u32 $0x7, s13;
	s16 =	sor.u32 s17, s16;
	s17 =	sadd.s32 s3, s30  }
0x11: {  	[tilespmem:s15+$0x1020 ss:$0x81] =	vst.msk $0xffff, v0;
	s13 =	sshll.u32 s31, $0x12;
	s12 =	sadd.s32 s12, s17;
	s16 =	sshrl.u32 s16, $0x3  }
0x12: {  	[tilespmem:s15+$0x0 ss:$0x81] =	vst.msk $0xffff, v1;
	s13 =	sor.u32 $0x400, s13;
	s12 =	sadd.s32 s16, s12  }
0x13: {  	[hbm4b:s12+s13] =	stream.strided.scatter [tilespmem:s14], [sflag:$0x2], $0x2000, s8, s13, $0x20;
	[tilespmem:$0x8080] =	vst v63  }
.LBB1_5:
0x14: {  	s14 =	sadd.s32 $0x1, s9  }
0x15: {  	s12 =	sadd.s32 $0x1000, s10;
	s16 =	smov.u32 s10;
	p2 =	sgt.s32 s14, $0xC7  }
0x16: {  	s16 =	smov.u32 @p2 s12  }
0x17: {  	s14 =	simm.s32 @p2 $0x0;
	p2 =	sgt.s32 s16, $0xFFF  }
0x18: {  	s16 =	smov.u32 @p2 s2;
	p2 =	sne.s32 s11, s7  }
.Ltmp1:
0x19: {  	p1 =	slt.u32 s11, $0x2;
	(pc) =	sbr.rel @!p2 .LBB1_6-.Ltmp1, $4  }
0x1a: {  	s15 =	simm.s32 @!p1 $0x2  }
0x1b: {  	s13 =	smov.u32 s10;
	p0 =	por !p0, !p0;
	_ =	swait.ge @!p1 [sflag:s15], $0x2000  }
0x1c: {  	s12 =	smov.u32 s9;
	[sflag:s15] =	ssyncset.done @!p1 $0x0;
	s9 =	smov.u32 s14  }
0x1d: {  	s11 =	sadd.s32 $0x1, s11;
	[sflag:s15] =	ssyncadd.s32 @!p1 $0xFFFFE000;
	s10 =	smov.u32 s16  }
.LBB1_1:
0x1e: {  	p1 =	sge.u32 s11, s5  }
0x1f: {  	s14 =	sand.u32 @!p1 $0x1FFFFFF, s9  }
0x20: {  	s15 =	smulhi.u32 @!p1 $0x147AE15, s14;
	_ =	sdelay $0x1  }
0x21: {  	s15 =	smul.u32 @!p1 $0xC8, s15  }
0x22: {  	s16 =	sxor.u32 @!p1 $0xFFFFFFFF, s11;
	s17 =	smul.u32 @!p1 $0xC80, s10  }
0x23: {  	s31 =	sadd.s32 $0xFFFFFFFF, s11;
	s16 =	sshll.u32 @!p1 s16, $0xD;
	s14 =	ssub.s32 @!p1 s14, s15  }
0x24: {  	s15 =	sand.u32 @!p1 $0x2000, s16;
	s16 =	sadd.s32 @!p1 s6, s17;
	s14 =	sshll.u32 @!p1 s14, $0x4  }
0x25: {  	s17 =	simm.s32 @!p1 $0x6400;
	s14 =	sadd.s32 @!p1 s14, s16;
	s16 =	simm.s32 @!p1 $0x40  }
0x26: {  	[tilespmem:s15], [sflag:$0x1] =	stream.strided.gather @!p1 [hbm4b:s14+s16], $0x2000, s17, s16, $0x38;
	[tilespmem:$0x8080] =	vst v63  }
0x27: {  	p1 =	sge.u32 s31, s5  }
.Ltmp2:
0x28: {  	_ = 	snop;
	(pc) =	sbr.rel @p1 .LBB1_5-.Ltmp2, $1  }
0x29: {  	_ =	sdelay $0x3  }
0x2a: {  	s14 =	simm.s32 $0x1  }
0x2b: {  	_ =	swait.ge [sflag:s4], $0x2000;
	s14 =	simm.s32 @!p0 $0x0  }
0x2c: {  	[sflag:s4] =	ssyncset.done $0x0;
	s15 =	sshll.u32 s14, $0xD  }
0x2d: {  	[sflag:s4] =	ssyncadd.s32 $0xFFFFE000;
	s18 =	sor.u32 $0x20, s15  }
0x2e: {  	s14 =	smul.u32 $0x8100, s14;
	v3 =	vld [tilespmem:s18+$0x10]  }
0x2f: {  	s30 =	sand.u32 $0x1, s11;
	v2 =	vld [tilespmem:s18+$0xFFFFFFF0]  }
0x30: {  	s15 =	smul.u32 $0x8100, s30;
	s14 =	sshrl.u32 s14, $0x2;
	v0 =	vld [tilespmem:s18+$0x0]  }
0x31: {  	v1 =	vld [tilespmem:s18+$0xFFFFFFE0];
	s16 =	sor.u32 $0x4000, s14  }
0x32: {  	s31 =	sshrl.u32 s15, $0x2;
	s15 =	sadd.s32 $0x0, s16  }
0x33: {  	s17 =	simm.s32 $0x4;
	s18 =	sadd.s32 $0x40, s18;
	s14 =	sor.u32 $0x4000, s31;
	[tilespmem:s15+$0x1830 ss:$0x81] =	vst.msk $0xffff, v3  }
.LBB1_3:
0x34: {  	v3 =	vld [tilespmem:s18+$0x10];
	p1 =	sne.s32 s17, $0x1FC;
	[tilespmem:s15+$0x810 ss:$0x81] =	vst.msk $0xffff, v2;
	s19 =	smov.u32 s17;
	s17 =	sadd.s32 $0x4, s17  }
.Ltmp3:
0x35: {  	v2 =	vld [tilespmem:s18+$0xFFFFFFF0];
	[tilespmem:s15+$0x1020 ss:$0x81] =	vst.msk $0xffff, v0;
	(pc) =	sbr.rel @p1 .LBB1_3-.Ltmp3, $4  }
0x36: {  	v0 =	vld [tilespmem:s18+$0x0];
	[tilespmem:s15+$0x0 ss:$0x81] =	vst.msk $0xffff, v1  }
0x37: {  	s15 =	sshra.s32 s19, $0x2;
	v1 =	vld [tilespmem:s18+$0xFFFFFFE0]  }
0x38: {  	s15 =	sadd.s32 s15, s16  }
0x39: {  	s18 =	sadd.s32 $0x40, s18;
	[tilespmem:s15+$0x1830 ss:$0x81] =	vst.msk $0xffff, v3  }
.Ltmp4:
0x3a: {  	_ = 	snop;
	(pc) =	sbr.rel .LBB1_4-.Ltmp4, $1  }
0x3b: {  	_ =	sdelay $0x3  }
.LBB1_6:
0x3c: {  	_ =	sfence.sel $0x180000  }
0x3d: {  	s2 =	simm.s32 $0x1;
	[bflag:$0x0] =	sbarrier.arrive $0xFFFF  }
0x3e: {  	s31 =	simm.s32 $0x2;
	[sflag:s2] =	ssyncpa.u1 $0x1  }
0x3f: {  	[sflag:s31] =	ssyncpa.u1 $0x1  }
0x40: {  	p0 =	sne.s32 s0, $0x0;
	_ =	strace $0x9000004A  }
0x41: {  	s0 =	sadd.s32 @!p0 $0x100000, s1;
	[bflag:$0x2] =	sbarrier.arrive $0xFFFF  }
0x42: {  	[sflag:s0] =	ssyncadd.tile.s32 @!p0 $0x1;
	_ =	shalt  }
.Lfunc_end1:
_tile_overlayer_lowered:
.L_overlay_start_2:
0x43: {  	(tag) =	ssettag $0x2  }
0x44: {  	s0 =	rddreg [dreg:$0x0];
	s2 =	stileid.u32  }
0x45: {  	s1 =	rddreg [dreg:$0x1];
	p0 =	sne.s32 s2, $0x0  }
0x46: {  	s3 =	rddreg [dreg:$0x2];
	[bflag:$0x3] =	sbarrier.arrive $0xFFFF;
	s2 =	simm.s32 @!p0 $0x1C01  }
0x47: {  	[timem:s3], [sflag:s2] =	dma.local @!p0 [hbm:s0], s1  }
0x48: {  	s0 =	simm.s32 @!p0 $0x1  }
0x49: {  	_ =	swait.ge @!p0 [sflag:s0], s1  }
0x4a: {  	s1 =	ssub.s32 @!p0 $0x0, s1;
	[sflag:s0] =	ssyncset.done @!p0 $0x0  }
0x4b: {  	[sflag:s0] =	ssyncadd.s32 @!p0 s1  }
0x4c: {  	[bflag:$0x3] =	sbarrier.arrive $0xFFFF  }
0x4d: {  	_ =	shalt  }

</sc_bundles>
